<compile_context>
chip_gen: v7x
topology: tpu7x:2x2x1
jax: 0.10.2.dev20260603
libtpu: 0.0.44.dev20260713+nightly
codegen_flags: <defaults>
</compile_context>

<pallas_src>
import jax
import jax.numpy as jnp
from jax import lax
from jax.experimental import pallas as pl
from jax.experimental.pallas import tpu as pltpu
from jax.experimental.pallas import tpu_sc as plsc

N_NODES = 10000
IN_DIM = 128
OUT_DIM = 128

NC, NS = 2, 16
NW = NC * NS
NPAD = 10112
NHIST = 10240
SLICE = NPAD // NS
HSLICE = NHIST // NS
CH = 128
TCHUNK = 80
NCHUNKS = NW * TCHUNK
IB = 8
NBLK = TCHUNK // IB
BN = 2000

_sc_mesh = plsc.VectorSubcoreMesh(
    core_axis_name="c", subcore_axis_name="s", num_cores=NC, num_subcores=NS
)




def _deg_body(e2_hbm, deg_out, dst_v, ones_v, zrow_v, deg_sh):
    c = lax.axis_index("c")
    s = lax.axis_index("s")
    wid = c * NS + s
    cbase = wid * TCHUNK
    zeros16 = jnp.zeros((16,), jnp.float32)
    ones16 = jnp.ones((16,), jnp.float32)
    for i in range(HSLICE // 16):
        zrow_v[pl.ds(i * 16, 16)] = zeros16
    for i in range(CH // 16):
        ones_v[pl.ds(i * 16, 16)] = ones16
    pltpu.sync_copy(zrow_v, deg_sh.at[pl.ds(s * HSLICE, HSLICE)])
    pltpu.sync_copy(e2_hbm.at[1, pl.ds(cbase, TCHUNK)], dst_v)
    plsc.subcore_barrier()

    def chunk(j, carry):
        pltpu.sync_copy(ones_v, deg_sh.at[dst_v.at[j]], add=True)
        return carry

    lax.fori_loop(0, TCHUNK, chunk, 0)
    plsc.subcore_barrier()
    pltpu.sync_copy(
        deg_sh.at[pl.ds(s * HSLICE, HSLICE)],
        deg_out.at[c, pl.ds(s * HSLICE, HSLICE)],
    )


_deg_kernel = pl.kernel(
    _deg_body,
    out_type=jax.ShapeDtypeStruct((NC, NHIST), jnp.float32),
    mesh=_sc_mesh,
    scratch_types=[
        pltpu.VMEM((TCHUNK, CH), jnp.int32),
        pltpu.VMEM((CH,), jnp.float32),
        pltpu.VMEM((HSLICE,), jnp.float32),
        pltpu.VMEM_SHARED((NHIST,), jnp.float32),
    ],
)


def _agg_body(e2_hbm, h2_hbm, acc_out,
              srcb_v, dst_v, rows_v, zrow_v, acc_sh, semi, sem0, sem1):
    c = lax.axis_index("c")
    s = lax.axis_index("s")
    wid = c * NS + s
    cbase = wid * TCHUNK
    zeros16 = jnp.zeros((16,), jnp.float32)
    for r in range(16):
        for q in range(OUT_DIM // 16):
            zrow_v[r, pl.ds(q * 16, 16)] = zeros16
    for zi in range(SLICE // 16):
        pltpu.sync_copy(zrow_v, acc_sh.at[pl.ds(s * SLICE + zi * 16, 16)])
    pltpu.sync_copy(
        zrow_v.at[pl.ds(0, SLICE % 16)],
        acc_sh.at[pl.ds(s * SLICE + (SLICE // 16) * 16, SLICE % 16)],
    )
    pltpu.sync_copy(e2_hbm.at[0, pl.ds(cbase, IB)], srcb_v.at[0])
    pltpu.async_copy(e2_hbm.at[0, pl.ds(cbase + IB, IB)], srcb_v.at[1], semi)
    pltpu.sync_copy(e2_hbm.at[1, pl.ds(cbase, TCHUNK)], dst_v)
    plsc.subcore_barrier()

    pltpu.async_copy(h2_hbm.at[srcb_v.at[0, 0]], rows_v.at[0], sem0)
    pltpu.async_copy(h2_hbm.at[srcb_v.at[0, 1]], rows_v.at[1], sem1)
    sems = (sem0, sem1)

    def blk_step(blk, carry):
        bp = lax.rem(blk, 2)
        nbp = lax.rem(blk + 1, 2)
        base = blk * IB

        @pl.when(blk < NBLK - 1)
        def _():
            pltpu.make_async_copy(
                e2_hbm.at[0, pl.ds(0, IB)], srcb_v.at[0], semi
            ).wait()

        for k in range(IB):
            sem = sems[k % 2]
            pltpu.make_async_copy(
                h2_hbm.at[srcb_v.at[0, 0]], rows_v.at[k % 2], sem
            ).wait()
            pltpu.sync_copy(
                rows_v.at[k % 2], acc_sh.at[dst_v.at[base + k]], add=True
            )
            if k < IB - 2:
                pltpu.async_copy(
                    h2_hbm.at[srcb_v.at[bp, k + 2]], rows_v.at[k % 2], sem
                )
            else:
                if k == IB - 1:
                    @pl.when(blk < NBLK - 2)
                    def _():
                        pltpu.async_copy(
                            e2_hbm.at[0, pl.ds(cbase + (blk + 2) * IB, IB)],
                            srcb_v.at[bp],
                            semi,
                        )

                @pl.when(blk < NBLK - 1)
                def _():
                    pltpu.async_copy(
                        h2_hbm.at[srcb_v.at[nbp, k - (IB - 2)]],
                        rows_v.at[k % 2], sem,
                    )

        return carry

    with jax.named_scope("agg_edges"):
        lax.fori_loop(0, NBLK, blk_step, 0)
        plsc.subcore_barrier()
    with jax.named_scope("agg_copyout"):
        pltpu.sync_copy(
            acc_sh.at[pl.ds(s * SLICE, SLICE)],
            acc_out.at[c, pl.ds(s * SLICE, SLICE), :],
        )


_agg_kernel = pl.kernel(
    _agg_body,
    out_type=jax.ShapeDtypeStruct((NC, NPAD, OUT_DIM), jnp.float32),
    mesh=_sc_mesh,
    scratch_types=[
        pltpu.VMEM((2, IB, CH), jnp.int32),
        pltpu.VMEM((TCHUNK, CH), jnp.int32),
        pltpu.VMEM((2, CH, OUT_DIM), jnp.float32),
        pltpu.VMEM((16, OUT_DIM), jnp.float32),
        pltpu.VMEM_SHARED((NPAD, OUT_DIM), jnp.float32),
        pltpu.SemaphoreType.DMA,
        pltpu.SemaphoreType.DMA,
        pltpu.SemaphoreType.DMA,
    ],
)


def _mm_body(degT_ref, x_ref, w_ref, h2_ref, dinv_ref):
    deg = degT_ref[:, 0:1] + degT_ref[:, 1:2] + 1.0
    dinv = lax.rsqrt(deg)
    h = jnp.dot(x_ref[...], w_ref[...], preferred_element_type=jnp.float32)
    h2_ref[...] = h * dinv
    dinv_ref[...] = dinv


def _mm_call(degT, x, W):
    return pl.pallas_call(
        _mm_body,
        grid=(N_NODES // BN,),
        in_specs=[
            pl.BlockSpec((BN, 2), lambda i: (i, 0)),
            pl.BlockSpec((BN, IN_DIM), lambda i: (i, 0)),
            pl.BlockSpec((IN_DIM, OUT_DIM), lambda i: (0, 0)),
        ],
        out_specs=[
            pl.BlockSpec((BN, OUT_DIM), lambda i: (i, 0)),
            pl.BlockSpec((BN, 1), lambda i: (i, 0)),
        ],
        out_shape=[
            jax.ShapeDtypeStruct((N_NODES, OUT_DIM), jnp.float32),
            jax.ShapeDtypeStruct((N_NODES, 1), jnp.float32),
        ],
    )(degT, x, W)


def _out_body(h2_ref, a0_ref, a1_ref, dinv_ref, b_ref, out_ref, gout_ref,
              m_acc, s_acc):
    i = pl.program_id(0)
    o = (h2_ref[...] + a0_ref[0] + a1_ref[0]) * dinv_ref[...] + b_ref[0:1, :]
    o = jnp.maximum(o, 0.0)
    out_ref[...] = o

    @pl.when(i == 0)
    def _():
        m_acc[...] = jnp.zeros((8, OUT_DIM), jnp.float32)
        s_acc[...] = jnp.zeros((8, OUT_DIM), jnp.float32)

    m_acc[0:1, :] = jnp.maximum(m_acc[0:1, :], jnp.max(o, axis=0, keepdims=True))
    s_acc[0:1, :] = s_acc[0:1, :] + jnp.sum(o, axis=0, keepdims=True)

    @pl.when(i == pl.num_programs(0) - 1)
    def _():
        gout_ref[:, 0:OUT_DIM] = jnp.broadcast_to(m_acc[0:1, :], (8, OUT_DIM))
        gout_ref[:, OUT_DIM:] = jnp.broadcast_to(
            s_acc[0:1, :] * (1.0 / N_NODES), (8, OUT_DIM)
        )


def _out_call(h2, acc, dinv, b8):
    return pl.pallas_call(
        _out_body,
        grid=(N_NODES // BN,),
        in_specs=[
            pl.BlockSpec((BN, OUT_DIM), lambda i: (i, 0)),
            pl.BlockSpec((1, BN, OUT_DIM), lambda i: (0, i, 0)),
            pl.BlockSpec((1, BN, OUT_DIM), lambda i: (1, i, 0)),
            pl.BlockSpec((BN, 1), lambda i: (i, 0)),
            pl.BlockSpec((8, OUT_DIM), lambda i: (0, 0)),
        ],
        out_specs=[
            pl.BlockSpec((BN, OUT_DIM), lambda i: (i, 0)),
            pl.BlockSpec((8, 2 * OUT_DIM), lambda i: (0, 0)),
        ],
        out_shape=[
            jax.ShapeDtypeStruct((N_NODES, OUT_DIM), jnp.float32),
            jax.ShapeDtypeStruct((8, 2 * OUT_DIM), jnp.float32),
        ],
        scratch_shapes=[
            pltpu.VMEM((8, OUT_DIM), jnp.float32),
            pltpu.VMEM((8, OUT_DIM), jnp.float32),
        ],
    )(h2, acc, acc, dinv, b8)


def kernel(x, edge_index, W, b):
    e = edge_index.shape[1]
    pad = NCHUNKS * CH - e
    pad_src = jnp.arange(pad, dtype=jnp.int32) % N_NODES
    pad_dst = N_NODES + (jnp.arange(pad, dtype=jnp.int32) % (NPAD - N_NODES))
    e2 = jnp.concatenate(
        [edge_index, jnp.stack([pad_src, pad_dst])], axis=1
    ).reshape(2, NCHUNKS, CH)

    degp = _deg_kernel(e2)
    degT = degp[:, :N_NODES].T
    h2, dinv = _mm_call(degT, x, W)
    acc = _agg_kernel(e2, h2)
    b8 = jnp.broadcast_to(b.reshape(1, OUT_DIM), (8, OUT_DIM))
    out, gout = _out_call(h2, acc, dinv, b8)
    return out, gout[0:1, :]

# --- scband reference (transcript-rebuilt; emitter-appended) ---
"""Pipeline reference for scband-dgn-75411035783778 (READ-ONLY COPY).

The authoritative reference and input builder live on the scoring server;
editing this copy changes nothing except your own understanding.
"""

import jax, jax.numpy as jnp
import numpy as np

N_NODES = 10000
N_EDGES = 320000
IN_DIM = 128
OUT_DIM = 128


def setup_inputs(seed: int = 0) -> dict:
    key = jax.random.key(seed)
    k1, k2, k3 = jax.random.split(key, 3)
    x = jax.random.normal(k1, (N_NODES, IN_DIM), dtype=jnp.float32)
    edge_index = jax.random.randint(k2, (2, N_EDGES), 0, N_NODES, dtype=jnp.int32)
    # GCNConv weight (glorot) and bias, sized per init_kwargs (in_dim=128 -> out_dim=128)
    scale = (2.0 / (IN_DIM + OUT_DIM)) ** 0.5
    W = jax.random.normal(k3, (IN_DIM, OUT_DIM), dtype=jnp.float32) * scale
    b = jnp.zeros((OUT_DIM,), dtype=jnp.float32)
    return {"x": x, "edge_index": edge_index, "W": W, "b": b}


def _gcn_conv(x, edge_index, W, b):
    # Faithful GCNConv: add self-loops, symmetric normalization, gather-matmul-scatter
    N = x.shape[0]
    loop = jnp.arange(N, dtype=edge_index.dtype)
    src = jnp.concatenate([edge_index[0], loop])
    dst = jnp.concatenate([edge_index[1], loop])
    deg = jnp.zeros((N,), dtype=x.dtype).at[dst].add(1.0)
    dinv = jnp.where(deg > 0, deg ** -0.5, 0.0)
    norm = dinv[src] * dinv[dst]
    h = x @ W
    msg = h[src] * norm[:, None]
    out = jnp.zeros((N, W.shape[1]), dtype=x.dtype).at[dst].add(msg)
    return out + b


def reference(x, edge_index, W, b):
    # single GCN layer (hidden_sizes_list is empty), act=relu
    h = jax.nn.relu(_gcn_conv(x, edge_index, W, b))
    # batch is None -> all-zeros segment ids (single graph)
    batch = jnp.zeros((x.shape[0],), dtype=jnp.int32)
    gmax = jax.ops.segment_max(h, batch, num_segments=1)   # global_max_pool
    gsum = jax.ops.segment_sum(h, batch, num_segments=1)
    cnt = jax.ops.segment_sum(jnp.ones((x.shape[0], 1), dtype=h.dtype), batch, num_segments=1)
    gmean = gsum / cnt                                      # global_mean_pool
    graph_embeddings = jnp.zeros((1, 2 * OUT_DIM), dtype=h.dtype) + jnp.concatenate([gmax, gmean], axis=1)
    node_embeddings = h
    return node_embeddings, graph_embeddings

if __name__ == "__main__":
    import jax
    _d = setup_inputs()
    print(jax.jit(kernel)(*tuple(_d.values())))

</pallas_src>

<mosaic_0001>
#map = affine_map<(d0, d1) -> (0, 0, 0)>
#map1 = affine_map<(d0, d1) -> (0, 0)>
module attributes {stable_mosaic.version = 14 : i64} {
  func.func @_deg_body(%arg0: i32, %arg1: i32, %arg2: memref<2x2560x128xi32, #tpu.memory_space<hbm>>, %arg3: memref<2x10240xf32, #tpu.memory_space<hbm>>, %arg4: memref<80x128xi32, #tpu.memory_space<vmem>>, %arg5: memref<128xf32, #tpu.memory_space<vmem>>, %arg6: memref<640xf32, #tpu.memory_space<vmem>>, %arg7: memref<10240xf32, #tpu.memory_space<vmem_shared>>) attributes {dimension_semantics = [#tpu.dimension_semantics<core_parallel>, #tpu.dimension_semantics<subcore_parallel>], iteration_bounds = array<i64: 2, 16>, scalar_prefetch = 0 : i64, scratch_operands = 4 : i64, tpu.core_type = #tpu.core_type<sc_vector_subcore>, window_params = [{transform_indices = #map}, {transform_indices = #map1}]} {
    %mul3A = arith.constant 16 : i32
    %mul3A_0 = arith.muli %arg0, %mul3A : i32
    %add3A = arith.addi %mul3A_0, %arg1 : i32
    %mul3A_1 = arith.constant 80 : i32
    %mul3A_2 = arith.muli %add3A, %mul3A_1 : i32
    %broadcast_in_dim3A = arith.constant 0.000000e+00 : f32
    %broadcast_in_dim3A_3 = vector.broadcast %broadcast_in_dim3A : f32 to vector<16xf32>
    %broadcast_in_dim3A_4 = arith.constant 1.000000e+00 : f32
    %broadcast_in_dim3A_5 = vector.broadcast %broadcast_in_dim3A_4 : f32 to vector<16xf32>
    %swap3A = arith.constant 0 : index
    %swap3A_6 = tpu.vector_load %arg6[%swap3A] {strides = array<i32>} : memref<640xf32, #tpu.memory_space<vmem>>, vector<16xf32>,
    %swap3A_7 = vector.shape_cast %swap3A_6 : vector<16xf32> to vector<16xf32>
    %swap3A_8 = vector.shape_cast %broadcast_in_dim3A_3 : vector<16xf32> to vector<16xf32>
    tpu.vector_store %arg6[%swap3A], %swap3A_8 {strides = array<i32>} : memref<640xf32, #tpu.memory_space<vmem>>, vector<16xf32>,
    %swap3A_9 = arith.constant 16 : index
    %swap3A_10 = tpu.vector_load %arg6[%swap3A_9] {strides = array<i32>} : memref<640xf32, #tpu.memory_space<vmem>>, vector<16xf32>,
    %swap3A_11 = vector.shape_cast %swap3A_10 : vector<16xf32> to vector<16xf32>
    %swap3A_12 = vector.shape_cast %broadcast_in_dim3A_3 : vector<16xf32> to vector<16xf32>
    tpu.vector_store %arg6[%swap3A_9], %swap3A_12 {strides = array<i32>} : memref<640xf32, #tpu.memory_space<vmem>>, vector<16xf32>,
    %swap3A_13 = arith.constant 32 : index
    %swap3A_14 = tpu.vector_load %arg6[%swap3A_13] {strides = array<i32>} : memref<640xf32, #tpu.memory_space<vmem>>, vector<16xf32>,
    %swap3A_15 = vector.shape_cast %swap3A_14 : vector<16xf32> to vector<16xf32>
    %swap3A_16 = vector.shape_cast %broadcast_in_dim3A_3 : vector<16xf32> to vector<16xf32>
    tpu.vector_store %arg6[%swap3A_13], %swap3A_16 {strides = array<i32>} : memref<640xf32, #tpu.memory_space<vmem>>, vector<16xf32>,
    %swap3A_17 = arith.constant 48 : index
    %swap3A_18 = tpu.vector_load %arg6[%swap3A_17] {strides = array<i32>} : memref<640xf32, #tpu.memory_space<vmem>>, vector<16xf32>,
    %swap3A_19 = vector.shape_cast %swap3A_18 : vector<16xf32> to vector<16xf32>
    %swap3A_20 = vector.shape_cast %broadcast_in_dim3A_3 : vector<16xf32> to vector<16xf32>
    tpu.vector_store %arg6[%swap3A_17], %swap3A_20 {strides = array<i32>} : memref<640xf32, #tpu.memory_space<vmem>>, vector<16xf32>,
    %swap3A_21 = arith.constant 64 : index
    %swap3A_22 = tpu.vector_load %arg6[%swap3A_21] {strides = array<i32>} : memref<640xf32, #tpu.memory_space<vmem>>, vector<16xf32>,
    %swap3A_23 = vector.shape_cast %swap3A_22 : vector<16xf32> to vector<16xf32>
    %swap3A_24 = vector.shape_cast %broadcast_in_dim3A_3 : vector<16xf32> to vector<16xf32>
    tpu.vector_store %arg6[%swap3A_21], %swap3A_24 {strides = array<i32>} : memref<640xf32, #tpu.memory_space<vmem>>, vector<16xf32>,
    %swap3A_25 = arith.constant 80 : index
    %swap3A_26 = tpu.vector_load %arg6[%swap3A_25] {strides = array<i32>} : memref<640xf32, #tpu.memory_space<vmem>>, vector<16xf32>,
    %swap3A_27 = vector.shape_cast %swap3A_26 : vector<16xf32> to vector<16xf32>
    %swap3A_28 = vector.shape_cast %broadcast_in_dim3A_3 : vector<16xf32> to vector<16xf32>
    tpu.vector_store %arg6[%swap3A_25], %swap3A_28 {strides = array<i32>} : memref<640xf32, #tpu.memory_space<vmem>>, vector<16xf32>,
    %swap3A_29 = arith.constant 96 : index
    %swap3A_30 = tpu.vector_load %arg6[%swap3A_29] {strides = array<i32>} : memref<640xf32, #tpu.memory_space<vmem>>, vector<16xf32>,
    %swap3A_31 = vector.shape_cast %swap3A_30 : vector<16xf32> to vector<16xf32>
    %swap3A_32 = vector.shape_cast %broadcast_in_dim3A_3 : vector<16xf32> to vector<16xf32>
    tpu.vector_store %arg6[%swap3A_29], %swap3A_32 {strides = array<i32>} : memref<640xf32, #tpu.memory_space<vmem>>, vector<16xf32>,
    %swap3A_33 = arith.constant 112 : index
    %swap3A_34 = tpu.vector_load %arg6[%swap3A_33] {strides = array<i32>} : memref<640xf32, #tpu.memory_space<vmem>>, vector<16xf32>,
    %swap3A_35 = vector.shape_cast %swap3A_34 : vector<16xf32> to vector<16xf32>
    %swap3A_36 = vector.shape_cast %broadcast_in_dim3A_3 : vector<16xf32> to vector<16xf32>
    tpu.vector_store %arg6[%swap3A_33], %swap3A_36 {strides = array<i32>} : memref<640xf32, #tpu.memory_space<vmem>>, vector<16xf32>,
    %swap3A_37 = arith.constant 128 : index
    %swap3A_38 = tpu.vector_load %arg6[%swap3A_37] {strides = array<i32>} : memref<640xf32, #tpu.memory_space<vmem>>, vector<16xf32>,
    %swap3A_39 = vector.shape_cast %swap3A_38 : vector<16xf32> to vector<16xf32>
    %swap3A_40 = vector.shape_cast %broadcast_in_dim3A_3 : vector<16xf32> to vector<16xf32>
    tpu.vector_store %arg6[%swap3A_37], %swap3A_40 {strides = array<i32>} : memref<640xf32, #tpu.memory_space<vmem>>, vector<16xf32>,
    %swap3A_41 = arith.constant 144 : index
    %swap3A_42 = tpu.vector_load %arg6[%swap3A_41] {strides = array<i32>} : memref<640xf32, #tpu.memory_space<vmem>>, vector<16xf32>,
    %swap3A_43 = vector.shape_cast %swap3A_42 : vector<16xf32> to vector<16xf32>
    %swap3A_44 = vector.shape_cast %broadcast_in_dim3A_3 : vector<16xf32> to vector<16xf32>
    tpu.vector_store %arg6[%swap3A_41], %swap3A_44 {strides = array<i32>} : memref<640xf32, #tpu.memory_space<vmem>>, vector<16xf32>,
    %swap3A_45 = arith.constant 160 : index
    %swap3A_46 = tpu.vector_load %arg6[%swap3A_45] {strides = array<i32>} : memref<640xf32, #tpu.memory_space<vmem>>, vector<16xf32>,
    %swap3A_47 = vector.shape_cast %swap3A_46 : vector<16xf32> to vector<16xf32>
    %swap3A_48 = vector.shape_cast %broadcast_in_dim3A_3 : vector<16xf32> to vector<16xf32>
    tpu.vector_store %arg6[%swap3A_45], %swap3A_48 {strides = array<i32>} : memref<640xf32, #tpu.memory_space<vmem>>, vector<16xf32>,
    %swap3A_49 = arith.constant 176 : index
    %swap3A_50 = tpu.vector_load %arg6[%swap3A_49] {strides = array<i32>} : memref<640xf32, #tpu.memory_space<vmem>>, vector<16xf32>,
    %swap3A_51 = vector.shape_cast %swap3A_50 : vector<16xf32> to vector<16xf32>
    %swap3A_52 = vector.shape_cast %broadcast_in_dim3A_3 : vector<16xf32> to vector<16xf32>
    tpu.vector_store %arg6[%swap3A_49], %swap3A_52 {strides = array<i32>} : memref<640xf32, #tpu.memory_space<vmem>>, vector<16xf32>,
    %swap3A_53 = arith.constant 192 : index
    %swap3A_54 = tpu.vector_load %arg6[%swap3A_53] {strides = array<i32>} : memref<640xf32, #tpu.memory_space<vmem>>, vector<16xf32>,
    %swap3A_55 = vector.shape_cast %swap3A_54 : vector<16xf32> to vector<16xf32>
    %swap3A_56 = vector.shape_cast %broadcast_in_dim3A_3 : vector<16xf32> to vector<16xf32>
    tpu.vector_store %arg6[%swap3A_53], %swap3A_56 {strides = array<i32>} : memref<640xf32, #tpu.memory_space<vmem>>, vector<16xf32>,
    %swap3A_57 = arith.constant 208 : index
    %swap3A_58 = tpu.vector_load %arg6[%swap3A_57] {strides = array<i32>} : memref<640xf32, #tpu.memory_space<vmem>>, vector<16xf32>,
    %swap3A_59 = vector.shape_cast %swap3A_58 : vector<16xf32> to vector<16xf32>
    %swap3A_60 = vector.shape_cast %broadcast_in_dim3A_3 : vector<16xf32> to vector<16xf32>
    tpu.vector_store %arg6[%swap3A_57], %swap3A_60 {strides = array<i32>} : memref<640xf32, #tpu.memory_space<vmem>>, vector<16xf32>,
    %swap3A_61 = arith.constant 224 : index
    %swap3A_62 = tpu.vector_load %arg6[%swap3A_61] {strides = array<i32>} : memref<640xf32, #tpu.memory_space<vmem>>, vector<16xf32>,
    %swap3A_63 = vector.shape_cast %swap3A_62 : vector<16xf32> to vector<16xf32>
    %swap3A_64 = vector.shape_cast %broadcast_in_dim3A_3 : vector<16xf32> to vector<16xf32>
    tpu.vector_store %arg6[%swap3A_61], %swap3A_64 {strides = array<i32>} : memref<640xf32, #tpu.memory_space<vmem>>, vector<16xf32>,
    %swap3A_65 = arith.constant 240 : index
    %swap3A_66 = tpu.vector_load %arg6[%swap3A_65] {strides = array<i32>} : memref<640xf32, #tpu.memory_space<vmem>>, vector<16xf32>,
    %swap3A_67 = vector.shape_cast %swap3A_66 : vector<16xf32> to vector<16xf32>
    %swap3A_68 = vector.shape_cast %broadcast_in_dim3A_3 : vector<16xf32> to vector<16xf32>
    tpu.vector_store %arg6[%swap3A_65], %swap3A_68 {strides = array<i32>} : memref<640xf32, #tpu.memory_space<vmem>>, vector<16xf32>,
    %swap3A_69 = arith.constant 256 : index
    %swap3A_70 = tpu.vector_load %arg6[%swap3A_69] {strides = array<i32>} : memref<640xf32, #tpu.memory_space<vmem>>, vector<16xf32>,
    %swap3A_71 = vector.shape_cast %swap3A_70 : vector<16xf32> to vector<16xf32>
    %swap3A_72 = vector.shape_cast %broadcast_in_dim3A_3 : vector<16xf32> to vector<16xf32>
    tpu.vector_store %arg6[%swap3A_69], %swap3A_72 {strides = array<i32>} : memref<640xf32, #tpu.memory_space<vmem>>, vector<16xf32>,
    %swap3A_73 = arith.constant 272 : index
    %swap3A_74 = tpu.vector_load %arg6[%swap3A_73] {strides = array<i32>} : memref<640xf32, #tpu.memory_space<vmem>>, vector<16xf32>,
    %swap3A_75 = vector.shape_cast %swap3A_74 : vector<16xf32> to vector<16xf32>
    %swap3A_76 = vector.shape_cast %broadcast_in_dim3A_3 : vector<16xf32> to vector<16xf32>
    tpu.vector_store %arg6[%swap3A_73], %swap3A_76 {strides = array<i32>} : memref<640xf32, #tpu.memory_space<vmem>>, vector<16xf32>,
    %swap3A_77 = arith.constant 288 : index
    %swap3A_78 = tpu.vector_load %arg6[%swap3A_77] {strides = array<i32>} : memref<640xf32, #tpu.memory_space<vmem>>, vector<16xf32>,
    %swap3A_79 = vector.shape_cast %swap3A_78 : vector<16xf32> to vector<16xf32>
    %swap3A_80 = vector.shape_cast %broadcast_in_dim3A_3 : vector<16xf32> to vector<16xf32>
    tpu.vector_store %arg6[%swap3A_77], %swap3A_80 {strides = array<i32>} : memref<640xf32, #tpu.memory_space<vmem>>, vector<16xf32>,
    %swap3A_81 = arith.constant 304 : index
    %swap3A_82 = tpu.vector_load %arg6[%swap3A_81] {strides = array<i32>} : memref<640xf32, #tpu.memory_space<vmem>>, vector<16xf32>,
    %swap3A_83 = vector.shape_cast %swap3A_82 : vector<16xf32> to vector<16xf32>
    %swap3A_84 = vector.shape_cast %broadcast_in_dim3A_3 : vector<16xf32> to vector<16xf32>
    tpu.vector_store %arg6[%swap3A_81], %swap3A_84 {strides = array<i32>} : memref<640xf32, #tpu.memory_space<vmem>>, vector<16xf32>,
    %swap3A_85 = arith.constant 320 : index
    %swap3A_86 = tpu.vector_load %arg6[%swap3A_85] {strides = array<i32>} : memref<640xf32, #tpu.memory_space<vmem>>, vector<16xf32>,
    %swap3A_87 = vector.shape_cast %swap3A_86 : vector<16xf32> to vector<16xf32>
    %swap3A_88 = vector.shape_cast %broadcast_in_dim3A_3 : vector<16xf32> to vector<16xf32>
    tpu.vector_store %arg6[%swap3A_85], %swap3A_88 {strides = array<i32>} : memref<640xf32, #tpu.memory_space<vmem>>, vector<16xf32>,
    %swap3A_89 = arith.constant 336 : index
    %swap3A_90 = tpu.vector_load %arg6[%swap3A_89] {strides = array<i32>} : memref<640xf32, #tpu.memory_space<vmem>>, vector<16xf32>,
    %swap3A_91 = vector.shape_cast %swap3A_90 : vector<16xf32> to vector<16xf32>
    %swap3A_92 = vector.shape_cast %broadcast_in_dim3A_3 : vector<16xf32> to vector<16xf32>
    tpu.vector_store %arg6[%swap3A_89], %swap3A_92 {strides = array<i32>} : memref<640xf32, #tpu.memory_space<vmem>>, vector<16xf32>,
    %swap3A_93 = arith.constant 352 : index
    %swap3A_94 = tpu.vector_load %arg6[%swap3A_93] {strides = array<i32>} : memref<640xf32, #tpu.memory_space<vmem>>, vector<16xf32>,
    %swap3A_95 = vector.shape_cast %swap3A_94 : vector<16xf32> to vector<16xf32>
    %swap3A_96 = vector.shape_cast %broadcast_in_dim3A_3 : vector<16xf32> to vector<16xf32>
    tpu.vector_store %arg6[%swap3A_93], %swap3A_96 {strides = array<i32>} : memref<640xf32, #tpu.memory_space<vmem>>, vector<16xf32>,
    %swap3A_97 = arith.constant 368 : index
    %swap3A_98 = tpu.vector_load %arg6[%swap3A_97] {strides = array<i32>} : memref<640xf32, #tpu.memory_space<vmem>>, vector<16xf32>,
    %swap3A_99 = vector.shape_cast %swap3A_98 : vector<16xf32> to vector<16xf32>
    %swap3A_100 = vector.shape_cast %broadcast_in_dim3A_3 : vector<16xf32> to vector<16xf32>
    tpu.vector_store %arg6[%swap3A_97], %swap3A_100 {strides = array<i32>} : memref<640xf32, #tpu.memory_space<vmem>>, vector<16xf32>,
    %swap3A_101 = arith.constant 384 : index
    %swap3A_102 = tpu.vector_load %arg6[%swap3A_101] {strides = array<i32>} : memref<640xf32, #tpu.memory_space<vmem>>, vector<16xf32>,
    %swap3A_103 = vector.shape_cast %swap3A_102 : vector<16xf32> to vector<16xf32>
    %swap3A_104 = vector.shape_cast %broadcast_in_dim3A_3 : vector<16xf32> to vector<16xf32>
    tpu.vector_store %arg6[%swap3A_101], %swap3A_104 {strides = array<i32>} : memref<640xf32, #tpu.memory_space<vmem>>, vector<16xf32>,
    %swap3A_105 = arith.constant 400 : index
    %swap3A_106 = tpu.vector_load %arg6[%swap3A_105] {strides = array<i32>} : memref<640xf32, #tpu.memory_space<vmem>>, vector<16xf32>,
    %swap3A_107 = vector.shape_cast %swap3A_106 : vector<16xf32> to vector<16xf32>
    %swap3A_108 = vector.shape_cast %broadcast_in_dim3A_3 : vector<16xf32> to vector<16xf32>
    tpu.vector_store %arg6[%swap3A_105], %swap3A_108 {strides = array<i32>} : memref<640xf32, #tpu.memory_space<vmem>>, vector<16xf32>,
    %swap3A_109 = arith.constant 416 : index
    %swap3A_110 = tpu.vector_load %arg6[%swap3A_109] {strides = array<i32>} : memref<640xf32, #tpu.memory_space<vmem>>, vector<16xf32>,
    %swap3A_111 = vector.shape_cast %swap3A_110 : vector<16xf32> to vector<16xf32>
    %swap3A_112 = vector.shape_cast %broadcast_in_dim3A_3 : vector<16xf32> to vector<16xf32>
    tpu.vector_store %arg6[%swap3A_109], %swap3A_112 {strides = array<i32>} : memref<640xf32, #tpu.memory_space<vmem>>, vector<16xf32>,
    %swap3A_113 = arith.constant 432 : index
    %swap3A_114 = tpu.vector_load %arg6[%swap3A_113] {strides = array<i32>} : memref<640xf32, #tpu.memory_space<vmem>>, vector<16xf32>,
    %swap3A_115 = vector.shape_cast %swap3A_114 : vector<16xf32> to vector<16xf32>
    %swap3A_116 = vector.shape_cast %broadcast_in_dim3A_3 : vector<16xf32> to vector<16xf32>
    tpu.vector_store %arg6[%swap3A_113], %swap3A_116 {strides = array<i32>} : memref<640xf32, #tpu.memory_space<vmem>>, vector<16xf32>,
    %swap3A_117 = arith.constant 448 : index
    %swap3A_118 = tpu.vector_load %arg6[%swap3A_117] {strides = array<i32>} : memref<640xf32, #tpu.memory_space<vmem>>, vector<16xf32>,
    %swap3A_119 = vector.shape_cast %swap3A_118 : vector<16xf32> to vector<16xf32>
    %swap3A_120 = vector.shape_cast %broadcast_in_dim3A_3 : vector<16xf32> to vector<16xf32>
    tpu.vector_store %arg6[%swap3A_117], %swap3A_120 {strides = array<i32>} : memref<640xf32, #tpu.memory_space<vmem>>, vector<16xf32>,
    %swap3A_121 = arith.constant 464 : index
    %swap3A_122 = tpu.vector_load %arg6[%swap3A_121] {strides = array<i32>} : memref<640xf32, #tpu.memory_space<vmem>>, vector<16xf32>,
    %swap3A_123 = vector.shape_cast %swap3A_122 : vector<16xf32> to vector<16xf32>
    %swap3A_124 = vector.shape_cast %broadcast_in_dim3A_3 : vector<16xf32> to vector<16xf32>
    tpu.vector_store %arg6[%swap3A_121], %swap3A_124 {strides = array<i32>} : memref<640xf32, #tpu.memory_space<vmem>>, vector<16xf32>,
    %swap3A_125 = arith.constant 480 : index
    %swap3A_126 = tpu.vector_load %arg6[%swap3A_125] {strides = array<i32>} : memref<640xf32, #tpu.memory_space<vmem>>, vector<16xf32>,
    %swap3A_127 = vector.shape_cast %swap3A_126 : vector<16xf32> to vector<16xf32>
    %swap3A_128 = vector.shape_cast %broadcast_in_dim3A_3 : vector<16xf32> to vector<16xf32>
    tpu.vector_store %arg6[%swap3A_125], %swap3A_128 {strides = array<i32>} : memref<640xf32, #tpu.memory_space<vmem>>, vector<16xf32>,
    %swap3A_129 = arith.constant 496 : index
    %swap3A_130 = tpu.vector_load %arg6[%swap3A_129] {strides = array<i32>} : memref<640xf32, #tpu.memory_space<vmem>>, vector<16xf32>,
    %swap3A_131 = vector.shape_cast %swap3A_130 : vector<16xf32> to vector<16xf32>
    %swap3A_132 = vector.shape_cast %broadcast_in_dim3A_3 : vector<16xf32> to vector<16xf32>
    tpu.vector_store %arg6[%swap3A_129], %swap3A_132 {strides = array<i32>} : memref<640xf32, #tpu.memory_space<vmem>>, vector<16xf32>,
    %swap3A_133 = arith.constant 512 : index
    %swap3A_134 = tpu.vector_load %arg6[%swap3A_133] {strides = array<i32>} : memref<640xf32, #tpu.memory_space<vmem>>, vector<16xf32>,
    %swap3A_135 = vector.shape_cast %swap3A_134 : vector<16xf32> to vector<16xf32>
    %swap3A_136 = vector.shape_cast %broadcast_in_dim3A_3 : vector<16xf32> to vector<16xf32>
    tpu.vector_store %arg6[%swap3A_133], %swap3A_136 {strides = array<i32>} : memref<640xf32, #tpu.memory_space<vmem>>, vector<16xf32>,
    %swap3A_137 = arith.constant 528 : index
    %swap3A_138 = tpu.vector_load %arg6[%swap3A_137] {strides = array<i32>} : memref<640xf32, #tpu.memory_space<vmem>>, vector<16xf32>,
    %swap3A_139 = vector.shape_cast %swap3A_138 : vector<16xf32> to vector<16xf32>
    %swap3A_140 = vector.shape_cast %broadcast_in_dim3A_3 : vector<16xf32> to vector<16xf32>
    tpu.vector_store %arg6[%swap3A_137], %swap3A_140 {strides = array<i32>} : memref<640xf32, #tpu.memory_space<vmem>>, vector<16xf32>,
    %swap3A_141 = arith.constant 544 : index
    %swap3A_142 = tpu.vector_load %arg6[%swap3A_141] {strides = array<i32>} : memref<640xf32, #tpu.memory_space<vmem>>, vector<16xf32>,
    %swap3A_143 = vector.shape_cast %swap3A_142 : vector<16xf32> to vector<16xf32>
    %swap3A_144 = vector.shape_cast %broadcast_in_dim3A_3 : vector<16xf32> to vector<16xf32>
    tpu.vector_store %arg6[%swap3A_141], %swap3A_144 {strides = array<i32>} : memref<640xf32, #tpu.memory_space<vmem>>, vector<16xf32>,
    %swap3A_145 = arith.constant 560 : index
    %swap3A_146 = tpu.vector_load %arg6[%swap3A_145] {strides = array<i32>} : memref<640xf32, #tpu.memory_space<vmem>>, vector<16xf32>,
    %swap3A_147 = vector.shape_cast %swap3A_146 : vector<16xf32> to vector<16xf32>
    %swap3A_148 = vector.shape_cast %broadcast_in_dim3A_3 : vector<16xf32> to vector<16xf32>
    tpu.vector_store %arg6[%swap3A_145], %swap3A_148 {strides = array<i32>} : memref<640xf32, #tpu.memory_space<vmem>>, vector<16xf32>,
    %swap3A_149 = arith.constant 576 : index
    %swap3A_150 = tpu.vector_load %arg6[%swap3A_149] {strides = array<i32>} : memref<640xf32, #tpu.memory_space<vmem>>, vector<16xf32>,
    %swap3A_151 = vector.shape_cast %swap3A_150 : vector<16xf32> to vector<16xf32>
    %swap3A_152 = vector.shape_cast %broadcast_in_dim3A_3 : vector<16xf32> to vector<16xf32>
    tpu.vector_store %arg6[%swap3A_149], %swap3A_152 {strides = array<i32>} : memref<640xf32, #tpu.memory_space<vmem>>, vector<16xf32>,
    %swap3A_153 = arith.constant 592 : index
    %swap3A_154 = tpu.vector_load %arg6[%swap3A_153] {strides = array<i32>} : memref<640xf32, #tpu.memory_space<vmem>>, vector<16xf32>,
    %swap3A_155 = vector.shape_cast %swap3A_154 : vector<16xf32> to vector<16xf32>
    %swap3A_156 = vector.shape_cast %broadcast_in_dim3A_3 : vector<16xf32> to vector<16xf32>
    tpu.vector_store %arg6[%swap3A_153], %swap3A_156 {strides = array<i32>} : memref<640xf32, #tpu.memory_space<vmem>>, vector<16xf32>,
    %swap3A_157 = arith.constant 608 : index
    %swap3A_158 = tpu.vector_load %arg6[%swap3A_157] {strides = array<i32>} : memref<640xf32, #tpu.memory_space<vmem>>, vector<16xf32>,
    %swap3A_159 = vector.shape_cast %swap3A_158 : vector<16xf32> to vector<16xf32>
    %swap3A_160 = vector.shape_cast %broadcast_in_dim3A_3 : vector<16xf32> to vector<16xf32>
    tpu.vector_store %arg6[%swap3A_157], %swap3A_160 {strides = array<i32>} : memref<640xf32, #tpu.memory_space<vmem>>, vector<16xf32>,
    %swap3A_161 = arith.constant 624 : index
    %swap3A_162 = tpu.vector_load %arg6[%swap3A_161] {strides = array<i32>} : memref<640xf32, #tpu.memory_space<vmem>>, vector<16xf32>,
    %swap3A_163 = vector.shape_cast %swap3A_162 : vector<16xf32> to vector<16xf32>
    %swap3A_164 = vector.shape_cast %broadcast_in_dim3A_3 : vector<16xf32> to vector<16xf32>
    tpu.vector_store %arg6[%swap3A_161], %swap3A_164 {strides = array<i32>} : memref<640xf32, #tpu.memory_space<vmem>>, vector<16xf32>,
    %swap3A_165 = arith.constant 0 : index
    %swap3A_166 = tpu.vector_load %arg5[%swap3A_165] {strides = array<i32>} : memref<128xf32, #tpu.memory_space<vmem>>, vector<16xf32>,
    %swap3A_167 = vector.shape_cast %swap3A_166 : vector<16xf32> to vector<16xf32>
    %swap3A_168 = vector.shape_cast %broadcast_in_dim3A_5 : vector<16xf32> to vector<16xf32>
    tpu.vector_store %arg5[%swap3A_165], %swap3A_168 {strides = array<i32>} : memref<128xf32, #tpu.memory_space<vmem>>, vector<16xf32>,
    %swap3A_169 = arith.constant 16 : index
    %swap3A_170 = tpu.vector_load %arg5[%swap3A_169] {strides = array<i32>} : memref<128xf32, #tpu.memory_space<vmem>>, vector<16xf32>,
    %swap3A_171 = vector.shape_cast %swap3A_170 : vector<16xf32> to vector<16xf32>
    %swap3A_172 = vector.shape_cast %broadcast_in_dim3A_5 : vector<16xf32> to vector<16xf32>
    tpu.vector_store %arg5[%swap3A_169], %swap3A_172 {strides = array<i32>} : memref<128xf32, #tpu.memory_space<vmem>>, vector<16xf32>,
    %swap3A_173 = arith.constant 32 : index
    %swap3A_174 = tpu.vector_load %arg5[%swap3A_173] {strides = array<i32>} : memref<128xf32, #tpu.memory_space<vmem>>, vector<16xf32>,
    %swap3A_175 = vector.shape_cast %swap3A_174 : vector<16xf32> to vector<16xf32>
    %swap3A_176 = vector.shape_cast %broadcast_in_dim3A_5 : vector<16xf32> to vector<16xf32>
    tpu.vector_store %arg5[%swap3A_173], %swap3A_176 {strides = array<i32>} : memref<128xf32, #tpu.memory_space<vmem>>, vector<16xf32>,
    %swap3A_177 = arith.constant 48 : index
    %swap3A_178 = tpu.vector_load %arg5[%swap3A_177] {strides = array<i32>} : memref<128xf32, #tpu.memory_space<vmem>>, vector<16xf32>,
    %swap3A_179 = vector.shape_cast %swap3A_178 : vector<16xf32> to vector<16xf32>
    %swap3A_180 = vector.shape_cast %broadcast_in_dim3A_5 : vector<16xf32> to vector<16xf32>
    tpu.vector_store %arg5[%swap3A_177], %swap3A_180 {strides = array<i32>} : memref<128xf32, #tpu.memory_space<vmem>>, vector<16xf32>,
    %swap3A_181 = arith.constant 64 : index
    %swap3A_182 = tpu.vector_load %arg5[%swap3A_181] {strides = array<i32>} : memref<128xf32, #tpu.memory_space<vmem>>, vector<16xf32>,
    %swap3A_183 = vector.shape_cast %swap3A_182 : vector<16xf32> to vector<16xf32>
    %swap3A_184 = vector.shape_cast %broadcast_in_dim3A_5 : vector<16xf32> to vector<16xf32>
    tpu.vector_store %arg5[%swap3A_181], %swap3A_184 {strides = array<i32>} : memref<128xf32, #tpu.memory_space<vmem>>, vector<16xf32>,
    %swap3A_185 = arith.constant 80 : index
    %swap3A_186 = tpu.vector_load %arg5[%swap3A_185] {strides = array<i32>} : memref<128xf32, #tpu.memory_space<vmem>>, vector<16xf32>,
    %swap3A_187 = vector.shape_cast %swap3A_186 : vector<16xf32> to vector<16xf32>
    %swap3A_188 = vector.shape_cast %broadcast_in_dim3A_5 : vector<16xf32> to vector<16xf32>
    tpu.vector_store %arg5[%swap3A_185], %swap3A_188 {strides = array<i32>} : memref<128xf32, #tpu.memory_space<vmem>>, vector<16xf32>,
    %swap3A_189 = arith.constant 96 : index
    %swap3A_190 = tpu.vector_load %arg5[%swap3A_189] {strides = array<i32>} : memref<128xf32, #tpu.memory_space<vmem>>, vector<16xf32>,
    %swap3A_191 = vector.shape_cast %swap3A_190 : vector<16xf32> to vector<16xf32>
    %swap3A_192 = vector.shape_cast %broadcast_in_dim3A_5 : vector<16xf32> to vector<16xf32>
    tpu.vector_store %arg5[%swap3A_189], %swap3A_192 {strides = array<i32>} : memref<128xf32, #tpu.memory_space<vmem>>, vector<16xf32>,
    %swap3A_193 = arith.constant 112 : index
    %swap3A_194 = tpu.vector_load %arg5[%swap3A_193] {strides = array<i32>} : memref<128xf32, #tpu.memory_space<vmem>>, vector<16xf32>,
    %swap3A_195 = vector.shape_cast %swap3A_194 : vector<16xf32> to vector<16xf32>
    %swap3A_196 = vector.shape_cast %broadcast_in_dim3A_5 : vector<16xf32> to vector<16xf32>
    tpu.vector_store %arg5[%swap3A_193], %swap3A_196 {strides = array<i32>} : memref<128xf32, #tpu.memory_space<vmem>>, vector<16xf32>,
    %mul3A_197 = arith.constant 640 : i32
    %mul3A_198 = arith.muli %arg1, %mul3A_197 : i32
    "tpu.region"() ({
      %run_scoped3A_209 = tpu.sem_alloc : memref<!tpu.dma_semaphore, #tpu.memory_space<semaphore_mem>>
      %dma_start3A = tpu.memref_slice %arg7[%mul3A_198] : memref<10240xf32, #tpu.memory_space<vmem_shared>> -> memref<640xf32, #tpu.memory_space<vmem_shared>>
      %dma_start3A_210 = tpu.memref_slice %arg7[%mul3A_198] : memref<10240xf32, #tpu.memory_space<vmem_shared>> -> memref<640xf32, #tpu.memory_space<vmem_shared>>
      tpu.enqueue_dma source(%arg6 : memref<640xf32, #tpu.memory_space<vmem>>) target(%dma_start3A_210 : memref<640xf32, #tpu.memory_space<vmem_shared>>) target_semaphore(%run_scoped3A_209 : memref<!tpu.dma_semaphore, #tpu.memory_space<semaphore_mem>>)
      %dma_wait3A = tpu.memref_slice %arg7[%mul3A_198] : memref<10240xf32, #tpu.memory_space<vmem_shared>> -> memref<640xf32, #tpu.memory_space<vmem_shared>>
      %dma_wait3A_211 = tpu.memref_slice %arg7[%mul3A_198] : memref<10240xf32, #tpu.memory_space<vmem_shared>> -> memref<640xf32, #tpu.memory_space<vmem_shared>>
      tpu.wait_dma2 semaphore(%run_scoped3A_209 : memref<!tpu.dma_semaphore, #tpu.memory_space<semaphore_mem>>) src(%arg6 : memref<640xf32, #tpu.memory_space<vmem>>) dst(%dma_wait3A_211 : memref<640xf32, #tpu.memory_space<vmem_shared>>)
      tpu.yield
    }) : () -> ()
    %run_scoped3A = arith.constant 1 : i32
    "tpu.region"() ({
      %run_scoped3A_209 = tpu.sem_alloc : memref<!tpu.dma_semaphore, #tpu.memory_space<semaphore_mem>>
      %dma_start3A = arith.constant 0 : i32
      %dma_start3A_210 = tpu.memref_slice %arg2[%run_scoped3A, %mul3A_2, %dma_start3A] : memref<2x2560x128xi32, #tpu.memory_space<hbm>> -> memref<1x80x128xi32, #tpu.memory_space<hbm>>
      %dma_start3A_211 = tpu.memref_squeeze %dma_start3A_210 : memref<1x80x128xi32, #tpu.memory_space<hbm>> -> memref<80x128xi32, #tpu.memory_space<hbm>>
      %dma_start3A_212 = arith.constant 0 : i32
      %dma_start3A_213 = tpu.memref_slice %arg2[%run_scoped3A, %mul3A_2, %dma_start3A_212] : memref<2x2560x128xi32, #tpu.memory_space<hbm>> -> memref<1x80x128xi32, #tpu.memory_space<hbm>>
      %dma_start3A_214 = tpu.memref_squeeze %dma_start3A_213 : memref<1x80x128xi32, #tpu.memory_space<hbm>> -> memref<80x128xi32, #tpu.memory_space<hbm>>
      tpu.enqueue_dma source(%dma_start3A_214 : memref<80x128xi32, #tpu.memory_space<hbm>>) target(%arg4 : memref<80x128xi32, #tpu.memory_space<vmem>>) target_semaphore(%run_scoped3A_209 : memref<!tpu.dma_semaphore, #tpu.memory_space<semaphore_mem>>)
      %dma_wait3A = arith.constant 0 : i32
      %dma_wait3A_215 = tpu.memref_slice %arg2[%run_scoped3A, %mul3A_2, %dma_wait3A] : memref<2x2560x128xi32, #tpu.memory_space<hbm>> -> memref<1x80x128xi32, #tpu.memory_space<hbm>>
      %dma_wait3A_216 = tpu.memref_squeeze %dma_wait3A_215 : memref<1x80x128xi32, #tpu.memory_space<hbm>> -> memref<80x128xi32, #tpu.memory_space<hbm>>
      %dma_wait3A_217 = arith.constant 0 : i32
      %dma_wait3A_218 = tpu.memref_slice %arg2[%run_scoped3A, %mul3A_2, %dma_wait3A_217] : memref<2x2560x128xi32, #tpu.memory_space<hbm>> -> memref<1x80x128xi32, #tpu.memory_space<hbm>>
      %dma_wait3A_219 = tpu.memref_squeeze %dma_wait3A_218 : memref<1x80x128xi32, #tpu.memory_space<hbm>> -> memref<80x128xi32, #tpu.memory_space<hbm>>
      tpu.wait_dma2 semaphore(%run_scoped3A_209 : memref<!tpu.dma_semaphore, #tpu.memory_space<semaphore_mem>>) src(%dma_wait3A_219 : memref<80x128xi32, #tpu.memory_space<hbm>>) dst(%arg4 : memref<80x128xi32, #tpu.memory_space<vmem>>)
      tpu.yield
    }) : () -> ()
    %barrier3A = arith.constant 0 : index
    tpu.barrier barrier_id(%barrier3A)
    %scan3A = arith.constant 0 : i32
    %scan3A_199 = arith.constant 0 : i32
    %scan3A_200 = arith.constant 80 : i32
    %scan3A_201 = arith.addi %scan3A_199, %scan3A_200 : i32
    %scan3A_202 = arith.constant 1 : i32
    scf.for %scan3A_209 = %scan3A_199 to %scan3A_201 step %scan3A_202  : i32 {
      "tpu.region"() ({
        %run_scoped3A_210 = tpu.sem_alloc : memref<!tpu.dma_semaphore, #tpu.memory_space<semaphore_mem>>
        %dma_start3A = arith.constant 0 : i32
        %dma_start3A_211 = tpu.memref_slice %arg4[%scan3A_209, %dma_start3A] : memref<80x128xi32, #tpu.memory_space<vmem>> -> memref<1x128xi32, #tpu.memory_space<vmem>>
        %dma_start3A_212 = tpu.memref_squeeze %dma_start3A_211 : memref<1x128xi32, #tpu.memory_space<vmem>> -> memref<128xi32, #tpu.memory_space<vmem>>
        %dma_start3A_213 = arith.constant 0 : i32
        %dma_start3A_214 = tpu.memref_slice %arg7[%dma_start3A_213] : memref<10240xf32, #tpu.memory_space<vmem_shared>> -> memref<10240xf32, #tpu.memory_space<vmem_shared>>
        tpu.enqueue_indirect_dma source(%arg5 : memref<128xf32, #tpu.memory_space<vmem>>) target(%dma_start3A_214 : memref<10240xf32, #tpu.memory_space<vmem_shared>>) offsets(%dma_start3A_212 : memref<128xi32, #tpu.memory_space<vmem>>) semaphore(%run_scoped3A_210 : memref<!tpu.dma_semaphore, #tpu.memory_space<semaphore_mem>>) {add = true}
        %dma_wait3A = arith.constant 0 : i32
        %dma_wait3A_215 = tpu.memref_slice %arg4[%scan3A_209, %dma_wait3A] : memref<80x128xi32, #tpu.memory_space<vmem>> -> memref<1x128xi32, #tpu.memory_space<vmem>>
        %dma_wait3A_216 = tpu.memref_squeeze %dma_wait3A_215 : memref<1x128xi32, #tpu.memory_space<vmem>> -> memref<128xi32, #tpu.memory_space<vmem>>
        %dma_wait3A_217 = arith.constant 0 : i32
        %dma_wait3A_218 = tpu.memref_slice %arg7[%dma_wait3A_217] : memref<10240xf32, #tpu.memory_space<vmem_shared>> -> memref<10240xf32, #tpu.memory_space<vmem_shared>>
        tpu.wait_indirect_dma semaphore(%run_scoped3A_210 : memref<!tpu.dma_semaphore, #tpu.memory_space<semaphore_mem>>) src(%arg5 : memref<128xf32, #tpu.memory_space<vmem>>) dst(%dma_wait3A_218 : memref<10240xf32, #tpu.memory_space<vmem_shared>>)
        tpu.yield
      }) : () -> ()
    }
    %scan3A_203 = arith.constant 80 : i32
    %barrier3A_204 = arith.constant 0 : index
    tpu.barrier barrier_id(%barrier3A_204)
    %mul3A_205 = arith.constant 640 : i32
    %mul3A_206 = arith.muli %arg1, %mul3A_205 : i32
    %mul3A_207 = arith.constant 640 : i32
    %mul3A_208 = arith.muli %arg1, %mul3A_207 : i32
    "tpu.region"() ({
      %run_scoped3A_209 = tpu.sem_alloc : memref<!tpu.dma_semaphore, #tpu.memory_space<semaphore_mem>>
      %dma_start3A = tpu.memref_slice %arg3[%arg0, %mul3A_208] : memref<2x10240xf32, #tpu.memory_space<hbm>> -> memref<1x640xf32, #tpu.memory_space<hbm>>
      %dma_start3A_210 = tpu.memref_squeeze %dma_start3A : memref<1x640xf32, #tpu.memory_space<hbm>> -> memref<640xf32, #tpu.memory_space<hbm>>
      %dma_start3A_211 = tpu.memref_slice %arg7[%mul3A_206] : memref<10240xf32, #tpu.memory_space<vmem_shared>> -> memref<640xf32, #tpu.memory_space<vmem_shared>>
      tpu.enqueue_dma source(%dma_start3A_211 : memref<640xf32, #tpu.memory_space<vmem_shared>>) target(%dma_start3A_210 : memref<640xf32, #tpu.memory_space<hbm>>) target_semaphore(%run_scoped3A_209 : memref<!tpu.dma_semaphore, #tpu.memory_space<semaphore_mem>>)
      %dma_wait3A = tpu.memref_slice %arg3[%arg0, %mul3A_208] : memref<2x10240xf32, #tpu.memory_space<hbm>> -> memref<1x640xf32, #tpu.memory_space<hbm>>
      %dma_wait3A_212 = tpu.memref_squeeze %dma_wait3A : memref<1x640xf32, #tpu.memory_space<hbm>> -> memref<640xf32, #tpu.memory_space<hbm>>
      %dma_wait3A_213 = tpu.memref_slice %arg7[%mul3A_206] : memref<10240xf32, #tpu.memory_space<vmem_shared>> -> memref<640xf32, #tpu.memory_space<vmem_shared>>
      tpu.wait_dma2 semaphore(%run_scoped3A_209 : memref<!tpu.dma_semaphore, #tpu.memory_space<semaphore_mem>>) src(%dma_wait3A_213 : memref<640xf32, #tpu.memory_space<vmem_shared>>) dst(%dma_wait3A_212 : memref<640xf32, #tpu.memory_space<hbm>>)
      tpu.yield
    }) : () -> ()
    return
  }
}

#map = affine_map<(d0, d1) -> (0, 0, 0)>
#map1 = affine_map<(d0, d1) -> (0, 0)>
module attributes {stable_mosaic.version = 14 : i64} {
  func.func @_agg_body(%arg0: i32, %arg1: i32, %arg2: memref<2x2560x128xi32, #tpu.memory_space<hbm>>, %arg3: memref<10000x128xf32, #tpu.memory_space<hbm>>, %arg4: memref<2x10112x128xf32, #tpu.memory_space<hbm>>, %arg5: memref<2x8x128xi32, #tpu.memory_space<vmem>>, %arg6: memref<80x128xi32, #tpu.memory_space<vmem>>, %arg7: memref<2x128x128xf32, #tpu.memory_space<vmem>>, %arg8: memref<16x128xf32, #tpu.memory_space<vmem>>, %arg9: memref<10112x128xf32, #tpu.memory_space<vmem_shared>>, %arg10: memref<!tpu.dma_semaphore, #tpu.memory_space<semaphore_mem>>, %arg11: memref<!tpu.dma_semaphore, #tpu.memory_space<semaphore_mem>>, %arg12: memref<!tpu.dma_semaphore, #tpu.memory_space<semaphore_mem>>) attributes {dimension_semantics = [#tpu.dimension_semantics<core_parallel>, #tpu.dimension_semantics<subcore_parallel>], iteration_bounds = array<i64: 2, 16>, scalar_prefetch = 0 : i64, scratch_operands = 8 : i64, tpu.core_type = #tpu.core_type<sc_vector_subcore>, window_params = [{transform_indices = #map}, {transform_indices = #map1}, {transform_indices = #map}]} {
    %mul3A = arith.constant 16 : i32
    %mul3A_0 = arith.muli %arg0, %mul3A : i32
    %add3A = arith.addi %mul3A_0, %arg1 : i32
    %mul3A_1 = arith.constant 80 : i32
    %mul3A_2 = arith.muli %add3A, %mul3A_1 : i32
    %broadcast_in_dim3A = arith.constant 0.000000e+00 : f32
    %broadcast_in_dim3A_3 = vector.broadcast %broadcast_in_dim3A : f32 to vector<16xf32>
    %swap3A = arith.constant 0 : i32
    %swap3A_4 = arith.index_cast %swap3A : i32 to index
    %swap3A_5 = arith.constant 0 : index
    %swap3A_6 = tpu.vector_load %arg8[%swap3A_4, %swap3A_5] {strides = array<i32>} : memref<16x128xf32, #tpu.memory_space<vmem>>, vector<1x16xf32>,
    %swap3A_7 = vector.shape_cast %swap3A_6 : vector<1x16xf32> to vector<16xf32>
    %swap3A_8 = vector.shape_cast %broadcast_in_dim3A_3 : vector<16xf32> to vector<1x16xf32>
    tpu.vector_store %arg8[%swap3A_4, %swap3A_5], %swap3A_8 {strides = array<i32>} : memref<16x128xf32, #tpu.memory_space<vmem>>, vector<1x16xf32>,
    %swap3A_9 = arith.constant 0 : i32
    %swap3A_10 = arith.index_cast %swap3A_9 : i32 to index
    %swap3A_11 = arith.constant 16 : index
    %swap3A_12 = tpu.vector_load %arg8[%swap3A_10, %swap3A_11] {strides = array<i32>} : memref<16x128xf32, #tpu.memory_space<vmem>>, vector<1x16xf32>,
    %swap3A_13 = vector.shape_cast %swap3A_12 : vector<1x16xf32> to vector<16xf32>
    %swap3A_14 = vector.shape_cast %broadcast_in_dim3A_3 : vector<16xf32> to vector<1x16xf32>
    tpu.vector_store %arg8[%swap3A_10, %swap3A_11], %swap3A_14 {strides = array<i32>} : memref<16x128xf32, #tpu.memory_space<vmem>>, vector<1x16xf32>,
    %swap3A_15 = arith.constant 0 : i32
    %swap3A_16 = arith.index_cast %swap3A_15 : i32 to index
    %swap3A_17 = arith.constant 32 : index
    %swap3A_18 = tpu.vector_load %arg8[%swap3A_16, %swap3A_17] {strides = array<i32>} : memref<16x128xf32, #tpu.memory_space<vmem>>, vector<1x16xf32>,
    %swap3A_19 = vector.shape_cast %swap3A_18 : vector<1x16xf32> to vector<16xf32>
    %swap3A_20 = vector.shape_cast %broadcast_in_dim3A_3 : vector<16xf32> to vector<1x16xf32>
    tpu.vector_store %arg8[%swap3A_16, %swap3A_17], %swap3A_20 {strides = array<i32>} : memref<16x128xf32, #tpu.memory_space<vmem>>, vector<1x16xf32>,
    %swap3A_21 = arith.constant 0 : i32
    %swap3A_22 = arith.index_cast %swap3A_21 : i32 to index
    %swap3A_23 = arith.constant 48 : index
    %swap3A_24 = tpu.vector_load %arg8[%swap3A_22, %swap3A_23] {strides = array<i32>} : memref<16x128xf32, #tpu.memory_space<vmem>>, vector<1x16xf32>,
    %swap3A_25 = vector.shape_cast %swap3A_24 : vector<1x16xf32> to vector<16xf32>
    %swap3A_26 = vector.shape_cast %broadcast_in_dim3A_3 : vector<16xf32> to vector<1x16xf32>
    tpu.vector_store %arg8[%swap3A_22, %swap3A_23], %swap3A_26 {strides = array<i32>} : memref<16x128xf32, #tpu.memory_space<vmem>>, vector<1x16xf32>,
    %swap3A_27 = arith.constant 0 : i32
    %swap3A_28 = arith.index_cast %swap3A_27 : i32 to index
    %swap3A_29 = arith.constant 64 : index
    %swap3A_30 = tpu.vector_load %arg8[%swap3A_28, %swap3A_29] {strides = array<i32>} : memref<16x128xf32, #tpu.memory_space<vmem>>, vector<1x16xf32>,
    %swap3A_31 = vector.shape_cast %swap3A_30 : vector<1x16xf32> to vector<16xf32>
    %swap3A_32 = vector.shape_cast %broadcast_in_dim3A_3 : vector<16xf32> to vector<1x16xf32>
    tpu.vector_store %arg8[%swap3A_28, %swap3A_29], %swap3A_32 {strides = array<i32>} : memref<16x128xf32, #tpu.memory_space<vmem>>, vector<1x16xf32>,
    %swap3A_33 = arith.constant 0 : i32
    %swap3A_34 = arith.index_cast %swap3A_33 : i32 to index
    %swap3A_35 = arith.constant 80 : index
    %swap3A_36 = tpu.vector_load %arg8[%swap3A_34, %swap3A_35] {strides = array<i32>} : memref<16x128xf32, #tpu.memory_space<vmem>>, vector<1x16xf32>,
    %swap3A_37 = vector.shape_cast %swap3A_36 : vector<1x16xf32> to vector<16xf32>
    %swap3A_38 = vector.shape_cast %broadcast_in_dim3A_3 : vector<16xf32> to vector<1x16xf32>
    tpu.vector_store %arg8[%swap3A_34, %swap3A_35], %swap3A_38 {strides = array<i32>} : memref<16x128xf32, #tpu.memory_space<vmem>>, vector<1x16xf32>,
    %swap3A_39 = arith.constant 0 : i32
    %swap3A_40 = arith.index_cast %swap3A_39 : i32 to index
    %swap3A_41 = arith.constant 96 : index
    %swap3A_42 = tpu.vector_load %arg8[%swap3A_40, %swap3A_41] {strides = array<i32>} : memref<16x128xf32, #tpu.memory_space<vmem>>, vector<1x16xf32>,
    %swap3A_43 = vector.shape_cast %swap3A_42 : vector<1x16xf32> to vector<16xf32>
    %swap3A_44 = vector.shape_cast %broadcast_in_dim3A_3 : vector<16xf32> to vector<1x16xf32>
    tpu.vector_store %arg8[%swap3A_40, %swap3A_41], %swap3A_44 {strides = array<i32>} : memref<16x128xf32, #tpu.memory_space<vmem>>, vector<1x16xf32>,
    %swap3A_45 = arith.constant 0 : i32
    %swap3A_46 = arith.index_cast %swap3A_45 : i32 to index
    %swap3A_47 = arith.constant 112 : index
    %swap3A_48 = tpu.vector_load %arg8[%swap3A_46, %swap3A_47] {strides = array<i32>} : memref<16x128xf32, #tpu.memory_space<vmem>>, vector<1x16xf32>,
    %swap3A_49 = vector.shape_cast %swap3A_48 : vector<1x16xf32> to vector<16xf32>
    %swap3A_50 = vector.shape_cast %broadcast_in_dim3A_3 : vector<16xf32> to vector<1x16xf32>
    tpu.vector_store %arg8[%swap3A_46, %swap3A_47], %swap3A_50 {strides = array<i32>} : memref<16x128xf32, #tpu.memory_space<vmem>>, vector<1x16xf32>,
    %swap3A_51 = arith.constant 1 : i32
    %swap3A_52 = arith.index_cast %swap3A_51 : i32 to index
    %swap3A_53 = arith.constant 0 : index
    %swap3A_54 = tpu.vector_load %arg8[%swap3A_52, %swap3A_53] {strides = array<i32>} : memref<16x128xf32, #tpu.memory_space<vmem>>, vector<1x16xf32>,
    %swap3A_55 = vector.shape_cast %swap3A_54 : vector<1x16xf32> to vector<16xf32>
    %swap3A_56 = vector.shape_cast %broadcast_in_dim3A_3 : vector<16xf32> to vector<1x16xf32>
    tpu.vector_store %arg8[%swap3A_52, %swap3A_53], %swap3A_56 {strides = array<i32>} : memref<16x128xf32, #tpu.memory_space<vmem>>, vector<1x16xf32>,
    %swap3A_57 = arith.constant 1 : i32
    %swap3A_58 = arith.index_cast %swap3A_57 : i32 to index
    %swap3A_59 = arith.constant 16 : index
    %swap3A_60 = tpu.vector_load %arg8[%swap3A_58, %swap3A_59] {strides = array<i32>} : memref<16x128xf32, #tpu.memory_space<vmem>>, vector<1x16xf32>,
    %swap3A_61 = vector.shape_cast %swap3A_60 : vector<1x16xf32> to vector<16xf32>
    %swap3A_62 = vector.shape_cast %broadcast_in_dim3A_3 : vector<16xf32> to vector<1x16xf32>
    tpu.vector_store %arg8[%swap3A_58, %swap3A_59], %swap3A_62 {strides = array<i32>} : memref<16x128xf32, #tpu.memory_space<vmem>>, vector<1x16xf32>,
    %swap3A_63 = arith.constant 1 : i32
    %swap3A_64 = arith.index_cast %swap3A_63 : i32 to index
    %swap3A_65 = arith.constant 32 : index
    %swap3A_66 = tpu.vector_load %arg8[%swap3A_64, %swap3A_65] {strides = array<i32>} : memref<16x128xf32, #tpu.memory_space<vmem>>, vector<1x16xf32>,
    %swap3A_67 = vector.shape_cast %swap3A_66 : vector<1x16xf32> to vector<16xf32>
    %swap3A_68 = vector.shape_cast %broadcast_in_dim3A_3 : vector<16xf32> to vector<1x16xf32>
    tpu.vector_store %arg8[%swap3A_64, %swap3A_65], %swap3A_68 {strides = array<i32>} : memref<16x128xf32, #tpu.memory_space<vmem>>, vector<1x16xf32>,
    %swap3A_69 = arith.constant 1 : i32
    %swap3A_70 = arith.index_cast %swap3A_69 : i32 to index
    %swap3A_71 = arith.constant 48 : index
    %swap3A_72 = tpu.vector_load %arg8[%swap3A_70, %swap3A_71] {strides = array<i32>} : memref<16x128xf32, #tpu.memory_space<vmem>>, vector<1x16xf32>,
    %swap3A_73 = vector.shape_cast %swap3A_72 : vector<1x16xf32> to vector<16xf32>
    %swap3A_74 = vector.shape_cast %broadcast_in_dim3A_3 : vector<16xf32> to vector<1x16xf32>
    tpu.vector_store %arg8[%swap3A_70, %swap3A_71], %swap3A_74 {strides = array<i32>} : memref<16x128xf32, #tpu.memory_space<vmem>>, vector<1x16xf32>,
    %swap3A_75 = arith.constant 1 : i32
    %swap3A_76 = arith.index_cast %swap3A_75 : i32 to index
    %swap3A_77 = arith.constant 64 : index
    %swap3A_78 = tpu.vector_load %arg8[%swap3A_76, %swap3A_77] {strides = array<i32>} : memref<16x128xf32, #tpu.memory_space<vmem>>, vector<1x16xf32>,
    %swap3A_79 = vector.shape_cast %swap3A_78 : vector<1x16xf32> to vector<16xf32>
    %swap3A_80 = vector.shape_cast %broadcast_in_dim3A_3 : vector<16xf32> to vector<1x16xf32>
    tpu.vector_store %arg8[%swap3A_76, %swap3A_77], %swap3A_80 {strides = array<i32>} : memref<16x128xf32, #tpu.memory_space<vmem>>, vector<1x16xf32>,
    %swap3A_81 = arith.constant 1 : i32
    %swap3A_82 = arith.index_cast %swap3A_81 : i32 to index
    %swap3A_83 = arith.constant 80 : index
    %swap3A_84 = tpu.vector_load %arg8[%swap3A_82, %swap3A_83] {strides = array<i32>} : memref<16x128xf32, #tpu.memory_space<vmem>>, vector<1x16xf32>,
    %swap3A_85 = vector.shape_cast %swap3A_84 : vector<1x16xf32> to vector<16xf32>
    %swap3A_86 = vector.shape_cast %broadcast_in_dim3A_3 : vector<16xf32> to vector<1x16xf32>
    tpu.vector_store %arg8[%swap3A_82, %swap3A_83], %swap3A_86 {strides = array<i32>} : memref<16x128xf32, #tpu.memory_space<vmem>>, vector<1x16xf32>,
    %swap3A_87 = arith.constant 1 : i32
    %swap3A_88 = arith.index_cast %swap3A_87 : i32 to index
    %swap3A_89 = arith.constant 96 : index
    %swap3A_90 = tpu.vector_load %arg8[%swap3A_88, %swap3A_89] {strides = array<i32>} : memref<16x128xf32, #tpu.memory_space<vmem>>, vector<1x16xf32>,
    %swap3A_91 = vector.shape_cast %swap3A_90 : vector<1x16xf32> to vector<16xf32>
    %swap3A_92 = vector.shape_cast %broadcast_in_dim3A_3 : vector<16xf32> to vector<1x16xf32>
    tpu.vector_store %arg8[%swap3A_88, %swap3A_89], %swap3A_92 {strides = array<i32>} : memref<16x128xf32, #tpu.memory_space<vmem>>, vector<1x16xf32>,
    %swap3A_93 = arith.constant 1 : i32
    %swap3A_94 = arith.index_cast %swap3A_93 : i32 to index
    %swap3A_95 = arith.constant 112 : index
    %swap3A_96 = tpu.vector_load %arg8[%swap3A_94, %swap3A_95] {strides = array<i32>} : memref<16x128xf32, #tpu.memory_space<vmem>>, vector<1x16xf32>,
    %swap3A_97 = vector.shape_cast %swap3A_96 : vector<1x16xf32> to vector<16xf32>
    %swap3A_98 = vector.shape_cast %broadcast_in_dim3A_3 : vector<16xf32> to vector<1x16xf32>
    tpu.vector_store %arg8[%swap3A_94, %swap3A_95], %swap3A_98 {strides = array<i32>} : memref<16x128xf32, #tpu.memory_space<vmem>>, vector<1x16xf32>,
    %swap3A_99 = arith.constant 2 : i32
    %swap3A_100 = arith.index_cast %swap3A_99 : i32 to index
    %swap3A_101 = arith.constant 0 : index
    %swap3A_102 = tpu.vector_load %arg8[%swap3A_100, %swap3A_101] {strides = array<i32>} : memref<16x128xf32, #tpu.memory_space<vmem>>, vector<1x16xf32>,
    %swap3A_103 = vector.shape_cast %swap3A_102 : vector<1x16xf32> to vector<16xf32>
    %swap3A_104 = vector.shape_cast %broadcast_in_dim3A_3 : vector<16xf32> to vector<1x16xf32>
    tpu.vector_store %arg8[%swap3A_100, %swap3A_101], %swap3A_104 {strides = array<i32>} : memref<16x128xf32, #tpu.memory_space<vmem>>, vector<1x16xf32>,
    %swap3A_105 = arith.constant 2 : i32
    %swap3A_106 = arith.index_cast %swap3A_105 : i32 to index
    %swap3A_107 = arith.constant 16 : index
    %swap3A_108 = tpu.vector_load %arg8[%swap3A_106, %swap3A_107] {strides = array<i32>} : memref<16x128xf32, #tpu.memory_space<vmem>>, vector<1x16xf32>,
    %swap3A_109 = vector.shape_cast %swap3A_108 : vector<1x16xf32> to vector<16xf32>
    %swap3A_110 = vector.shape_cast %broadcast_in_dim3A_3 : vector<16xf32> to vector<1x16xf32>
    tpu.vector_store %arg8[%swap3A_106, %swap3A_107], %swap3A_110 {strides = array<i32>} : memref<16x128xf32, #tpu.memory_space<vmem>>, vector<1x16xf32>,
    %swap3A_111 = arith.constant 2 : i32
    %swap3A_112 = arith.index_cast %swap3A_111 : i32 to index
    %swap3A_113 = arith.constant 32 : index
    %swap3A_114 = tpu.vector_load %arg8[%swap3A_112, %swap3A_113] {strides = array<i32>} : memref<16x128xf32, #tpu.memory_space<vmem>>, vector<1x16xf32>,
    %swap3A_115 = vector.shape_cast %swap3A_114 : vector<1x16xf32> to vector<16xf32>
    %swap3A_116 = vector.shape_cast %broadcast_in_dim3A_3 : vector<16xf32> to vector<1x16xf32>
    tpu.vector_store %arg8[%swap3A_112, %swap3A_113], %swap3A_116 {strides = array<i32>} : memref<16x128xf32, #tpu.memory_space<vmem>>, vector<1x16xf32>,
    %swap3A_117 = arith.constant 2 : i32
    %swap3A_118 = arith.index_cast %swap3A_117 : i32 to index
    %swap3A_119 = arith.constant 48 : index
    %swap3A_120 = tpu.vector_load %arg8[%swap3A_118, %swap3A_119] {strides = array<i32>} : memref<16x128xf32, #tpu.memory_space<vmem>>, vector<1x16xf32>,
    %swap3A_121 = vector.shape_cast %swap3A_120 : vector<1x16xf32> to vector<16xf32>
    %swap3A_122 = vector.shape_cast %broadcast_in_dim3A_3 : vector<16xf32> to vector<1x16xf32>
    tpu.vector_store %arg8[%swap3A_118, %swap3A_119], %swap3A_122 {strides = array<i32>} : memref<16x128xf32, #tpu.memory_space<vmem>>, vector<1x16xf32>,
    %swap3A_123 = arith.constant 2 : i32
    %swap3A_124 = arith.index_cast %swap3A_123 : i32 to index
    %swap3A_125 = arith.constant 64 : index
    %swap3A_126 = tpu.vector_load %arg8[%swap3A_124, %swap3A_125] {strides = array<i32>} : memref<16x128xf32, #tpu.memory_space<vmem>>, vector<1x16xf32>,
    %swap3A_127 = vector.shape_cast %swap3A_126 : vector<1x16xf32> to vector<16xf32>
    %swap3A_128 = vector.shape_cast %broadcast_in_dim3A_3 : vector<16xf32> to vector<1x16xf32>
    tpu.vector_store %arg8[%swap3A_124, %swap3A_125], %swap3A_128 {strides = array<i32>} : memref<16x128xf32, #tpu.memory_space<vmem>>, vector<1x16xf32>,
    %swap3A_129 = arith.constant 2 : i32
    %swap3A_130 = arith.index_cast %swap3A_129 : i32 to index
    %swap3A_131 = arith.constant 80 : index
    %swap3A_132 = tpu.vector_load %arg8[%swap3A_130, %swap3A_131] {strides = array<i32>} : memref<16x128xf32, #tpu.memory_space<vmem>>, vector<1x16xf32>,
    %swap3A_133 = vector.shape_cast %swap3A_132 : vector<1x16xf32> to vector<16xf32>
    %swap3A_134 = vector.shape_cast %broadcast_in_dim3A_3 : vector<16xf32> to vector<1x16xf32>
    tpu.vector_store %arg8[%swap3A_130, %swap3A_131], %swap3A_134 {strides = array<i32>} : memref<16x128xf32, #tpu.memory_space<vmem>>, vector<1x16xf32>,
    %swap3A_135 = arith.constant 2 : i32
    %swap3A_136 = arith.index_cast %swap3A_135 : i32 to index
    %swap3A_137 = arith.constant 96 : index
    %swap3A_138 = tpu.vector_load %arg8[%swap3A_136, %swap3A_137] {strides = array<i32>} : memref<16x128xf32, #tpu.memory_space<vmem>>, vector<1x16xf32>,
    %swap3A_139 = vector.shape_cast %swap3A_138 : vector<1x16xf32> to vector<16xf32>
    %swap3A_140 = vector.shape_cast %broadcast_in_dim3A_3 : vector<16xf32> to vector<1x16xf32>
    tpu.vector_store %arg8[%swap3A_136, %swap3A_137], %swap3A_140 {strides = array<i32>} : memref<16x128xf32, #tpu.memory_space<vmem>>, vector<1x16xf32>,
    %swap3A_141 = arith.constant 2 : i32
    %swap3A_142 = arith.index_cast %swap3A_141 : i32 to index
    %swap3A_143 = arith.constant 112 : index
    %swap3A_144 = tpu.vector_load %arg8[%swap3A_142, %swap3A_143] {strides = array<i32>} : memref<16x128xf32, #tpu.memory_space<vmem>>, vector<1x16xf32>,
    %swap3A_145 = vector.shape_cast %swap3A_144 : vector<1x16xf32> to vector<16xf32>
    %swap3A_146 = vector.shape_cast %broadcast_in_dim3A_3 : vector<16xf32> to vector<1x16xf32>
    tpu.vector_store %arg8[%swap3A_142, %swap3A_143], %swap3A_146 {strides = array<i32>} : memref<16x128xf32, #tpu.memory_space<vmem>>, vector<1x16xf32>,
    %swap3A_147 = arith.constant 3 : i32
    %swap3A_148 = arith.index_cast %swap3A_147 : i32 to index
    %swap3A_149 = arith.constant 0 : index
    %swap3A_150 = tpu.vector_load %arg8[%swap3A_148, %swap3A_149] {strides = array<i32>} : memref<16x128xf32, #tpu.memory_space<vmem>>, vector<1x16xf32>,
    %swap3A_151 = vector.shape_cast %swap3A_150 : vector<1x16xf32> to vector<16xf32>
    %swap3A_152 = vector.shape_cast %broadcast_in_dim3A_3 : vector<16xf32> to vector<1x16xf32>
    tpu.vector_store %arg8[%swap3A_148, %swap3A_149], %swap3A_152 {strides = array<i32>} : memref<16x128xf32, #tpu.memory_space<vmem>>, vector<1x16xf32>,
    %swap3A_153 = arith.constant 3 : i32
    %swap3A_154 = arith.index_cast %swap3A_153 : i32 to index
    %swap3A_155 = arith.constant 16 : index
    %swap3A_156 = tpu.vector_load %arg8[%swap3A_154, %swap3A_155] {strides = array<i32>} : memref<16x128xf32, #tpu.memory_space<vmem>>, vector<1x16xf32>,
    %swap3A_157 = vector.shape_cast %swap3A_156 : vector<1x16xf32> to vector<16xf32>
    %swap3A_158 = vector.shape_cast %broadcast_in_dim3A_3 : vector<16xf32> to vector<1x16xf32>
    tpu.vector_store %arg8[%swap3A_154, %swap3A_155], %swap3A_158 {strides = array<i32>} : memref<16x128xf32, #tpu.memory_space<vmem>>, vector<1x16xf32>,
    %swap3A_159 = arith.constant 3 : i32
    %swap3A_160 = arith.index_cast %swap3A_159 : i32 to index
    %swap3A_161 = arith.constant 32 : index
    %swap3A_162 = tpu.vector_load %arg8[%swap3A_160, %swap3A_161] {strides = array<i32>} : memref<16x128xf32, #tpu.memory_space<vmem>>, vector<1x16xf32>,
    %swap3A_163 = vector.shape_cast %swap3A_162 : vector<1x16xf32> to vector<16xf32>
    %swap3A_164 = vector.shape_cast %broadcast_in_dim3A_3 : vector<16xf32> to vector<1x16xf32>
    tpu.vector_store %arg8[%swap3A_160, %swap3A_161], %swap3A_164 {strides = array<i32>} : memref<16x128xf32, #tpu.memory_space<vmem>>, vector<1x16xf32>,
    %swap3A_165 = arith.constant 3 : i32
    %swap3A_166 = arith.index_cast %swap3A_165 : i32 to index
    %swap3A_167 = arith.constant 48 : index
    %swap3A_168 = tpu.vector_load %arg8[%swap3A_166, %swap3A_167] {strides = array<i32>} : memref<16x128xf32, #tpu.memory_space<vmem>>, vector<1x16xf32>,
    %swap3A_169 = vector.shape_cast %swap3A_168 : vector<1x16xf32> to vector<16xf32>
    %swap3A_170 = vector.shape_cast %broadcast_in_dim3A_3 : vector<16xf32> to vector<1x16xf32>
    tpu.vector_store %arg8[%swap3A_166, %swap3A_167], %swap3A_170 {strides = array<i32>} : memref<16x128xf32, #tpu.memory_space<vmem>>, vector<1x16xf32>,
    %swap3A_171 = arith.constant 3 : i32
    %swap3A_172 = arith.index_cast %swap3A_171 : i32 to index
    %swap3A_173 = arith.constant 64 : index
    %swap3A_174 = tpu.vector_load %arg8[%swap3A_172, %swap3A_173] {strides = array<i32>} : memref<16x128xf32, #tpu.memory_space<vmem>>, vector<1x16xf32>,
    %swap3A_175 = vector.shape_cast %swap3A_174 : vector<1x16xf32> to vector<16xf32>
    %swap3A_176 = vector.shape_cast %broadcast_in_dim3A_3 : vector<16xf32> to vector<1x16xf32>
    tpu.vector_store %arg8[%swap3A_172, %swap3A_173], %swap3A_176 {strides = array<i32>} : memref<16x128xf32, #tpu.memory_space<vmem>>, vector<1x16xf32>,
    %swap3A_177 = arith.constant 3 : i32
    %swap3A_178 = arith.index_cast %swap3A_177 : i32 to index
    %swap3A_179 = arith.constant 80 : index
    %swap3A_180 = tpu.vector_load %arg8[%swap3A_178, %swap3A_179] {strides = array<i32>} : memref<16x128xf32, #tpu.memory_space<vmem>>, vector<1x16xf32>,
    %swap3A_181 = vector.shape_cast %swap3A_180 : vector<1x16xf32> to vector<16xf32>
    %swap3A_182 = vector.shape_cast %broadcast_in_dim3A_3 : vector<16xf32> to vector<1x16xf32>
    tpu.vector_store %arg8[%swap3A_178, %swap3A_179], %swap3A_182 {strides = array<i32>} : memref<16x128xf32, #tpu.memory_space<vmem>>, vector<1x16xf32>,
    %swap3A_183 = arith.constant 3 : i32
    %swap3A_184 = arith.index_cast %swap3A_183 : i32 to index
    %swap3A_185 = arith.constant 96 : index
    %swap3A_186 = tpu.vector_load %arg8[%swap3A_184, %swap3A_185] {strides = array<i32>} : memref<16x128xf32, #tpu.memory_space<vmem>>, vector<1x16xf32>,
    %swap3A_187 = vector.shape_cast %swap3A_186 : vector<1x16xf32> to vector<16xf32>
    %swap3A_188 = vector.shape_cast %broadcast_in_dim3A_3 : vector<16xf32> to vector<1x16xf32>
    tpu.vector_store %arg8[%swap3A_184, %swap3A_185], %swap3A_188 {strides = array<i32>} : memref<16x128xf32, #tpu.memory_space<vmem>>, vector<1x16xf32>,
    %swap3A_189 = arith.constant 3 : i32
    %swap3A_190 = arith.index_cast %swap3A_189 : i32 to index
    %swap3A_191 = arith.constant 112 : index
    %swap3A_192 = tpu.vector_load %arg8[%swap3A_190, %swap3A_191] {strides = array<i32>} : memref<16x128xf32, #tpu.memory_space<vmem>>, vector<1x16xf32>,
    %swap3A_193 = vector.shape_cast %swap3A_192 : vector<1x16xf32> to vector<16xf32>
    %swap3A_194 = vector.shape_cast %broadcast_in_dim3A_3 : vector<16xf32> to vector<1x16xf32>
    tpu.vector_store %arg8[%swap3A_190, %swap3A_191], %swap3A_194 {strides = array<i32>} : memref<16x128xf32, #tpu.memory_space<vmem>>, vector<1x16xf32>,
    %swap3A_195 = arith.constant 4 : i32
    %swap3A_196 = arith.index_cast %swap3A_195 : i32 to index
    %swap3A_197 = arith.constant 0 : index
    %swap3A_198 = tpu.vector_load %arg8[%swap3A_196, %swap3A_197] {strides = array<i32>} : memref<16x128xf32, #tpu.memory_space<vmem>>, vector<1x16xf32>,
    %swap3A_199 = vector.shape_cast %swap3A_198 : vector<1x16xf32> to vector<16xf32>
    %swap3A_200 = vector.shape_cast %broadcast_in_dim3A_3 : vector<16xf32> to vector<1x16xf32>
    tpu.vector_store %arg8[%swap3A_196, %swap3A_197], %swap3A_200 {strides = array<i32>} : memref<16x128xf32, #tpu.memory_space<vmem>>, vector<1x16xf32>,
    %swap3A_201 = arith.constant 4 : i32
    %swap3A_202 = arith.index_cast %swap3A_201 : i32 to index
    %swap3A_203 = arith.constant 16 : index
    %swap3A_204 = tpu.vector_load %arg8[%swap3A_202, %swap3A_203] {strides = array<i32>} : memref<16x128xf32, #tpu.memory_space<vmem>>, vector<1x16xf32>,
    %swap3A_205 = vector.shape_cast %swap3A_204 : vector<1x16xf32> to vector<16xf32>
    %swap3A_206 = vector.shape_cast %broadcast_in_dim3A_3 : vector<16xf32> to vector<1x16xf32>
    tpu.vector_store %arg8[%swap3A_202, %swap3A_203], %swap3A_206 {strides = array<i32>} : memref<16x128xf32, #tpu.memory_space<vmem>>, vector<1x16xf32>,
    %swap3A_207 = arith.constant 4 : i32
    %swap3A_208 = arith.index_cast %swap3A_207 : i32 to index
    %swap3A_209 = arith.constant 32 : index
    %swap3A_210 = tpu.vector_load %arg8[%swap3A_208, %swap3A_209] {strides = array<i32>} : memref<16x128xf32, #tpu.memory_space<vmem>>, vector<1x16xf32>,
    %swap3A_211 = vector.shape_cast %swap3A_210 : vector<1x16xf32> to vector<16xf32>
    %swap3A_212 = vector.shape_cast %broadcast_in_dim3A_3 : vector<16xf32> to vector<1x16xf32>
    tpu.vector_store %arg8[%swap3A_208, %swap3A_209], %swap3A_212 {strides = array<i32>} : memref<16x128xf32, #tpu.memory_space<vmem>>, vector<1x16xf32>,
    %swap3A_213 = arith.constant 4 : i32
    %swap3A_214 = arith.index_cast %swap3A_213 : i32 to index
    %swap3A_215 = arith.constant 48 : index
    %swap3A_216 = tpu.vector_load %arg8[%swap3A_214, %swap3A_215] {strides = array<i32>} : memref<16x128xf32, #tpu.memory_space<vmem>>, vector<1x16xf32>,
    %swap3A_217 = vector.shape_cast %swap3A_216 : vector<1x16xf32> to vector<16xf32>
    %swap3A_218 = vector.shape_cast %broadcast_in_dim3A_3 : vector<16xf32> to vector<1x16xf32>
    tpu.vector_store %arg8[%swap3A_214, %swap3A_215], %swap3A_218 {strides = array<i32>} : memref<16x128xf32, #tpu.memory_space<vmem>>, vector<1x16xf32>,
    %swap3A_219 = arith.constant 4 : i32
    %swap3A_220 = arith.index_cast %swap3A_219 : i32 to index
    %swap3A_221 = arith.constant 64 : index
    %swap3A_222 = tpu.vector_load %arg8[%swap3A_220, %swap3A_221] {strides = array<i32>} : memref<16x128xf32, #tpu.memory_space<vmem>>, vector<1x16xf32>,
    %swap3A_223 = vector.shape_cast %swap3A_222 : vector<1x16xf32> to vector<16xf32>
    %swap3A_224 = vector.shape_cast %broadcast_in_dim3A_3 : vector<16xf32> to vector<1x16xf32>
    tpu.vector_store %arg8[%swap3A_220, %swap3A_221], %swap3A_224 {strides = array<i32>} : memref<16x128xf32, #tpu.memory_space<vmem>>, vector<1x16xf32>,
    %swap3A_225 = arith.constant 4 : i32
    %swap3A_226 = arith.index_cast %swap3A_225 : i32 to index
    %swap3A_227 = arith.constant 80 : index
    %swap3A_228 = tpu.vector_load %arg8[%swap3A_226, %swap3A_227] {strides = array<i32>} : memref<16x128xf32, #tpu.memory_space<vmem>>, vector<1x16xf32>,
    %swap3A_229 = vector.shape_cast %swap3A_228 : vector<1x16xf32> to vector<16xf32>
    %swap3A_230 = vector.shape_cast %broadcast_in_dim3A_3 : vector<16xf32> to vector<1x16xf32>
    tpu.vector_store %arg8[%swap3A_226, %swap3A_227], %swap3A_230 {strides = array<i32>} : memref<16x128xf32, #tpu.memory_space<vmem>>, vector<1x16xf32>,
    %swap3A_231 = arith.constant 4 : i32
    %swap3A_232 = arith.index_cast %swap3A_231 : i32 to index
    %swap3A_233 = arith.constant 96 : index
    %swap3A_234 = tpu.vector_load %arg8[%swap3A_232, %swap3A_233] {strides = array<i32>} : memref<16x128xf32, #tpu.memory_space<vmem>>, vector<1x16xf32>,
    %swap3A_235 = vector.shape_cast %swap3A_234 : vector<1x16xf32> to vector<16xf32>
    %swap3A_236 = vector.shape_cast %broadcast_in_dim3A_3 : vector<16xf32> to vector<1x16xf32>
    tpu.vector_store %arg8[%swap3A_232, %swap3A_233], %swap3A_236 {strides = array<i32>} : memref<16x128xf32, #tpu.memory_space<vmem>>, vector<1x16xf32>,
    %swap3A_237 = arith.constant 4 : i32
    %swap3A_238 = arith.index_cast %swap3A_237 : i32 to index
    %swap3A_239 = arith.constant 112 : index
    %swap3A_240 = tpu.vector_load %arg8[%swap3A_238, %swap3A_239] {strides = array<i32>} : memref<16x128xf32, #tpu.memory_space<vmem>>, vector<1x16xf32>,
    %swap3A_241 = vector.shape_cast %swap3A_240 : vector<1x16xf32> to vector<16xf32>
    %swap3A_242 = vector.shape_cast %broadcast_in_dim3A_3 : vector<16xf32> to vector<1x16xf32>
    tpu.vector_store %arg8[%swap3A_238, %swap3A_239], %swap3A_242 {strides = array<i32>} : memref<16x128xf32, #tpu.memory_space<vmem>>, vector<1x16xf32>,
    %swap3A_243 = arith.constant 5 : i32
    %swap3A_244 = arith.index_cast %swap3A_243 : i32 to index
    %swap3A_245 = arith.constant 0 : index
    %swap3A_246 = tpu.vector_load %arg8[%swap3A_244, %swap3A_245] {strides = array<i32>} : memref<16x128xf32, #tpu.memory_space<vmem>>, vector<1x16xf32>,
    %swap3A_247 = vector.shape_cast %swap3A_246 : vector<1x16xf32> to vector<16xf32>
    %swap3A_248 = vector.shape_cast %broadcast_in_dim3A_3 : vector<16xf32> to vector<1x16xf32>
    tpu.vector_store %arg8[%swap3A_244, %swap3A_245], %swap3A_248 {strides = array<i32>} : memref<16x128xf32, #tpu.memory_space<vmem>>, vector<1x16xf32>,
    %swap3A_249 = arith.constant 5 : i32
    %swap3A_250 = arith.index_cast %swap3A_249 : i32 to index
    %swap3A_251 = arith.constant 16 : index
    %swap3A_252 = tpu.vector_load %arg8[%swap3A_250, %swap3A_251] {strides = array<i32>} : memref<16x128xf32, #tpu.memory_space<vmem>>, vector<1x16xf32>,
    %swap3A_253 = vector.shape_cast %swap3A_252 : vector<1x16xf32> to vector<16xf32>
    %swap3A_254 = vector.shape_cast %broadcast_in_dim3A_3 : vector<16xf32> to vector<1x16xf32>
    tpu.vector_store %arg8[%swap3A_250, %swap3A_251], %swap3A_254 {strides = array<i32>} : memref<16x128xf32, #tpu.memory_space<vmem>>, vector<1x16xf32>,
    %swap3A_255 = arith.constant 5 : i32
    %swap3A_256 = arith.index_cast %swap3A_255 : i32 to index
    %swap3A_257 = arith.constant 32 : index
    %swap3A_258 = tpu.vector_load %arg8[%swap3A_256, %swap3A_257] {strides = array<i32>} : memref<16x128xf32, #tpu.memory_space<vmem>>, vector<1x16xf32>,
    %swap3A_259 = vector.shape_cast %swap3A_258 : vector<1x16xf32> to vector<16xf32>
    %swap3A_260 = vector.shape_cast %broadcast_in_dim3A_3 : vector<16xf32> to vector<1x16xf32>
    tpu.vector_store %arg8[%swap3A_256, %swap3A_257], %swap3A_260 {strides = array<i32>} : memref<16x128xf32, #tpu.memory_space<vmem>>, vector<1x16xf32>,
    %swap3A_261 = arith.constant 5 : i32
    %swap3A_262 = arith.index_cast %swap3A_261 : i32 to index
    %swap3A_263 = arith.constant 48 : index
    %swap3A_264 = tpu.vector_load %arg8[%swap3A_262, %swap3A_263] {strides = array<i32>} : memref<16x128xf32, #tpu.memory_space<vmem>>, vector<1x16xf32>,
    %swap3A_265 = vector.shape_cast %swap3A_264 : vector<1x16xf32> to vector<16xf32>
    %swap3A_266 = vector.shape_cast %broadcast_in_dim3A_3 : vector<16xf32> to vector<1x16xf32>
    tpu.vector_store %arg8[%swap3A_262, %swap3A_263], %swap3A_266 {strides = array<i32>} : memref<16x128xf32, #tpu.memory_space<vmem>>, vector<1x16xf32>,
    %swap3A_267 = arith.constant 5 : i32
    %swap3A_268 = arith.index_cast %swap3A_267 : i32 to index
    %swap3A_269 = arith.constant 64 : index
    %swap3A_270 = tpu.vector_load %arg8[%swap3A_268, %swap3A_269] {strides = array<i32>} : memref<16x128xf32, #tpu.memory_space<vmem>>, vector<1x16xf32>,
    %swap3A_271 = vector.shape_cast %swap3A_270 : vector<1x16xf32> to vector<16xf32>
    %swap3A_272 = vector.shape_cast %broadcast_in_dim3A_3 : vector<16xf32> to vector<1x16xf32>
    tpu.vector_store %arg8[%swap3A_268, %swap3A_269], %swap3A_272 {strides = array<i32>} : memref<16x128xf32, #tpu.memory_space<vmem>>, vector<1x16xf32>,
    %swap3A_273 = arith.constant 5 : i32
    %swap3A_274 = arith.index_cast %swap3A_273 : i32 to index
    %swap3A_275 = arith.constant 80 : index
    %swap3A_276 = tpu.vector_load %arg8[%swap3A_274, %swap3A_275] {strides = array<i32>} : memref<16x128xf32, #tpu.memory_space<vmem>>, vector<1x16xf32>,
    %swap3A_277 = vector.shape_cast %swap3A_276 : vector<1x16xf32> to vector<16xf32>
    %swap3A_278 = vector.shape_cast %broadcast_in_dim3A_3 : vector<16xf32> to vector<1x16xf32>
    tpu.vector_store %arg8[%swap3A_274, %swap3A_275], %swap3A_278 {strides = array<i32>} : memref<16x128xf32, #tpu.memory_space<vmem>>, vector<1x16xf32>,
    %swap3A_279 = arith.constant 5 : i32
    %swap3A_280 = arith.index_cast %swap3A_279 : i32 to index
    %swap3A_281 = arith.constant 96 : index
    %swap3A_282 = tpu.vector_load %arg8[%swap3A_280, %swap3A_281] {strides = array<i32>} : memref<16x128xf32, #tpu.memory_space<vmem>>, vector<1x16xf32>,
    %swap3A_283 = vector.shape_cast %swap3A_282 : vector<1x16xf32> to vector<16xf32>
    %swap3A_284 = vector.shape_cast %broadcast_in_dim3A_3 : vector<16xf32> to vector<1x16xf32>
    tpu.vector_store %arg8[%swap3A_280, %swap3A_281], %swap3A_284 {strides = array<i32>} : memref<16x128xf32, #tpu.memory_space<vmem>>, vector<1x16xf32>,
    %swap3A_285 = arith.constant 5 : i32
    %swap3A_286 = arith.index_cast %swap3A_285 : i32 to index
    %swap3A_287 = arith.constant 112 : index
    %swap3A_288 = tpu.vector_load %arg8[%swap3A_286, %swap3A_287] {strides = array<i32>} : memref<16x128xf32, #tpu.memory_space<vmem>>, vector<1x16xf32>,
    %swap3A_289 = vector.shape_cast %swap3A_288 : vector<1x16xf32> to vector<16xf32>
    %swap3A_290 = vector.shape_cast %broadcast_in_dim3A_3 : vector<16xf32> to vector<1x16xf32>
    tpu.vector_store %arg8[%swap3A_286, %swap3A_287], %swap3A_290 {strides = array<i32>} : memref<16x128xf32, #tpu.memory_space<vmem>>, vector<1x16xf32>,
    %swap3A_291 = arith.constant 6 : i32
    %swap3A_292 = arith.index_cast %swap3A_291 : i32 to index
    %swap3A_293 = arith.constant 0 : index
    %swap3A_294 = tpu.vector_load %arg8[%swap3A_292, %swap3A_293] {strides = array<i32>} : memref<16x128xf32, #tpu.memory_space<vmem>>, vector<1x16xf32>,
    %swap3A_295 = vector.shape_cast %swap3A_294 : vector<1x16xf32> to vector<16xf32>
    %swap3A_296 = vector.shape_cast %broadcast_in_dim3A_3 : vector<16xf32> to vector<1x16xf32>
    tpu.vector_store %arg8[%swap3A_292, %swap3A_293], %swap3A_296 {strides = array<i32>} : memref<16x128xf32, #tpu.memory_space<vmem>>, vector<1x16xf32>,
    %swap3A_297 = arith.constant 6 : i32
    %swap3A_298 = arith.index_cast %swap3A_297 : i32 to index
    %swap3A_299 = arith.constant 16 : index
    %swap3A_300 = tpu.vector_load %arg8[%swap3A_298, %swap3A_299] {strides = array<i32>} : memref<16x128xf32, #tpu.memory_space<vmem>>, vector<1x16xf32>,
    %swap3A_301 = vector.shape_cast %swap3A_300 : vector<1x16xf32> to vector<16xf32>
    %swap3A_302 = vector.shape_cast %broadcast_in_dim3A_3 : vector<16xf32> to vector<1x16xf32>
    tpu.vector_store %arg8[%swap3A_298, %swap3A_299], %swap3A_302 {strides = array<i32>} : memref<16x128xf32, #tpu.memory_space<vmem>>, vector<1x16xf32>,
    %swap3A_303 = arith.constant 6 : i32
    %swap3A_304 = arith.index_cast %swap3A_303 : i32 to index
    %swap3A_305 = arith.constant 32 : index
    %swap3A_306 = tpu.vector_load %arg8[%swap3A_304, %swap3A_305] {strides = array<i32>} : memref<16x128xf32, #tpu.memory_space<vmem>>, vector<1x16xf32>,
    %swap3A_307 = vector.shape_cast %swap3A_306 : vector<1x16xf32> to vector<16xf32>
    %swap3A_308 = vector.shape_cast %broadcast_in_dim3A_3 : vector<16xf32> to vector<1x16xf32>
    tpu.vector_store %arg8[%swap3A_304, %swap3A_305], %swap3A_308 {strides = array<i32>} : memref<16x128xf32, #tpu.memory_space<vmem>>, vector<1x16xf32>,
    %swap3A_309 = arith.constant 6 : i32
    %swap3A_310 = arith.index_cast %swap3A_309 : i32 to index
    %swap3A_311 = arith.constant 48 : index
    %swap3A_312 = tpu.vector_load %arg8[%swap3A_310, %swap3A_311] {strides = array<i32>} : memref<16x128xf32, #tpu.memory_space<vmem>>, vector<1x16xf32>,
    %swap3A_313 = vector.shape_cast %swap3A_312 : vector<1x16xf32> to vector<16xf32>
    %swap3A_314 = vector.shape_cast %broadcast_in_dim3A_3 : vector<16xf32> to vector<1x16xf32>
    tpu.vector_store %arg8[%swap3A_310, %swap3A_311], %swap3A_314 {strides = array<i32>} : memref<16x128xf32, #tpu.memory_space<vmem>>, vector<1x16xf32>,
    %swap3A_315 = arith.constant 6 : i32
    %swap3A_316 = arith.index_cast %swap3A_315 : i32 to index
    %swap3A_317 = arith.constant 64 : index
    %swap3A_318 = tpu.vector_load %arg8[%swap3A_316, %swap3A_317] {strides = array<i32>} : memref<16x128xf32, #tpu.memory_space<vmem>>, vector<1x16xf32>,
    %swap3A_319 = vector.shape_cast %swap3A_318 : vector<1x16xf32> to vector<16xf32>
    %swap3A_320 = vector.shape_cast %broadcast_in_dim3A_3 : vector<16xf32> to vector<1x16xf32>
    tpu.vector_store %arg8[%swap3A_316, %swap3A_317], %swap3A_320 {strides = array<i32>} : memref<16x128xf32, #tpu.memory_space<vmem>>, vector<1x16xf32>,
    %swap3A_321 = arith.constant 6 : i32
    %swap3A_322 = arith.index_cast %swap3A_321 : i32 to index
    %swap3A_323 = arith.constant 80 : index
    %swap3A_324 = tpu.vector_load %arg8[%swap3A_322, %swap3A_323] {strides = array<i32>} : memref<16x128xf32, #tpu.memory_space<vmem>>, vector<1x16xf32>,
    %swap3A_325 = vector.shape_cast %swap3A_324 : vector<1x16xf32> to vector<16xf32>
    %swap3A_326 = vector.shape_cast %broadcast_in_dim3A_3 : vector<16xf32> to vector<1x16xf32>
    tpu.vector_store %arg8[%swap3A_322, %swap3A_323], %swap3A_326 {strides = array<i32>} : memref<16x128xf32, #tpu.memory_space<vmem>>, vector<1x16xf32>,
    %swap3A_327 = arith.constant 6 : i32
    %swap3A_328 = arith.index_cast %swap3A_327 : i32 to index
    %swap3A_329 = arith.constant 96 : index
    %swap3A_330 = tpu.vector_load %arg8[%swap3A_328, %swap3A_329] {strides = array<i32>} : memref<16x128xf32, #tpu.memory_space<vmem>>, vector<1x16xf32>,
    %swap3A_331 = vector.shape_cast %swap3A_330 : vector<1x16xf32> to vector<16xf32>
    %swap3A_332 = vector.shape_cast %broadcast_in_dim3A_3 : vector<16xf32> to vector<1x16xf32>
    tpu.vector_store %arg8[%swap3A_328, %swap3A_329], %swap3A_332 {strides = array<i32>} : memref<16x128xf32, #tpu.memory_space<vmem>>, vector<1x16xf32>,
    %swap3A_333 = arith.constant 6 : i32
    %swap3A_334 = arith.index_cast %swap3A_333 : i32 to index
    %swap3A_335 = arith.constant 112 : index
    %swap3A_336 = tpu.vector_load %arg8[%swap3A_334, %swap3A_335] {strides = array<i32>} : memref<16x128xf32, #tpu.memory_space<vmem>>, vector<1x16xf32>,
    %swap3A_337 = vector.shape_cast %swap3A_336 : vector<1x16xf32> to vector<16xf32>
    %swap3A_338 = vector.shape_cast %broadcast_in_dim3A_3 : vector<16xf32> to vector<1x16xf32>
    tpu.vector_store %arg8[%swap3A_334, %swap3A_335], %swap3A_338 {strides = array<i32>} : memref<16x128xf32, #tpu.memory_space<vmem>>, vector<1x16xf32>,
    %swap3A_339 = arith.constant 7 : i32
    %swap3A_340 = arith.index_cast %swap3A_339 : i32 to index
    %swap3A_341 = arith.constant 0 : index
    %swap3A_342 = tpu.vector_load %arg8[%swap3A_340, %swap3A_341] {strides = array<i32>} : memref<16x128xf32, #tpu.memory_space<vmem>>, vector<1x16xf32>,
    %swap3A_343 = vector.shape_cast %swap3A_342 : vector<1x16xf32> to vector<16xf32>
    %swap3A_344 = vector.shape_cast %broadcast_in_dim3A_3 : vector<16xf32> to vector<1x16xf32>
    tpu.vector_store %arg8[%swap3A_340, %swap3A_341], %swap3A_344 {strides = array<i32>} : memref<16x128xf32, #tpu.memory_space<vmem>>, vector<1x16xf32>,
    %swap3A_345 = arith.constant 7 : i32
    %swap3A_346 = arith.index_cast %swap3A_345 : i32 to index
    %swap3A_347 = arith.constant 16 : index
    %swap3A_348 = tpu.vector_load %arg8[%swap3A_346, %swap3A_347] {strides = array<i32>} : memref<16x128xf32, #tpu.memory_space<vmem>>, vector<1x16xf32>,
    %swap3A_349 = vector.shape_cast %swap3A_348 : vector<1x16xf32> to vector<16xf32>
    %swap3A_350 = vector.shape_cast %broadcast_in_dim3A_3 : vector<16xf32> to vector<1x16xf32>
    tpu.vector_store %arg8[%swap3A_346, %swap3A_347], %swap3A_350 {strides = array<i32>} : memref<16x128xf32, #tpu.memory_space<vmem>>, vector<1x16xf32>,
    %swap3A_351 = arith.constant 7 : i32
    %swap3A_352 = arith.index_cast %swap3A_351 : i32 to index
    %swap3A_353 = arith.constant 32 : index
    %swap3A_354 = tpu.vector_load %arg8[%swap3A_352, %swap3A_353] {strides = array<i32>} : memref<16x128xf32, #tpu.memory_space<vmem>>, vector<1x16xf32>,
    %swap3A_355 = vector.shape_cast %swap3A_354 : vector<1x16xf32> to vector<16xf32>
    %swap3A_356 = vector.shape_cast %broadcast_in_dim3A_3 : vector<16xf32> to vector<1x16xf32>
    tpu.vector_store %arg8[%swap3A_352, %swap3A_353], %swap3A_356 {strides = array<i32>} : memref<16x128xf32, #tpu.memory_space<vmem>>, vector<1x16xf32>,
    %swap3A_357 = arith.constant 7 : i32
    %swap3A_358 = arith.index_cast %swap3A_357 : i32 to index
    %swap3A_359 = arith.constant 48 : index
    %swap3A_360 = tpu.vector_load %arg8[%swap3A_358, %swap3A_359] {strides = array<i32>} : memref<16x128xf32, #tpu.memory_space<vmem>>, vector<1x16xf32>,
    %swap3A_361 = vector.shape_cast %swap3A_360 : vector<1x16xf32> to vector<16xf32>
    %swap3A_362 = vector.shape_cast %broadcast_in_dim3A_3 : vector<16xf32> to vector<1x16xf32>
    tpu.vector_store %arg8[%swap3A_358, %swap3A_359], %swap3A_362 {strides = array<i32>} : memref<16x128xf32, #tpu.memory_space<vmem>>, vector<1x16xf32>,
    %swap3A_363 = arith.constant 7 : i32
    %swap3A_364 = arith.index_cast %swap3A_363 : i32 to index
    %swap3A_365 = arith.constant 64 : index
    %swap3A_366 = tpu.vector_load %arg8[%swap3A_364, %swap3A_365] {strides = array<i32>} : memref<16x128xf32, #tpu.memory_space<vmem>>, vector<1x16xf32>,
    %swap3A_367 = vector.shape_cast %swap3A_366 : vector<1x16xf32> to vector<16xf32>
    %swap3A_368 = vector.shape_cast %broadcast_in_dim3A_3 : vector<16xf32> to vector<1x16xf32>
    tpu.vector_store %arg8[%swap3A_364, %swap3A_365], %swap3A_368 {strides = array<i32>} : memref<16x128xf32, #tpu.memory_space<vmem>>, vector<1x16xf32>,
    %swap3A_369 = arith.constant 7 : i32
    %swap3A_370 = arith.index_cast %swap3A_369 : i32 to index
    %swap3A_371 = arith.constant 80 : index
    %swap3A_372 = tpu.vector_load %arg8[%swap3A_370, %swap3A_371] {strides = array<i32>} : memref<16x128xf32, #tpu.memory_space<vmem>>, vector<1x16xf32>,
    %swap3A_373 = vector.shape_cast %swap3A_372 : vector<1x16xf32> to vector<16xf32>
    %swap3A_374 = vector.shape_cast %broadcast_in_dim3A_3 : vector<16xf32> to vector<1x16xf32>
    tpu.vector_store %arg8[%swap3A_370, %swap3A_371], %swap3A_374 {strides = array<i32>} : memref<16x128xf32, #tpu.memory_space<vmem>>, vector<1x16xf32>,
    %swap3A_375 = arith.constant 7 : i32
    %swap3A_376 = arith.index_cast %swap3A_375 : i32 to index
    %swap3A_377 = arith.constant 96 : index
    %swap3A_378 = tpu.vector_load %arg8[%swap3A_376, %swap3A_377] {strides = array<i32>} : memref<16x128xf32, #tpu.memory_space<vmem>>, vector<1x16xf32>,
    %swap3A_379 = vector.shape_cast %swap3A_378 : vector<1x16xf32> to vector<16xf32>
    %swap3A_380 = vector.shape_cast %broadcast_in_dim3A_3 : vector<16xf32> to vector<1x16xf32>
    tpu.vector_store %arg8[%swap3A_376, %swap3A_377], %swap3A_380 {strides = array<i32>} : memref<16x128xf32, #tpu.memory_space<vmem>>, vector<1x16xf32>,
    %swap3A_381 = arith.constant 7 : i32
    %swap3A_382 = arith.index_cast %swap3A_381 : i32 to index
    %swap3A_383 = arith.constant 112 : index
    %swap3A_384 = tpu.vector_load %arg8[%swap3A_382, %swap3A_383] {strides = array<i32>} : memref<16x128xf32, #tpu.memory_space<vmem>>, vector<1x16xf32>,
    %swap3A_385 = vector.shape_cast %swap3A_384 : vector<1x16xf32> to vector<16xf32>
    %swap3A_386 = vector.shape_cast %broadcast_in_dim3A_3 : vector<16xf32> to vector<1x16xf32>
    tpu.vector_store %arg8[%swap3A_382, %swap3A_383], %swap3A_386 {strides = array<i32>} : memref<16x128xf32, #tpu.memory_space<vmem>>, vector<1x16xf32>,
    %swap3A_387 = arith.constant 8 : i32
    %swap3A_388 = arith.index_cast %swap3A_387 : i32 to index
    %swap3A_389 = arith.constant 0 : index
    %swap3A_390 = tpu.vector_load %arg8[%swap3A_388, %swap3A_389] {strides = array<i32>} : memref<16x128xf32, #tpu.memory_space<vmem>>, vector<1x16xf32>,
    %swap3A_391 = vector.shape_cast %swap3A_390 : vector<1x16xf32> to vector<16xf32>
    %swap3A_392 = vector.shape_cast %broadcast_in_dim3A_3 : vector<16xf32> to vector<1x16xf32>
    tpu.vector_store %arg8[%swap3A_388, %swap3A_389], %swap3A_392 {strides = array<i32>} : memref<16x128xf32, #tpu.memory_space<vmem>>, vector<1x16xf32>,
    %swap3A_393 = arith.constant 8 : i32
    %swap3A_394 = arith.index_cast %swap3A_393 : i32 to index
    %swap3A_395 = arith.constant 16 : index
    %swap3A_396 = tpu.vector_load %arg8[%swap3A_394, %swap3A_395] {strides = array<i32>} : memref<16x128xf32, #tpu.memory_space<vmem>>, vector<1x16xf32>,
    %swap3A_397 = vector.shape_cast %swap3A_396 : vector<1x16xf32> to vector<16xf32>
    %swap3A_398 = vector.shape_cast %broadcast_in_dim3A_3 : vector<16xf32> to vector<1x16xf32>
    tpu.vector_store %arg8[%swap3A_394, %swap3A_395], %swap3A_398 {strides = array<i32>} : memref<16x128xf32, #tpu.memory_space<vmem>>, vector<1x16xf32>,
    %swap3A_399 = arith.constant 8 : i32
    %swap3A_400 = arith.index_cast %swap3A_399 : i32 to index
    %swap3A_401 = arith.constant 32 : index
    %swap3A_402 = tpu.vector_load %arg8[%swap3A_400, %swap3A_401] {strides = array<i32>} : memref<16x128xf32, #tpu.memory_space<vmem>>, vector<1x16xf32>,
    %swap3A_403 = vector.shape_cast %swap3A_402 : vector<1x16xf32> to vector<16xf32>
    %swap3A_404 = vector.shape_cast %broadcast_in_dim3A_3 : vector<16xf32> to vector<1x16xf32>
    tpu.vector_store %arg8[%swap3A_400, %swap3A_401], %swap3A_404 {strides = array<i32>} : memref<16x128xf32, #tpu.memory_space<vmem>>, vector<1x16xf32>,
    %swap3A_405 = arith.constant 8 : i32
    %swap3A_406 = arith.index_cast %swap3A_405 : i32 to index
    %swap3A_407 = arith.constant 48 : index
    %swap3A_408 = tpu.vector_load %arg8[%swap3A_406, %swap3A_407] {strides = array<i32>} : memref<16x128xf32, #tpu.memory_space<vmem>>, vector<1x16xf32>,
    %swap3A_409 = vector.shape_cast %swap3A_408 : vector<1x16xf32> to vector<16xf32>
    %swap3A_410 = vector.shape_cast %broadcast_in_dim3A_3 : vector<16xf32> to vector<1x16xf32>
    tpu.vector_store %arg8[%swap3A_406, %swap3A_407], %swap3A_410 {strides = array<i32>} : memref<16x128xf32, #tpu.memory_space<vmem>>, vector<1x16xf32>,
    %swap3A_411 = arith.constant 8 : i32
    %swap3A_412 = arith.index_cast %swap3A_411 : i32 to index
    %swap3A_413 = arith.constant 64 : index
    %swap3A_414 = tpu.vector_load %arg8[%swap3A_412, %swap3A_413] {strides = array<i32>} : memref<16x128xf32, #tpu.memory_space<vmem>>, vector<1x16xf32>,
    %swap3A_415 = vector.shape_cast %swap3A_414 : vector<1x16xf32> to vector<16xf32>
    %swap3A_416 = vector.shape_cast %broadcast_in_dim3A_3 : vector<16xf32> to vector<1x16xf32>
    tpu.vector_store %arg8[%swap3A_412, %swap3A_413], %swap3A_416 {strides = array<i32>} : memref<16x128xf32, #tpu.memory_space<vmem>>, vector<1x16xf32>,
    %swap3A_417 = arith.constant 8 : i32
    %swap3A_418 = arith.index_cast %swap3A_417 : i32 to index
    %swap3A_419 = arith.constant 80 : index
    %swap3A_420 = tpu.vector_load %arg8[%swap3A_418, %swap3A_419] {strides = array<i32>} : memref<16x128xf32, #tpu.memory_space<vmem>>, vector<1x16xf32>,
    %swap3A_421 = vector.shape_cast %swap3A_420 : vector<1x16xf32> to vector<16xf32>
    %swap3A_422 = vector.shape_cast %broadcast_in_dim3A_3 : vector<16xf32> to vector<1x16xf32>
    tpu.vector_store %arg8[%swap3A_418, %swap3A_419], %swap3A_422 {strides = array<i32>} : memref<16x128xf32, #tpu.memory_space<vmem>>, vector<1x16xf32>,
    %swap3A_423 = arith.constant 8 : i32
    %swap3A_424 = arith.index_cast %swap3A_423 : i32 to index
    %swap3A_425 = arith.constant 96 : index
    %swap3A_426 = tpu.vector_load %arg8[%swap3A_424, %swap3A_425] {strides = array<i32>} : memref<16x128xf32, #tpu.memory_space<vmem>>, vector<1x16xf32>,
    %swap3A_427 = vector.shape_cast %swap3A_426 : vector<1x16xf32> to vector<16xf32>
    %swap3A_428 = vector.shape_cast %broadcast_in_dim3A_3 : vector<16xf32> to vector<1x16xf32>
    tpu.vector_store %arg8[%swap3A_424, %swap3A_425], %swap3A_428 {strides = array<i32>} : memref<16x128xf32, #tpu.memory_space<vmem>>, vector<1x16xf32>,
    %swap3A_429 = arith.constant 8 : i32
    %swap3A_430 = arith.index_cast %swap3A_429 : i32 to index
    %swap3A_431 = arith.constant 112 : index
    %swap3A_432 = tpu.vector_load %arg8[%swap3A_430, %swap3A_431] {strides = array<i32>} : memref<16x128xf32, #tpu.memory_space<vmem>>, vector<1x16xf32>,
    %swap3A_433 = vector.shape_cast %swap3A_432 : vector<1x16xf32> to vector<16xf32>
    %swap3A_434 = vector.shape_cast %broadcast_in_dim3A_3 : vector<16xf32> to vector<1x16xf32>
    tpu.vector_store %arg8[%swap3A_430, %swap3A_431], %swap3A_434 {strides = array<i32>} : memref<16x128xf32, #tpu.memory_space<vmem>>, vector<1x16xf32>,
    %swap3A_435 = arith.constant 9 : i32
    %swap3A_436 = arith.index_cast %swap3A_435 : i32 to index
    %swap3A_437 = arith.constant 0 : index
    %swap3A_438 = tpu.vector_load %arg8[%swap3A_436, %swap3A_437] {strides = array<i32>} : memref<16x128xf32, #tpu.memory_space<vmem>>, vector<1x16xf32>,
    %swap3A_439 = vector.shape_cast %swap3A_438 : vector<1x16xf32> to vector<16xf32>
    %swap3A_440 = vector.shape_cast %broadcast_in_dim3A_3 : vector<16xf32> to vector<1x16xf32>
    tpu.vector_store %arg8[%swap3A_436, %swap3A_437], %swap3A_440 {strides = array<i32>} : memref<16x128xf32, #tpu.memory_space<vmem>>, vector<1x16xf32>,
    %swap3A_441 = arith.constant 9 : i32
    %swap3A_442 = arith.index_cast %swap3A_441 : i32 to index
    %swap3A_443 = arith.constant 16 : index
    %swap3A_444 = tpu.vector_load %arg8[%swap3A_442, %swap3A_443] {strides = array<i32>} : memref<16x128xf32, #tpu.memory_space<vmem>>, vector<1x16xf32>,
    %swap3A_445 = vector.shape_cast %swap3A_444 : vector<1x16xf32> to vector<16xf32>
    %swap3A_446 = vector.shape_cast %broadcast_in_dim3A_3 : vector<16xf32> to vector<1x16xf32>
    tpu.vector_store %arg8[%swap3A_442, %swap3A_443], %swap3A_446 {strides = array<i32>} : memref<16x128xf32, #tpu.memory_space<vmem>>, vector<1x16xf32>,
    %swap3A_447 = arith.constant 9 : i32
    %swap3A_448 = arith.index_cast %swap3A_447 : i32 to index
    %swap3A_449 = arith.constant 32 : index
    %swap3A_450 = tpu.vector_load %arg8[%swap3A_448, %swap3A_449] {strides = array<i32>} : memref<16x128xf32, #tpu.memory_space<vmem>>, vector<1x16xf32>,
    %swap3A_451 = vector.shape_cast %swap3A_450 : vector<1x16xf32> to vector<16xf32>
    %swap3A_452 = vector.shape_cast %broadcast_in_dim3A_3 : vector<16xf32> to vector<1x16xf32>
    tpu.vector_store %arg8[%swap3A_448, %swap3A_449], %swap3A_452 {strides = array<i32>} : memref<16x128xf32, #tpu.memory_space<vmem>>, vector<1x16xf32>,
    %swap3A_453 = arith.constant 9 : i32
    %swap3A_454 = arith.index_cast %swap3A_453 : i32 to index
    %swap3A_455 = arith.constant 48 : index
    %swap3A_456 = tpu.vector_load %arg8[%swap3A_454, %swap3A_455] {strides = array<i32>} : memref<16x128xf32, #tpu.memory_space<vmem>>, vector<1x16xf32>,
    %swap3A_457 = vector.shape_cast %swap3A_456 : vector<1x16xf32> to vector<16xf32>
    %swap3A_458 = vector.shape_cast %broadcast_in_dim3A_3 : vector<16xf32> to vector<1x16xf32>
    tpu.vector_store %arg8[%swap3A_454, %swap3A_455], %swap3A_458 {strides = array<i32>} : memref<16x128xf32, #tpu.memory_space<vmem>>, vector<1x16xf32>,
    %swap3A_459 = arith.constant 9 : i32
    %swap3A_460 = arith.index_cast %swap3A_459 : i32 to index
    %swap3A_461 = arith.constant 64 : index
    %swap3A_462 = tpu.vector_load %arg8[%swap3A_460, %swap3A_461] {strides = array<i32>} : memref<16x128xf32, #tpu.memory_space<vmem>>, vector<1x16xf32>,
    %swap3A_463 = vector.shape_cast %swap3A_462 : vector<1x16xf32> to vector<16xf32>
    %swap3A_464 = vector.shape_cast %broadcast_in_dim3A_3 : vector<16xf32> to vector<1x16xf32>
    tpu.vector_store %arg8[%swap3A_460, %swap3A_461], %swap3A_464 {strides = array<i32>} : memref<16x128xf32, #tpu.memory_space<vmem>>, vector<1x16xf32>,
    %swap3A_465 = arith.constant 9 : i32
    %swap3A_466 = arith.index_cast %swap3A_465 : i32 to index
    %swap3A_467 = arith.constant 80 : index
    %swap3A_468 = tpu.vector_load %arg8[%swap3A_466, %swap3A_467] {strides = array<i32>} : memref<16x128xf32, #tpu.memory_space<vmem>>, vector<1x16xf32>,
    %swap3A_469 = vector.shape_cast %swap3A_468 : vector<1x16xf32> to vector<16xf32>
    %swap3A_470 = vector.shape_cast %broadcast_in_dim3A_3 : vector<16xf32> to vector<1x16xf32>
    tpu.vector_store %arg8[%swap3A_466, %swap3A_467], %swap3A_470 {strides = array<i32>} : memref<16x128xf32, #tpu.memory_space<vmem>>, vector<1x16xf32>,
    %swap3A_471 = arith.constant 9 : i32
    %swap3A_472 = arith.index_cast %swap3A_471 : i32 to index
    %swap3A_473 = arith.constant 96 : index
    %swap3A_474 = tpu.vector_load %arg8[%swap3A_472, %swap3A_473] {strides = array<i32>} : memref<16x128xf32, #tpu.memory_space<vmem>>, vector<1x16xf32>,
    %swap3A_475 = vector.shape_cast %swap3A_474 : vector<1x16xf32> to vector<16xf32>
    %swap3A_476 = vector.shape_cast %broadcast_in_dim3A_3 : vector<16xf32> to vector<1x16xf32>
    tpu.vector_store %arg8[%swap3A_472, %swap3A_473], %swap3A_476 {strides = array<i32>} : memref<16x128xf32, #tpu.memory_space<vmem>>, vector<1x16xf32>,
    %swap3A_477 = arith.constant 9 : i32
    %swap3A_478 = arith.index_cast %swap3A_477 : i32 to index
    %swap3A_479 = arith.constant 112 : index
    %swap3A_480 = tpu.vector_load %arg8[%swap3A_478, %swap3A_479] {strides = array<i32>} : memref<16x128xf32, #tpu.memory_space<vmem>>, vector<1x16xf32>,
    %swap3A_481 = vector.shape_cast %swap3A_480 : vector<1x16xf32> to vector<16xf32>
    %swap3A_482 = vector.shape_cast %broadcast_in_dim3A_3 : vector<16xf32> to vector<1x16xf32>
    tpu.vector_store %arg8[%swap3A_478, %swap3A_479], %swap3A_482 {strides = array<i32>} : memref<16x128xf32, #tpu.memory_space<vmem>>, vector<1x16xf32>,
    %swap3A_483 = arith.constant 10 : i32
    %swap3A_484 = arith.index_cast %swap3A_483 : i32 to index
    %swap3A_485 = arith.constant 0 : index
    %swap3A_486 = tpu.vector_load %arg8[%swap3A_484, %swap3A_485] {strides = array<i32>} : memref<16x128xf32, #tpu.memory_space<vmem>>, vector<1x16xf32>,
    %swap3A_487 = vector.shape_cast %swap3A_486 : vector<1x16xf32> to vector<16xf32>
    %swap3A_488 = vector.shape_cast %broadcast_in_dim3A_3 : vector<16xf32> to vector<1x16xf32>
    tpu.vector_store %arg8[%swap3A_484, %swap3A_485], %swap3A_488 {strides = array<i32>} : memref<16x128xf32, #tpu.memory_space<vmem>>, vector<1x16xf32>,
    %swap3A_489 = arith.constant 10 : i32
    %swap3A_490 = arith.index_cast %swap3A_489 : i32 to index
    %swap3A_491 = arith.constant 16 : index
    %swap3A_492 = tpu.vector_load %arg8[%swap3A_490, %swap3A_491] {strides = array<i32>} : memref<16x128xf32, #tpu.memory_space<vmem>>, vector<1x16xf32>,
    %swap3A_493 = vector.shape_cast %swap3A_492 : vector<1x16xf32> to vector<16xf32>
    %swap3A_494 = vector.shape_cast %broadcast_in_dim3A_3 : vector<16xf32> to vector<1x16xf32>
    tpu.vector_store %arg8[%swap3A_490, %swap3A_491], %swap3A_494 {strides = array<i32>} : memref<16x128xf32, #tpu.memory_space<vmem>>, vector<1x16xf32>,
    %swap3A_495 = arith.constant 10 : i32
    %swap3A_496 = arith.index_cast %swap3A_495 : i32 to index
    %swap3A_497 = arith.constant 32 : index
    %swap3A_498 = tpu.vector_load %arg8[%swap3A_496, %swap3A_497] {strides = array<i32>} : memref<16x128xf32, #tpu.memory_space<vmem>>, vector<1x16xf32>,
    %swap3A_499 = vector.shape_cast %swap3A_498 : vector<1x16xf32> to vector<16xf32>
    %swap3A_500 = vector.shape_cast %broadcast_in_dim3A_3 : vector<16xf32> to vector<1x16xf32>
    tpu.vector_store %arg8[%swap3A_496, %swap3A_497], %swap3A_500 {strides = array<i32>} : memref<16x128xf32, #tpu.memory_space<vmem>>, vector<1x16xf32>,
    %swap3A_501 = arith.constant 10 : i32
    %swap3A_502 = arith.index_cast %swap3A_501 : i32 to index
    %swap3A_503 = arith.constant 48 : index
    %swap3A_504 = tpu.vector_load %arg8[%swap3A_502, %swap3A_503] {strides = array<i32>} : memref<16x128xf32, #tpu.memory_space<vmem>>, vector<1x16xf32>,
    %swap3A_505 = vector.shape_cast %swap3A_504 : vector<1x16xf32> to vector<16xf32>
    %swap3A_506 = vector.shape_cast %broadcast_in_dim3A_3 : vector<16xf32> to vector<1x16xf32>
    tpu.vector_store %arg8[%swap3A_502, %swap3A_503], %swap3A_506 {strides = array<i32>} : memref<16x128xf32, #tpu.memory_space<vmem>>, vector<1x16xf32>,
    %swap3A_507 = arith.constant 10 : i32
    %swap3A_508 = arith.index_cast %swap3A_507 : i32 to index
    %swap3A_509 = arith.constant 64 : index
    %swap3A_510 = tpu.vector_load %arg8[%swap3A_508, %swap3A_509] {strides = array<i32>} : memref<16x128xf32, #tpu.memory_space<vmem>>, vector<1x16xf32>,
    %swap3A_511 = vector.shape_cast %swap3A_510 : vector<1x16xf32> to vector<16xf32>
    %swap3A_512 = vector.shape_cast %broadcast_in_dim3A_3 : vector<16xf32> to vector<1x16xf32>
    tpu.vector_store %arg8[%swap3A_508, %swap3A_509], %swap3A_512 {strides = array<i32>} : memref<16x128xf32, #tpu.memory_space<vmem>>, vector<1x16xf32>,
    %swap3A_513 = arith.constant 10 : i32
    %swap3A_514 = arith.index_cast %swap3A_513 : i32 to index
    %swap3A_515 = arith.constant 80 : index
    %swap3A_516 = tpu.vector_load %arg8[%swap3A_514, %swap3A_515] {strides = array<i32>} : memref<16x128xf32, #tpu.memory_space<vmem>>, vector<1x16xf32>,
    %swap3A_517 = vector.shape_cast %swap3A_516 : vector<1x16xf32> to vector<16xf32>
    %swap3A_518 = vector.shape_cast %broadcast_in_dim3A_3 : vector<16xf32> to vector<1x16xf32>
    tpu.vector_store %arg8[%swap3A_514, %swap3A_515], %swap3A_518 {strides = array<i32>} : memref<16x128xf32, #tpu.memory_space<vmem>>, vector<1x16xf32>,
    %swap3A_519 = arith.constant 10 : i32
    %swap3A_520 = arith.index_cast %swap3A_519 : i32 to index
    %swap3A_521 = arith.constant 96 : index
    %swap3A_522 = tpu.vector_load %arg8[%swap3A_520, %swap3A_521] {strides = array<i32>} : memref<16x128xf32, #tpu.memory_space<vmem>>, vector<1x16xf32>,
    %swap3A_523 = vector.shape_cast %swap3A_522 : vector<1x16xf32> to vector<16xf32>
    %swap3A_524 = vector.shape_cast %broadcast_in_dim3A_3 : vector<16xf32> to vector<1x16xf32>
    tpu.vector_store %arg8[%swap3A_520, %swap3A_521], %swap3A_524 {strides = array<i32>} : memref<16x128xf32, #tpu.memory_space<vmem>>, vector<1x16xf32>,
    %swap3A_525 = arith.constant 10 : i32
    %swap3A_526 = arith.index_cast %swap3A_525 : i32 to index
    %swap3A_527 = arith.constant 112 : index
    %swap3A_528 = tpu.vector_load %arg8[%swap3A_526, %swap3A_527] {strides = array<i32>} : memref<16x128xf32, #tpu.memory_space<vmem>>, vector<1x16xf32>,
    %swap3A_529 = vector.shape_cast %swap3A_528 : vector<1x16xf32> to vector<16xf32>
    %swap3A_530 = vector.shape_cast %broadcast_in_dim3A_3 : vector<16xf32> to vector<1x16xf32>
    tpu.vector_store %arg8[%swap3A_526, %swap3A_527], %swap3A_530 {strides = array<i32>} : memref<16x128xf32, #tpu.memory_space<vmem>>, vector<1x16xf32>,
    %swap3A_531 = arith.constant 11 : i32
    %swap3A_532 = arith.index_cast %swap3A_531 : i32 to index
    %swap3A_533 = arith.constant 0 : index
    %swap3A_534 = tpu.vector_load %arg8[%swap3A_532, %swap3A_533] {strides = array<i32>} : memref<16x128xf32, #tpu.memory_space<vmem>>, vector<1x16xf32>,
    %swap3A_535 = vector.shape_cast %swap3A_534 : vector<1x16xf32> to vector<16xf32>
    %swap3A_536 = vector.shape_cast %broadcast_in_dim3A_3 : vector<16xf32> to vector<1x16xf32>
    tpu.vector_store %arg8[%swap3A_532, %swap3A_533], %swap3A_536 {strides = array<i32>} : memref<16x128xf32, #tpu.memory_space<vmem>>, vector<1x16xf32>,
    %swap3A_537 = arith.constant 11 : i32
    %swap3A_538 = arith.index_cast %swap3A_537 : i32 to index
    %swap3A_539 = arith.constant 16 : index
    %swap3A_540 = tpu.vector_load %arg8[%swap3A_538, %swap3A_539] {strides = array<i32>} : memref<16x128xf32, #tpu.memory_space<vmem>>, vector<1x16xf32>,
    %swap3A_541 = vector.shape_cast %swap3A_540 : vector<1x16xf32> to vector<16xf32>
    %swap3A_542 = vector.shape_cast %broadcast_in_dim3A_3 : vector<16xf32> to vector<1x16xf32>
    tpu.vector_store %arg8[%swap3A_538, %swap3A_539], %swap3A_542 {strides = array<i32>} : memref<16x128xf32, #tpu.memory_space<vmem>>, vector<1x16xf32>,
    %swap3A_543 = arith.constant 11 : i32
    %swap3A_544 = arith.index_cast %swap3A_543 : i32 to index
    %swap3A_545 = arith.constant 32 : index
    %swap3A_546 = tpu.vector_load %arg8[%swap3A_544, %swap3A_545] {strides = array<i32>} : memref<16x128xf32, #tpu.memory_space<vmem>>, vector<1x16xf32>,
    %swap3A_547 = vector.shape_cast %swap3A_546 : vector<1x16xf32> to vector<16xf32>
    %swap3A_548 = vector.shape_cast %broadcast_in_dim3A_3 : vector<16xf32> to vector<1x16xf32>
    tpu.vector_store %arg8[%swap3A_544, %swap3A_545], %swap3A_548 {strides = array<i32>} : memref<16x128xf32, #tpu.memory_space<vmem>>, vector<1x16xf32>,
    %swap3A_549 = arith.constant 11 : i32
    %swap3A_550 = arith.index_cast %swap3A_549 : i32 to index
    %swap3A_551 = arith.constant 48 : index
    %swap3A_552 = tpu.vector_load %arg8[%swap3A_550, %swap3A_551] {strides = array<i32>} : memref<16x128xf32, #tpu.memory_space<vmem>>, vector<1x16xf32>,
    %swap3A_553 = vector.shape_cast %swap3A_552 : vector<1x16xf32> to vector<16xf32>
    %swap3A_554 = vector.shape_cast %broadcast_in_dim3A_3 : vector<16xf32> to vector<1x16xf32>
    tpu.vector_store %arg8[%swap3A_550, %swap3A_551], %swap3A_554 {strides = array<i32>} : memref<16x128xf32, #tpu.memory_space<vmem>>, vector<1x16xf32>,
    %swap3A_555 = arith.constant 11 : i32
    %swap3A_556 = arith.index_cast %swap3A_555 : i32 to index
    %swap3A_557 = arith.constant 64 : index
    %swap3A_558 = tpu.vector_load %arg8[%swap3A_556, %swap3A_557] {strides = array<i32>} : memref<16x128xf32, #tpu.memory_space<vmem>>, vector<1x16xf32>,
    %swap3A_559 = vector.shape_cast %swap3A_558 : vector<1x16xf32> to vector<16xf32>
    %swap3A_560 = vector.shape_cast %broadcast_in_dim3A_3 : vector<16xf32> to vector<1x16xf32>
    tpu.vector_store %arg8[%swap3A_556, %swap3A_557], %swap3A_560 {strides = array<i32>} : memref<16x128xf32, #tpu.memory_space<vmem>>, vector<1x16xf32>,
    %swap3A_561 = arith.constant 11 : i32
    %swap3A_562 = arith.index_cast %swap3A_561 : i32 to index
    %swap3A_563 = arith.constant 80 : index
    %swap3A_564 = tpu.vector_load %arg8[%swap3A_562, %swap3A_563] {strides = array<i32>} : memref<16x128xf32, #tpu.memory_space<vmem>>, vector<1x16xf32>,
    %swap3A_565 = vector.shape_cast %swap3A_564 : vector<1x16xf32> to vector<16xf32>
    %swap3A_566 = vector.shape_cast %broadcast_in_dim3A_3 : vector<16xf32> to vector<1x16xf32>
    tpu.vector_store %arg8[%swap3A_562, %swap3A_563], %swap3A_566 {strides = array<i32>} : memref<16x128xf32, #tpu.memory_space<vmem>>, vector<1x16xf32>,
    %swap3A_567 = arith.constant 11 : i32
    %swap3A_568 = arith.index_cast %swap3A_567 : i32 to index
    %swap3A_569 = arith.constant 96 : index
    %swap3A_570 = tpu.vector_load %arg8[%swap3A_568, %swap3A_569] {strides = array<i32>} : memref<16x128xf32, #tpu.memory_space<vmem>>, vector<1x16xf32>,
    %swap3A_571 = vector.shape_cast %swap3A_570 : vector<1x16xf32> to vector<16xf32>
    %swap3A_572 = vector.shape_cast %broadcast_in_dim3A_3 : vector<16xf32> to vector<1x16xf32>
    tpu.vector_store %arg8[%swap3A_568, %swap3A_569], %swap3A_572 {strides = array<i32>} : memref<16x128xf32, #tpu.memory_space<vmem>>, vector<1x16xf32>,
    %swap3A_573 = arith.constant 11 : i32
    %swap3A_574 = arith.index_cast %swap3A_573 : i32 to index
    %swap3A_575 = arith.constant 112 : index
    %swap3A_576 = tpu.vector_load %arg8[%swap3A_574, %swap3A_575] {strides = array<i32>} : memref<16x128xf32, #tpu.memory_space<vmem>>, vector<1x16xf32>,
    %swap3A_577 = vector.shape_cast %swap3A_576 : vector<1x16xf32> to vector<16xf32>
    %swap3A_578 = vector.shape_cast %broadcast_in_dim3A_3 : vector<16xf32> to vector<1x16xf32>
    tpu.vector_store %arg8[%swap3A_574, %swap3A_575], %swap3A_578 {strides = array<i32>} : memref<16x128xf32, #tpu.memory_space<vmem>>, vector<1x16xf32>,
    %swap3A_579 = arith.constant 12 : i32
    %swap3A_580 = arith.index_cast %swap3A_579 : i32 to index
    %swap3A_581 = arith.constant 0 : index
    %swap3A_582 = tpu.vector_load %arg8[%swap3A_580, %swap3A_581] {strides = array<i32>} : memref<16x128xf32, #tpu.memory_space<vmem>>, vector<1x16xf32>,
    %swap3A_583 = vector.shape_cast %swap3A_582 : vector<1x16xf32> to vector<16xf32>
    %swap3A_584 = vector.shape_cast %broadcast_in_dim3A_3 : vector<16xf32> to vector<1x16xf32>
    tpu.vector_store %arg8[%swap3A_580, %swap3A_581], %swap3A_584 {strides = array<i32>} : memref<16x128xf32, #tpu.memory_space<vmem>>, vector<1x16xf32>,
    %swap3A_585 = arith.constant 12 : i32
    %swap3A_586 = arith.index_cast %swap3A_585 : i32 to index
    %swap3A_587 = arith.constant 16 : index
    %swap3A_588 = tpu.vector_load %arg8[%swap3A_586, %swap3A_587] {strides = array<i32>} : memref<16x128xf32, #tpu.memory_space<vmem>>, vector<1x16xf32>,
    %swap3A_589 = vector.shape_cast %swap3A_588 : vector<1x16xf32> to vector<16xf32>
    %swap3A_590 = vector.shape_cast %broadcast_in_dim3A_3 : vector<16xf32> to vector<1x16xf32>
    tpu.vector_store %arg8[%swap3A_586, %swap3A_587], %swap3A_590 {strides = array<i32>} : memref<16x128xf32, #tpu.memory_space<vmem>>, vector<1x16xf32>,
    %swap3A_591 = arith.constant 12 : i32
    %swap3A_592 = arith.index_cast %swap3A_591 : i32 to index
    %swap3A_593 = arith.constant 32 : index
    %swap3A_594 = tpu.vector_load %arg8[%swap3A_592, %swap3A_593] {strides = array<i32>} : memref<16x128xf32, #tpu.memory_space<vmem>>, vector<1x16xf32>,
    %swap3A_595 = vector.shape_cast %swap3A_594 : vector<1x16xf32> to vector<16xf32>
    %swap3A_596 = vector.shape_cast %broadcast_in_dim3A_3 : vector<16xf32> to vector<1x16xf32>
    tpu.vector_store %arg8[%swap3A_592, %swap3A_593], %swap3A_596 {strides = array<i32>} : memref<16x128xf32, #tpu.memory_space<vmem>>, vector<1x16xf32>,
    %swap3A_597 = arith.constant 12 : i32
    %swap3A_598 = arith.index_cast %swap3A_597 : i32 to index
    %swap3A_599 = arith.constant 48 : index
    %swap3A_600 = tpu.vector_load %arg8[%swap3A_598, %swap3A_599] {strides = array<i32>} : memref<16x128xf32, #tpu.memory_space<vmem>>, vector<1x16xf32>,
    %swap3A_601 = vector.shape_cast %swap3A_600 : vector<1x16xf32> to vector<16xf32>
    %swap3A_602 = vector.shape_cast %broadcast_in_dim3A_3 : vector<16xf32> to vector<1x16xf32>
    tpu.vector_store %arg8[%swap3A_598, %swap3A_599], %swap3A_602 {strides = array<i32>} : memref<16x128xf32, #tpu.memory_space<vmem>>, vector<1x16xf32>,
    %swap3A_603 = arith.constant 12 : i32
    %swap3A_604 = arith.index_cast %swap3A_603 : i32 to index
    %swap3A_605 = arith.constant 64 : index
    %swap3A_606 = tpu.vector_load %arg8[%swap3A_604, %swap3A_605] {strides = array<i32>} : memref<16x128xf32, #tpu.memory_space<vmem>>, vector<1x16xf32>,
    %swap3A_607 = vector.shape_cast %swap3A_606 : vector<1x16xf32> to vector<16xf32>
    %swap3A_608 = vector.shape_cast %broadcast_in_dim3A_3 : vector<16xf32> to vector<1x16xf32>
    tpu.vector_store %arg8[%swap3A_604, %swap3A_605], %swap3A_608 {strides = array<i32>} : memref<16x128xf32, #tpu.memory_space<vmem>>, vector<1x16xf32>,
    %swap3A_609 = arith.constant 12 : i32
    %swap3A_610 = arith.index_cast %swap3A_609 : i32 to index
    %swap3A_611 = arith.constant 80 : index
    %swap3A_612 = tpu.vector_load %arg8[%swap3A_610, %swap3A_611] {strides = array<i32>} : memref<16x128xf32, #tpu.memory_space<vmem>>, vector<1x16xf32>,
    %swap3A_613 = vector.shape_cast %swap3A_612 : vector<1x16xf32> to vector<16xf32>
    %swap3A_614 = vector.shape_cast %broadcast_in_dim3A_3 : vector<16xf32> to vector<1x16xf32>
    tpu.vector_store %arg8[%swap3A_610, %swap3A_611], %swap3A_614 {strides = array<i32>} : memref<16x128xf32, #tpu.memory_space<vmem>>, vector<1x16xf32>,
    %swap3A_615 = arith.constant 12 : i32
    %swap3A_616 = arith.index_cast %swap3A_615 : i32 to index
    %swap3A_617 = arith.constant 96 : index
    %swap3A_618 = tpu.vector_load %arg8[%swap3A_616, %swap3A_617] {strides = array<i32>} : memref<16x128xf32, #tpu.memory_space<vmem>>, vector<1x16xf32>,
    %swap3A_619 = vector.shape_cast %swap3A_618 : vector<1x16xf32> to vector<16xf32>
    %swap3A_620 = vector.shape_cast %broadcast_in_dim3A_3 : vector<16xf32> to vector<1x16xf32>
    tpu.vector_store %arg8[%swap3A_616, %swap3A_617], %swap3A_620 {strides = array<i32>} : memref<16x128xf32, #tpu.memory_space<vmem>>, vector<1x16xf32>,
    %swap3A_621 = arith.constant 12 : i32
    %swap3A_622 = arith.index_cast %swap3A_621 : i32 to index
    %swap3A_623 = arith.constant 112 : index
    %swap3A_624 = tpu.vector_load %arg8[%swap3A_622, %swap3A_623] {strides = array<i32>} : memref<16x128xf32, #tpu.memory_space<vmem>>, vector<1x16xf32>,
    %swap3A_625 = vector.shape_cast %swap3A_624 : vector<1x16xf32> to vector<16xf32>
    %swap3A_626 = vector.shape_cast %broadcast_in_dim3A_3 : vector<16xf32> to vector<1x16xf32>
    tpu.vector_store %arg8[%swap3A_622, %swap3A_623], %swap3A_626 {strides = array<i32>} : memref<16x128xf32, #tpu.memory_space<vmem>>, vector<1x16xf32>,
    %swap3A_627 = arith.constant 13 : i32
    %swap3A_628 = arith.index_cast %swap3A_627 : i32 to index
    %swap3A_629 = arith.constant 0 : index
    %swap3A_630 = tpu.vector_load %arg8[%swap3A_628, %swap3A_629] {strides = array<i32>} : memref<16x128xf32, #tpu.memory_space<vmem>>, vector<1x16xf32>,
    %swap3A_631 = vector.shape_cast %swap3A_630 : vector<1x16xf32> to vector<16xf32>
    %swap3A_632 = vector.shape_cast %broadcast_in_dim3A_3 : vector<16xf32> to vector<1x16xf32>
    tpu.vector_store %arg8[%swap3A_628, %swap3A_629], %swap3A_632 {strides = array<i32>} : memref<16x128xf32, #tpu.memory_space<vmem>>, vector<1x16xf32>,
    %swap3A_633 = arith.constant 13 : i32
    %swap3A_634 = arith.index_cast %swap3A_633 : i32 to index
    %swap3A_635 = arith.constant 16 : index
    %swap3A_636 = tpu.vector_load %arg8[%swap3A_634, %swap3A_635] {strides = array<i32>} : memref<16x128xf32, #tpu.memory_space<vmem>>, vector<1x16xf32>,
    %swap3A_637 = vector.shape_cast %swap3A_636 : vector<1x16xf32> to vector<16xf32>
    %swap3A_638 = vector.shape_cast %broadcast_in_dim3A_3 : vector<16xf32> to vector<1x16xf32>
    tpu.vector_store %arg8[%swap3A_634, %swap3A_635], %swap3A_638 {strides = array<i32>} : memref<16x128xf32, #tpu.memory_space<vmem>>, vector<1x16xf32>,
    %swap3A_639 = arith.constant 13 : i32
    %swap3A_640 = arith.index_cast %swap3A_639 : i32 to index
    %swap3A_641 = arith.constant 32 : index
    %swap3A_642 = tpu.vector_load %arg8[%swap3A_640, %swap3A_641] {strides = array<i32>} : memref<16x128xf32, #tpu.memory_space<vmem>>, vector<1x16xf32>,
    %swap3A_643 = vector.shape_cast %swap3A_642 : vector<1x16xf32> to vector<16xf32>
    %swap3A_644 = vector.shape_cast %broadcast_in_dim3A_3 : vector<16xf32> to vector<1x16xf32>
    tpu.vector_store %arg8[%swap3A_640, %swap3A_641], %swap3A_644 {strides = array<i32>} : memref<16x128xf32, #tpu.memory_space<vmem>>, vector<1x16xf32>,
    %swap3A_645 = arith.constant 13 : i32
    %swap3A_646 = arith.index_cast %swap3A_645 : i32 to index
    %swap3A_647 = arith.constant 48 : index
    %swap3A_648 = tpu.vector_load %arg8[%swap3A_646, %swap3A_647] {strides = array<i32>} : memref<16x128xf32, #tpu.memory_space<vmem>>, vector<1x16xf32>,
    %swap3A_649 = vector.shape_cast %swap3A_648 : vector<1x16xf32> to vector<16xf32>
    %swap3A_650 = vector.shape_cast %broadcast_in_dim3A_3 : vector<16xf32> to vector<1x16xf32>
    tpu.vector_store %arg8[%swap3A_646, %swap3A_647], %swap3A_650 {strides = array<i32>} : memref<16x128xf32, #tpu.memory_space<vmem>>, vector<1x16xf32>,
    %swap3A_651 = arith.constant 13 : i32
    %swap3A_652 = arith.index_cast %swap3A_651 : i32 to index
    %swap3A_653 = arith.constant 64 : index
    %swap3A_654 = tpu.vector_load %arg8[%swap3A_652, %swap3A_653] {strides = array<i32>} : memref<16x128xf32, #tpu.memory_space<vmem>>, vector<1x16xf32>,
    %swap3A_655 = vector.shape_cast %swap3A_654 : vector<1x16xf32> to vector<16xf32>
    %swap3A_656 = vector.shape_cast %broadcast_in_dim3A_3 : vector<16xf32> to vector<1x16xf32>
    tpu.vector_store %arg8[%swap3A_652, %swap3A_653], %swap3A_656 {strides = array<i32>} : memref<16x128xf32, #tpu.memory_space<vmem>>, vector<1x16xf32>,
    %swap3A_657 = arith.constant 13 : i32
    %swap3A_658 = arith.index_cast %swap3A_657 : i32 to index
    %swap3A_659 = arith.constant 80 : index
    %swap3A_660 = tpu.vector_load %arg8[%swap3A_658, %swap3A_659] {strides = array<i32>} : memref<16x128xf32, #tpu.memory_space<vmem>>, vector<1x16xf32>,
    %swap3A_661 = vector.shape_cast %swap3A_660 : vector<1x16xf32> to vector<16xf32>
    %swap3A_662 = vector.shape_cast %broadcast_in_dim3A_3 : vector<16xf32> to vector<1x16xf32>
    tpu.vector_store %arg8[%swap3A_658, %swap3A_659], %swap3A_662 {strides = array<i32>} : memref<16x128xf32, #tpu.memory_space<vmem>>, vector<1x16xf32>,
    %swap3A_663 = arith.constant 13 : i32
    %swap3A_664 = arith.index_cast %swap3A_663 : i32 to index
    %swap3A_665 = arith.constant 96 : index
    %swap3A_666 = tpu.vector_load %arg8[%swap3A_664, %swap3A_665] {strides = array<i32>} : memref<16x128xf32, #tpu.memory_space<vmem>>, vector<1x16xf32>,
    %swap3A_667 = vector.shape_cast %swap3A_666 : vector<1x16xf32> to vector<16xf32>
    %swap3A_668 = vector.shape_cast %broadcast_in_dim3A_3 : vector<16xf32> to vector<1x16xf32>
    tpu.vector_store %arg8[%swap3A_664, %swap3A_665], %swap3A_668 {strides = array<i32>} : memref<16x128xf32, #tpu.memory_space<vmem>>, vector<1x16xf32>,
    %swap3A_669 = arith.constant 13 : i32
    %swap3A_670 = arith.index_cast %swap3A_669 : i32 to index
    %swap3A_671 = arith.constant 112 : index
    %swap3A_672 = tpu.vector_load %arg8[%swap3A_670, %swap3A_671] {strides = array<i32>} : memref<16x128xf32, #tpu.memory_space<vmem>>, vector<1x16xf32>,
    %swap3A_673 = vector.shape_cast %swap3A_672 : vector<1x16xf32> to vector<16xf32>
    %swap3A_674 = vector.shape_cast %broadcast_in_dim3A_3 : vector<16xf32> to vector<1x16xf32>
    tpu.vector_store %arg8[%swap3A_670, %swap3A_671], %swap3A_674 {strides = array<i32>} : memref<16x128xf32, #tpu.memory_space<vmem>>, vector<1x16xf32>,
    %swap3A_675 = arith.constant 14 : i32
    %swap3A_676 = arith.index_cast %swap3A_675 : i32 to index
    %swap3A_677 = arith.constant 0 : index
    %swap3A_678 = tpu.vector_load %arg8[%swap3A_676, %swap3A_677] {strides = array<i32>} : memref<16x128xf32, #tpu.memory_space<vmem>>, vector<1x16xf32>,
    %swap3A_679 = vector.shape_cast %swap3A_678 : vector<1x16xf32> to vector<16xf32>
    %swap3A_680 = vector.shape_cast %broadcast_in_dim3A_3 : vector<16xf32> to vector<1x16xf32>
    tpu.vector_store %arg8[%swap3A_676, %swap3A_677], %swap3A_680 {strides = array<i32>} : memref<16x128xf32, #tpu.memory_space<vmem>>, vector<1x16xf32>,
    %swap3A_681 = arith.constant 14 : i32
    %swap3A_682 = arith.index_cast %swap3A_681 : i32 to index
    %swap3A_683 = arith.constant 16 : index
    %swap3A_684 = tpu.vector_load %arg8[%swap3A_682, %swap3A_683] {strides = array<i32>} : memref<16x128xf32, #tpu.memory_space<vmem>>, vector<1x16xf32>,
    %swap3A_685 = vector.shape_cast %swap3A_684 : vector<1x16xf32> to vector<16xf32>
    %swap3A_686 = vector.shape_cast %broadcast_in_dim3A_3 : vector<16xf32> to vector<1x16xf32>
    tpu.vector_store %arg8[%swap3A_682, %swap3A_683], %swap3A_686 {strides = array<i32>} : memref<16x128xf32, #tpu.memory_space<vmem>>, vector<1x16xf32>,
    %swap3A_687 = arith.constant 14 : i32
    %swap3A_688 = arith.index_cast %swap3A_687 : i32 to index
    %swap3A_689 = arith.constant 32 : index
    %swap3A_690 = tpu.vector_load %arg8[%swap3A_688, %swap3A_689] {strides = array<i32>} : memref<16x128xf32, #tpu.memory_space<vmem>>, vector<1x16xf32>,
    %swap3A_691 = vector.shape_cast %swap3A_690 : vector<1x16xf32> to vector<16xf32>
    %swap3A_692 = vector.shape_cast %broadcast_in_dim3A_3 : vector<16xf32> to vector<1x16xf32>
    tpu.vector_store %arg8[%swap3A_688, %swap3A_689], %swap3A_692 {strides = array<i32>} : memref<16x128xf32, #tpu.memory_space<vmem>>, vector<1x16xf32>,
    %swap3A_693 = arith.constant 14 : i32
    %swap3A_694 = arith.index_cast %swap3A_693 : i32 to index
    %swap3A_695 = arith.constant 48 : index
    %swap3A_696 = tpu.vector_load %arg8[%swap3A_694, %swap3A_695] {strides = array<i32>} : memref<16x128xf32, #tpu.memory_space<vmem>>, vector<1x16xf32>,
    %swap3A_697 = vector.shape_cast %swap3A_696 : vector<1x16xf32> to vector<16xf32>
    %swap3A_698 = vector.shape_cast %broadcast_in_dim3A_3 : vector<16xf32> to vector<1x16xf32>
    tpu.vector_store %arg8[%swap3A_694, %swap3A_695], %swap3A_698 {strides = array<i32>} : memref<16x128xf32, #tpu.memory_space<vmem>>, vector<1x16xf32>,
    %swap3A_699 = arith.constant 14 : i32
    %swap3A_700 = arith.index_cast %swap3A_699 : i32 to index
    %swap3A_701 = arith.constant 64 : index
    %swap3A_702 = tpu.vector_load %arg8[%swap3A_700, %swap3A_701] {strides = array<i32>} : memref<16x128xf32, #tpu.memory_space<vmem>>, vector<1x16xf32>,
    %swap3A_703 = vector.shape_cast %swap3A_702 : vector<1x16xf32> to vector<16xf32>
    %swap3A_704 = vector.shape_cast %broadcast_in_dim3A_3 : vector<16xf32> to vector<1x16xf32>
    tpu.vector_store %arg8[%swap3A_700, %swap3A_701], %swap3A_704 {strides = array<i32>} : memref<16x128xf32, #tpu.memory_space<vmem>>, vector<1x16xf32>,
    %swap3A_705 = arith.constant 14 : i32
    %swap3A_706 = arith.index_cast %swap3A_705 : i32 to index
    %swap3A_707 = arith.constant 80 : index
    %swap3A_708 = tpu.vector_load %arg8[%swap3A_706, %swap3A_707] {strides = array<i32>} : memref<16x128xf32, #tpu.memory_space<vmem>>, vector<1x16xf32>,
    %swap3A_709 = vector.shape_cast %swap3A_708 : vector<1x16xf32> to vector<16xf32>
    %swap3A_710 = vector.shape_cast %broadcast_in_dim3A_3 : vector<16xf32> to vector<1x16xf32>
    tpu.vector_store %arg8[%swap3A_706, %swap3A_707], %swap3A_710 {strides = array<i32>} : memref<16x128xf32, #tpu.memory_space<vmem>>, vector<1x16xf32>,
    %swap3A_711 = arith.constant 14 : i32
    %swap3A_712 = arith.index_cast %swap3A_711 : i32 to index
    %swap3A_713 = arith.constant 96 : index
    %swap3A_714 = tpu.vector_load %arg8[%swap3A_712, %swap3A_713] {strides = array<i32>} : memref<16x128xf32, #tpu.memory_space<vmem>>, vector<1x16xf32>,
    %swap3A_715 = vector.shape_cast %swap3A_714 : vector<1x16xf32> to vector<16xf32>
    %swap3A_716 = vector.shape_cast %broadcast_in_dim3A_3 : vector<16xf32> to vector<1x16xf32>
    tpu.vector_store %arg8[%swap3A_712, %swap3A_713], %swap3A_716 {strides = array<i32>} : memref<16x128xf32, #tpu.memory_space<vmem>>, vector<1x16xf32>,
    %swap3A_717 = arith.constant 14 : i32
    %swap3A_718 = arith.index_cast %swap3A_717 : i32 to index
    %swap3A_719 = arith.constant 112 : index
    %swap3A_720 = tpu.vector_load %arg8[%swap3A_718, %swap3A_719] {strides = array<i32>} : memref<16x128xf32, #tpu.memory_space<vmem>>, vector<1x16xf32>,
    %swap3A_721 = vector.shape_cast %swap3A_720 : vector<1x16xf32> to vector<16xf32>
    %swap3A_722 = vector.shape_cast %broadcast_in_dim3A_3 : vector<16xf32> to vector<1x16xf32>
    tpu.vector_store %arg8[%swap3A_718, %swap3A_719], %swap3A_722 {strides = array<i32>} : memref<16x128xf32, #tpu.memory_space<vmem>>, vector<1x16xf32>,
    %swap3A_723 = arith.constant 15 : i32
    %swap3A_724 = arith.index_cast %swap3A_723 : i32 to index
    %swap3A_725 = arith.constant 0 : index
    %swap3A_726 = tpu.vector_load %arg8[%swap3A_724, %swap3A_725] {strides = array<i32>} : memref<16x128xf32, #tpu.memory_space<vmem>>, vector<1x16xf32>,
    %swap3A_727 = vector.shape_cast %swap3A_726 : vector<1x16xf32> to vector<16xf32>
    %swap3A_728 = vector.shape_cast %broadcast_in_dim3A_3 : vector<16xf32> to vector<1x16xf32>
    tpu.vector_store %arg8[%swap3A_724, %swap3A_725], %swap3A_728 {strides = array<i32>} : memref<16x128xf32, #tpu.memory_space<vmem>>, vector<1x16xf32>,
    %swap3A_729 = arith.constant 15 : i32
    %swap3A_730 = arith.index_cast %swap3A_729 : i32 to index
    %swap3A_731 = arith.constant 16 : index
    %swap3A_732 = tpu.vector_load %arg8[%swap3A_730, %swap3A_731] {strides = array<i32>} : memref<16x128xf32, #tpu.memory_space<vmem>>, vector<1x16xf32>,
    %swap3A_733 = vector.shape_cast %swap3A_732 : vector<1x16xf32> to vector<16xf32>
    %swap3A_734 = vector.shape_cast %broadcast_in_dim3A_3 : vector<16xf32> to vector<1x16xf32>
    tpu.vector_store %arg8[%swap3A_730, %swap3A_731], %swap3A_734 {strides = array<i32>} : memref<16x128xf32, #tpu.memory_space<vmem>>, vector<1x16xf32>,
    %swap3A_735 = arith.constant 15 : i32
    %swap3A_736 = arith.index_cast %swap3A_735 : i32 to index
    %swap3A_737 = arith.constant 32 : index
    %swap3A_738 = tpu.vector_load %arg8[%swap3A_736, %swap3A_737] {strides = array<i32>} : memref<16x128xf32, #tpu.memory_space<vmem>>, vector<1x16xf32>,
    %swap3A_739 = vector.shape_cast %swap3A_738 : vector<1x16xf32> to vector<16xf32>
    %swap3A_740 = vector.shape_cast %broadcast_in_dim3A_3 : vector<16xf32> to vector<1x16xf32>
    tpu.vector_store %arg8[%swap3A_736, %swap3A_737], %swap3A_740 {strides = array<i32>} : memref<16x128xf32, #tpu.memory_space<vmem>>, vector<1x16xf32>,
    %swap3A_741 = arith.constant 15 : i32
    %swap3A_742 = arith.index_cast %swap3A_741 : i32 to index
    %swap3A_743 = arith.constant 48 : index
    %swap3A_744 = tpu.vector_load %arg8[%swap3A_742, %swap3A_743] {strides = array<i32>} : memref<16x128xf32, #tpu.memory_space<vmem>>, vector<1x16xf32>,
    %swap3A_745 = vector.shape_cast %swap3A_744 : vector<1x16xf32> to vector<16xf32>
    %swap3A_746 = vector.shape_cast %broadcast_in_dim3A_3 : vector<16xf32> to vector<1x16xf32>
    tpu.vector_store %arg8[%swap3A_742, %swap3A_743], %swap3A_746 {strides = array<i32>} : memref<16x128xf32, #tpu.memory_space<vmem>>, vector<1x16xf32>,
    %swap3A_747 = arith.constant 15 : i32
    %swap3A_748 = arith.index_cast %swap3A_747 : i32 to index
    %swap3A_749 = arith.constant 64 : index
    %swap3A_750 = tpu.vector_load %arg8[%swap3A_748, %swap3A_749] {strides = array<i32>} : memref<16x128xf32, #tpu.memory_space<vmem>>, vector<1x16xf32>,
    %swap3A_751 = vector.shape_cast %swap3A_750 : vector<1x16xf32> to vector<16xf32>
    %swap3A_752 = vector.shape_cast %broadcast_in_dim3A_3 : vector<16xf32> to vector<1x16xf32>
    tpu.vector_store %arg8[%swap3A_748, %swap3A_749], %swap3A_752 {strides = array<i32>} : memref<16x128xf32, #tpu.memory_space<vmem>>, vector<1x16xf32>,
    %swap3A_753 = arith.constant 15 : i32
    %swap3A_754 = arith.index_cast %swap3A_753 : i32 to index
    %swap3A_755 = arith.constant 80 : index
    %swap3A_756 = tpu.vector_load %arg8[%swap3A_754, %swap3A_755] {strides = array<i32>} : memref<16x128xf32, #tpu.memory_space<vmem>>, vector<1x16xf32>,
    %swap3A_757 = vector.shape_cast %swap3A_756 : vector<1x16xf32> to vector<16xf32>
    %swap3A_758 = vector.shape_cast %broadcast_in_dim3A_3 : vector<16xf32> to vector<1x16xf32>
    tpu.vector_store %arg8[%swap3A_754, %swap3A_755], %swap3A_758 {strides = array<i32>} : memref<16x128xf32, #tpu.memory_space<vmem>>, vector<1x16xf32>,
    %swap3A_759 = arith.constant 15 : i32
    %swap3A_760 = arith.index_cast %swap3A_759 : i32 to index
    %swap3A_761 = arith.constant 96 : index
    %swap3A_762 = tpu.vector_load %arg8[%swap3A_760, %swap3A_761] {strides = array<i32>} : memref<16x128xf32, #tpu.memory_space<vmem>>, vector<1x16xf32>,
    %swap3A_763 = vector.shape_cast %swap3A_762 : vector<1x16xf32> to vector<16xf32>
    %swap3A_764 = vector.shape_cast %broadcast_in_dim3A_3 : vector<16xf32> to vector<1x16xf32>
    tpu.vector_store %arg8[%swap3A_760, %swap3A_761], %swap3A_764 {strides = array<i32>} : memref<16x128xf32, #tpu.memory_space<vmem>>, vector<1x16xf32>,
    %swap3A_765 = arith.constant 15 : i32
    %swap3A_766 = arith.index_cast %swap3A_765 : i32 to index
    %swap3A_767 = arith.constant 112 : index
    %swap3A_768 = tpu.vector_load %arg8[%swap3A_766, %swap3A_767] {strides = array<i32>} : memref<16x128xf32, #tpu.memory_space<vmem>>, vector<1x16xf32>,
    %swap3A_769 = vector.shape_cast %swap3A_768 : vector<1x16xf32> to vector<16xf32>
    %swap3A_770 = vector.shape_cast %broadcast_in_dim3A_3 : vector<16xf32> to vector<1x16xf32>
    tpu.vector_store %arg8[%swap3A_766, %swap3A_767], %swap3A_770 {strides = array<i32>} : memref<16x128xf32, #tpu.memory_space<vmem>>, vector<1x16xf32>,
    %mul3A_771 = arith.constant 632 : i32
    %mul3A_772 = arith.muli %arg1, %mul3A_771 : i32
    %add3A_773 = arith.constant 0 : i32
    %add3A_774 = arith.addi %mul3A_772, %add3A_773 : i32
    "tpu.region"() ({
      %run_scoped3A_986 = tpu.sem_alloc : memref<!tpu.dma_semaphore, #tpu.memory_space<semaphore_mem>>
      %dma_start3A_987 = arith.constant 0 : i32
      %dma_start3A_988 = tpu.memref_slice %arg9[%add3A_774, %dma_start3A_987] : memref<10112x128xf32, #tpu.memory_space<vmem_shared>> -> memref<16x128xf32, #tpu.memory_space<vmem_shared>>
      %dma_start3A_989 = arith.constant 0 : i32
      %dma_start3A_990 = tpu.memref_slice %arg9[%add3A_774, %dma_start3A_989] : memref<10112x128xf32, #tpu.memory_space<vmem_shared>> -> memref<16x128xf32, #tpu.memory_space<vmem_shared>>
      tpu.enqueue_dma source(%arg8 : memref<16x128xf32, #tpu.memory_space<vmem>>) target(%dma_start3A_990 : memref<16x128xf32, #tpu.memory_space<vmem_shared>>) target_semaphore(%run_scoped3A_986 : memref<!tpu.dma_semaphore, #tpu.memory_space<semaphore_mem>>)
      %dma_wait3A = arith.constant 0 : i32
      %dma_wait3A_991 = tpu.memref_slice %arg9[%add3A_774, %dma_wait3A] : memref<10112x128xf32, #tpu.memory_space<vmem_shared>> -> memref<16x128xf32, #tpu.memory_space<vmem_shared>>
      %dma_wait3A_992 = arith.constant 0 : i32
      %dma_wait3A_993 = tpu.memref_slice %arg9[%add3A_774, %dma_wait3A_992] : memref<10112x128xf32, #tpu.memory_space<vmem_shared>> -> memref<16x128xf32, #tpu.memory_space<vmem_shared>>
      tpu.wait_dma2 semaphore(%run_scoped3A_986 : memref<!tpu.dma_semaphore, #tpu.memory_space<semaphore_mem>>) src(%arg8 : memref<16x128xf32, #tpu.memory_space<vmem>>) dst(%dma_wait3A_993 : memref<16x128xf32, #tpu.memory_space<vmem_shared>>)
      tpu.yield
    }) : () -> ()
    %mul3A_775 = arith.constant 632 : i32
    %mul3A_776 = arith.muli %arg1, %mul3A_775 : i32
    %add3A_777 = arith.constant 16 : i32
    %add3A_778 = arith.addi %mul3A_776, %add3A_777 : i32
    "tpu.region"() ({
      %run_scoped3A_986 = tpu.sem_alloc : memref<!tpu.dma_semaphore, #tpu.memory_space<semaphore_mem>>
      %dma_start3A_987 = arith.constant 0 : i32
      %dma_start3A_988 = tpu.memref_slice %arg9[%add3A_778, %dma_start3A_987] : memref<10112x128xf32, #tpu.memory_space<vmem_shared>> -> memref<16x128xf32, #tpu.memory_space<vmem_shared>>
      %dma_start3A_989 = arith.constant 0 : i32
      %dma_start3A_990 = tpu.memref_slice %arg9[%add3A_778, %dma_start3A_989] : memref<10112x128xf32, #tpu.memory_space<vmem_shared>> -> memref<16x128xf32, #tpu.memory_space<vmem_shared>>
      tpu.enqueue_dma source(%arg8 : memref<16x128xf32, #tpu.memory_space<vmem>>) target(%dma_start3A_990 : memref<16x128xf32, #tpu.memory_space<vmem_shared>>) target_semaphore(%run_scoped3A_986 : memref<!tpu.dma_semaphore, #tpu.memory_space<semaphore_mem>>)
      %dma_wait3A = arith.constant 0 : i32
      %dma_wait3A_991 = tpu.memref_slice %arg9[%add3A_778, %dma_wait3A] : memref<10112x128xf32, #tpu.memory_space<vmem_shared>> -> memref<16x128xf32, #tpu.memory_space<vmem_shared>>
      %dma_wait3A_992 = arith.constant 0 : i32
      %dma_wait3A_993 = tpu.memref_slice %arg9[%add3A_778, %dma_wait3A_992] : memref<10112x128xf32, #tpu.memory_space<vmem_shared>> -> memref<16x128xf32, #tpu.memory_space<vmem_shared>>
      tpu.wait_dma2 semaphore(%run_scoped3A_986 : memref<!tpu.dma_semaphore, #tpu.memory_space<semaphore_mem>>) src(%arg8 : memref<16x128xf32, #tpu.memory_space<vmem>>) dst(%dma_wait3A_993 : memref<16x128xf32, #tpu.memory_space<vmem_shared>>)
      tpu.yield
    }) : () -> ()
    %mul3A_779 = arith.constant 632 : i32
    %mul3A_780 = arith.muli %arg1, %mul3A_779 : i32
    %add3A_781 = arith.constant 32 : i32
    %add3A_782 = arith.addi %mul3A_780, %add3A_781 : i32
    "tpu.region"() ({
      %run_scoped3A_986 = tpu.sem_alloc : memref<!tpu.dma_semaphore, #tpu.memory_space<semaphore_mem>>
      %dma_start3A_987 = arith.constant 0 : i32
      %dma_start3A_988 = tpu.memref_slice %arg9[%add3A_782, %dma_start3A_987] : memref<10112x128xf32, #tpu.memory_space<vmem_shared>> -> memref<16x128xf32, #tpu.memory_space<vmem_shared>>
      %dma_start3A_989 = arith.constant 0 : i32
      %dma_start3A_990 = tpu.memref_slice %arg9[%add3A_782, %dma_start3A_989] : memref<10112x128xf32, #tpu.memory_space<vmem_shared>> -> memref<16x128xf32, #tpu.memory_space<vmem_shared>>
      tpu.enqueue_dma source(%arg8 : memref<16x128xf32, #tpu.memory_space<vmem>>) target(%dma_start3A_990 : memref<16x128xf32, #tpu.memory_space<vmem_shared>>) target_semaphore(%run_scoped3A_986 : memref<!tpu.dma_semaphore, #tpu.memory_space<semaphore_mem>>)
      %dma_wait3A = arith.constant 0 : i32
      %dma_wait3A_991 = tpu.memref_slice %arg9[%add3A_782, %dma_wait3A] : memref<10112x128xf32, #tpu.memory_space<vmem_shared>> -> memref<16x128xf32, #tpu.memory_space<vmem_shared>>
      %dma_wait3A_992 = arith.constant 0 : i32
      %dma_wait3A_993 = tpu.memref_slice %arg9[%add3A_782, %dma_wait3A_992] : memref<10112x128xf32, #tpu.memory_space<vmem_shared>> -> memref<16x128xf32, #tpu.memory_space<vmem_shared>>
      tpu.wait_dma2 semaphore(%run_scoped3A_986 : memref<!tpu.dma_semaphore, #tpu.memory_space<semaphore_mem>>) src(%arg8 : memref<16x128xf32, #tpu.memory_space<vmem>>) dst(%dma_wait3A_993 : memref<16x128xf32, #tpu.memory_space<vmem_shared>>)
      tpu.yield
    }) : () -> ()
    %mul3A_783 = arith.constant 632 : i32
    %mul3A_784 = arith.muli %arg1, %mul3A_783 : i32
    %add3A_785 = arith.constant 48 : i32
    %add3A_786 = arith.addi %mul3A_784, %add3A_785 : i32
    "tpu.region"() ({
      %run_scoped3A_986 = tpu.sem_alloc : memref<!tpu.dma_semaphore, #tpu.memory_space<semaphore_mem>>
      %dma_start3A_987 = arith.constant 0 : i32
      %dma_start3A_988 = tpu.memref_slice %arg9[%add3A_786, %dma_start3A_987] : memref<10112x128xf32, #tpu.memory_space<vmem_shared>> -> memref<16x128xf32, #tpu.memory_space<vmem_shared>>
      %dma_start3A_989 = arith.constant 0 : i32
      %dma_start3A_990 = tpu.memref_slice %arg9[%add3A_786, %dma_start3A_989] : memref<10112x128xf32, #tpu.memory_space<vmem_shared>> -> memref<16x128xf32, #tpu.memory_space<vmem_shared>>
      tpu.enqueue_dma source(%arg8 : memref<16x128xf32, #tpu.memory_space<vmem>>) target(%dma_start3A_990 : memref<16x128xf32, #tpu.memory_space<vmem_shared>>) target_semaphore(%run_scoped3A_986 : memref<!tpu.dma_semaphore, #tpu.memory_space<semaphore_mem>>)
      %dma_wait3A = arith.constant 0 : i32
      %dma_wait3A_991 = tpu.memref_slice %arg9[%add3A_786, %dma_wait3A] : memref<10112x128xf32, #tpu.memory_space<vmem_shared>> -> memref<16x128xf32, #tpu.memory_space<vmem_shared>>
      %dma_wait3A_992 = arith.constant 0 : i32
      %dma_wait3A_993 = tpu.memref_slice %arg9[%add3A_786, %dma_wait3A_992] : memref<10112x128xf32, #tpu.memory_space<vmem_shared>> -> memref<16x128xf32, #tpu.memory_space<vmem_shared>>
      tpu.wait_dma2 semaphore(%run_scoped3A_986 : memref<!tpu.dma_semaphore, #tpu.memory_space<semaphore_mem>>) src(%arg8 : memref<16x128xf32, #tpu.memory_space<vmem>>) dst(%dma_wait3A_993 : memref<16x128xf32, #tpu.memory_space<vmem_shared>>)
      tpu.yield
    }) : () -> ()
    %mul3A_787 = arith.constant 632 : i32
    %mul3A_788 = arith.muli %arg1, %mul3A_787 : i32
    %add3A_789 = arith.constant 64 : i32
    %add3A_790 = arith.addi %mul3A_788, %add3A_789 : i32
    "tpu.region"() ({
      %run_scoped3A_986 = tpu.sem_alloc : memref<!tpu.dma_semaphore, #tpu.memory_space<semaphore_mem>>
      %dma_start3A_987 = arith.constant 0 : i32
      %dma_start3A_988 = tpu.memref_slice %arg9[%add3A_790, %dma_start3A_987] : memref<10112x128xf32, #tpu.memory_space<vmem_shared>> -> memref<16x128xf32, #tpu.memory_space<vmem_shared>>
      %dma_start3A_989 = arith.constant 0 : i32
      %dma_start3A_990 = tpu.memref_slice %arg9[%add3A_790, %dma_start3A_989] : memref<10112x128xf32, #tpu.memory_space<vmem_shared>> -> memref<16x128xf32, #tpu.memory_space<vmem_shared>>
      tpu.enqueue_dma source(%arg8 : memref<16x128xf32, #tpu.memory_space<vmem>>) target(%dma_start3A_990 : memref<16x128xf32, #tpu.memory_space<vmem_shared>>) target_semaphore(%run_scoped3A_986 : memref<!tpu.dma_semaphore, #tpu.memory_space<semaphore_mem>>)
      %dma_wait3A = arith.constant 0 : i32
      %dma_wait3A_991 = tpu.memref_slice %arg9[%add3A_790, %dma_wait3A] : memref<10112x128xf32, #tpu.memory_space<vmem_shared>> -> memref<16x128xf32, #tpu.memory_space<vmem_shared>>
      %dma_wait3A_992 = arith.constant 0 : i32
      %dma_wait3A_993 = tpu.memref_slice %arg9[%add3A_790, %dma_wait3A_992] : memref<10112x128xf32, #tpu.memory_space<vmem_shared>> -> memref<16x128xf32, #tpu.memory_space<vmem_shared>>
      tpu.wait_dma2 semaphore(%run_scoped3A_986 : memref<!tpu.dma_semaphore, #tpu.memory_space<semaphore_mem>>) src(%arg8 : memref<16x128xf32, #tpu.memory_space<vmem>>) dst(%dma_wait3A_993 : memref<16x128xf32, #tpu.memory_space<vmem_shared>>)
      tpu.yield
    }) : () -> ()
    %mul3A_791 = arith.constant 632 : i32
    %mul3A_792 = arith.muli %arg1, %mul3A_791 : i32
    %add3A_793 = arith.constant 80 : i32
    %add3A_794 = arith.addi %mul3A_792, %add3A_793 : i32
    "tpu.region"() ({
      %run_scoped3A_986 = tpu.sem_alloc : memref<!tpu.dma_semaphore, #tpu.memory_space<semaphore_mem>>
      %dma_start3A_987 = arith.constant 0 : i32
      %dma_start3A_988 = tpu.memref_slice %arg9[%add3A_794, %dma_start3A_987] : memref<10112x128xf32, #tpu.memory_space<vmem_shared>> -> memref<16x128xf32, #tpu.memory_space<vmem_shared>>
      %dma_start3A_989 = arith.constant 0 : i32
      %dma_start3A_990 = tpu.memref_slice %arg9[%add3A_794, %dma_start3A_989] : memref<10112x128xf32, #tpu.memory_space<vmem_shared>> -> memref<16x128xf32, #tpu.memory_space<vmem_shared>>
      tpu.enqueue_dma source(%arg8 : memref<16x128xf32, #tpu.memory_space<vmem>>) target(%dma_start3A_990 : memref<16x128xf32, #tpu.memory_space<vmem_shared>>) target_semaphore(%run_scoped3A_986 : memref<!tpu.dma_semaphore, #tpu.memory_space<semaphore_mem>>)
      %dma_wait3A = arith.constant 0 : i32
      %dma_wait3A_991 = tpu.memref_slice %arg9[%add3A_794, %dma_wait3A] : memref<10112x128xf32, #tpu.memory_space<vmem_shared>> -> memref<16x128xf32, #tpu.memory_space<vmem_shared>>
      %dma_wait3A_992 = arith.constant 0 : i32
      %dma_wait3A_993 = tpu.memref_slice %arg9[%add3A_794, %dma_wait3A_992] : memref<10112x128xf32, #tpu.memory_space<vmem_shared>> -> memref<16x128xf32, #tpu.memory_space<vmem_shared>>
      tpu.wait_dma2 semaphore(%run_scoped3A_986 : memref<!tpu.dma_semaphore, #tpu.memory_space<semaphore_mem>>) src(%arg8 : memref<16x128xf32, #tpu.memory_space<vmem>>) dst(%dma_wait3A_993 : memref<16x128xf32, #tpu.memory_space<vmem_shared>>)
      tpu.yield
    }) : () -> ()
    %mul3A_795 = arith.constant 632 : i32
    %mul3A_796 = arith.muli %arg1, %mul3A_795 : i32
    %add3A_797 = arith.constant 96 : i32
    %add3A_798 = arith.addi %mul3A_796, %add3A_797 : i32
    "tpu.region"() ({
      %run_scoped3A_986 = tpu.sem_alloc : memref<!tpu.dma_semaphore, #tpu.memory_space<semaphore_mem>>
      %dma_start3A_987 = arith.constant 0 : i32
      %dma_start3A_988 = tpu.memref_slice %arg9[%add3A_798, %dma_start3A_987] : memref<10112x128xf32, #tpu.memory_space<vmem_shared>> -> memref<16x128xf32, #tpu.memory_space<vmem_shared>>
      %dma_start3A_989 = arith.constant 0 : i32
      %dma_start3A_990 = tpu.memref_slice %arg9[%add3A_798, %dma_start3A_989] : memref<10112x128xf32, #tpu.memory_space<vmem_shared>> -> memref<16x128xf32, #tpu.memory_space<vmem_shared>>
      tpu.enqueue_dma source(%arg8 : memref<16x128xf32, #tpu.memory_space<vmem>>) target(%dma_start3A_990 : memref<16x128xf32, #tpu.memory_space<vmem_shared>>) target_semaphore(%run_scoped3A_986 : memref<!tpu.dma_semaphore, #tpu.memory_space<semaphore_mem>>)
      %dma_wait3A = arith.constant 0 : i32
      %dma_wait3A_991 = tpu.memref_slice %arg9[%add3A_798, %dma_wait3A] : memref<10112x128xf32, #tpu.memory_space<vmem_shared>> -> memref<16x128xf32, #tpu.memory_space<vmem_shared>>
      %dma_wait3A_992 = arith.constant 0 : i32
      %dma_wait3A_993 = tpu.memref_slice %arg9[%add3A_798, %dma_wait3A_992] : memref<10112x128xf32, #tpu.memory_space<vmem_shared>> -> memref<16x128xf32, #tpu.memory_space<vmem_shared>>
      tpu.wait_dma2 semaphore(%run_scoped3A_986 : memref<!tpu.dma_semaphore, #tpu.memory_space<semaphore_mem>>) src(%arg8 : memref<16x128xf32, #tpu.memory_space<vmem>>) dst(%dma_wait3A_993 : memref<16x128xf32, #tpu.memory_space<vmem_shared>>)
      tpu.yield
    }) : () -> ()
    %mul3A_799 = arith.constant 632 : i32
    %mul3A_800 = arith.muli %arg1, %mul3A_799 : i32
    %add3A_801 = arith.constant 112 : i32
    %add3A_802 = arith.addi %mul3A_800, %add3A_801 : i32
    "tpu.region"() ({
      %run_scoped3A_986 = tpu.sem_alloc : memref<!tpu.dma_semaphore, #tpu.memory_space<semaphore_mem>>
      %dma_start3A_987 = arith.constant 0 : i32
      %dma_start3A_988 = tpu.memref_slice %arg9[%add3A_802, %dma_start3A_987] : memref<10112x128xf32, #tpu.memory_space<vmem_shared>> -> memref<16x128xf32, #tpu.memory_space<vmem_shared>>
      %dma_start3A_989 = arith.constant 0 : i32
      %dma_start3A_990 = tpu.memref_slice %arg9[%add3A_802, %dma_start3A_989] : memref<10112x128xf32, #tpu.memory_space<vmem_shared>> -> memref<16x128xf32, #tpu.memory_space<vmem_shared>>
      tpu.enqueue_dma source(%arg8 : memref<16x128xf32, #tpu.memory_space<vmem>>) target(%dma_start3A_990 : memref<16x128xf32, #tpu.memory_space<vmem_shared>>) target_semaphore(%run_scoped3A_986 : memref<!tpu.dma_semaphore, #tpu.memory_space<semaphore_mem>>)
      %dma_wait3A = arith.constant 0 : i32
      %dma_wait3A_991 = tpu.memref_slice %arg9[%add3A_802, %dma_wait3A] : memref<10112x128xf32, #tpu.memory_space<vmem_shared>> -> memref<16x128xf32, #tpu.memory_space<vmem_shared>>
      %dma_wait3A_992 = arith.constant 0 : i32
      %dma_wait3A_993 = tpu.memref_slice %arg9[%add3A_802, %dma_wait3A_992] : memref<10112x128xf32, #tpu.memory_space<vmem_shared>> -> memref<16x128xf32, #tpu.memory_space<vmem_shared>>
      tpu.wait_dma2 semaphore(%run_scoped3A_986 : memref<!tpu.dma_semaphore, #tpu.memory_space<semaphore_mem>>) src(%arg8 : memref<16x128xf32, #tpu.memory_space<vmem>>) dst(%dma_wait3A_993 : memref<16x128xf32, #tpu.memory_space<vmem_shared>>)
      tpu.yield
    }) : () -> ()
    %mul3A_803 = arith.constant 632 : i32
    %mul3A_804 = arith.muli %arg1, %mul3A_803 : i32
    %add3A_805 = arith.constant 128 : i32
    %add3A_806 = arith.addi %mul3A_804, %add3A_805 : i32
    "tpu.region"() ({
      %run_scoped3A_986 = tpu.sem_alloc : memref<!tpu.dma_semaphore, #tpu.memory_space<semaphore_mem>>
      %dma_start3A_987 = arith.constant 0 : i32
      %dma_start3A_988 = tpu.memref_slice %arg9[%add3A_806, %dma_start3A_987] : memref<10112x128xf32, #tpu.memory_space<vmem_shared>> -> memref<16x128xf32, #tpu.memory_space<vmem_shared>>
      %dma_start3A_989 = arith.constant 0 : i32
      %dma_start3A_990 = tpu.memref_slice %arg9[%add3A_806, %dma_start3A_989] : memref<10112x128xf32, #tpu.memory_space<vmem_shared>> -> memref<16x128xf32, #tpu.memory_space<vmem_shared>>
      tpu.enqueue_dma source(%arg8 : memref<16x128xf32, #tpu.memory_space<vmem>>) target(%dma_start3A_990 : memref<16x128xf32, #tpu.memory_space<vmem_shared>>) target_semaphore(%run_scoped3A_986 : memref<!tpu.dma_semaphore, #tpu.memory_space<semaphore_mem>>)
      %dma_wait3A = arith.constant 0 : i32
      %dma_wait3A_991 = tpu.memref_slice %arg9[%add3A_806, %dma_wait3A] : memref<10112x128xf32, #tpu.memory_space<vmem_shared>> -> memref<16x128xf32, #tpu.memory_space<vmem_shared>>
      %dma_wait3A_992 = arith.constant 0 : i32
      %dma_wait3A_993 = tpu.memref_slice %arg9[%add3A_806, %dma_wait3A_992] : memref<10112x128xf32, #tpu.memory_space<vmem_shared>> -> memref<16x128xf32, #tpu.memory_space<vmem_shared>>
      tpu.wait_dma2 semaphore(%run_scoped3A_986 : memref<!tpu.dma_semaphore, #tpu.memory_space<semaphore_mem>>) src(%arg8 : memref<16x128xf32, #tpu.memory_space<vmem>>) dst(%dma_wait3A_993 : memref<16x128xf32, #tpu.memory_space<vmem_shared>>)
      tpu.yield
    }) : () -> ()
    %mul3A_807 = arith.constant 632 : i32
    %mul3A_808 = arith.muli %arg1, %mul3A_807 : i32
    %add3A_809 = arith.constant 144 : i32
    %add3A_810 = arith.addi %mul3A_808, %add3A_809 : i32
    "tpu.region"() ({
      %run_scoped3A_986 = tpu.sem_alloc : memref<!tpu.dma_semaphore, #tpu.memory_space<semaphore_mem>>
      %dma_start3A_987 = arith.constant 0 : i32
      %dma_start3A_988 = tpu.memref_slice %arg9[%add3A_810, %dma_start3A_987] : memref<10112x128xf32, #tpu.memory_space<vmem_shared>> -> memref<16x128xf32, #tpu.memory_space<vmem_shared>>
      %dma_start3A_989 = arith.constant 0 : i32
      %dma_start3A_990 = tpu.memref_slice %arg9[%add3A_810, %dma_start3A_989] : memref<10112x128xf32, #tpu.memory_space<vmem_shared>> -> memref<16x128xf32, #tpu.memory_space<vmem_shared>>
      tpu.enqueue_dma source(%arg8 : memref<16x128xf32, #tpu.memory_space<vmem>>) target(%dma_start3A_990 : memref<16x128xf32, #tpu.memory_space<vmem_shared>>) target_semaphore(%run_scoped3A_986 : memref<!tpu.dma_semaphore, #tpu.memory_space<semaphore_mem>>)
      %dma_wait3A = arith.constant 0 : i32
      %dma_wait3A_991 = tpu.memref_slice %arg9[%add3A_810, %dma_wait3A] : memref<10112x128xf32, #tpu.memory_space<vmem_shared>> -> memref<16x128xf32, #tpu.memory_space<vmem_shared>>
      %dma_wait3A_992 = arith.constant 0 : i32
      %dma_wait3A_993 = tpu.memref_slice %arg9[%add3A_810, %dma_wait3A_992] : memref<10112x128xf32, #tpu.memory_space<vmem_shared>> -> memref<16x128xf32, #tpu.memory_space<vmem_shared>>
      tpu.wait_dma2 semaphore(%run_scoped3A_986 : memref<!tpu.dma_semaphore, #tpu.memory_space<semaphore_mem>>) src(%arg8 : memref<16x128xf32, #tpu.memory_space<vmem>>) dst(%dma_wait3A_993 : memref<16x128xf32, #tpu.memory_space<vmem_shared>>)
      tpu.yield
    }) : () -> ()
    %mul3A_811 = arith.constant 632 : i32
    %mul3A_812 = arith.muli %arg1, %mul3A_811 : i32
    %add3A_813 = arith.constant 160 : i32
    %add3A_814 = arith.addi %mul3A_812, %add3A_813 : i32
    "tpu.region"() ({
      %run_scoped3A_986 = tpu.sem_alloc : memref<!tpu.dma_semaphore, #tpu.memory_space<semaphore_mem>>
      %dma_start3A_987 = arith.constant 0 : i32
      %dma_start3A_988 = tpu.memref_slice %arg9[%add3A_814, %dma_start3A_987] : memref<10112x128xf32, #tpu.memory_space<vmem_shared>> -> memref<16x128xf32, #tpu.memory_space<vmem_shared>>
      %dma_start3A_989 = arith.constant 0 : i32
      %dma_start3A_990 = tpu.memref_slice %arg9[%add3A_814, %dma_start3A_989] : memref<10112x128xf32, #tpu.memory_space<vmem_shared>> -> memref<16x128xf32, #tpu.memory_space<vmem_shared>>
      tpu.enqueue_dma source(%arg8 : memref<16x128xf32, #tpu.memory_space<vmem>>) target(%dma_start3A_990 : memref<16x128xf32, #tpu.memory_space<vmem_shared>>) target_semaphore(%run_scoped3A_986 : memref<!tpu.dma_semaphore, #tpu.memory_space<semaphore_mem>>)
      %dma_wait3A = arith.constant 0 : i32
      %dma_wait3A_991 = tpu.memref_slice %arg9[%add3A_814, %dma_wait3A] : memref<10112x128xf32, #tpu.memory_space<vmem_shared>> -> memref<16x128xf32, #tpu.memory_space<vmem_shared>>
      %dma_wait3A_992 = arith.constant 0 : i32
      %dma_wait3A_993 = tpu.memref_slice %arg9[%add3A_814, %dma_wait3A_992] : memref<10112x128xf32, #tpu.memory_space<vmem_shared>> -> memref<16x128xf32, #tpu.memory_space<vmem_shared>>
      tpu.wait_dma2 semaphore(%run_scoped3A_986 : memref<!tpu.dma_semaphore, #tpu.memory_space<semaphore_mem>>) src(%arg8 : memref<16x128xf32, #tpu.memory_space<vmem>>) dst(%dma_wait3A_993 : memref<16x128xf32, #tpu.memory_space<vmem_shared>>)
      tpu.yield
    }) : () -> ()
    %mul3A_815 = arith.constant 632 : i32
    %mul3A_816 = arith.muli %arg1, %mul3A_815 : i32
    %add3A_817 = arith.constant 176 : i32
    %add3A_818 = arith.addi %mul3A_816, %add3A_817 : i32
    "tpu.region"() ({
      %run_scoped3A_986 = tpu.sem_alloc : memref<!tpu.dma_semaphore, #tpu.memory_space<semaphore_mem>>
      %dma_start3A_987 = arith.constant 0 : i32
      %dma_start3A_988 = tpu.memref_slice %arg9[%add3A_818, %dma_start3A_987] : memref<10112x128xf32, #tpu.memory_space<vmem_shared>> -> memref<16x128xf32, #tpu.memory_space<vmem_shared>>
      %dma_start3A_989 = arith.constant 0 : i32
      %dma_start3A_990 = tpu.memref_slice %arg9[%add3A_818, %dma_start3A_989] : memref<10112x128xf32, #tpu.memory_space<vmem_shared>> -> memref<16x128xf32, #tpu.memory_space<vmem_shared>>
      tpu.enqueue_dma source(%arg8 : memref<16x128xf32, #tpu.memory_space<vmem>>) target(%dma_start3A_990 : memref<16x128xf32, #tpu.memory_space<vmem_shared>>) target_semaphore(%run_scoped3A_986 : memref<!tpu.dma_semaphore, #tpu.memory_space<semaphore_mem>>)
      %dma_wait3A = arith.constant 0 : i32
      %dma_wait3A_991 = tpu.memref_slice %arg9[%add3A_818, %dma_wait3A] : memref<10112x128xf32, #tpu.memory_space<vmem_shared>> -> memref<16x128xf32, #tpu.memory_space<vmem_shared>>
      %dma_wait3A_992 = arith.constant 0 : i32
      %dma_wait3A_993 = tpu.memref_slice %arg9[%add3A_818, %dma_wait3A_992] : memref<10112x128xf32, #tpu.memory_space<vmem_shared>> -> memref<16x128xf32, #tpu.memory_space<vmem_shared>>
      tpu.wait_dma2 semaphore(%run_scoped3A_986 : memref<!tpu.dma_semaphore, #tpu.memory_space<semaphore_mem>>) src(%arg8 : memref<16x128xf32, #tpu.memory_space<vmem>>) dst(%dma_wait3A_993 : memref<16x128xf32, #tpu.memory_space<vmem_shared>>)
      tpu.yield
    }) : () -> ()
    %mul3A_819 = arith.constant 632 : i32
    %mul3A_820 = arith.muli %arg1, %mul3A_819 : i32
    %add3A_821 = arith.constant 192 : i32
    %add3A_822 = arith.addi %mul3A_820, %add3A_821 : i32
    "tpu.region"() ({
      %run_scoped3A_986 = tpu.sem_alloc : memref<!tpu.dma_semaphore, #tpu.memory_space<semaphore_mem>>
      %dma_start3A_987 = arith.constant 0 : i32
      %dma_start3A_988 = tpu.memref_slice %arg9[%add3A_822, %dma_start3A_987] : memref<10112x128xf32, #tpu.memory_space<vmem_shared>> -> memref<16x128xf32, #tpu.memory_space<vmem_shared>>
      %dma_start3A_989 = arith.constant 0 : i32
      %dma_start3A_990 = tpu.memref_slice %arg9[%add3A_822, %dma_start3A_989] : memref<10112x128xf32, #tpu.memory_space<vmem_shared>> -> memref<16x128xf32, #tpu.memory_space<vmem_shared>>
      tpu.enqueue_dma source(%arg8 : memref<16x128xf32, #tpu.memory_space<vmem>>) target(%dma_start3A_990 : memref<16x128xf32, #tpu.memory_space<vmem_shared>>) target_semaphore(%run_scoped3A_986 : memref<!tpu.dma_semaphore, #tpu.memory_space<semaphore_mem>>)
      %dma_wait3A = arith.constant 0 : i32
      %dma_wait3A_991 = tpu.memref_slice %arg9[%add3A_822, %dma_wait3A] : memref<10112x128xf32, #tpu.memory_space<vmem_shared>> -> memref<16x128xf32, #tpu.memory_space<vmem_shared>>
      %dma_wait3A_992 = arith.constant 0 : i32
      %dma_wait3A_993 = tpu.memref_slice %arg9[%add3A_822, %dma_wait3A_992] : memref<10112x128xf32, #tpu.memory_space<vmem_shared>> -> memref<16x128xf32, #tpu.memory_space<vmem_shared>>
      tpu.wait_dma2 semaphore(%run_scoped3A_986 : memref<!tpu.dma_semaphore, #tpu.memory_space<semaphore_mem>>) src(%arg8 : memref<16x128xf32, #tpu.memory_space<vmem>>) dst(%dma_wait3A_993 : memref<16x128xf32, #tpu.memory_space<vmem_shared>>)
      tpu.yield
    }) : () -> ()
    %mul3A_823 = arith.constant 632 : i32
    %mul3A_824 = arith.muli %arg1, %mul3A_823 : i32
    %add3A_825 = arith.constant 208 : i32
    %add3A_826 = arith.addi %mul3A_824, %add3A_825 : i32
    "tpu.region"() ({
      %run_scoped3A_986 = tpu.sem_alloc : memref<!tpu.dma_semaphore, #tpu.memory_space<semaphore_mem>>
      %dma_start3A_987 = arith.constant 0 : i32
      %dma_start3A_988 = tpu.memref_slice %arg9[%add3A_826, %dma_start3A_987] : memref<10112x128xf32, #tpu.memory_space<vmem_shared>> -> memref<16x128xf32, #tpu.memory_space<vmem_shared>>
      %dma_start3A_989 = arith.constant 0 : i32
      %dma_start3A_990 = tpu.memref_slice %arg9[%add3A_826, %dma_start3A_989] : memref<10112x128xf32, #tpu.memory_space<vmem_shared>> -> memref<16x128xf32, #tpu.memory_space<vmem_shared>>
      tpu.enqueue_dma source(%arg8 : memref<16x128xf32, #tpu.memory_space<vmem>>) target(%dma_start3A_990 : memref<16x128xf32, #tpu.memory_space<vmem_shared>>) target_semaphore(%run_scoped3A_986 : memref<!tpu.dma_semaphore, #tpu.memory_space<semaphore_mem>>)
      %dma_wait3A = arith.constant 0 : i32
      %dma_wait3A_991 = tpu.memref_slice %arg9[%add3A_826, %dma_wait3A] : memref<10112x128xf32, #tpu.memory_space<vmem_shared>> -> memref<16x128xf32, #tpu.memory_space<vmem_shared>>
      %dma_wait3A_992 = arith.constant 0 : i32
      %dma_wait3A_993 = tpu.memref_slice %arg9[%add3A_826, %dma_wait3A_992] : memref<10112x128xf32, #tpu.memory_space<vmem_shared>> -> memref<16x128xf32, #tpu.memory_space<vmem_shared>>
      tpu.wait_dma2 semaphore(%run_scoped3A_986 : memref<!tpu.dma_semaphore, #tpu.memory_space<semaphore_mem>>) src(%arg8 : memref<16x128xf32, #tpu.memory_space<vmem>>) dst(%dma_wait3A_993 : memref<16x128xf32, #tpu.memory_space<vmem_shared>>)
      tpu.yield
    }) : () -> ()
    %mul3A_827 = arith.constant 632 : i32
    %mul3A_828 = arith.muli %arg1, %mul3A_827 : i32
    %add3A_829 = arith.constant 224 : i32
    %add3A_830 = arith.addi %mul3A_828, %add3A_829 : i32
    "tpu.region"() ({
      %run_scoped3A_986 = tpu.sem_alloc : memref<!tpu.dma_semaphore, #tpu.memory_space<semaphore_mem>>
      %dma_start3A_987 = arith.constant 0 : i32
      %dma_start3A_988 = tpu.memref_slice %arg9[%add3A_830, %dma_start3A_987] : memref<10112x128xf32, #tpu.memory_space<vmem_shared>> -> memref<16x128xf32, #tpu.memory_space<vmem_shared>>
      %dma_start3A_989 = arith.constant 0 : i32
      %dma_start3A_990 = tpu.memref_slice %arg9[%add3A_830, %dma_start3A_989] : memref<10112x128xf32, #tpu.memory_space<vmem_shared>> -> memref<16x128xf32, #tpu.memory_space<vmem_shared>>
      tpu.enqueue_dma source(%arg8 : memref<16x128xf32, #tpu.memory_space<vmem>>) target(%dma_start3A_990 : memref<16x128xf32, #tpu.memory_space<vmem_shared>>) target_semaphore(%run_scoped3A_986 : memref<!tpu.dma_semaphore, #tpu.memory_space<semaphore_mem>>)
      %dma_wait3A = arith.constant 0 : i32
      %dma_wait3A_991 = tpu.memref_slice %arg9[%add3A_830, %dma_wait3A] : memref<10112x128xf32, #tpu.memory_space<vmem_shared>> -> memref<16x128xf32, #tpu.memory_space<vmem_shared>>
      %dma_wait3A_992 = arith.constant 0 : i32
      %dma_wait3A_993 = tpu.memref_slice %arg9[%add3A_830, %dma_wait3A_992] : memref<10112x128xf32, #tpu.memory_space<vmem_shared>> -> memref<16x128xf32, #tpu.memory_space<vmem_shared>>
      tpu.wait_dma2 semaphore(%run_scoped3A_986 : memref<!tpu.dma_semaphore, #tpu.memory_space<semaphore_mem>>) src(%arg8 : memref<16x128xf32, #tpu.memory_space<vmem>>) dst(%dma_wait3A_993 : memref<16x128xf32, #tpu.memory_space<vmem_shared>>)
      tpu.yield
    }) : () -> ()
    %mul3A_831 = arith.constant 632 : i32
    %mul3A_832 = arith.muli %arg1, %mul3A_831 : i32
    %add3A_833 = arith.constant 240 : i32
    %add3A_834 = arith.addi %mul3A_832, %add3A_833 : i32
    "tpu.region"() ({
      %run_scoped3A_986 = tpu.sem_alloc : memref<!tpu.dma_semaphore, #tpu.memory_space<semaphore_mem>>
      %dma_start3A_987 = arith.constant 0 : i32
      %dma_start3A_988 = tpu.memref_slice %arg9[%add3A_834, %dma_start3A_987] : memref<10112x128xf32, #tpu.memory_space<vmem_shared>> -> memref<16x128xf32, #tpu.memory_space<vmem_shared>>
      %dma_start3A_989 = arith.constant 0 : i32
      %dma_start3A_990 = tpu.memref_slice %arg9[%add3A_834, %dma_start3A_989] : memref<10112x128xf32, #tpu.memory_space<vmem_shared>> -> memref<16x128xf32, #tpu.memory_space<vmem_shared>>
      tpu.enqueue_dma source(%arg8 : memref<16x128xf32, #tpu.memory_space<vmem>>) target(%dma_start3A_990 : memref<16x128xf32, #tpu.memory_space<vmem_shared>>) target_semaphore(%run_scoped3A_986 : memref<!tpu.dma_semaphore, #tpu.memory_space<semaphore_mem>>)
      %dma_wait3A = arith.constant 0 : i32
      %dma_wait3A_991 = tpu.memref_slice %arg9[%add3A_834, %dma_wait3A] : memref<10112x128xf32, #tpu.memory_space<vmem_shared>> -> memref<16x128xf32, #tpu.memory_space<vmem_shared>>
      %dma_wait3A_992 = arith.constant 0 : i32
      %dma_wait3A_993 = tpu.memref_slice %arg9[%add3A_834, %dma_wait3A_992] : memref<10112x128xf32, #tpu.memory_space<vmem_shared>> -> memref<16x128xf32, #tpu.memory_space<vmem_shared>>
      tpu.wait_dma2 semaphore(%run_scoped3A_986 : memref<!tpu.dma_semaphore, #tpu.memory_space<semaphore_mem>>) src(%arg8 : memref<16x128xf32, #tpu.memory_space<vmem>>) dst(%dma_wait3A_993 : memref<16x128xf32, #tpu.memory_space<vmem_shared>>)
      tpu.yield
    }) : () -> ()
    %mul3A_835 = arith.constant 632 : i32
    %mul3A_836 = arith.muli %arg1, %mul3A_835 : i32
    %add3A_837 = arith.constant 256 : i32
    %add3A_838 = arith.addi %mul3A_836, %add3A_837 : i32
    "tpu.region"() ({
      %run_scoped3A_986 = tpu.sem_alloc : memref<!tpu.dma_semaphore, #tpu.memory_space<semaphore_mem>>
      %dma_start3A_987 = arith.constant 0 : i32
      %dma_start3A_988 = tpu.memref_slice %arg9[%add3A_838, %dma_start3A_987] : memref<10112x128xf32, #tpu.memory_space<vmem_shared>> -> memref<16x128xf32, #tpu.memory_space<vmem_shared>>
      %dma_start3A_989 = arith.constant 0 : i32
      %dma_start3A_990 = tpu.memref_slice %arg9[%add3A_838, %dma_start3A_989] : memref<10112x128xf32, #tpu.memory_space<vmem_shared>> -> memref<16x128xf32, #tpu.memory_space<vmem_shared>>
      tpu.enqueue_dma source(%arg8 : memref<16x128xf32, #tpu.memory_space<vmem>>) target(%dma_start3A_990 : memref<16x128xf32, #tpu.memory_space<vmem_shared>>) target_semaphore(%run_scoped3A_986 : memref<!tpu.dma_semaphore, #tpu.memory_space<semaphore_mem>>)
      %dma_wait3A = arith.constant 0 : i32
      %dma_wait3A_991 = tpu.memref_slice %arg9[%add3A_838, %dma_wait3A] : memref<10112x128xf32, #tpu.memory_space<vmem_shared>> -> memref<16x128xf32, #tpu.memory_space<vmem_shared>>
      %dma_wait3A_992 = arith.constant 0 : i32
      %dma_wait3A_993 = tpu.memref_slice %arg9[%add3A_838, %dma_wait3A_992] : memref<10112x128xf32, #tpu.memory_space<vmem_shared>> -> memref<16x128xf32, #tpu.memory_space<vmem_shared>>
      tpu.wait_dma2 semaphore(%run_scoped3A_986 : memref<!tpu.dma_semaphore, #tpu.memory_space<semaphore_mem>>) src(%arg8 : memref<16x128xf32, #tpu.memory_space<vmem>>) dst(%dma_wait3A_993 : memref<16x128xf32, #tpu.memory_space<vmem_shared>>)
      tpu.yield
    }) : () -> ()
    %mul3A_839 = arith.constant 632 : i32
    %mul3A_840 = arith.muli %arg1, %mul3A_839 : i32
    %add3A_841 = arith.constant 272 : i32
    %add3A_842 = arith.addi %mul3A_840, %add3A_841 : i32
    "tpu.region"() ({
      %run_scoped3A_986 = tpu.sem_alloc : memref<!tpu.dma_semaphore, #tpu.memory_space<semaphore_mem>>
      %dma_start3A_987 = arith.constant 0 : i32
      %dma_start3A_988 = tpu.memref_slice %arg9[%add3A_842, %dma_start3A_987] : memref<10112x128xf32, #tpu.memory_space<vmem_shared>> -> memref<16x128xf32, #tpu.memory_space<vmem_shared>>
      %dma_start3A_989 = arith.constant 0 : i32
      %dma_start3A_990 = tpu.memref_slice %arg9[%add3A_842, %dma_start3A_989] : memref<10112x128xf32, #tpu.memory_space<vmem_shared>> -> memref<16x128xf32, #tpu.memory_space<vmem_shared>>
      tpu.enqueue_dma source(%arg8 : memref<16x128xf32, #tpu.memory_space<vmem>>) target(%dma_start3A_990 : memref<16x128xf32, #tpu.memory_space<vmem_shared>>) target_semaphore(%run_scoped3A_986 : memref<!tpu.dma_semaphore, #tpu.memory_space<semaphore_mem>>)
      %dma_wait3A = arith.constant 0 : i32
      %dma_wait3A_991 = tpu.memref_slice %arg9[%add3A_842, %dma_wait3A] : memref<10112x128xf32, #tpu.memory_space<vmem_shared>> -> memref<16x128xf32, #tpu.memory_space<vmem_shared>>
      %dma_wait3A_992 = arith.constant 0 : i32
      %dma_wait3A_993 = tpu.memref_slice %arg9[%add3A_842, %dma_wait3A_992] : memref<10112x128xf32, #tpu.memory_space<vmem_shared>> -> memref<16x128xf32, #tpu.memory_space<vmem_shared>>
      tpu.wait_dma2 semaphore(%run_scoped3A_986 : memref<!tpu.dma_semaphore, #tpu.memory_space<semaphore_mem>>) src(%arg8 : memref<16x128xf32, #tpu.memory_space<vmem>>) dst(%dma_wait3A_993 : memref<16x128xf32, #tpu.memory_space<vmem_shared>>)
      tpu.yield
    }) : () -> ()
    %mul3A_843 = arith.constant 632 : i32
    %mul3A_844 = arith.muli %arg1, %mul3A_843 : i32
    %add3A_845 = arith.constant 288 : i32
    %add3A_846 = arith.addi %mul3A_844, %add3A_845 : i32
    "tpu.region"() ({
      %run_scoped3A_986 = tpu.sem_alloc : memref<!tpu.dma_semaphore, #tpu.memory_space<semaphore_mem>>
      %dma_start3A_987 = arith.constant 0 : i32
      %dma_start3A_988 = tpu.memref_slice %arg9[%add3A_846, %dma_start3A_987] : memref<10112x128xf32, #tpu.memory_space<vmem_shared>> -> memref<16x128xf32, #tpu.memory_space<vmem_shared>>
      %dma_start3A_989 = arith.constant 0 : i32
      %dma_start3A_990 = tpu.memref_slice %arg9[%add3A_846, %dma_start3A_989] : memref<10112x128xf32, #tpu.memory_space<vmem_shared>> -> memref<16x128xf32, #tpu.memory_space<vmem_shared>>
      tpu.enqueue_dma source(%arg8 : memref<16x128xf32, #tpu.memory_space<vmem>>) target(%dma_start3A_990 : memref<16x128xf32, #tpu.memory_space<vmem_shared>>) target_semaphore(%run_scoped3A_986 : memref<!tpu.dma_semaphore, #tpu.memory_space<semaphore_mem>>)
      %dma_wait3A = arith.constant 0 : i32
      %dma_wait3A_991 = tpu.memref_slice %arg9[%add3A_846, %dma_wait3A] : memref<10112x128xf32, #tpu.memory_space<vmem_shared>> -> memref<16x128xf32, #tpu.memory_space<vmem_shared>>
      %dma_wait3A_992 = arith.constant 0 : i32
      %dma_wait3A_993 = tpu.memref_slice %arg9[%add3A_846, %dma_wait3A_992] : memref<10112x128xf32, #tpu.memory_space<vmem_shared>> -> memref<16x128xf32, #tpu.memory_space<vmem_shared>>
      tpu.wait_dma2 semaphore(%run_scoped3A_986 : memref<!tpu.dma_semaphore, #tpu.memory_space<semaphore_mem>>) src(%arg8 : memref<16x128xf32, #tpu.memory_space<vmem>>) dst(%dma_wait3A_993 : memref<16x128xf32, #tpu.memory_space<vmem_shared>>)
      tpu.yield
    }) : () -> ()
    %mul3A_847 = arith.constant 632 : i32
    %mul3A_848 = arith.muli %arg1, %mul3A_847 : i32
    %add3A_849 = arith.constant 304 : i32
    %add3A_850 = arith.addi %mul3A_848, %add3A_849 : i32
    "tpu.region"() ({
      %run_scoped3A_986 = tpu.sem_alloc : memref<!tpu.dma_semaphore, #tpu.memory_space<semaphore_mem>>
      %dma_start3A_987 = arith.constant 0 : i32
      %dma_start3A_988 = tpu.memref_slice %arg9[%add3A_850, %dma_start3A_987] : memref<10112x128xf32, #tpu.memory_space<vmem_shared>> -> memref<16x128xf32, #tpu.memory_space<vmem_shared>>
      %dma_start3A_989 = arith.constant 0 : i32
      %dma_start3A_990 = tpu.memref_slice %arg9[%add3A_850, %dma_start3A_989] : memref<10112x128xf32, #tpu.memory_space<vmem_shared>> -> memref<16x128xf32, #tpu.memory_space<vmem_shared>>
      tpu.enqueue_dma source(%arg8 : memref<16x128xf32, #tpu.memory_space<vmem>>) target(%dma_start3A_990 : memref<16x128xf32, #tpu.memory_space<vmem_shared>>) target_semaphore(%run_scoped3A_986 : memref<!tpu.dma_semaphore, #tpu.memory_space<semaphore_mem>>)
      %dma_wait3A = arith.constant 0 : i32
      %dma_wait3A_991 = tpu.memref_slice %arg9[%add3A_850, %dma_wait3A] : memref<10112x128xf32, #tpu.memory_space<vmem_shared>> -> memref<16x128xf32, #tpu.memory_space<vmem_shared>>
      %dma_wait3A_992 = arith.constant 0 : i32
      %dma_wait3A_993 = tpu.memref_slice %arg9[%add3A_850, %dma_wait3A_992] : memref<10112x128xf32, #tpu.memory_space<vmem_shared>> -> memref<16x128xf32, #tpu.memory_space<vmem_shared>>
      tpu.wait_dma2 semaphore(%run_scoped3A_986 : memref<!tpu.dma_semaphore, #tpu.memory_space<semaphore_mem>>) src(%arg8 : memref<16x128xf32, #tpu.memory_space<vmem>>) dst(%dma_wait3A_993 : memref<16x128xf32, #tpu.memory_space<vmem_shared>>)
      tpu.yield
    }) : () -> ()
    %mul3A_851 = arith.constant 632 : i32
    %mul3A_852 = arith.muli %arg1, %mul3A_851 : i32
    %add3A_853 = arith.constant 320 : i32
    %add3A_854 = arith.addi %mul3A_852, %add3A_853 : i32
    "tpu.region"() ({
      %run_scoped3A_986 = tpu.sem_alloc : memref<!tpu.dma_semaphore, #tpu.memory_space<semaphore_mem>>
      %dma_start3A_987 = arith.constant 0 : i32
      %dma_start3A_988 = tpu.memref_slice %arg9[%add3A_854, %dma_start3A_987] : memref<10112x128xf32, #tpu.memory_space<vmem_shared>> -> memref<16x128xf32, #tpu.memory_space<vmem_shared>>
      %dma_start3A_989 = arith.constant 0 : i32
      %dma_start3A_990 = tpu.memref_slice %arg9[%add3A_854, %dma_start3A_989] : memref<10112x128xf32, #tpu.memory_space<vmem_shared>> -> memref<16x128xf32, #tpu.memory_space<vmem_shared>>
      tpu.enqueue_dma source(%arg8 : memref<16x128xf32, #tpu.memory_space<vmem>>) target(%dma_start3A_990 : memref<16x128xf32, #tpu.memory_space<vmem_shared>>) target_semaphore(%run_scoped3A_986 : memref<!tpu.dma_semaphore, #tpu.memory_space<semaphore_mem>>)
      %dma_wait3A = arith.constant 0 : i32
      %dma_wait3A_991 = tpu.memref_slice %arg9[%add3A_854, %dma_wait3A] : memref<10112x128xf32, #tpu.memory_space<vmem_shared>> -> memref<16x128xf32, #tpu.memory_space<vmem_shared>>
      %dma_wait3A_992 = arith.constant 0 : i32
      %dma_wait3A_993 = tpu.memref_slice %arg9[%add3A_854, %dma_wait3A_992] : memref<10112x128xf32, #tpu.memory_space<vmem_shared>> -> memref<16x128xf32, #tpu.memory_space<vmem_shared>>
      tpu.wait_dma2 semaphore(%run_scoped3A_986 : memref<!tpu.dma_semaphore, #tpu.memory_space<semaphore_mem>>) src(%arg8 : memref<16x128xf32, #tpu.memory_space<vmem>>) dst(%dma_wait3A_993 : memref<16x128xf32, #tpu.memory_space<vmem_shared>>)
      tpu.yield
    }) : () -> ()
    %mul3A_855 = arith.constant 632 : i32
    %mul3A_856 = arith.muli %arg1, %mul3A_855 : i32
    %add3A_857 = arith.constant 336 : i32
    %add3A_858 = arith.addi %mul3A_856, %add3A_857 : i32
    "tpu.region"() ({
      %run_scoped3A_986 = tpu.sem_alloc : memref<!tpu.dma_semaphore, #tpu.memory_space<semaphore_mem>>
      %dma_start3A_987 = arith.constant 0 : i32
      %dma_start3A_988 = tpu.memref_slice %arg9[%add3A_858, %dma_start3A_987] : memref<10112x128xf32, #tpu.memory_space<vmem_shared>> -> memref<16x128xf32, #tpu.memory_space<vmem_shared>>
      %dma_start3A_989 = arith.constant 0 : i32
      %dma_start3A_990 = tpu.memref_slice %arg9[%add3A_858, %dma_start3A_989] : memref<10112x128xf32, #tpu.memory_space<vmem_shared>> -> memref<16x128xf32, #tpu.memory_space<vmem_shared>>
      tpu.enqueue_dma source(%arg8 : memref<16x128xf32, #tpu.memory_space<vmem>>) target(%dma_start3A_990 : memref<16x128xf32, #tpu.memory_space<vmem_shared>>) target_semaphore(%run_scoped3A_986 : memref<!tpu.dma_semaphore, #tpu.memory_space<semaphore_mem>>)
      %dma_wait3A = arith.constant 0 : i32
      %dma_wait3A_991 = tpu.memref_slice %arg9[%add3A_858, %dma_wait3A] : memref<10112x128xf32, #tpu.memory_space<vmem_shared>> -> memref<16x128xf32, #tpu.memory_space<vmem_shared>>
      %dma_wait3A_992 = arith.constant 0 : i32
      %dma_wait3A_993 = tpu.memref_slice %arg9[%add3A_858, %dma_wait3A_992] : memref<10112x128xf32, #tpu.memory_space<vmem_shared>> -> memref<16x128xf32, #tpu.memory_space<vmem_shared>>
      tpu.wait_dma2 semaphore(%run_scoped3A_986 : memref<!tpu.dma_semaphore, #tpu.memory_space<semaphore_mem>>) src(%arg8 : memref<16x128xf32, #tpu.memory_space<vmem>>) dst(%dma_wait3A_993 : memref<16x128xf32, #tpu.memory_space<vmem_shared>>)
      tpu.yield
    }) : () -> ()
    %mul3A_859 = arith.constant 632 : i32
    %mul3A_860 = arith.muli %arg1, %mul3A_859 : i32
    %add3A_861 = arith.constant 352 : i32
    %add3A_862 = arith.addi %mul3A_860, %add3A_861 : i32
    "tpu.region"() ({
      %run_scoped3A_986 = tpu.sem_alloc : memref<!tpu.dma_semaphore, #tpu.memory_space<semaphore_mem>>
      %dma_start3A_987 = arith.constant 0 : i32
      %dma_start3A_988 = tpu.memref_slice %arg9[%add3A_862, %dma_start3A_987] : memref<10112x128xf32, #tpu.memory_space<vmem_shared>> -> memref<16x128xf32, #tpu.memory_space<vmem_shared>>
      %dma_start3A_989 = arith.constant 0 : i32
      %dma_start3A_990 = tpu.memref_slice %arg9[%add3A_862, %dma_start3A_989] : memref<10112x128xf32, #tpu.memory_space<vmem_shared>> -> memref<16x128xf32, #tpu.memory_space<vmem_shared>>
      tpu.enqueue_dma source(%arg8 : memref<16x128xf32, #tpu.memory_space<vmem>>) target(%dma_start3A_990 : memref<16x128xf32, #tpu.memory_space<vmem_shared>>) target_semaphore(%run_scoped3A_986 : memref<!tpu.dma_semaphore, #tpu.memory_space<semaphore_mem>>)
      %dma_wait3A = arith.constant 0 : i32
      %dma_wait3A_991 = tpu.memref_slice %arg9[%add3A_862, %dma_wait3A] : memref<10112x128xf32, #tpu.memory_space<vmem_shared>> -> memref<16x128xf32, #tpu.memory_space<vmem_shared>>
      %dma_wait3A_992 = arith.constant 0 : i32
      %dma_wait3A_993 = tpu.memref_slice %arg9[%add3A_862, %dma_wait3A_992] : memref<10112x128xf32, #tpu.memory_space<vmem_shared>> -> memref<16x128xf32, #tpu.memory_space<vmem_shared>>
      tpu.wait_dma2 semaphore(%run_scoped3A_986 : memref<!tpu.dma_semaphore, #tpu.memory_space<semaphore_mem>>) src(%arg8 : memref<16x128xf32, #tpu.memory_space<vmem>>) dst(%dma_wait3A_993 : memref<16x128xf32, #tpu.memory_space<vmem_shared>>)
      tpu.yield
    }) : () -> ()
    %mul3A_863 = arith.constant 632 : i32
    %mul3A_864 = arith.muli %arg1, %mul3A_863 : i32
    %add3A_865 = arith.constant 368 : i32
    %add3A_866 = arith.addi %mul3A_864, %add3A_865 : i32
    "tpu.region"() ({
      %run_scoped3A_986 = tpu.sem_alloc : memref<!tpu.dma_semaphore, #tpu.memory_space<semaphore_mem>>
      %dma_start3A_987 = arith.constant 0 : i32
      %dma_start3A_988 = tpu.memref_slice %arg9[%add3A_866, %dma_start3A_987] : memref<10112x128xf32, #tpu.memory_space<vmem_shared>> -> memref<16x128xf32, #tpu.memory_space<vmem_shared>>
      %dma_start3A_989 = arith.constant 0 : i32
      %dma_start3A_990 = tpu.memref_slice %arg9[%add3A_866, %dma_start3A_989] : memref<10112x128xf32, #tpu.memory_space<vmem_shared>> -> memref<16x128xf32, #tpu.memory_space<vmem_shared>>
      tpu.enqueue_dma source(%arg8 : memref<16x128xf32, #tpu.memory_space<vmem>>) target(%dma_start3A_990 : memref<16x128xf32, #tpu.memory_space<vmem_shared>>) target_semaphore(%run_scoped3A_986 : memref<!tpu.dma_semaphore, #tpu.memory_space<semaphore_mem>>)
      %dma_wait3A = arith.constant 0 : i32
      %dma_wait3A_991 = tpu.memref_slice %arg9[%add3A_866, %dma_wait3A] : memref<10112x128xf32, #tpu.memory_space<vmem_shared>> -> memref<16x128xf32, #tpu.memory_space<vmem_shared>>
      %dma_wait3A_992 = arith.constant 0 : i32
      %dma_wait3A_993 = tpu.memref_slice %arg9[%add3A_866, %dma_wait3A_992] : memref<10112x128xf32, #tpu.memory_space<vmem_shared>> -> memref<16x128xf32, #tpu.memory_space<vmem_shared>>
      tpu.wait_dma2 semaphore(%run_scoped3A_986 : memref<!tpu.dma_semaphore, #tpu.memory_space<semaphore_mem>>) src(%arg8 : memref<16x128xf32, #tpu.memory_space<vmem>>) dst(%dma_wait3A_993 : memref<16x128xf32, #tpu.memory_space<vmem_shared>>)
      tpu.yield
    }) : () -> ()
    %mul3A_867 = arith.constant 632 : i32
    %mul3A_868 = arith.muli %arg1, %mul3A_867 : i32
    %add3A_869 = arith.constant 384 : i32
    %add3A_870 = arith.addi %mul3A_868, %add3A_869 : i32
    "tpu.region"() ({
      %run_scoped3A_986 = tpu.sem_alloc : memref<!tpu.dma_semaphore, #tpu.memory_space<semaphore_mem>>
      %dma_start3A_987 = arith.constant 0 : i32
      %dma_start3A_988 = tpu.memref_slice %arg9[%add3A_870, %dma_start3A_987] : memref<10112x128xf32, #tpu.memory_space<vmem_shared>> -> memref<16x128xf32, #tpu.memory_space<vmem_shared>>
      %dma_start3A_989 = arith.constant 0 : i32
      %dma_start3A_990 = tpu.memref_slice %arg9[%add3A_870, %dma_start3A_989] : memref<10112x128xf32, #tpu.memory_space<vmem_shared>> -> memref<16x128xf32, #tpu.memory_space<vmem_shared>>
      tpu.enqueue_dma source(%arg8 : memref<16x128xf32, #tpu.memory_space<vmem>>) target(%dma_start3A_990 : memref<16x128xf32, #tpu.memory_space<vmem_shared>>) target_semaphore(%run_scoped3A_986 : memref<!tpu.dma_semaphore, #tpu.memory_space<semaphore_mem>>)
      %dma_wait3A = arith.constant 0 : i32
      %dma_wait3A_991 = tpu.memref_slice %arg9[%add3A_870, %dma_wait3A] : memref<10112x128xf32, #tpu.memory_space<vmem_shared>> -> memref<16x128xf32, #tpu.memory_space<vmem_shared>>
      %dma_wait3A_992 = arith.constant 0 : i32
      %dma_wait3A_993 = tpu.memref_slice %arg9[%add3A_870, %dma_wait3A_992] : memref<10112x128xf32, #tpu.memory_space<vmem_shared>> -> memref<16x128xf32, #tpu.memory_space<vmem_shared>>
      tpu.wait_dma2 semaphore(%run_scoped3A_986 : memref<!tpu.dma_semaphore, #tpu.memory_space<semaphore_mem>>) src(%arg8 : memref<16x128xf32, #tpu.memory_space<vmem>>) dst(%dma_wait3A_993 : memref<16x128xf32, #tpu.memory_space<vmem_shared>>)
      tpu.yield
    }) : () -> ()
    %mul3A_871 = arith.constant 632 : i32
    %mul3A_872 = arith.muli %arg1, %mul3A_871 : i32
    %add3A_873 = arith.constant 400 : i32
    %add3A_874 = arith.addi %mul3A_872, %add3A_873 : i32
    "tpu.region"() ({
      %run_scoped3A_986 = tpu.sem_alloc : memref<!tpu.dma_semaphore, #tpu.memory_space<semaphore_mem>>
      %dma_start3A_987 = arith.constant 0 : i32
      %dma_start3A_988 = tpu.memref_slice %arg9[%add3A_874, %dma_start3A_987] : memref<10112x128xf32, #tpu.memory_space<vmem_shared>> -> memref<16x128xf32, #tpu.memory_space<vmem_shared>>
      %dma_start3A_989 = arith.constant 0 : i32
      %dma_start3A_990 = tpu.memref_slice %arg9[%add3A_874, %dma_start3A_989] : memref<10112x128xf32, #tpu.memory_space<vmem_shared>> -> memref<16x128xf32, #tpu.memory_space<vmem_shared>>
      tpu.enqueue_dma source(%arg8 : memref<16x128xf32, #tpu.memory_space<vmem>>) target(%dma_start3A_990 : memref<16x128xf32, #tpu.memory_space<vmem_shared>>) target_semaphore(%run_scoped3A_986 : memref<!tpu.dma_semaphore, #tpu.memory_space<semaphore_mem>>)
      %dma_wait3A = arith.constant 0 : i32
      %dma_wait3A_991 = tpu.memref_slice %arg9[%add3A_874, %dma_wait3A] : memref<10112x128xf32, #tpu.memory_space<vmem_shared>> -> memref<16x128xf32, #tpu.memory_space<vmem_shared>>
      %dma_wait3A_992 = arith.constant 0 : i32
      %dma_wait3A_993 = tpu.memref_slice %arg9[%add3A_874, %dma_wait3A_992] : memref<10112x128xf32, #tpu.memory_space<vmem_shared>> -> memref<16x128xf32, #tpu.memory_space<vmem_shared>>
      tpu.wait_dma2 semaphore(%run_scoped3A_986 : memref<!tpu.dma_semaphore, #tpu.memory_space<semaphore_mem>>) src(%arg8 : memref<16x128xf32, #tpu.memory_space<vmem>>) dst(%dma_wait3A_993 : memref<16x128xf32, #tpu.memory_space<vmem_shared>>)
      tpu.yield
    }) : () -> ()
    %mul3A_875 = arith.constant 632 : i32
    %mul3A_876 = arith.muli %arg1, %mul3A_875 : i32
    %add3A_877 = arith.constant 416 : i32
    %add3A_878 = arith.addi %mul3A_876, %add3A_877 : i32
    "tpu.region"() ({
      %run_scoped3A_986 = tpu.sem_alloc : memref<!tpu.dma_semaphore, #tpu.memory_space<semaphore_mem>>
      %dma_start3A_987 = arith.constant 0 : i32
      %dma_start3A_988 = tpu.memref_slice %arg9[%add3A_878, %dma_start3A_987] : memref<10112x128xf32, #tpu.memory_space<vmem_shared>> -> memref<16x128xf32, #tpu.memory_space<vmem_shared>>
      %dma_start3A_989 = arith.constant 0 : i32
      %dma_start3A_990 = tpu.memref_slice %arg9[%add3A_878, %dma_start3A_989] : memref<10112x128xf32, #tpu.memory_space<vmem_shared>> -> memref<16x128xf32, #tpu.memory_space<vmem_shared>>
      tpu.enqueue_dma source(%arg8 : memref<16x128xf32, #tpu.memory_space<vmem>>) target(%dma_start3A_990 : memref<16x128xf32, #tpu.memory_space<vmem_shared>>) target_semaphore(%run_scoped3A_986 : memref<!tpu.dma_semaphore, #tpu.memory_space<semaphore_mem>>)
      %dma_wait3A = arith.constant 0 : i32
      %dma_wait3A_991 = tpu.memref_slice %arg9[%add3A_878, %dma_wait3A] : memref<10112x128xf32, #tpu.memory_space<vmem_shared>> -> memref<16x128xf32, #tpu.memory_space<vmem_shared>>
      %dma_wait3A_992 = arith.constant 0 : i32
      %dma_wait3A_993 = tpu.memref_slice %arg9[%add3A_878, %dma_wait3A_992] : memref<10112x128xf32, #tpu.memory_space<vmem_shared>> -> memref<16x128xf32, #tpu.memory_space<vmem_shared>>
      tpu.wait_dma2 semaphore(%run_scoped3A_986 : memref<!tpu.dma_semaphore, #tpu.memory_space<semaphore_mem>>) src(%arg8 : memref<16x128xf32, #tpu.memory_space<vmem>>) dst(%dma_wait3A_993 : memref<16x128xf32, #tpu.memory_space<vmem_shared>>)
      tpu.yield
    }) : () -> ()
    %mul3A_879 = arith.constant 632 : i32
    %mul3A_880 = arith.muli %arg1, %mul3A_879 : i32
    %add3A_881 = arith.constant 432 : i32
    %add3A_882 = arith.addi %mul3A_880, %add3A_881 : i32
    "tpu.region"() ({
      %run_scoped3A_986 = tpu.sem_alloc : memref<!tpu.dma_semaphore, #tpu.memory_space<semaphore_mem>>
      %dma_start3A_987 = arith.constant 0 : i32
      %dma_start3A_988 = tpu.memref_slice %arg9[%add3A_882, %dma_start3A_987] : memref<10112x128xf32, #tpu.memory_space<vmem_shared>> -> memref<16x128xf32, #tpu.memory_space<vmem_shared>>
      %dma_start3A_989 = arith.constant 0 : i32
      %dma_start3A_990 = tpu.memref_slice %arg9[%add3A_882, %dma_start3A_989] : memref<10112x128xf32, #tpu.memory_space<vmem_shared>> -> memref<16x128xf32, #tpu.memory_space<vmem_shared>>
      tpu.enqueue_dma source(%arg8 : memref<16x128xf32, #tpu.memory_space<vmem>>) target(%dma_start3A_990 : memref<16x128xf32, #tpu.memory_space<vmem_shared>>) target_semaphore(%run_scoped3A_986 : memref<!tpu.dma_semaphore, #tpu.memory_space<semaphore_mem>>)
      %dma_wait3A = arith.constant 0 : i32
      %dma_wait3A_991 = tpu.memref_slice %arg9[%add3A_882, %dma_wait3A] : memref<10112x128xf32, #tpu.memory_space<vmem_shared>> -> memref<16x128xf32, #tpu.memory_space<vmem_shared>>
      %dma_wait3A_992 = arith.constant 0 : i32
      %dma_wait3A_993 = tpu.memref_slice %arg9[%add3A_882, %dma_wait3A_992] : memref<10112x128xf32, #tpu.memory_space<vmem_shared>> -> memref<16x128xf32, #tpu.memory_space<vmem_shared>>
      tpu.wait_dma2 semaphore(%run_scoped3A_986 : memref<!tpu.dma_semaphore, #tpu.memory_space<semaphore_mem>>) src(%arg8 : memref<16x128xf32, #tpu.memory_space<vmem>>) dst(%dma_wait3A_993 : memref<16x128xf32, #tpu.memory_space<vmem_shared>>)
      tpu.yield
    }) : () -> ()
    %mul3A_883 = arith.constant 632 : i32
    %mul3A_884 = arith.muli %arg1, %mul3A_883 : i32
    %add3A_885 = arith.constant 448 : i32
    %add3A_886 = arith.addi %mul3A_884, %add3A_885 : i32
    "tpu.region"() ({
      %run_scoped3A_986 = tpu.sem_alloc : memref<!tpu.dma_semaphore, #tpu.memory_space<semaphore_mem>>
      %dma_start3A_987 = arith.constant 0 : i32
      %dma_start3A_988 = tpu.memref_slice %arg9[%add3A_886, %dma_start3A_987] : memref<10112x128xf32, #tpu.memory_space<vmem_shared>> -> memref<16x128xf32, #tpu.memory_space<vmem_shared>>
      %dma_start3A_989 = arith.constant 0 : i32
      %dma_start3A_990 = tpu.memref_slice %arg9[%add3A_886, %dma_start3A_989] : memref<10112x128xf32, #tpu.memory_space<vmem_shared>> -> memref<16x128xf32, #tpu.memory_space<vmem_shared>>
      tpu.enqueue_dma source(%arg8 : memref<16x128xf32, #tpu.memory_space<vmem>>) target(%dma_start3A_990 : memref<16x128xf32, #tpu.memory_space<vmem_shared>>) target_semaphore(%run_scoped3A_986 : memref<!tpu.dma_semaphore, #tpu.memory_space<semaphore_mem>>)
      %dma_wait3A = arith.constant 0 : i32
      %dma_wait3A_991 = tpu.memref_slice %arg9[%add3A_886, %dma_wait3A] : memref<10112x128xf32, #tpu.memory_space<vmem_shared>> -> memref<16x128xf32, #tpu.memory_space<vmem_shared>>
      %dma_wait3A_992 = arith.constant 0 : i32
      %dma_wait3A_993 = tpu.memref_slice %arg9[%add3A_886, %dma_wait3A_992] : memref<10112x128xf32, #tpu.memory_space<vmem_shared>> -> memref<16x128xf32, #tpu.memory_space<vmem_shared>>
      tpu.wait_dma2 semaphore(%run_scoped3A_986 : memref<!tpu.dma_semaphore, #tpu.memory_space<semaphore_mem>>) src(%arg8 : memref<16x128xf32, #tpu.memory_space<vmem>>) dst(%dma_wait3A_993 : memref<16x128xf32, #tpu.memory_space<vmem_shared>>)
      tpu.yield
    }) : () -> ()
    %mul3A_887 = arith.constant 632 : i32
    %mul3A_888 = arith.muli %arg1, %mul3A_887 : i32
    %add3A_889 = arith.constant 464 : i32
    %add3A_890 = arith.addi %mul3A_888, %add3A_889 : i32
    "tpu.region"() ({
      %run_scoped3A_986 = tpu.sem_alloc : memref<!tpu.dma_semaphore, #tpu.memory_space<semaphore_mem>>
      %dma_start3A_987 = arith.constant 0 : i32
      %dma_start3A_988 = tpu.memref_slice %arg9[%add3A_890, %dma_start3A_987] : memref<10112x128xf32, #tpu.memory_space<vmem_shared>> -> memref<16x128xf32, #tpu.memory_space<vmem_shared>>
      %dma_start3A_989 = arith.constant 0 : i32
      %dma_start3A_990 = tpu.memref_slice %arg9[%add3A_890, %dma_start3A_989] : memref<10112x128xf32, #tpu.memory_space<vmem_shared>> -> memref<16x128xf32, #tpu.memory_space<vmem_shared>>
      tpu.enqueue_dma source(%arg8 : memref<16x128xf32, #tpu.memory_space<vmem>>) target(%dma_start3A_990 : memref<16x128xf32, #tpu.memory_space<vmem_shared>>) target_semaphore(%run_scoped3A_986 : memref<!tpu.dma_semaphore, #tpu.memory_space<semaphore_mem>>)
      %dma_wait3A = arith.constant 0 : i32
      %dma_wait3A_991 = tpu.memref_slice %arg9[%add3A_890, %dma_wait3A] : memref<10112x128xf32, #tpu.memory_space<vmem_shared>> -> memref<16x128xf32, #tpu.memory_space<vmem_shared>>
      %dma_wait3A_992 = arith.constant 0 : i32
      %dma_wait3A_993 = tpu.memref_slice %arg9[%add3A_890, %dma_wait3A_992] : memref<10112x128xf32, #tpu.memory_space<vmem_shared>> -> memref<16x128xf32, #tpu.memory_space<vmem_shared>>
      tpu.wait_dma2 semaphore(%run_scoped3A_986 : memref<!tpu.dma_semaphore, #tpu.memory_space<semaphore_mem>>) src(%arg8 : memref<16x128xf32, #tpu.memory_space<vmem>>) dst(%dma_wait3A_993 : memref<16x128xf32, #tpu.memory_space<vmem_shared>>)
      tpu.yield
    }) : () -> ()
    %mul3A_891 = arith.constant 632 : i32
    %mul3A_892 = arith.muli %arg1, %mul3A_891 : i32
    %add3A_893 = arith.constant 480 : i32
    %add3A_894 = arith.addi %mul3A_892, %add3A_893 : i32
    "tpu.region"() ({
      %run_scoped3A_986 = tpu.sem_alloc : memref<!tpu.dma_semaphore, #tpu.memory_space<semaphore_mem>>
      %dma_start3A_987 = arith.constant 0 : i32
      %dma_start3A_988 = tpu.memref_slice %arg9[%add3A_894, %dma_start3A_987] : memref<10112x128xf32, #tpu.memory_space<vmem_shared>> -> memref<16x128xf32, #tpu.memory_space<vmem_shared>>
      %dma_start3A_989 = arith.constant 0 : i32
      %dma_start3A_990 = tpu.memref_slice %arg9[%add3A_894, %dma_start3A_989] : memref<10112x128xf32, #tpu.memory_space<vmem_shared>> -> memref<16x128xf32, #tpu.memory_space<vmem_shared>>
      tpu.enqueue_dma source(%arg8 : memref<16x128xf32, #tpu.memory_space<vmem>>) target(%dma_start3A_990 : memref<16x128xf32, #tpu.memory_space<vmem_shared>>) target_semaphore(%run_scoped3A_986 : memref<!tpu.dma_semaphore, #tpu.memory_space<semaphore_mem>>)
      %dma_wait3A = arith.constant 0 : i32
      %dma_wait3A_991 = tpu.memref_slice %arg9[%add3A_894, %dma_wait3A] : memref<10112x128xf32, #tpu.memory_space<vmem_shared>> -> memref<16x128xf32, #tpu.memory_space<vmem_shared>>
      %dma_wait3A_992 = arith.constant 0 : i32
      %dma_wait3A_993 = tpu.memref_slice %arg9[%add3A_894, %dma_wait3A_992] : memref<10112x128xf32, #tpu.memory_space<vmem_shared>> -> memref<16x128xf32, #tpu.memory_space<vmem_shared>>
      tpu.wait_dma2 semaphore(%run_scoped3A_986 : memref<!tpu.dma_semaphore, #tpu.memory_space<semaphore_mem>>) src(%arg8 : memref<16x128xf32, #tpu.memory_space<vmem>>) dst(%dma_wait3A_993 : memref<16x128xf32, #tpu.memory_space<vmem_shared>>)
      tpu.yield
    }) : () -> ()
    %mul3A_895 = arith.constant 632 : i32
    %mul3A_896 = arith.muli %arg1, %mul3A_895 : i32
    %add3A_897 = arith.constant 496 : i32
    %add3A_898 = arith.addi %mul3A_896, %add3A_897 : i32
    "tpu.region"() ({
      %run_scoped3A_986 = tpu.sem_alloc : memref<!tpu.dma_semaphore, #tpu.memory_space<semaphore_mem>>
      %dma_start3A_987 = arith.constant 0 : i32
      %dma_start3A_988 = tpu.memref_slice %arg9[%add3A_898, %dma_start3A_987] : memref<10112x128xf32, #tpu.memory_space<vmem_shared>> -> memref<16x128xf32, #tpu.memory_space<vmem_shared>>
      %dma_start3A_989 = arith.constant 0 : i32
      %dma_start3A_990 = tpu.memref_slice %arg9[%add3A_898, %dma_start3A_989] : memref<10112x128xf32, #tpu.memory_space<vmem_shared>> -> memref<16x128xf32, #tpu.memory_space<vmem_shared>>
      tpu.enqueue_dma source(%arg8 : memref<16x128xf32, #tpu.memory_space<vmem>>) target(%dma_start3A_990 : memref<16x128xf32, #tpu.memory_space<vmem_shared>>) target_semaphore(%run_scoped3A_986 : memref<!tpu.dma_semaphore, #tpu.memory_space<semaphore_mem>>)
      %dma_wait3A = arith.constant 0 : i32
      %dma_wait3A_991 = tpu.memref_slice %arg9[%add3A_898, %dma_wait3A] : memref<10112x128xf32, #tpu.memory_space<vmem_shared>> -> memref<16x128xf32, #tpu.memory_space<vmem_shared>>
      %dma_wait3A_992 = arith.constant 0 : i32
      %dma_wait3A_993 = tpu.memref_slice %arg9[%add3A_898, %dma_wait3A_992] : memref<10112x128xf32, #tpu.memory_space<vmem_shared>> -> memref<16x128xf32, #tpu.memory_space<vmem_shared>>
      tpu.wait_dma2 semaphore(%run_scoped3A_986 : memref<!tpu.dma_semaphore, #tpu.memory_space<semaphore_mem>>) src(%arg8 : memref<16x128xf32, #tpu.memory_space<vmem>>) dst(%dma_wait3A_993 : memref<16x128xf32, #tpu.memory_space<vmem_shared>>)
      tpu.yield
    }) : () -> ()
    %mul3A_899 = arith.constant 632 : i32
    %mul3A_900 = arith.muli %arg1, %mul3A_899 : i32
    %add3A_901 = arith.constant 512 : i32
    %add3A_902 = arith.addi %mul3A_900, %add3A_901 : i32
    "tpu.region"() ({
      %run_scoped3A_986 = tpu.sem_alloc : memref<!tpu.dma_semaphore, #tpu.memory_space<semaphore_mem>>
      %dma_start3A_987 = arith.constant 0 : i32
      %dma_start3A_988 = tpu.memref_slice %arg9[%add3A_902, %dma_start3A_987] : memref<10112x128xf32, #tpu.memory_space<vmem_shared>> -> memref<16x128xf32, #tpu.memory_space<vmem_shared>>
      %dma_start3A_989 = arith.constant 0 : i32
      %dma_start3A_990 = tpu.memref_slice %arg9[%add3A_902, %dma_start3A_989] : memref<10112x128xf32, #tpu.memory_space<vmem_shared>> -> memref<16x128xf32, #tpu.memory_space<vmem_shared>>
      tpu.enqueue_dma source(%arg8 : memref<16x128xf32, #tpu.memory_space<vmem>>) target(%dma_start3A_990 : memref<16x128xf32, #tpu.memory_space<vmem_shared>>) target_semaphore(%run_scoped3A_986 : memref<!tpu.dma_semaphore, #tpu.memory_space<semaphore_mem>>)
      %dma_wait3A = arith.constant 0 : i32
      %dma_wait3A_991 = tpu.memref_slice %arg9[%add3A_902, %dma_wait3A] : memref<10112x128xf32, #tpu.memory_space<vmem_shared>> -> memref<16x128xf32, #tpu.memory_space<vmem_shared>>
      %dma_wait3A_992 = arith.constant 0 : i32
      %dma_wait3A_993 = tpu.memref_slice %arg9[%add3A_902, %dma_wait3A_992] : memref<10112x128xf32, #tpu.memory_space<vmem_shared>> -> memref<16x128xf32, #tpu.memory_space<vmem_shared>>
      tpu.wait_dma2 semaphore(%run_scoped3A_986 : memref<!tpu.dma_semaphore, #tpu.memory_space<semaphore_mem>>) src(%arg8 : memref<16x128xf32, #tpu.memory_space<vmem>>) dst(%dma_wait3A_993 : memref<16x128xf32, #tpu.memory_space<vmem_shared>>)
      tpu.yield
    }) : () -> ()
    %mul3A_903 = arith.constant 632 : i32
    %mul3A_904 = arith.muli %arg1, %mul3A_903 : i32
    %add3A_905 = arith.constant 528 : i32
    %add3A_906 = arith.addi %mul3A_904, %add3A_905 : i32
    "tpu.region"() ({
      %run_scoped3A_986 = tpu.sem_alloc : memref<!tpu.dma_semaphore, #tpu.memory_space<semaphore_mem>>
      %dma_start3A_987 = arith.constant 0 : i32
      %dma_start3A_988 = tpu.memref_slice %arg9[%add3A_906, %dma_start3A_987] : memref<10112x128xf32, #tpu.memory_space<vmem_shared>> -> memref<16x128xf32, #tpu.memory_space<vmem_shared>>
      %dma_start3A_989 = arith.constant 0 : i32
      %dma_start3A_990 = tpu.memref_slice %arg9[%add3A_906, %dma_start3A_989] : memref<10112x128xf32, #tpu.memory_space<vmem_shared>> -> memref<16x128xf32, #tpu.memory_space<vmem_shared>>
      tpu.enqueue_dma source(%arg8 : memref<16x128xf32, #tpu.memory_space<vmem>>) target(%dma_start3A_990 : memref<16x128xf32, #tpu.memory_space<vmem_shared>>) target_semaphore(%run_scoped3A_986 : memref<!tpu.dma_semaphore, #tpu.memory_space<semaphore_mem>>)
      %dma_wait3A = arith.constant 0 : i32
      %dma_wait3A_991 = tpu.memref_slice %arg9[%add3A_906, %dma_wait3A] : memref<10112x128xf32, #tpu.memory_space<vmem_shared>> -> memref<16x128xf32, #tpu.memory_space<vmem_shared>>
      %dma_wait3A_992 = arith.constant 0 : i32
      %dma_wait3A_993 = tpu.memref_slice %arg9[%add3A_906, %dma_wait3A_992] : memref<10112x128xf32, #tpu.memory_space<vmem_shared>> -> memref<16x128xf32, #tpu.memory_space<vmem_shared>>
      tpu.wait_dma2 semaphore(%run_scoped3A_986 : memref<!tpu.dma_semaphore, #tpu.memory_space<semaphore_mem>>) src(%arg8 : memref<16x128xf32, #tpu.memory_space<vmem>>) dst(%dma_wait3A_993 : memref<16x128xf32, #tpu.memory_space<vmem_shared>>)
      tpu.yield
    }) : () -> ()
    %mul3A_907 = arith.constant 632 : i32
    %mul3A_908 = arith.muli %arg1, %mul3A_907 : i32
    %add3A_909 = arith.constant 544 : i32
    %add3A_910 = arith.addi %mul3A_908, %add3A_909 : i32
    "tpu.region"() ({
      %run_scoped3A_986 = tpu.sem_alloc : memref<!tpu.dma_semaphore, #tpu.memory_space<semaphore_mem>>
      %dma_start3A_987 = arith.constant 0 : i32
      %dma_start3A_988 = tpu.memref_slice %arg9[%add3A_910, %dma_start3A_987] : memref<10112x128xf32, #tpu.memory_space<vmem_shared>> -> memref<16x128xf32, #tpu.memory_space<vmem_shared>>
      %dma_start3A_989 = arith.constant 0 : i32
      %dma_start3A_990 = tpu.memref_slice %arg9[%add3A_910, %dma_start3A_989] : memref<10112x128xf32, #tpu.memory_space<vmem_shared>> -> memref<16x128xf32, #tpu.memory_space<vmem_shared>>
      tpu.enqueue_dma source(%arg8 : memref<16x128xf32, #tpu.memory_space<vmem>>) target(%dma_start3A_990 : memref<16x128xf32, #tpu.memory_space<vmem_shared>>) target_semaphore(%run_scoped3A_986 : memref<!tpu.dma_semaphore, #tpu.memory_space<semaphore_mem>>)
      %dma_wait3A = arith.constant 0 : i32
      %dma_wait3A_991 = tpu.memref_slice %arg9[%add3A_910, %dma_wait3A] : memref<10112x128xf32, #tpu.memory_space<vmem_shared>> -> memref<16x128xf32, #tpu.memory_space<vmem_shared>>
      %dma_wait3A_992 = arith.constant 0 : i32
      %dma_wait3A_993 = tpu.memref_slice %arg9[%add3A_910, %dma_wait3A_992] : memref<10112x128xf32, #tpu.memory_space<vmem_shared>> -> memref<16x128xf32, #tpu.memory_space<vmem_shared>>
      tpu.wait_dma2 semaphore(%run_scoped3A_986 : memref<!tpu.dma_semaphore, #tpu.memory_space<semaphore_mem>>) src(%arg8 : memref<16x128xf32, #tpu.memory_space<vmem>>) dst(%dma_wait3A_993 : memref<16x128xf32, #tpu.memory_space<vmem_shared>>)
      tpu.yield
    }) : () -> ()
    %mul3A_911 = arith.constant 632 : i32
    %mul3A_912 = arith.muli %arg1, %mul3A_911 : i32
    %add3A_913 = arith.constant 560 : i32
    %add3A_914 = arith.addi %mul3A_912, %add3A_913 : i32
    "tpu.region"() ({
      %run_scoped3A_986 = tpu.sem_alloc : memref<!tpu.dma_semaphore, #tpu.memory_space<semaphore_mem>>
      %dma_start3A_987 = arith.constant 0 : i32
      %dma_start3A_988 = tpu.memref_slice %arg9[%add3A_914, %dma_start3A_987] : memref<10112x128xf32, #tpu.memory_space<vmem_shared>> -> memref<16x128xf32, #tpu.memory_space<vmem_shared>>
      %dma_start3A_989 = arith.constant 0 : i32
      %dma_start3A_990 = tpu.memref_slice %arg9[%add3A_914, %dma_start3A_989] : memref<10112x128xf32, #tpu.memory_space<vmem_shared>> -> memref<16x128xf32, #tpu.memory_space<vmem_shared>>
      tpu.enqueue_dma source(%arg8 : memref<16x128xf32, #tpu.memory_space<vmem>>) target(%dma_start3A_990 : memref<16x128xf32, #tpu.memory_space<vmem_shared>>) target_semaphore(%run_scoped3A_986 : memref<!tpu.dma_semaphore, #tpu.memory_space<semaphore_mem>>)
      %dma_wait3A = arith.constant 0 : i32
      %dma_wait3A_991 = tpu.memref_slice %arg9[%add3A_914, %dma_wait3A] : memref<10112x128xf32, #tpu.memory_space<vmem_shared>> -> memref<16x128xf32, #tpu.memory_space<vmem_shared>>
      %dma_wait3A_992 = arith.constant 0 : i32
      %dma_wait3A_993 = tpu.memref_slice %arg9[%add3A_914, %dma_wait3A_992] : memref<10112x128xf32, #tpu.memory_space<vmem_shared>> -> memref<16x128xf32, #tpu.memory_space<vmem_shared>>
      tpu.wait_dma2 semaphore(%run_scoped3A_986 : memref<!tpu.dma_semaphore, #tpu.memory_space<semaphore_mem>>) src(%arg8 : memref<16x128xf32, #tpu.memory_space<vmem>>) dst(%dma_wait3A_993 : memref<16x128xf32, #tpu.memory_space<vmem_shared>>)
      tpu.yield
    }) : () -> ()
    %mul3A_915 = arith.constant 632 : i32
    %mul3A_916 = arith.muli %arg1, %mul3A_915 : i32
    %add3A_917 = arith.constant 576 : i32
    %add3A_918 = arith.addi %mul3A_916, %add3A_917 : i32
    "tpu.region"() ({
      %run_scoped3A_986 = tpu.sem_alloc : memref<!tpu.dma_semaphore, #tpu.memory_space<semaphore_mem>>
      %dma_start3A_987 = arith.constant 0 : i32
      %dma_start3A_988 = tpu.memref_slice %arg9[%add3A_918, %dma_start3A_987] : memref<10112x128xf32, #tpu.memory_space<vmem_shared>> -> memref<16x128xf32, #tpu.memory_space<vmem_shared>>
      %dma_start3A_989 = arith.constant 0 : i32
      %dma_start3A_990 = tpu.memref_slice %arg9[%add3A_918, %dma_start3A_989] : memref<10112x128xf32, #tpu.memory_space<vmem_shared>> -> memref<16x128xf32, #tpu.memory_space<vmem_shared>>
      tpu.enqueue_dma source(%arg8 : memref<16x128xf32, #tpu.memory_space<vmem>>) target(%dma_start3A_990 : memref<16x128xf32, #tpu.memory_space<vmem_shared>>) target_semaphore(%run_scoped3A_986 : memref<!tpu.dma_semaphore, #tpu.memory_space<semaphore_mem>>)
      %dma_wait3A = arith.constant 0 : i32
      %dma_wait3A_991 = tpu.memref_slice %arg9[%add3A_918, %dma_wait3A] : memref<10112x128xf32, #tpu.memory_space<vmem_shared>> -> memref<16x128xf32, #tpu.memory_space<vmem_shared>>
      %dma_wait3A_992 = arith.constant 0 : i32
      %dma_wait3A_993 = tpu.memref_slice %arg9[%add3A_918, %dma_wait3A_992] : memref<10112x128xf32, #tpu.memory_space<vmem_shared>> -> memref<16x128xf32, #tpu.memory_space<vmem_shared>>
      tpu.wait_dma2 semaphore(%run_scoped3A_986 : memref<!tpu.dma_semaphore, #tpu.memory_space<semaphore_mem>>) src(%arg8 : memref<16x128xf32, #tpu.memory_space<vmem>>) dst(%dma_wait3A_993 : memref<16x128xf32, #tpu.memory_space<vmem_shared>>)
      tpu.yield
    }) : () -> ()
    %mul3A_919 = arith.constant 632 : i32
    %mul3A_920 = arith.muli %arg1, %mul3A_919 : i32
    %add3A_921 = arith.constant 592 : i32
    %add3A_922 = arith.addi %mul3A_920, %add3A_921 : i32
    "tpu.region"() ({
      %run_scoped3A_986 = tpu.sem_alloc : memref<!tpu.dma_semaphore, #tpu.memory_space<semaphore_mem>>
      %dma_start3A_987 = arith.constant 0 : i32
      %dma_start3A_988 = tpu.memref_slice %arg9[%add3A_922, %dma_start3A_987] : memref<10112x128xf32, #tpu.memory_space<vmem_shared>> -> memref<16x128xf32, #tpu.memory_space<vmem_shared>>
      %dma_start3A_989 = arith.constant 0 : i32
      %dma_start3A_990 = tpu.memref_slice %arg9[%add3A_922, %dma_start3A_989] : memref<10112x128xf32, #tpu.memory_space<vmem_shared>> -> memref<16x128xf32, #tpu.memory_space<vmem_shared>>
      tpu.enqueue_dma source(%arg8 : memref<16x128xf32, #tpu.memory_space<vmem>>) target(%dma_start3A_990 : memref<16x128xf32, #tpu.memory_space<vmem_shared>>) target_semaphore(%run_scoped3A_986 : memref<!tpu.dma_semaphore, #tpu.memory_space<semaphore_mem>>)
      %dma_wait3A = arith.constant 0 : i32
      %dma_wait3A_991 = tpu.memref_slice %arg9[%add3A_922, %dma_wait3A] : memref<10112x128xf32, #tpu.memory_space<vmem_shared>> -> memref<16x128xf32, #tpu.memory_space<vmem_shared>>
      %dma_wait3A_992 = arith.constant 0 : i32
      %dma_wait3A_993 = tpu.memref_slice %arg9[%add3A_922, %dma_wait3A_992] : memref<10112x128xf32, #tpu.memory_space<vmem_shared>> -> memref<16x128xf32, #tpu.memory_space<vmem_shared>>
      tpu.wait_dma2 semaphore(%run_scoped3A_986 : memref<!tpu.dma_semaphore, #tpu.memory_space<semaphore_mem>>) src(%arg8 : memref<16x128xf32, #tpu.memory_space<vmem>>) dst(%dma_wait3A_993 : memref<16x128xf32, #tpu.memory_space<vmem_shared>>)
      tpu.yield
    }) : () -> ()
    %mul3A_923 = arith.constant 632 : i32
    %mul3A_924 = arith.muli %arg1, %mul3A_923 : i32
    %add3A_925 = arith.constant 608 : i32
    %add3A_926 = arith.addi %mul3A_924, %add3A_925 : i32
    "tpu.region"() ({
      %run_scoped3A_986 = tpu.sem_alloc : memref<!tpu.dma_semaphore, #tpu.memory_space<semaphore_mem>>
      %dma_start3A_987 = arith.constant 0 : i32
      %dma_start3A_988 = tpu.memref_slice %arg9[%add3A_926, %dma_start3A_987] : memref<10112x128xf32, #tpu.memory_space<vmem_shared>> -> memref<16x128xf32, #tpu.memory_space<vmem_shared>>
      %dma_start3A_989 = arith.constant 0 : i32
      %dma_start3A_990 = tpu.memref_slice %arg9[%add3A_926, %dma_start3A_989] : memref<10112x128xf32, #tpu.memory_space<vmem_shared>> -> memref<16x128xf32, #tpu.memory_space<vmem_shared>>
      tpu.enqueue_dma source(%arg8 : memref<16x128xf32, #tpu.memory_space<vmem>>) target(%dma_start3A_990 : memref<16x128xf32, #tpu.memory_space<vmem_shared>>) target_semaphore(%run_scoped3A_986 : memref<!tpu.dma_semaphore, #tpu.memory_space<semaphore_mem>>)
      %dma_wait3A = arith.constant 0 : i32
      %dma_wait3A_991 = tpu.memref_slice %arg9[%add3A_926, %dma_wait3A] : memref<10112x128xf32, #tpu.memory_space<vmem_shared>> -> memref<16x128xf32, #tpu.memory_space<vmem_shared>>
      %dma_wait3A_992 = arith.constant 0 : i32
      %dma_wait3A_993 = tpu.memref_slice %arg9[%add3A_926, %dma_wait3A_992] : memref<10112x128xf32, #tpu.memory_space<vmem_shared>> -> memref<16x128xf32, #tpu.memory_space<vmem_shared>>
      tpu.wait_dma2 semaphore(%run_scoped3A_986 : memref<!tpu.dma_semaphore, #tpu.memory_space<semaphore_mem>>) src(%arg8 : memref<16x128xf32, #tpu.memory_space<vmem>>) dst(%dma_wait3A_993 : memref<16x128xf32, #tpu.memory_space<vmem_shared>>)
      tpu.yield
    }) : () -> ()
    %mul3A_927 = arith.constant 632 : i32
    %mul3A_928 = arith.muli %arg1, %mul3A_927 : i32
    %add3A_929 = arith.constant 624 : i32
    %add3A_930 = arith.addi %mul3A_928, %add3A_929 : i32
    "tpu.region"() ({
      %run_scoped3A_986 = tpu.sem_alloc : memref<!tpu.dma_semaphore, #tpu.memory_space<semaphore_mem>>
      %dma_start3A_987 = arith.constant 0 : i32
      %dma_start3A_988 = arith.constant 0 : i32
      %dma_start3A_989 = tpu.memref_slice %arg8[%dma_start3A_987, %dma_start3A_988] : memref<16x128xf32, #tpu.memory_space<vmem>> -> memref<8x128xf32, #tpu.memory_space<vmem>>
      %dma_start3A_990 = arith.constant 0 : i32
      %dma_start3A_991 = tpu.memref_slice %arg9[%add3A_930, %dma_start3A_990] : memref<10112x128xf32, #tpu.memory_space<vmem_shared>> -> memref<8x128xf32, #tpu.memory_space<vmem_shared>>
      %dma_start3A_992 = arith.constant 0 : i32
      %dma_start3A_993 = tpu.memref_slice %arg9[%add3A_930, %dma_start3A_992] : memref<10112x128xf32, #tpu.memory_space<vmem_shared>> -> memref<8x128xf32, #tpu.memory_space<vmem_shared>>
      %dma_start3A_994 = arith.constant 0 : i32
      %dma_start3A_995 = arith.constant 0 : i32
      %dma_start3A_996 = tpu.memref_slice %arg8[%dma_start3A_994, %dma_start3A_995] : memref<16x128xf32, #tpu.memory_space<vmem>> -> memref<8x128xf32, #tpu.memory_space<vmem>>
      tpu.enqueue_dma source(%dma_start3A_996 : memref<8x128xf32, #tpu.memory_space<vmem>>) target(%dma_start3A_993 : memref<8x128xf32, #tpu.memory_space<vmem_shared>>) target_semaphore(%run_scoped3A_986 : memref<!tpu.dma_semaphore, #tpu.memory_space<semaphore_mem>>)
      %dma_wait3A = arith.constant 0 : i32
      %dma_wait3A_997 = arith.constant 0 : i32
      %dma_wait3A_998 = tpu.memref_slice %arg8[%dma_wait3A, %dma_wait3A_997] : memref<16x128xf32, #tpu.memory_space<vmem>> -> memref<8x128xf32, #tpu.memory_space<vmem>>
      %dma_wait3A_999 = arith.constant 0 : i32
      %dma_wait3A_1000 = tpu.memref_slice %arg9[%add3A_930, %dma_wait3A_999] : memref<10112x128xf32, #tpu.memory_space<vmem_shared>> -> memref<8x128xf32, #tpu.memory_space<vmem_shared>>
      %dma_wait3A_1001 = arith.constant 0 : i32
      %dma_wait3A_1002 = tpu.memref_slice %arg9[%add3A_930, %dma_wait3A_1001] : memref<10112x128xf32, #tpu.memory_space<vmem_shared>> -> memref<8x128xf32, #tpu.memory_space<vmem_shared>>
      %dma_wait3A_1003 = arith.constant 0 : i32
      %dma_wait3A_1004 = arith.constant 0 : i32
      %dma_wait3A_1005 = tpu.memref_slice %arg8[%dma_wait3A_1003, %dma_wait3A_1004] : memref<16x128xf32, #tpu.memory_space<vmem>> -> memref<8x128xf32, #tpu.memory_space<vmem>>
      tpu.wait_dma2 semaphore(%run_scoped3A_986 : memref<!tpu.dma_semaphore, #tpu.memory_space<semaphore_mem>>) src(%dma_wait3A_1005 : memref<8x128xf32, #tpu.memory_space<vmem>>) dst(%dma_wait3A_1002 : memref<8x128xf32, #tpu.memory_space<vmem_shared>>)
      tpu.yield
    }) : () -> ()
    %run_scoped3A = arith.constant 0 : i32
    %run_scoped3A_931 = arith.constant 0 : i32
    "tpu.region"() ({
      %run_scoped3A_986 = tpu.sem_alloc : memref<!tpu.dma_semaphore, #tpu.memory_space<semaphore_mem>>
      %dma_start3A_987 = arith.constant 0 : i32
      %dma_start3A_988 = arith.constant 0 : i32
      %dma_start3A_989 = tpu.memref_slice %arg5[%run_scoped3A_931, %dma_start3A_987, %dma_start3A_988] : memref<2x8x128xi32, #tpu.memory_space<vmem>> -> memref<1x8x128xi32, #tpu.memory_space<vmem>>
      %dma_start3A_990 = tpu.memref_squeeze %dma_start3A_989 : memref<1x8x128xi32, #tpu.memory_space<vmem>> -> memref<8x128xi32, #tpu.memory_space<vmem>>
      %dma_start3A_991 = arith.constant 0 : i32
      %dma_start3A_992 = tpu.memref_slice %arg2[%run_scoped3A, %mul3A_2, %dma_start3A_991] : memref<2x2560x128xi32, #tpu.memory_space<hbm>> -> memref<1x8x128xi32, #tpu.memory_space<hbm>>
      %dma_start3A_993 = tpu.memref_squeeze %dma_start3A_992 : memref<1x8x128xi32, #tpu.memory_space<hbm>> -> memref<8x128xi32, #tpu.memory_space<hbm>>
      %dma_start3A_994 = arith.constant 0 : i32
      %dma_start3A_995 = arith.constant 0 : i32
      %dma_start3A_996 = tpu.memref_slice %arg5[%run_scoped3A_931, %dma_start3A_994, %dma_start3A_995] : memref<2x8x128xi32, #tpu.memory_space<vmem>> -> memref<1x8x128xi32, #tpu.memory_space<vmem>>
      %dma_start3A_997 = tpu.memref_squeeze %dma_start3A_996 : memref<1x8x128xi32, #tpu.memory_space<vmem>> -> memref<8x128xi32, #tpu.memory_space<vmem>>
      %dma_start3A_998 = arith.constant 0 : i32
      %dma_start3A_999 = tpu.memref_slice %arg2[%run_scoped3A, %mul3A_2, %dma_start3A_998] : memref<2x2560x128xi32, #tpu.memory_space<hbm>> -> memref<1x8x128xi32, #tpu.memory_space<hbm>>
      %dma_start3A_1000 = tpu.memref_squeeze %dma_start3A_999 : memref<1x8x128xi32, #tpu.memory_space<hbm>> -> memref<8x128xi32, #tpu.memory_space<hbm>>
      tpu.enqueue_dma source(%dma_start3A_1000 : memref<8x128xi32, #tpu.memory_space<hbm>>) target(%dma_start3A_997 : memref<8x128xi32, #tpu.memory_space<vmem>>) target_semaphore(%run_scoped3A_986 : memref<!tpu.dma_semaphore, #tpu.memory_space<semaphore_mem>>)
      %dma_wait3A = arith.constant 0 : i32
      %dma_wait3A_1001 = arith.constant 0 : i32
      %dma_wait3A_1002 = tpu.memref_slice %arg5[%run_scoped3A_931, %dma_wait3A, %dma_wait3A_1001] : memref<2x8x128xi32, #tpu.memory_space<vmem>> -> memref<1x8x128xi32, #tpu.memory_space<vmem>>
      %dma_wait3A_1003 = tpu.memref_squeeze %dma_wait3A_1002 : memref<1x8x128xi32, #tpu.memory_space<vmem>> -> memref<8x128xi32, #tpu.memory_space<vmem>>
      %dma_wait3A_1004 = arith.constant 0 : i32
      %dma_wait3A_1005 = tpu.memref_slice %arg2[%run_scoped3A, %mul3A_2, %dma_wait3A_1004] : memref<2x2560x128xi32, #tpu.memory_space<hbm>> -> memref<1x8x128xi32, #tpu.memory_space<hbm>>
      %dma_wait3A_1006 = tpu.memref_squeeze %dma_wait3A_1005 : memref<1x8x128xi32, #tpu.memory_space<hbm>> -> memref<8x128xi32, #tpu.memory_space<hbm>>
      %dma_wait3A_1007 = arith.constant 0 : i32
      %dma_wait3A_1008 = arith.constant 0 : i32
      %dma_wait3A_1009 = tpu.memref_slice %arg5[%run_scoped3A_931, %dma_wait3A_1007, %dma_wait3A_1008] : memref<2x8x128xi32, #tpu.memory_space<vmem>> -> memref<1x8x128xi32, #tpu.memory_space<vmem>>
      %dma_wait3A_1010 = tpu.memref_squeeze %dma_wait3A_1009 : memref<1x8x128xi32, #tpu.memory_space<vmem>> -> memref<8x128xi32, #tpu.memory_space<vmem>>
      %dma_wait3A_1011 = arith.constant 0 : i32
      %dma_wait3A_1012 = tpu.memref_slice %arg2[%run_scoped3A, %mul3A_2, %dma_wait3A_1011] : memref<2x2560x128xi32, #tpu.memory_space<hbm>> -> memref<1x8x128xi32, #tpu.memory_space<hbm>>
      %dma_wait3A_1013 = tpu.memref_squeeze %dma_wait3A_1012 : memref<1x8x128xi32, #tpu.memory_space<hbm>> -> memref<8x128xi32, #tpu.memory_space<hbm>>
      tpu.wait_dma2 semaphore(%run_scoped3A_986 : memref<!tpu.dma_semaphore, #tpu.memory_space<semaphore_mem>>) src(%dma_wait3A_1013 : memref<8x128xi32, #tpu.memory_space<hbm>>) dst(%dma_wait3A_1010 : memref<8x128xi32, #tpu.memory_space<vmem>>)
      tpu.yield
    }) : () -> ()
    %add3A_932 = arith.constant 8 : i32
    %add3A_933 = arith.addi %mul3A_2, %add3A_932 : i32
    %dma_start3A = arith.constant 0 : i32
    %dma_start3A_934 = arith.constant 1 : i32
    %dma_start3A_935 = arith.constant 0 : i32
    %dma_start3A_936 = arith.constant 0 : i32
    %dma_start3A_937 = tpu.memref_slice %arg5[%dma_start3A_934, %dma_start3A_935, %dma_start3A_936] : memref<2x8x128xi32, #tpu.memory_space<vmem>> -> memref<1x8x128xi32, #tpu.memory_space<vmem>>
    %dma_start3A_938 = tpu.memref_squeeze %dma_start3A_937 : memref<1x8x128xi32, #tpu.memory_space<vmem>> -> memref<8x128xi32, #tpu.memory_space<vmem>>
    %dma_start3A_939 = arith.constant 0 : i32
    %dma_start3A_940 = tpu.memref_slice %arg2[%dma_start3A, %add3A_933, %dma_start3A_939] : memref<2x2560x128xi32, #tpu.memory_space<hbm>> -> memref<1x8x128xi32, #tpu.memory_space<hbm>>
    %dma_start3A_941 = tpu.memref_squeeze %dma_start3A_940 : memref<1x8x128xi32, #tpu.memory_space<hbm>> -> memref<8x128xi32, #tpu.memory_space<hbm>>
    %dma_start3A_942 = arith.constant 0 : i32
    %dma_start3A_943 = arith.constant 0 : i32
    %dma_start3A_944 = tpu.memref_slice %arg5[%dma_start3A_934, %dma_start3A_942, %dma_start3A_943] : memref<2x8x128xi32, #tpu.memory_space<vmem>> -> memref<1x8x128xi32, #tpu.memory_space<vmem>>
    %dma_start3A_945 = tpu.memref_squeeze %dma_start3A_944 : memref<1x8x128xi32, #tpu.memory_space<vmem>> -> memref<8x128xi32, #tpu.memory_space<vmem>>
    %dma_start3A_946 = arith.constant 0 : i32
    %dma_start3A_947 = tpu.memref_slice %arg2[%dma_start3A, %add3A_933, %dma_start3A_946] : memref<2x2560x128xi32, #tpu.memory_space<hbm>> -> memref<1x8x128xi32, #tpu.memory_space<hbm>>
    %dma_start3A_948 = tpu.memref_squeeze %dma_start3A_947 : memref<1x8x128xi32, #tpu.memory_space<hbm>> -> memref<8x128xi32, #tpu.memory_space<hbm>>
    tpu.enqueue_dma source(%dma_start3A_948 : memref<8x128xi32, #tpu.memory_space<hbm>>) target(%dma_start3A_945 : memref<8x128xi32, #tpu.memory_space<vmem>>) target_semaphore(%arg10 : memref<!tpu.dma_semaphore, #tpu.memory_space<semaphore_mem>>)
    %run_scoped3A_949 = arith.constant 1 : i32
    "tpu.region"() ({
      %run_scoped3A_986 = tpu.sem_alloc : memref<!tpu.dma_semaphore, #tpu.memory_space<semaphore_mem>>
      %dma_start3A_987 = arith.constant 0 : i32
      %dma_start3A_988 = tpu.memref_slice %arg2[%run_scoped3A_949, %mul3A_2, %dma_start3A_987] : memref<2x2560x128xi32, #tpu.memory_space<hbm>> -> memref<1x80x128xi32, #tpu.memory_space<hbm>>
      %dma_start3A_989 = tpu.memref_squeeze %dma_start3A_988 : memref<1x80x128xi32, #tpu.memory_space<hbm>> -> memref<80x128xi32, #tpu.memory_space<hbm>>
      %dma_start3A_990 = arith.constant 0 : i32
      %dma_start3A_991 = tpu.memref_slice %arg2[%run_scoped3A_949, %mul3A_2, %dma_start3A_990] : memref<2x2560x128xi32, #tpu.memory_space<hbm>> -> memref<1x80x128xi32, #tpu.memory_space<hbm>>
      %dma_start3A_992 = tpu.memref_squeeze %dma_start3A_991 : memref<1x80x128xi32, #tpu.memory_space<hbm>> -> memref<80x128xi32, #tpu.memory_space<hbm>>
      tpu.enqueue_dma source(%dma_start3A_992 : memref<80x128xi32, #tpu.memory_space<hbm>>) target(%arg6 : memref<80x128xi32, #tpu.memory_space<vmem>>) target_semaphore(%run_scoped3A_986 : memref<!tpu.dma_semaphore, #tpu.memory_space<semaphore_mem>>)
      %dma_wait3A = arith.constant 0 : i32
      %dma_wait3A_993 = tpu.memref_slice %arg2[%run_scoped3A_949, %mul3A_2, %dma_wait3A] : memref<2x2560x128xi32, #tpu.memory_space<hbm>> -> memref<1x80x128xi32, #tpu.memory_space<hbm>>
      %dma_wait3A_994 = tpu.memref_squeeze %dma_wait3A_993 : memref<1x80x128xi32, #tpu.memory_space<hbm>> -> memref<80x128xi32, #tpu.memory_space<hbm>>
      %dma_wait3A_995 = arith.constant 0 : i32
      %dma_wait3A_996 = tpu.memref_slice %arg2[%run_scoped3A_949, %mul3A_2, %dma_wait3A_995] : memref<2x2560x128xi32, #tpu.memory_space<hbm>> -> memref<1x80x128xi32, #tpu.memory_space<hbm>>
      %dma_wait3A_997 = tpu.memref_squeeze %dma_wait3A_996 : memref<1x80x128xi32, #tpu.memory_space<hbm>> -> memref<80x128xi32, #tpu.memory_space<hbm>>
      tpu.wait_dma2 semaphore(%run_scoped3A_986 : memref<!tpu.dma_semaphore, #tpu.memory_space<semaphore_mem>>) src(%dma_wait3A_997 : memref<80x128xi32, #tpu.memory_space<hbm>>) dst(%arg6 : memref<80x128xi32, #tpu.memory_space<vmem>>)
      tpu.yield
    }) : () -> ()
    %barrier3A = arith.constant 0 : index
    tpu.barrier barrier_id(%barrier3A)
    %dma_start3A_950 = arith.constant 0 : i32
    %dma_start3A_951 = arith.constant 0 : i32
    %dma_start3A_952 = arith.constant 0 : i32
    %dma_start3A_953 = arith.constant 0 : i32
    %dma_start3A_954 = arith.constant 0 : i32
    %dma_start3A_955 = tpu.memref_slice %arg7[%dma_start3A_952, %dma_start3A_953, %dma_start3A_954] : memref<2x128x128xf32, #tpu.memory_space<vmem>> -> memref<1x128x128xf32, #tpu.memory_space<vmem>>
    %dma_start3A_956 = tpu.memref_squeeze %dma_start3A_955 : memref<1x128x128xf32, #tpu.memory_space<vmem>> -> memref<128x128xf32, #tpu.memory_space<vmem>>
    %dma_start3A_957 = arith.constant 0 : i32
    %dma_start3A_958 = tpu.memref_slice %arg5[%dma_start3A_950, %dma_start3A_951, %dma_start3A_957] : memref<2x8x128xi32, #tpu.memory_space<vmem>> -> memref<1x1x128xi32, #tpu.memory_space<vmem>>
    %dma_start3A_959 = tpu.memref_squeeze %dma_start3A_958 : memref<1x1x128xi32, #tpu.memory_space<vmem>> -> memref<128xi32, #tpu.memory_space<vmem>>
    %dma_start3A_960 = arith.constant 0 : i32
    %dma_start3A_961 = arith.constant 0 : i32
    %dma_start3A_962 = tpu.memref_slice %arg3[%dma_start3A_960, %dma_start3A_961] : memref<10000x128xf32, #tpu.memory_space<hbm>> -> memref<10000x128xf32, #tpu.memory_space<hbm>>
    tpu.enqueue_indirect_dma source(%dma_start3A_962 : memref<10000x128xf32, #tpu.memory_space<hbm>>) target(%dma_start3A_956 : memref<128x128xf32, #tpu.memory_space<vmem>>) offsets(%dma_start3A_959 : memref<128xi32, #tpu.memory_space<vmem>>) semaphore(%arg11 : memref<!tpu.dma_semaphore, #tpu.memory_space<semaphore_mem>>)
    %dma_start3A_963 = arith.constant 0 : i32
    %dma_start3A_964 = arith.constant 1 : i32
    %dma_start3A_965 = arith.constant 1 : i32
    %dma_start3A_966 = arith.constant 0 : i32
    %dma_start3A_967 = arith.constant 0 : i32
    %dma_start3A_968 = tpu.memref_slice %arg7[%dma_start3A_965, %dma_start3A_966, %dma_start3A_967] : memref<2x128x128xf32, #tpu.memory_space<vmem>> -> memref<1x128x128xf32, #tpu.memory_space<vmem>>
    %dma_start3A_969 = tpu.memref_squeeze %dma_start3A_968 : memref<1x128x128xf32, #tpu.memory_space<vmem>> -> memref<128x128xf32, #tpu.memory_space<vmem>>
    %dma_start3A_970 = arith.constant 0 : i32
    %dma_start3A_971 = tpu.memref_slice %arg5[%dma_start3A_963, %dma_start3A_964, %dma_start3A_970] : memref<2x8x128xi32, #tpu.memory_space<vmem>> -> memref<1x1x128xi32, #tpu.memory_space<vmem>>
    %dma_start3A_972 = tpu.memref_squeeze %dma_start3A_971 : memref<1x1x128xi32, #tpu.memory_space<vmem>> -> memref<128xi32, #tpu.memory_space<vmem>>
    %dma_start3A_973 = arith.constant 0 : i32
    %dma_start3A_974 = arith.constant 0 : i32
    %dma_start3A_975 = tpu.memref_slice %arg3[%dma_start3A_973, %dma_start3A_974] : memref<10000x128xf32, #tpu.memory_space<hbm>> -> memref<10000x128xf32, #tpu.memory_space<hbm>>
    tpu.enqueue_indirect_dma source(%dma_start3A_975 : memref<10000x128xf32, #tpu.memory_space<hbm>>) target(%dma_start3A_969 : memref<128x128xf32, #tpu.memory_space<vmem>>) offsets(%dma_start3A_972 : memref<128xi32, #tpu.memory_space<vmem>>) semaphore(%arg12 : memref<!tpu.dma_semaphore, #tpu.memory_space<semaphore_mem>>)
    "tpu.trace_start"() <{level = 10 : i32, message = "agg_edges"}> : () -> ()
    %scan3A = arith.constant 0 : i32
    %scan3A_976 = arith.constant 0 : i32
    %scan3A_977 = arith.constant 10 : i32
    %scan3A_978 = arith.addi %scan3A_976, %scan3A_977 : i32
    %scan3A_979 = arith.constant 1 : i32
    scf.for %scan3A_986 = %scan3A_976 to %scan3A_978 step %scan3A_979  : i32 {
      %rem3A = arith.constant 2 : i32
      %rem3A_987 = arith.remsi %scan3A_986, %rem3A : i32
      %add3A_988 = arith.constant 1 : i32
      %add3A_989 = arith.addi %scan3A_986, %add3A_988 : i32
      %rem3A_990 = arith.constant 2 : i32
      %rem3A_991 = arith.remsi %add3A_989, %rem3A_990 : i32
      %mul3A_992 = arith.constant 8 : i32
      %mul3A_993 = arith.muli %scan3A_986, %mul3A_992 : i32
      %lt3A = arith.constant 9 : i32
      %lt3A_994 = arith.cmpi slt, %scan3A_986, %lt3A : i32
      %convert_element_type3A = arith.extui %lt3A_994 : i1 to i32
      %cond3A = arith.constant 0 : i32
      %cond3A_995 = arith.cmpi ne, %convert_element_type3A, %cond3A : i32
      scf.if %cond3A_995 {
        %dma_wait3A_1210 = arith.constant 0 : i32
        %dma_wait3A_1211 = arith.constant 0 : i32
        %dma_wait3A_1212 = arith.constant 0 : i32
        %dma_wait3A_1213 = arith.constant 0 : i32
        %dma_wait3A_1214 = tpu.memref_slice %arg5[%dma_wait3A_1211, %dma_wait3A_1212, %dma_wait3A_1213] : memref<2x8x128xi32, #tpu.memory_space<vmem>> -> memref<1x8x128xi32, #tpu.memory_space<vmem>>
        %dma_wait3A_1215 = tpu.memref_squeeze %dma_wait3A_1214 : memref<1x8x128xi32, #tpu.memory_space<vmem>> -> memref<8x128xi32, #tpu.memory_space<vmem>>
        %dma_wait3A_1216 = arith.constant 0 : i32
        %dma_wait3A_1217 = arith.constant 0 : i32
        %dma_wait3A_1218 = tpu.memref_slice %arg2[%dma_wait3A_1210, %dma_wait3A_1216, %dma_wait3A_1217] : memref<2x2560x128xi32, #tpu.memory_space<hbm>> -> memref<1x8x128xi32, #tpu.memory_space<hbm>>
        %dma_wait3A_1219 = tpu.memref_squeeze %dma_wait3A_1218 : memref<1x8x128xi32, #tpu.memory_space<hbm>> -> memref<8x128xi32, #tpu.memory_space<hbm>>
        %dma_wait3A_1220 = arith.constant 0 : i32
        %dma_wait3A_1221 = arith.constant 0 : i32
        %dma_wait3A_1222 = tpu.memref_slice %arg5[%dma_wait3A_1211, %dma_wait3A_1220, %dma_wait3A_1221] : memref<2x8x128xi32, #tpu.memory_space<vmem>> -> memref<1x8x128xi32, #tpu.memory_space<vmem>>
        %dma_wait3A_1223 = tpu.memref_squeeze %dma_wait3A_1222 : memref<1x8x128xi32, #tpu.memory_space<vmem>> -> memref<8x128xi32, #tpu.memory_space<vmem>>
        %dma_wait3A_1224 = arith.constant 0 : i32
        %dma_wait3A_1225 = arith.constant 0 : i32
        %dma_wait3A_1226 = tpu.memref_slice %arg2[%dma_wait3A_1210, %dma_wait3A_1224, %dma_wait3A_1225] : memref<2x2560x128xi32, #tpu.memory_space<hbm>> -> memref<1x8x128xi32, #tpu.memory_space<hbm>>
        %dma_wait3A_1227 = tpu.memref_squeeze %dma_wait3A_1226 : memref<1x8x128xi32, #tpu.memory_space<hbm>> -> memref<8x128xi32, #tpu.memory_space<hbm>>
        tpu.wait_dma2 semaphore(%arg10 : memref<!tpu.dma_semaphore, #tpu.memory_space<semaphore_mem>>) src(%dma_wait3A_1227 : memref<8x128xi32, #tpu.memory_space<hbm>>) dst(%dma_wait3A_1223 : memref<8x128xi32, #tpu.memory_space<vmem>>)
      } else {
      }
      %dma_wait3A = arith.constant 0 : i32
      %dma_wait3A_996 = arith.constant 0 : i32
      %dma_wait3A_997 = arith.constant 0 : i32
      %dma_wait3A_998 = arith.constant 0 : i32
      %dma_wait3A_999 = arith.constant 0 : i32
      %dma_wait3A_1000 = tpu.memref_slice %arg7[%dma_wait3A_997, %dma_wait3A_998, %dma_wait3A_999] : memref<2x128x128xf32, #tpu.memory_space<vmem>> -> memref<1x128x128xf32, #tpu.memory_space<vmem>>
      %dma_wait3A_1001 = tpu.memref_squeeze %dma_wait3A_1000 : memref<1x128x128xf32, #tpu.memory_space<vmem>> -> memref<128x128xf32, #tpu.memory_space<vmem>>
      %dma_wait3A_1002 = arith.constant 0 : i32
      %dma_wait3A_1003 = tpu.memref_slice %arg5[%dma_wait3A, %dma_wait3A_996, %dma_wait3A_1002] : memref<2x8x128xi32, #tpu.memory_space<vmem>> -> memref<1x1x128xi32, #tpu.memory_space<vmem>>
      %dma_wait3A_1004 = tpu.memref_squeeze %dma_wait3A_1003 : memref<1x1x128xi32, #tpu.memory_space<vmem>> -> memref<128xi32, #tpu.memory_space<vmem>>
      %dma_wait3A_1005 = arith.constant 0 : i32
      %dma_wait3A_1006 = arith.constant 0 : i32
      %dma_wait3A_1007 = tpu.memref_slice %arg3[%dma_wait3A_1005, %dma_wait3A_1006] : memref<10000x128xf32, #tpu.memory_space<hbm>> -> memref<10000x128xf32, #tpu.memory_space<hbm>>
      tpu.wait_indirect_dma semaphore(%arg11 : memref<!tpu.dma_semaphore, #tpu.memory_space<semaphore_mem>>) src(%dma_wait3A_1007 : memref<10000x128xf32, #tpu.memory_space<hbm>>) dst(%dma_wait3A_1001 : memref<128x128xf32, #tpu.memory_space<vmem>>)
      %add3A_1008 = arith.constant 0 : i32
      %add3A_1009 = arith.addi %mul3A_993, %add3A_1008 : i32
      %run_scoped3A_1010 = arith.constant 0 : i32
      "tpu.region"() ({
        %run_scoped3A_1210 = tpu.sem_alloc : memref<!tpu.dma_semaphore, #tpu.memory_space<semaphore_mem>>
        %dma_start3A_1211 = arith.constant 0 : i32
        %dma_start3A_1212 = arith.constant 0 : i32
        %dma_start3A_1213 = tpu.memref_slice %arg7[%run_scoped3A_1010, %dma_start3A_1211, %dma_start3A_1212] : memref<2x128x128xf32, #tpu.memory_space<vmem>> -> memref<1x128x128xf32, #tpu.memory_space<vmem>>
        %dma_start3A_1214 = tpu.memref_squeeze %dma_start3A_1213 : memref<1x128x128xf32, #tpu.memory_space<vmem>> -> memref<128x128xf32, #tpu.memory_space<vmem>>
        %dma_start3A_1215 = arith.constant 0 : i32
        %dma_start3A_1216 = tpu.memref_slice %arg6[%add3A_1009, %dma_start3A_1215] : memref<80x128xi32, #tpu.memory_space<vmem>> -> memref<1x128xi32, #tpu.memory_space<vmem>>
        %dma_start3A_1217 = tpu.memref_squeeze %dma_start3A_1216 : memref<1x128xi32, #tpu.memory_space<vmem>> -> memref<128xi32, #tpu.memory_space<vmem>>
        %dma_start3A_1218 = arith.constant 0 : i32
        %dma_start3A_1219 = arith.constant 0 : i32
        %dma_start3A_1220 = tpu.memref_slice %arg9[%dma_start3A_1218, %dma_start3A_1219] : memref<10112x128xf32, #tpu.memory_space<vmem_shared>> -> memref<10112x128xf32, #tpu.memory_space<vmem_shared>>
        tpu.enqueue_indirect_dma source(%dma_start3A_1214 : memref<128x128xf32, #tpu.memory_space<vmem>>) target(%dma_start3A_1220 : memref<10112x128xf32, #tpu.memory_space<vmem_shared>>) offsets(%dma_start3A_1217 : memref<128xi32, #tpu.memory_space<vmem>>) semaphore(%run_scoped3A_1210 : memref<!tpu.dma_semaphore, #tpu.memory_space<semaphore_mem>>) {add = true}
        %dma_wait3A_1221 = arith.constant 0 : i32
        %dma_wait3A_1222 = arith.constant 0 : i32
        %dma_wait3A_1223 = tpu.memref_slice %arg7[%run_scoped3A_1010, %dma_wait3A_1221, %dma_wait3A_1222] : memref<2x128x128xf32, #tpu.memory_space<vmem>> -> memref<1x128x128xf32, #tpu.memory_space<vmem>>
        %dma_wait3A_1224 = tpu.memref_squeeze %dma_wait3A_1223 : memref<1x128x128xf32, #tpu.memory_space<vmem>> -> memref<128x128xf32, #tpu.memory_space<vmem>>
        %dma_wait3A_1225 = arith.constant 0 : i32
        %dma_wait3A_1226 = tpu.memref_slice %arg6[%add3A_1009, %dma_wait3A_1225] : memref<80x128xi32, #tpu.memory_space<vmem>> -> memref<1x128xi32, #tpu.memory_space<vmem>>
        %dma_wait3A_1227 = tpu.memref_squeeze %dma_wait3A_1226 : memref<1x128xi32, #tpu.memory_space<vmem>> -> memref<128xi32, #tpu.memory_space<vmem>>
        %dma_wait3A_1228 = arith.constant 0 : i32
        %dma_wait3A_1229 = arith.constant 0 : i32
        %dma_wait3A_1230 = tpu.memref_slice %arg9[%dma_wait3A_1228, %dma_wait3A_1229] : memref<10112x128xf32, #tpu.memory_space<vmem_shared>> -> memref<10112x128xf32, #tpu.memory_space<vmem_shared>>
        tpu.wait_indirect_dma semaphore(%run_scoped3A_1210 : memref<!tpu.dma_semaphore, #tpu.memory_space<semaphore_mem>>) src(%dma_wait3A_1224 : memref<128x128xf32, #tpu.memory_space<vmem>>) dst(%dma_wait3A_1230 : memref<10112x128xf32, #tpu.memory_space<vmem_shared>>)
        tpu.yield
      }) : () -> ()
      %dma_start3A_1011 = arith.constant 2 : i32
      %dma_start3A_1012 = arith.constant 0 : i32
      %dma_start3A_1013 = arith.constant 0 : i32
      %dma_start3A_1014 = arith.constant 0 : i32
      %dma_start3A_1015 = tpu.memref_slice %arg7[%dma_start3A_1012, %dma_start3A_1013, %dma_start3A_1014] : memref<2x128x128xf32, #tpu.memory_space<vmem>> -> memref<1x128x128xf32, #tpu.memory_space<vmem>>
      %dma_start3A_1016 = tpu.memref_squeeze %dma_start3A_1015 : memref<1x128x128xf32, #tpu.memory_space<vmem>> -> memref<128x128xf32, #tpu.memory_space<vmem>>
      %dma_start3A_1017 = arith.constant 0 : i32
      %dma_start3A_1018 = tpu.memref_slice %arg5[%rem3A_987, %dma_start3A_1011, %dma_start3A_1017] : memref<2x8x128xi32, #tpu.memory_space<vmem>> -> memref<1x1x128xi32, #tpu.memory_space<vmem>>
      %dma_start3A_1019 = tpu.memref_squeeze %dma_start3A_1018 : memref<1x1x128xi32, #tpu.memory_space<vmem>> -> memref<128xi32, #tpu.memory_space<vmem>>
      %dma_start3A_1020 = arith.constant 0 : i32
      %dma_start3A_1021 = arith.constant 0 : i32
      %dma_start3A_1022 = tpu.memref_slice %arg3[%dma_start3A_1020, %dma_start3A_1021] : memref<10000x128xf32, #tpu.memory_space<hbm>> -> memref<10000x128xf32, #tpu.memory_space<hbm>>
      tpu.enqueue_indirect_dma source(%dma_start3A_1022 : memref<10000x128xf32, #tpu.memory_space<hbm>>) target(%dma_start3A_1016 : memref<128x128xf32, #tpu.memory_space<vmem>>) offsets(%dma_start3A_1019 : memref<128xi32, #tpu.memory_space<vmem>>) semaphore(%arg11 : memref<!tpu.dma_semaphore, #tpu.memory_space<semaphore_mem>>)
      %dma_wait3A_1023 = arith.constant 0 : i32
      %dma_wait3A_1024 = arith.constant 0 : i32
      %dma_wait3A_1025 = arith.constant 1 : i32
      %dma_wait3A_1026 = arith.constant 0 : i32
      %dma_wait3A_1027 = arith.constant 0 : i32
      %dma_wait3A_1028 = tpu.memref_slice %arg7[%dma_wait3A_1025, %dma_wait3A_1026, %dma_wait3A_1027] : memref<2x128x128xf32, #tpu.memory_space<vmem>> -> memref<1x128x128xf32, #tpu.memory_space<vmem>>
      %dma_wait3A_1029 = tpu.memref_squeeze %dma_wait3A_1028 : memref<1x128x128xf32, #tpu.memory_space<vmem>> -> memref<128x128xf32, #tpu.memory_space<vmem>>
      %dma_wait3A_1030 = arith.constant 0 : i32
      %dma_wait3A_1031 = tpu.memref_slice %arg5[%dma_wait3A_1023, %dma_wait3A_1024, %dma_wait3A_1030] : memref<2x8x128xi32, #tpu.memory_space<vmem>> -> memref<1x1x128xi32, #tpu.memory_space<vmem>>
      %dma_wait3A_1032 = tpu.memref_squeeze %dma_wait3A_1031 : memref<1x1x128xi32, #tpu.memory_space<vmem>> -> memref<128xi32, #tpu.memory_space<vmem>>
      %dma_wait3A_1033 = arith.constant 0 : i32
      %dma_wait3A_1034 = arith.constant 0 : i32
      %dma_wait3A_1035 = tpu.memref_slice %arg3[%dma_wait3A_1033, %dma_wait3A_1034] : memref<10000x128xf32, #tpu.memory_space<hbm>> -> memref<10000x128xf32, #tpu.memory_space<hbm>>
      tpu.wait_indirect_dma semaphore(%arg12 : memref<!tpu.dma_semaphore, #tpu.memory_space<semaphore_mem>>) src(%dma_wait3A_1035 : memref<10000x128xf32, #tpu.memory_space<hbm>>) dst(%dma_wait3A_1029 : memref<128x128xf32, #tpu.memory_space<vmem>>)
      %add3A_1036 = arith.constant 1 : i32
      %add3A_1037 = arith.addi %mul3A_993, %add3A_1036 : i32
      %run_scoped3A_1038 = arith.constant 1 : i32
      "tpu.region"() ({
        %run_scoped3A_1210 = tpu.sem_alloc : memref<!tpu.dma_semaphore, #tpu.memory_space<semaphore_mem>>
        %dma_start3A_1211 = arith.constant 0 : i32
        %dma_start3A_1212 = arith.constant 0 : i32
        %dma_start3A_1213 = tpu.memref_slice %arg7[%run_scoped3A_1038, %dma_start3A_1211, %dma_start3A_1212] : memref<2x128x128xf32, #tpu.memory_space<vmem>> -> memref<1x128x128xf32, #tpu.memory_space<vmem>>
        %dma_start3A_1214 = tpu.memref_squeeze %dma_start3A_1213 : memref<1x128x128xf32, #tpu.memory_space<vmem>> -> memref<128x128xf32, #tpu.memory_space<vmem>>
        %dma_start3A_1215 = arith.constant 0 : i32
        %dma_start3A_1216 = tpu.memref_slice %arg6[%add3A_1037, %dma_start3A_1215] : memref<80x128xi32, #tpu.memory_space<vmem>> -> memref<1x128xi32, #tpu.memory_space<vmem>>
        %dma_start3A_1217 = tpu.memref_squeeze %dma_start3A_1216 : memref<1x128xi32, #tpu.memory_space<vmem>> -> memref<128xi32, #tpu.memory_space<vmem>>
        %dma_start3A_1218 = arith.constant 0 : i32
        %dma_start3A_1219 = arith.constant 0 : i32
        %dma_start3A_1220 = tpu.memref_slice %arg9[%dma_start3A_1218, %dma_start3A_1219] : memref<10112x128xf32, #tpu.memory_space<vmem_shared>> -> memref<10112x128xf32, #tpu.memory_space<vmem_shared>>
        tpu.enqueue_indirect_dma source(%dma_start3A_1214 : memref<128x128xf32, #tpu.memory_space<vmem>>) target(%dma_start3A_1220 : memref<10112x128xf32, #tpu.memory_space<vmem_shared>>) offsets(%dma_start3A_1217 : memref<128xi32, #tpu.memory_space<vmem>>) semaphore(%run_scoped3A_1210 : memref<!tpu.dma_semaphore, #tpu.memory_space<semaphore_mem>>) {add = true}
        %dma_wait3A_1221 = arith.constant 0 : i32
        %dma_wait3A_1222 = arith.constant 0 : i32
        %dma_wait3A_1223 = tpu.memref_slice %arg7[%run_scoped3A_1038, %dma_wait3A_1221, %dma_wait3A_1222] : memref<2x128x128xf32, #tpu.memory_space<vmem>> -> memref<1x128x128xf32, #tpu.memory_space<vmem>>
        %dma_wait3A_1224 = tpu.memref_squeeze %dma_wait3A_1223 : memref<1x128x128xf32, #tpu.memory_space<vmem>> -> memref<128x128xf32, #tpu.memory_space<vmem>>
        %dma_wait3A_1225 = arith.constant 0 : i32
        %dma_wait3A_1226 = tpu.memref_slice %arg6[%add3A_1037, %dma_wait3A_1225] : memref<80x128xi32, #tpu.memory_space<vmem>> -> memref<1x128xi32, #tpu.memory_space<vmem>>
        %dma_wait3A_1227 = tpu.memref_squeeze %dma_wait3A_1226 : memref<1x128xi32, #tpu.memory_space<vmem>> -> memref<128xi32, #tpu.memory_space<vmem>>
        %dma_wait3A_1228 = arith.constant 0 : i32
        %dma_wait3A_1229 = arith.constant 0 : i32
        %dma_wait3A_1230 = tpu.memref_slice %arg9[%dma_wait3A_1228, %dma_wait3A_1229] : memref<10112x128xf32, #tpu.memory_space<vmem_shared>> -> memref<10112x128xf32, #tpu.memory_space<vmem_shared>>
        tpu.wait_indirect_dma semaphore(%run_scoped3A_1210 : memref<!tpu.dma_semaphore, #tpu.memory_space<semaphore_mem>>) src(%dma_wait3A_1224 : memref<128x128xf32, #tpu.memory_space<vmem>>) dst(%dma_wait3A_1230 : memref<10112x128xf32, #tpu.memory_space<vmem_shared>>)
        tpu.yield
      }) : () -> ()
      %dma_start3A_1039 = arith.constant 3 : i32
      %dma_start3A_1040 = arith.constant 1 : i32
      %dma_start3A_1041 = arith.constant 0 : i32
      %dma_start3A_1042 = arith.constant 0 : i32
      %dma_start3A_1043 = tpu.memref_slice %arg7[%dma_start3A_1040, %dma_start3A_1041, %dma_start3A_1042] : memref<2x128x128xf32, #tpu.memory_space<vmem>> -> memref<1x128x128xf32, #tpu.memory_space<vmem>>
      %dma_start3A_1044 = tpu.memref_squeeze %dma_start3A_1043 : memref<1x128x128xf32, #tpu.memory_space<vmem>> -> memref<128x128xf32, #tpu.memory_space<vmem>>
      %dma_start3A_1045 = arith.constant 0 : i32
      %dma_start3A_1046 = tpu.memref_slice %arg5[%rem3A_987, %dma_start3A_1039, %dma_start3A_1045] : memref<2x8x128xi32, #tpu.memory_space<vmem>> -> memref<1x1x128xi32, #tpu.memory_space<vmem>>
      %dma_start3A_1047 = tpu.memref_squeeze %dma_start3A_1046 : memref<1x1x128xi32, #tpu.memory_space<vmem>> -> memref<128xi32, #tpu.memory_space<vmem>>
      %dma_start3A_1048 = arith.constant 0 : i32
      %dma_start3A_1049 = arith.constant 0 : i32
      %dma_start3A_1050 = tpu.memref_slice %arg3[%dma_start3A_1048, %dma_start3A_1049] : memref<10000x128xf32, #tpu.memory_space<hbm>> -> memref<10000x128xf32, #tpu.memory_space<hbm>>
      tpu.enqueue_indirect_dma source(%dma_start3A_1050 : memref<10000x128xf32, #tpu.memory_space<hbm>>) target(%dma_start3A_1044 : memref<128x128xf32, #tpu.memory_space<vmem>>) offsets(%dma_start3A_1047 : memref<128xi32, #tpu.memory_space<vmem>>) semaphore(%arg12 : memref<!tpu.dma_semaphore, #tpu.memory_space<semaphore_mem>>)
      %dma_wait3A_1051 = arith.constant 0 : i32
      %dma_wait3A_1052 = arith.constant 0 : i32
      %dma_wait3A_1053 = arith.constant 0 : i32
      %dma_wait3A_1054 = arith.constant 0 : i32
      %dma_wait3A_1055 = arith.constant 0 : i32
      %dma_wait3A_1056 = tpu.memref_slice %arg7[%dma_wait3A_1053, %dma_wait3A_1054, %dma_wait3A_1055] : memref<2x128x128xf32, #tpu.memory_space<vmem>> -> memref<1x128x128xf32, #tpu.memory_space<vmem>>
      %dma_wait3A_1057 = tpu.memref_squeeze %dma_wait3A_1056 : memref<1x128x128xf32, #tpu.memory_space<vmem>> -> memref<128x128xf32, #tpu.memory_space<vmem>>
      %dma_wait3A_1058 = arith.constant 0 : i32
      %dma_wait3A_1059 = tpu.memref_slice %arg5[%dma_wait3A_1051, %dma_wait3A_1052, %dma_wait3A_1058] : memref<2x8x128xi32, #tpu.memory_space<vmem>> -> memref<1x1x128xi32, #tpu.memory_space<vmem>>
      %dma_wait3A_1060 = tpu.memref_squeeze %dma_wait3A_1059 : memref<1x1x128xi32, #tpu.memory_space<vmem>> -> memref<128xi32, #tpu.memory_space<vmem>>
      %dma_wait3A_1061 = arith.constant 0 : i32
      %dma_wait3A_1062 = arith.constant 0 : i32
      %dma_wait3A_1063 = tpu.memref_slice %arg3[%dma_wait3A_1061, %dma_wait3A_1062] : memref<10000x128xf32, #tpu.memory_space<hbm>> -> memref<10000x128xf32, #tpu.memory_space<hbm>>
      tpu.wait_indirect_dma semaphore(%arg11 : memref<!tpu.dma_semaphore, #tpu.memory_space<semaphore_mem>>) src(%dma_wait3A_1063 : memref<10000x128xf32, #tpu.memory_space<hbm>>) dst(%dma_wait3A_1057 : memref<128x128xf32, #tpu.memory_space<vmem>>)
      %add3A_1064 = arith.constant 2 : i32
      %add3A_1065 = arith.addi %mul3A_993, %add3A_1064 : i32
      %run_scoped3A_1066 = arith.constant 0 : i32
      "tpu.region"() ({
        %run_scoped3A_1210 = tpu.sem_alloc : memref<!tpu.dma_semaphore, #tpu.memory_space<semaphore_mem>>
        %dma_start3A_1211 = arith.constant 0 : i32
        %dma_start3A_1212 = arith.constant 0 : i32
        %dma_start3A_1213 = tpu.memref_slice %arg7[%run_scoped3A_1066, %dma_start3A_1211, %dma_start3A_1212] : memref<2x128x128xf32, #tpu.memory_space<vmem>> -> memref<1x128x128xf32, #tpu.memory_space<vmem>>
        %dma_start3A_1214 = tpu.memref_squeeze %dma_start3A_1213 : memref<1x128x128xf32, #tpu.memory_space<vmem>> -> memref<128x128xf32, #tpu.memory_space<vmem>>
        %dma_start3A_1215 = arith.constant 0 : i32
        %dma_start3A_1216 = tpu.memref_slice %arg6[%add3A_1065, %dma_start3A_1215] : memref<80x128xi32, #tpu.memory_space<vmem>> -> memref<1x128xi32, #tpu.memory_space<vmem>>
        %dma_start3A_1217 = tpu.memref_squeeze %dma_start3A_1216 : memref<1x128xi32, #tpu.memory_space<vmem>> -> memref<128xi32, #tpu.memory_space<vmem>>
        %dma_start3A_1218 = arith.constant 0 : i32
        %dma_start3A_1219 = arith.constant 0 : i32
        %dma_start3A_1220 = tpu.memref_slice %arg9[%dma_start3A_1218, %dma_start3A_1219] : memref<10112x128xf32, #tpu.memory_space<vmem_shared>> -> memref<10112x128xf32, #tpu.memory_space<vmem_shared>>
        tpu.enqueue_indirect_dma source(%dma_start3A_1214 : memref<128x128xf32, #tpu.memory_space<vmem>>) target(%dma_start3A_1220 : memref<10112x128xf32, #tpu.memory_space<vmem_shared>>) offsets(%dma_start3A_1217 : memref<128xi32, #tpu.memory_space<vmem>>) semaphore(%run_scoped3A_1210 : memref<!tpu.dma_semaphore, #tpu.memory_space<semaphore_mem>>) {add = true}
        %dma_wait3A_1221 = arith.constant 0 : i32
        %dma_wait3A_1222 = arith.constant 0 : i32
        %dma_wait3A_1223 = tpu.memref_slice %arg7[%run_scoped3A_1066, %dma_wait3A_1221, %dma_wait3A_1222] : memref<2x128x128xf32, #tpu.memory_space<vmem>> -> memref<1x128x128xf32, #tpu.memory_space<vmem>>
        %dma_wait3A_1224 = tpu.memref_squeeze %dma_wait3A_1223 : memref<1x128x128xf32, #tpu.memory_space<vmem>> -> memref<128x128xf32, #tpu.memory_space<vmem>>
        %dma_wait3A_1225 = arith.constant 0 : i32
        %dma_wait3A_1226 = tpu.memref_slice %arg6[%add3A_1065, %dma_wait3A_1225] : memref<80x128xi32, #tpu.memory_space<vmem>> -> memref<1x128xi32, #tpu.memory_space<vmem>>
        %dma_wait3A_1227 = tpu.memref_squeeze %dma_wait3A_1226 : memref<1x128xi32, #tpu.memory_space<vmem>> -> memref<128xi32, #tpu.memory_space<vmem>>
        %dma_wait3A_1228 = arith.constant 0 : i32
        %dma_wait3A_1229 = arith.constant 0 : i32
        %dma_wait3A_1230 = tpu.memref_slice %arg9[%dma_wait3A_1228, %dma_wait3A_1229] : memref<10112x128xf32, #tpu.memory_space<vmem_shared>> -> memref<10112x128xf32, #tpu.memory_space<vmem_shared>>
        tpu.wait_indirect_dma semaphore(%run_scoped3A_1210 : memref<!tpu.dma_semaphore, #tpu.memory_space<semaphore_mem>>) src(%dma_wait3A_1224 : memref<128x128xf32, #tpu.memory_space<vmem>>) dst(%dma_wait3A_1230 : memref<10112x128xf32, #tpu.memory_space<vmem_shared>>)
        tpu.yield
      }) : () -> ()
      %dma_start3A_1067 = arith.constant 4 : i32
      %dma_start3A_1068 = arith.constant 0 : i32
      %dma_start3A_1069 = arith.constant 0 : i32
      %dma_start3A_1070 = arith.constant 0 : i32
      %dma_start3A_1071 = tpu.memref_slice %arg7[%dma_start3A_1068, %dma_start3A_1069, %dma_start3A_1070] : memref<2x128x128xf32, #tpu.memory_space<vmem>> -> memref<1x128x128xf32, #tpu.memory_space<vmem>>
      %dma_start3A_1072 = tpu.memref_squeeze %dma_start3A_1071 : memref<1x128x128xf32, #tpu.memory_space<vmem>> -> memref<128x128xf32, #tpu.memory_space<vmem>>
      %dma_start3A_1073 = arith.constant 0 : i32
      %dma_start3A_1074 = tpu.memref_slice %arg5[%rem3A_987, %dma_start3A_1067, %dma_start3A_1073] : memref<2x8x128xi32, #tpu.memory_space<vmem>> -> memref<1x1x128xi32, #tpu.memory_space<vmem>>
      %dma_start3A_1075 = tpu.memref_squeeze %dma_start3A_1074 : memref<1x1x128xi32, #tpu.memory_space<vmem>> -> memref<128xi32, #tpu.memory_space<vmem>>
      %dma_start3A_1076 = arith.constant 0 : i32
      %dma_start3A_1077 = arith.constant 0 : i32
      %dma_start3A_1078 = tpu.memref_slice %arg3[%dma_start3A_1076, %dma_start3A_1077] : memref<10000x128xf32, #tpu.memory_space<hbm>> -> memref<10000x128xf32, #tpu.memory_space<hbm>>
      tpu.enqueue_indirect_dma source(%dma_start3A_1078 : memref<10000x128xf32, #tpu.memory_space<hbm>>) target(%dma_start3A_1072 : memref<128x128xf32, #tpu.memory_space<vmem>>) offsets(%dma_start3A_1075 : memref<128xi32, #tpu.memory_space<vmem>>) semaphore(%arg11 : memref<!tpu.dma_semaphore, #tpu.memory_space<semaphore_mem>>)
      %dma_wait3A_1079 = arith.constant 0 : i32
      %dma_wait3A_1080 = arith.constant 0 : i32
      %dma_wait3A_1081 = arith.constant 1 : i32
      %dma_wait3A_1082 = arith.constant 0 : i32
      %dma_wait3A_1083 = arith.constant 0 : i32
      %dma_wait3A_1084 = tpu.memref_slice %arg7[%dma_wait3A_1081, %dma_wait3A_1082, %dma_wait3A_1083] : memref<2x128x128xf32, #tpu.memory_space<vmem>> -> memref<1x128x128xf32, #tpu.memory_space<vmem>>
      %dma_wait3A_1085 = tpu.memref_squeeze %dma_wait3A_1084 : memref<1x128x128xf32, #tpu.memory_space<vmem>> -> memref<128x128xf32, #tpu.memory_space<vmem>>
      %dma_wait3A_1086 = arith.constant 0 : i32
      %dma_wait3A_1087 = tpu.memref_slice %arg5[%dma_wait3A_1079, %dma_wait3A_1080, %dma_wait3A_1086] : memref<2x8x128xi32, #tpu.memory_space<vmem>> -> memref<1x1x128xi32, #tpu.memory_space<vmem>>
      %dma_wait3A_1088 = tpu.memref_squeeze %dma_wait3A_1087 : memref<1x1x128xi32, #tpu.memory_space<vmem>> -> memref<128xi32, #tpu.memory_space<vmem>>
      %dma_wait3A_1089 = arith.constant 0 : i32
      %dma_wait3A_1090 = arith.constant 0 : i32
      %dma_wait3A_1091 = tpu.memref_slice %arg3[%dma_wait3A_1089, %dma_wait3A_1090] : memref<10000x128xf32, #tpu.memory_space<hbm>> -> memref<10000x128xf32, #tpu.memory_space<hbm>>
      tpu.wait_indirect_dma semaphore(%arg12 : memref<!tpu.dma_semaphore, #tpu.memory_space<semaphore_mem>>) src(%dma_wait3A_1091 : memref<10000x128xf32, #tpu.memory_space<hbm>>) dst(%dma_wait3A_1085 : memref<128x128xf32, #tpu.memory_space<vmem>>)
      %add3A_1092 = arith.constant 3 : i32
      %add3A_1093 = arith.addi %mul3A_993, %add3A_1092 : i32
      %run_scoped3A_1094 = arith.constant 1 : i32
      "tpu.region"() ({
        %run_scoped3A_1210 = tpu.sem_alloc : memref<!tpu.dma_semaphore, #tpu.memory_space<semaphore_mem>>
        %dma_start3A_1211 = arith.constant 0 : i32
        %dma_start3A_1212 = arith.constant 0 : i32
        %dma_start3A_1213 = tpu.memref_slice %arg7[%run_scoped3A_1094, %dma_start3A_1211, %dma_start3A_1212] : memref<2x128x128xf32, #tpu.memory_space<vmem>> -> memref<1x128x128xf32, #tpu.memory_space<vmem>>
        %dma_start3A_1214 = tpu.memref_squeeze %dma_start3A_1213 : memref<1x128x128xf32, #tpu.memory_space<vmem>> -> memref<128x128xf32, #tpu.memory_space<vmem>>
        %dma_start3A_1215 = arith.constant 0 : i32
        %dma_start3A_1216 = tpu.memref_slice %arg6[%add3A_1093, %dma_start3A_1215] : memref<80x128xi32, #tpu.memory_space<vmem>> -> memref<1x128xi32, #tpu.memory_space<vmem>>
        %dma_start3A_1217 = tpu.memref_squeeze %dma_start3A_1216 : memref<1x128xi32, #tpu.memory_space<vmem>> -> memref<128xi32, #tpu.memory_space<vmem>>
        %dma_start3A_1218 = arith.constant 0 : i32
        %dma_start3A_1219 = arith.constant 0 : i32
        %dma_start3A_1220 = tpu.memref_slice %arg9[%dma_start3A_1218, %dma_start3A_1219] : memref<10112x128xf32, #tpu.memory_space<vmem_shared>> -> memref<10112x128xf32, #tpu.memory_space<vmem_shared>>
        tpu.enqueue_indirect_dma source(%dma_start3A_1214 : memref<128x128xf32, #tpu.memory_space<vmem>>) target(%dma_start3A_1220 : memref<10112x128xf32, #tpu.memory_space<vmem_shared>>) offsets(%dma_start3A_1217 : memref<128xi32, #tpu.memory_space<vmem>>) semaphore(%run_scoped3A_1210 : memref<!tpu.dma_semaphore, #tpu.memory_space<semaphore_mem>>) {add = true}
        %dma_wait3A_1221 = arith.constant 0 : i32
        %dma_wait3A_1222 = arith.constant 0 : i32
        %dma_wait3A_1223 = tpu.memref_slice %arg7[%run_scoped3A_1094, %dma_wait3A_1221, %dma_wait3A_1222] : memref<2x128x128xf32, #tpu.memory_space<vmem>> -> memref<1x128x128xf32, #tpu.memory_space<vmem>>
        %dma_wait3A_1224 = tpu.memref_squeeze %dma_wait3A_1223 : memref<1x128x128xf32, #tpu.memory_space<vmem>> -> memref<128x128xf32, #tpu.memory_space<vmem>>
        %dma_wait3A_1225 = arith.constant 0 : i32
        %dma_wait3A_1226 = tpu.memref_slice %arg6[%add3A_1093, %dma_wait3A_1225] : memref<80x128xi32, #tpu.memory_space<vmem>> -> memref<1x128xi32, #tpu.memory_space<vmem>>
        %dma_wait3A_1227 = tpu.memref_squeeze %dma_wait3A_1226 : memref<1x128xi32, #tpu.memory_space<vmem>> -> memref<128xi32, #tpu.memory_space<vmem>>
        %dma_wait3A_1228 = arith.constant 0 : i32
        %dma_wait3A_1229 = arith.constant 0 : i32
        %dma_wait3A_1230 = tpu.memref_slice %arg9[%dma_wait3A_1228, %dma_wait3A_1229] : memref<10112x128xf32, #tpu.memory_space<vmem_shared>> -> memref<10112x128xf32, #tpu.memory_space<vmem_shared>>
        tpu.wait_indirect_dma semaphore(%run_scoped3A_1210 : memref<!tpu.dma_semaphore, #tpu.memory_space<semaphore_mem>>) src(%dma_wait3A_1224 : memref<128x128xf32, #tpu.memory_space<vmem>>) dst(%dma_wait3A_1230 : memref<10112x128xf32, #tpu.memory_space<vmem_shared>>)
        tpu.yield
      }) : () -> ()
      %dma_start3A_1095 = arith.constant 5 : i32
      %dma_start3A_1096 = arith.constant 1 : i32
      %dma_start3A_1097 = arith.constant 0 : i32
      %dma_start3A_1098 = arith.constant 0 : i32
      %dma_start3A_1099 = tpu.memref_slice %arg7[%dma_start3A_1096, %dma_start3A_1097, %dma_start3A_1098] : memref<2x128x128xf32, #tpu.memory_space<vmem>> -> memref<1x128x128xf32, #tpu.memory_space<vmem>>
      %dma_start3A_1100 = tpu.memref_squeeze %dma_start3A_1099 : memref<1x128x128xf32, #tpu.memory_space<vmem>> -> memref<128x128xf32, #tpu.memory_space<vmem>>
      %dma_start3A_1101 = arith.constant 0 : i32
      %dma_start3A_1102 = tpu.memref_slice %arg5[%rem3A_987, %dma_start3A_1095, %dma_start3A_1101] : memref<2x8x128xi32, #tpu.memory_space<vmem>> -> memref<1x1x128xi32, #tpu.memory_space<vmem>>
      %dma_start3A_1103 = tpu.memref_squeeze %dma_start3A_1102 : memref<1x1x128xi32, #tpu.memory_space<vmem>> -> memref<128xi32, #tpu.memory_space<vmem>>
      %dma_start3A_1104 = arith.constant 0 : i32
      %dma_start3A_1105 = arith.constant 0 : i32
      %dma_start3A_1106 = tpu.memref_slice %arg3[%dma_start3A_1104, %dma_start3A_1105] : memref<10000x128xf32, #tpu.memory_space<hbm>> -> memref<10000x128xf32, #tpu.memory_space<hbm>>
      tpu.enqueue_indirect_dma source(%dma_start3A_1106 : memref<10000x128xf32, #tpu.memory_space<hbm>>) target(%dma_start3A_1100 : memref<128x128xf32, #tpu.memory_space<vmem>>) offsets(%dma_start3A_1103 : memref<128xi32, #tpu.memory_space<vmem>>) semaphore(%arg12 : memref<!tpu.dma_semaphore, #tpu.memory_space<semaphore_mem>>)
      %dma_wait3A_1107 = arith.constant 0 : i32
      %dma_wait3A_1108 = arith.constant 0 : i32
      %dma_wait3A_1109 = arith.constant 0 : i32
      %dma_wait3A_1110 = arith.constant 0 : i32
      %dma_wait3A_1111 = arith.constant 0 : i32
      %dma_wait3A_1112 = tpu.memref_slice %arg7[%dma_wait3A_1109, %dma_wait3A_1110, %dma_wait3A_1111] : memref<2x128x128xf32, #tpu.memory_space<vmem>> -> memref<1x128x128xf32, #tpu.memory_space<vmem>>
      %dma_wait3A_1113 = tpu.memref_squeeze %dma_wait3A_1112 : memref<1x128x128xf32, #tpu.memory_space<vmem>> -> memref<128x128xf32, #tpu.memory_space<vmem>>
      %dma_wait3A_1114 = arith.constant 0 : i32
      %dma_wait3A_1115 = tpu.memref_slice %arg5[%dma_wait3A_1107, %dma_wait3A_1108, %dma_wait3A_1114] : memref<2x8x128xi32, #tpu.memory_space<vmem>> -> memref<1x1x128xi32, #tpu.memory_space<vmem>>
      %dma_wait3A_1116 = tpu.memref_squeeze %dma_wait3A_1115 : memref<1x1x128xi32, #tpu.memory_space<vmem>> -> memref<128xi32, #tpu.memory_space<vmem>>
      %dma_wait3A_1117 = arith.constant 0 : i32
      %dma_wait3A_1118 = arith.constant 0 : i32
      %dma_wait3A_1119 = tpu.memref_slice %arg3[%dma_wait3A_1117, %dma_wait3A_1118] : memref<10000x128xf32, #tpu.memory_space<hbm>> -> memref<10000x128xf32, #tpu.memory_space<hbm>>
      tpu.wait_indirect_dma semaphore(%arg11 : memref<!tpu.dma_semaphore, #tpu.memory_space<semaphore_mem>>) src(%dma_wait3A_1119 : memref<10000x128xf32, #tpu.memory_space<hbm>>) dst(%dma_wait3A_1113 : memref<128x128xf32, #tpu.memory_space<vmem>>)
      %add3A_1120 = arith.constant 4 : i32
      %add3A_1121 = arith.addi %mul3A_993, %add3A_1120 : i32
      %run_scoped3A_1122 = arith.constant 0 : i32
      "tpu.region"() ({
        %run_scoped3A_1210 = tpu.sem_alloc : memref<!tpu.dma_semaphore, #tpu.memory_space<semaphore_mem>>
        %dma_start3A_1211 = arith.constant 0 : i32
        %dma_start3A_1212 = arith.constant 0 : i32
        %dma_start3A_1213 = tpu.memref_slice %arg7[%run_scoped3A_1122, %dma_start3A_1211, %dma_start3A_1212] : memref<2x128x128xf32, #tpu.memory_space<vmem>> -> memref<1x128x128xf32, #tpu.memory_space<vmem>>
        %dma_start3A_1214 = tpu.memref_squeeze %dma_start3A_1213 : memref<1x128x128xf32, #tpu.memory_space<vmem>> -> memref<128x128xf32, #tpu.memory_space<vmem>>
        %dma_start3A_1215 = arith.constant 0 : i32
        %dma_start3A_1216 = tpu.memref_slice %arg6[%add3A_1121, %dma_start3A_1215] : memref<80x128xi32, #tpu.memory_space<vmem>> -> memref<1x128xi32, #tpu.memory_space<vmem>>
        %dma_start3A_1217 = tpu.memref_squeeze %dma_start3A_1216 : memref<1x128xi32, #tpu.memory_space<vmem>> -> memref<128xi32, #tpu.memory_space<vmem>>
        %dma_start3A_1218 = arith.constant 0 : i32
        %dma_start3A_1219 = arith.constant 0 : i32
        %dma_start3A_1220 = tpu.memref_slice %arg9[%dma_start3A_1218, %dma_start3A_1219] : memref<10112x128xf32, #tpu.memory_space<vmem_shared>> -> memref<10112x128xf32, #tpu.memory_space<vmem_shared>>
        tpu.enqueue_indirect_dma source(%dma_start3A_1214 : memref<128x128xf32, #tpu.memory_space<vmem>>) target(%dma_start3A_1220 : memref<10112x128xf32, #tpu.memory_space<vmem_shared>>) offsets(%dma_start3A_1217 : memref<128xi32, #tpu.memory_space<vmem>>) semaphore(%run_scoped3A_1210 : memref<!tpu.dma_semaphore, #tpu.memory_space<semaphore_mem>>) {add = true}
        %dma_wait3A_1221 = arith.constant 0 : i32
        %dma_wait3A_1222 = arith.constant 0 : i32
        %dma_wait3A_1223 = tpu.memref_slice %arg7[%run_scoped3A_1122, %dma_wait3A_1221, %dma_wait3A_1222] : memref<2x128x128xf32, #tpu.memory_space<vmem>> -> memref<1x128x128xf32, #tpu.memory_space<vmem>>
        %dma_wait3A_1224 = tpu.memref_squeeze %dma_wait3A_1223 : memref<1x128x128xf32, #tpu.memory_space<vmem>> -> memref<128x128xf32, #tpu.memory_space<vmem>>
        %dma_wait3A_1225 = arith.constant 0 : i32
        %dma_wait3A_1226 = tpu.memref_slice %arg6[%add3A_1121, %dma_wait3A_1225] : memref<80x128xi32, #tpu.memory_space<vmem>> -> memref<1x128xi32, #tpu.memory_space<vmem>>
        %dma_wait3A_1227 = tpu.memref_squeeze %dma_wait3A_1226 : memref<1x128xi32, #tpu.memory_space<vmem>> -> memref<128xi32, #tpu.memory_space<vmem>>
        %dma_wait3A_1228 = arith.constant 0 : i32
        %dma_wait3A_1229 = arith.constant 0 : i32
        %dma_wait3A_1230 = tpu.memref_slice %arg9[%dma_wait3A_1228, %dma_wait3A_1229] : memref<10112x128xf32, #tpu.memory_space<vmem_shared>> -> memref<10112x128xf32, #tpu.memory_space<vmem_shared>>
        tpu.wait_indirect_dma semaphore(%run_scoped3A_1210 : memref<!tpu.dma_semaphore, #tpu.memory_space<semaphore_mem>>) src(%dma_wait3A_1224 : memref<128x128xf32, #tpu.memory_space<vmem>>) dst(%dma_wait3A_1230 : memref<10112x128xf32, #tpu.memory_space<vmem_shared>>)
        tpu.yield
      }) : () -> ()
      %dma_start3A_1123 = arith.constant 6 : i32
      %dma_start3A_1124 = arith.constant 0 : i32
      %dma_start3A_1125 = arith.constant 0 : i32
      %dma_start3A_1126 = arith.constant 0 : i32
      %dma_start3A_1127 = tpu.memref_slice %arg7[%dma_start3A_1124, %dma_start3A_1125, %dma_start3A_1126] : memref<2x128x128xf32, #tpu.memory_space<vmem>> -> memref<1x128x128xf32, #tpu.memory_space<vmem>>
      %dma_start3A_1128 = tpu.memref_squeeze %dma_start3A_1127 : memref<1x128x128xf32, #tpu.memory_space<vmem>> -> memref<128x128xf32, #tpu.memory_space<vmem>>
      %dma_start3A_1129 = arith.constant 0 : i32
      %dma_start3A_1130 = tpu.memref_slice %arg5[%rem3A_987, %dma_start3A_1123, %dma_start3A_1129] : memref<2x8x128xi32, #tpu.memory_space<vmem>> -> memref<1x1x128xi32, #tpu.memory_space<vmem>>
      %dma_start3A_1131 = tpu.memref_squeeze %dma_start3A_1130 : memref<1x1x128xi32, #tpu.memory_space<vmem>> -> memref<128xi32, #tpu.memory_space<vmem>>
      %dma_start3A_1132 = arith.constant 0 : i32
      %dma_start3A_1133 = arith.constant 0 : i32
      %dma_start3A_1134 = tpu.memref_slice %arg3[%dma_start3A_1132, %dma_start3A_1133] : memref<10000x128xf32, #tpu.memory_space<hbm>> -> memref<10000x128xf32, #tpu.memory_space<hbm>>
      tpu.enqueue_indirect_dma source(%dma_start3A_1134 : memref<10000x128xf32, #tpu.memory_space<hbm>>) target(%dma_start3A_1128 : memref<128x128xf32, #tpu.memory_space<vmem>>) offsets(%dma_start3A_1131 : memref<128xi32, #tpu.memory_space<vmem>>) semaphore(%arg11 : memref<!tpu.dma_semaphore, #tpu.memory_space<semaphore_mem>>)
      %dma_wait3A_1135 = arith.constant 0 : i32
      %dma_wait3A_1136 = arith.constant 0 : i32
      %dma_wait3A_1137 = arith.constant 1 : i32
      %dma_wait3A_1138 = arith.constant 0 : i32
      %dma_wait3A_1139 = arith.constant 0 : i32
      %dma_wait3A_1140 = tpu.memref_slice %arg7[%dma_wait3A_1137, %dma_wait3A_1138, %dma_wait3A_1139] : memref<2x128x128xf32, #tpu.memory_space<vmem>> -> memref<1x128x128xf32, #tpu.memory_space<vmem>>
      %dma_wait3A_1141 = tpu.memref_squeeze %dma_wait3A_1140 : memref<1x128x128xf32, #tpu.memory_space<vmem>> -> memref<128x128xf32, #tpu.memory_space<vmem>>
      %dma_wait3A_1142 = arith.constant 0 : i32
      %dma_wait3A_1143 = tpu.memref_slice %arg5[%dma_wait3A_1135, %dma_wait3A_1136, %dma_wait3A_1142] : memref<2x8x128xi32, #tpu.memory_space<vmem>> -> memref<1x1x128xi32, #tpu.memory_space<vmem>>
      %dma_wait3A_1144 = tpu.memref_squeeze %dma_wait3A_1143 : memref<1x1x128xi32, #tpu.memory_space<vmem>> -> memref<128xi32, #tpu.memory_space<vmem>>
      %dma_wait3A_1145 = arith.constant 0 : i32
      %dma_wait3A_1146 = arith.constant 0 : i32
      %dma_wait3A_1147 = tpu.memref_slice %arg3[%dma_wait3A_1145, %dma_wait3A_1146] : memref<10000x128xf32, #tpu.memory_space<hbm>> -> memref<10000x128xf32, #tpu.memory_space<hbm>>
      tpu.wait_indirect_dma semaphore(%arg12 : memref<!tpu.dma_semaphore, #tpu.memory_space<semaphore_mem>>) src(%dma_wait3A_1147 : memref<10000x128xf32, #tpu.memory_space<hbm>>) dst(%dma_wait3A_1141 : memref<128x128xf32, #tpu.memory_space<vmem>>)
      %add3A_1148 = arith.constant 5 : i32
      %add3A_1149 = arith.addi %mul3A_993, %add3A_1148 : i32
      %run_scoped3A_1150 = arith.constant 1 : i32
      "tpu.region"() ({
        %run_scoped3A_1210 = tpu.sem_alloc : memref<!tpu.dma_semaphore, #tpu.memory_space<semaphore_mem>>
        %dma_start3A_1211 = arith.constant 0 : i32
        %dma_start3A_1212 = arith.constant 0 : i32
        %dma_start3A_1213 = tpu.memref_slice %arg7[%run_scoped3A_1150, %dma_start3A_1211, %dma_start3A_1212] : memref<2x128x128xf32, #tpu.memory_space<vmem>> -> memref<1x128x128xf32, #tpu.memory_space<vmem>>
        %dma_start3A_1214 = tpu.memref_squeeze %dma_start3A_1213 : memref<1x128x128xf32, #tpu.memory_space<vmem>> -> memref<128x128xf32, #tpu.memory_space<vmem>>
        %dma_start3A_1215 = arith.constant 0 : i32
        %dma_start3A_1216 = tpu.memref_slice %arg6[%add3A_1149, %dma_start3A_1215] : memref<80x128xi32, #tpu.memory_space<vmem>> -> memref<1x128xi32, #tpu.memory_space<vmem>>
        %dma_start3A_1217 = tpu.memref_squeeze %dma_start3A_1216 : memref<1x128xi32, #tpu.memory_space<vmem>> -> memref<128xi32, #tpu.memory_space<vmem>>
        %dma_start3A_1218 = arith.constant 0 : i32
        %dma_start3A_1219 = arith.constant 0 : i32
        %dma_start3A_1220 = tpu.memref_slice %arg9[%dma_start3A_1218, %dma_start3A_1219] : memref<10112x128xf32, #tpu.memory_space<vmem_shared>> -> memref<10112x128xf32, #tpu.memory_space<vmem_shared>>
        tpu.enqueue_indirect_dma source(%dma_start3A_1214 : memref<128x128xf32, #tpu.memory_space<vmem>>) target(%dma_start3A_1220 : memref<10112x128xf32, #tpu.memory_space<vmem_shared>>) offsets(%dma_start3A_1217 : memref<128xi32, #tpu.memory_space<vmem>>) semaphore(%run_scoped3A_1210 : memref<!tpu.dma_semaphore, #tpu.memory_space<semaphore_mem>>) {add = true}
        %dma_wait3A_1221 = arith.constant 0 : i32
        %dma_wait3A_1222 = arith.constant 0 : i32
        %dma_wait3A_1223 = tpu.memref_slice %arg7[%run_scoped3A_1150, %dma_wait3A_1221, %dma_wait3A_1222] : memref<2x128x128xf32, #tpu.memory_space<vmem>> -> memref<1x128x128xf32, #tpu.memory_space<vmem>>
        %dma_wait3A_1224 = tpu.memref_squeeze %dma_wait3A_1223 : memref<1x128x128xf32, #tpu.memory_space<vmem>> -> memref<128x128xf32, #tpu.memory_space<vmem>>
        %dma_wait3A_1225 = arith.constant 0 : i32
        %dma_wait3A_1226 = tpu.memref_slice %arg6[%add3A_1149, %dma_wait3A_1225] : memref<80x128xi32, #tpu.memory_space<vmem>> -> memref<1x128xi32, #tpu.memory_space<vmem>>
        %dma_wait3A_1227 = tpu.memref_squeeze %dma_wait3A_1226 : memref<1x128xi32, #tpu.memory_space<vmem>> -> memref<128xi32, #tpu.memory_space<vmem>>
        %dma_wait3A_1228 = arith.constant 0 : i32
        %dma_wait3A_1229 = arith.constant 0 : i32
        %dma_wait3A_1230 = tpu.memref_slice %arg9[%dma_wait3A_1228, %dma_wait3A_1229] : memref<10112x128xf32, #tpu.memory_space<vmem_shared>> -> memref<10112x128xf32, #tpu.memory_space<vmem_shared>>
        tpu.wait_indirect_dma semaphore(%run_scoped3A_1210 : memref<!tpu.dma_semaphore, #tpu.memory_space<semaphore_mem>>) src(%dma_wait3A_1224 : memref<128x128xf32, #tpu.memory_space<vmem>>) dst(%dma_wait3A_1230 : memref<10112x128xf32, #tpu.memory_space<vmem_shared>>)
        tpu.yield
      }) : () -> ()
      %dma_start3A_1151 = arith.constant 7 : i32
      %dma_start3A_1152 = arith.constant 1 : i32
      %dma_start3A_1153 = arith.constant 0 : i32
      %dma_start3A_1154 = arith.constant 0 : i32
      %dma_start3A_1155 = tpu.memref_slice %arg7[%dma_start3A_1152, %dma_start3A_1153, %dma_start3A_1154] : memref<2x128x128xf32, #tpu.memory_space<vmem>> -> memref<1x128x128xf32, #tpu.memory_space<vmem>>
      %dma_start3A_1156 = tpu.memref_squeeze %dma_start3A_1155 : memref<1x128x128xf32, #tpu.memory_space<vmem>> -> memref<128x128xf32, #tpu.memory_space<vmem>>
      %dma_start3A_1157 = arith.constant 0 : i32
      %dma_start3A_1158 = tpu.memref_slice %arg5[%rem3A_987, %dma_start3A_1151, %dma_start3A_1157] : memref<2x8x128xi32, #tpu.memory_space<vmem>> -> memref<1x1x128xi32, #tpu.memory_space<vmem>>
      %dma_start3A_1159 = tpu.memref_squeeze %dma_start3A_1158 : memref<1x1x128xi32, #tpu.memory_space<vmem>> -> memref<128xi32, #tpu.memory_space<vmem>>
      %dma_start3A_1160 = arith.constant 0 : i32
      %dma_start3A_1161 = arith.constant 0 : i32
      %dma_start3A_1162 = tpu.memref_slice %arg3[%dma_start3A_1160, %dma_start3A_1161] : memref<10000x128xf32, #tpu.memory_space<hbm>> -> memref<10000x128xf32, #tpu.memory_space<hbm>>
      tpu.enqueue_indirect_dma source(%dma_start3A_1162 : memref<10000x128xf32, #tpu.memory_space<hbm>>) target(%dma_start3A_1156 : memref<128x128xf32, #tpu.memory_space<vmem>>) offsets(%dma_start3A_1159 : memref<128xi32, #tpu.memory_space<vmem>>) semaphore(%arg12 : memref<!tpu.dma_semaphore, #tpu.memory_space<semaphore_mem>>)
      %dma_wait3A_1163 = arith.constant 0 : i32
      %dma_wait3A_1164 = arith.constant 0 : i32
      %dma_wait3A_1165 = arith.constant 0 : i32
      %dma_wait3A_1166 = arith.constant 0 : i32
      %dma_wait3A_1167 = arith.constant 0 : i32
      %dma_wait3A_1168 = tpu.memref_slice %arg7[%dma_wait3A_1165, %dma_wait3A_1166, %dma_wait3A_1167] : memref<2x128x128xf32, #tpu.memory_space<vmem>> -> memref<1x128x128xf32, #tpu.memory_space<vmem>>
      %dma_wait3A_1169 = tpu.memref_squeeze %dma_wait3A_1168 : memref<1x128x128xf32, #tpu.memory_space<vmem>> -> memref<128x128xf32, #tpu.memory_space<vmem>>
      %dma_wait3A_1170 = arith.constant 0 : i32
      %dma_wait3A_1171 = tpu.memref_slice %arg5[%dma_wait3A_1163, %dma_wait3A_1164, %dma_wait3A_1170] : memref<2x8x128xi32, #tpu.memory_space<vmem>> -> memref<1x1x128xi32, #tpu.memory_space<vmem>>
      %dma_wait3A_1172 = tpu.memref_squeeze %dma_wait3A_1171 : memref<1x1x128xi32, #tpu.memory_space<vmem>> -> memref<128xi32, #tpu.memory_space<vmem>>
      %dma_wait3A_1173 = arith.constant 0 : i32
      %dma_wait3A_1174 = arith.constant 0 : i32
      %dma_wait3A_1175 = tpu.memref_slice %arg3[%dma_wait3A_1173, %dma_wait3A_1174] : memref<10000x128xf32, #tpu.memory_space<hbm>> -> memref<10000x128xf32, #tpu.memory_space<hbm>>
      tpu.wait_indirect_dma semaphore(%arg11 : memref<!tpu.dma_semaphore, #tpu.memory_space<semaphore_mem>>) src(%dma_wait3A_1175 : memref<10000x128xf32, #tpu.memory_space<hbm>>) dst(%dma_wait3A_1169 : memref<128x128xf32, #tpu.memory_space<vmem>>)
      %add3A_1176 = arith.constant 6 : i32
      %add3A_1177 = arith.addi %mul3A_993, %add3A_1176 : i32
      %run_scoped3A_1178 = arith.constant 0 : i32
      "tpu.region"() ({
        %run_scoped3A_1210 = tpu.sem_alloc : memref<!tpu.dma_semaphore, #tpu.memory_space<semaphore_mem>>
        %dma_start3A_1211 = arith.constant 0 : i32
        %dma_start3A_1212 = arith.constant 0 : i32
        %dma_start3A_1213 = tpu.memref_slice %arg7[%run_scoped3A_1178, %dma_start3A_1211, %dma_start3A_1212] : memref<2x128x128xf32, #tpu.memory_space<vmem>> -> memref<1x128x128xf32, #tpu.memory_space<vmem>>
        %dma_start3A_1214 = tpu.memref_squeeze %dma_start3A_1213 : memref<1x128x128xf32, #tpu.memory_space<vmem>> -> memref<128x128xf32, #tpu.memory_space<vmem>>
        %dma_start3A_1215 = arith.constant 0 : i32
        %dma_start3A_1216 = tpu.memref_slice %arg6[%add3A_1177, %dma_start3A_1215] : memref<80x128xi32, #tpu.memory_space<vmem>> -> memref<1x128xi32, #tpu.memory_space<vmem>>
        %dma_start3A_1217 = tpu.memref_squeeze %dma_start3A_1216 : memref<1x128xi32, #tpu.memory_space<vmem>> -> memref<128xi32, #tpu.memory_space<vmem>>
        %dma_start3A_1218 = arith.constant 0 : i32
        %dma_start3A_1219 = arith.constant 0 : i32
        %dma_start3A_1220 = tpu.memref_slice %arg9[%dma_start3A_1218, %dma_start3A_1219] : memref<10112x128xf32, #tpu.memory_space<vmem_shared>> -> memref<10112x128xf32, #tpu.memory_space<vmem_shared>>
        tpu.enqueue_indirect_dma source(%dma_start3A_1214 : memref<128x128xf32, #tpu.memory_space<vmem>>) target(%dma_start3A_1220 : memref<10112x128xf32, #tpu.memory_space<vmem_shared>>) offsets(%dma_start3A_1217 : memref<128xi32, #tpu.memory_space<vmem>>) semaphore(%run_scoped3A_1210 : memref<!tpu.dma_semaphore, #tpu.memory_space<semaphore_mem>>) {add = true}
        %dma_wait3A_1221 = arith.constant 0 : i32
        %dma_wait3A_1222 = arith.constant 0 : i32
        %dma_wait3A_1223 = tpu.memref_slice %arg7[%run_scoped3A_1178, %dma_wait3A_1221, %dma_wait3A_1222] : memref<2x128x128xf32, #tpu.memory_space<vmem>> -> memref<1x128x128xf32, #tpu.memory_space<vmem>>
        %dma_wait3A_1224 = tpu.memref_squeeze %dma_wait3A_1223 : memref<1x128x128xf32, #tpu.memory_space<vmem>> -> memref<128x128xf32, #tpu.memory_space<vmem>>
        %dma_wait3A_1225 = arith.constant 0 : i32
        %dma_wait3A_1226 = tpu.memref_slice %arg6[%add3A_1177, %dma_wait3A_1225] : memref<80x128xi32, #tpu.memory_space<vmem>> -> memref<1x128xi32, #tpu.memory_space<vmem>>
        %dma_wait3A_1227 = tpu.memref_squeeze %dma_wait3A_1226 : memref<1x128xi32, #tpu.memory_space<vmem>> -> memref<128xi32, #tpu.memory_space<vmem>>
        %dma_wait3A_1228 = arith.constant 0 : i32
        %dma_wait3A_1229 = arith.constant 0 : i32
        %dma_wait3A_1230 = tpu.memref_slice %arg9[%dma_wait3A_1228, %dma_wait3A_1229] : memref<10112x128xf32, #tpu.memory_space<vmem_shared>> -> memref<10112x128xf32, #tpu.memory_space<vmem_shared>>
        tpu.wait_indirect_dma semaphore(%run_scoped3A_1210 : memref<!tpu.dma_semaphore, #tpu.memory_space<semaphore_mem>>) src(%dma_wait3A_1224 : memref<128x128xf32, #tpu.memory_space<vmem>>) dst(%dma_wait3A_1230 : memref<10112x128xf32, #tpu.memory_space<vmem_shared>>)
        tpu.yield
      }) : () -> ()
      %lt3A_1179 = arith.constant 9 : i32
      %lt3A_1180 = arith.cmpi slt, %scan3A_986, %lt3A_1179 : i32
      %convert_element_type3A_1181 = arith.extui %lt3A_1180 : i1 to i32
      %cond3A_1182 = arith.constant 0 : i32
      %cond3A_1183 = arith.cmpi ne, %convert_element_type3A_1181, %cond3A_1182 : i32
      scf.if %cond3A_1183 {
        %dma_start3A_1210 = arith.constant 0 : i32
        %dma_start3A_1211 = arith.constant 0 : i32
        %dma_start3A_1212 = arith.constant 0 : i32
        %dma_start3A_1213 = arith.constant 0 : i32
        %dma_start3A_1214 = tpu.memref_slice %arg7[%dma_start3A_1211, %dma_start3A_1212, %dma_start3A_1213] : memref<2x128x128xf32, #tpu.memory_space<vmem>> -> memref<1x128x128xf32, #tpu.memory_space<vmem>>
        %dma_start3A_1215 = tpu.memref_squeeze %dma_start3A_1214 : memref<1x128x128xf32, #tpu.memory_space<vmem>> -> memref<128x128xf32, #tpu.memory_space<vmem>>
        %dma_start3A_1216 = arith.constant 0 : i32
        %dma_start3A_1217 = tpu.memref_slice %arg5[%rem3A_991, %dma_start3A_1210, %dma_start3A_1216] : memref<2x8x128xi32, #tpu.memory_space<vmem>> -> memref<1x1x128xi32, #tpu.memory_space<vmem>>
        %dma_start3A_1218 = tpu.memref_squeeze %dma_start3A_1217 : memref<1x1x128xi32, #tpu.memory_space<vmem>> -> memref<128xi32, #tpu.memory_space<vmem>>
        %dma_start3A_1219 = arith.constant 0 : i32
        %dma_start3A_1220 = arith.constant 0 : i32
        %dma_start3A_1221 = tpu.memref_slice %arg3[%dma_start3A_1219, %dma_start3A_1220] : memref<10000x128xf32, #tpu.memory_space<hbm>> -> memref<10000x128xf32, #tpu.memory_space<hbm>>
        tpu.enqueue_indirect_dma source(%dma_start3A_1221 : memref<10000x128xf32, #tpu.memory_space<hbm>>) target(%dma_start3A_1215 : memref<128x128xf32, #tpu.memory_space<vmem>>) offsets(%dma_start3A_1218 : memref<128xi32, #tpu.memory_space<vmem>>) semaphore(%arg11 : memref<!tpu.dma_semaphore, #tpu.memory_space<semaphore_mem>>)
      } else {
      }
      %dma_wait3A_1184 = arith.constant 0 : i32
      %dma_wait3A_1185 = arith.constant 0 : i32
      %dma_wait3A_1186 = arith.constant 1 : i32
      %dma_wait3A_1187 = arith.constant 0 : i32
      %dma_wait3A_1188 = arith.constant 0 : i32
      %dma_wait3A_1189 = tpu.memref_slice %arg7[%dma_wait3A_1186, %dma_wait3A_1187, %dma_wait3A_1188] : memref<2x128x128xf32, #tpu.memory_space<vmem>> -> memref<1x128x128xf32, #tpu.memory_space<vmem>>
      %dma_wait3A_1190 = tpu.memref_squeeze %dma_wait3A_1189 : memref<1x128x128xf32, #tpu.memory_space<vmem>> -> memref<128x128xf32, #tpu.memory_space<vmem>>
      %dma_wait3A_1191 = arith.constant 0 : i32
      %dma_wait3A_1192 = tpu.memref_slice %arg5[%dma_wait3A_1184, %dma_wait3A_1185, %dma_wait3A_1191] : memref<2x8x128xi32, #tpu.memory_space<vmem>> -> memref<1x1x128xi32, #tpu.memory_space<vmem>>
      %dma_wait3A_1193 = tpu.memref_squeeze %dma_wait3A_1192 : memref<1x1x128xi32, #tpu.memory_space<vmem>> -> memref<128xi32, #tpu.memory_space<vmem>>
      %dma_wait3A_1194 = arith.constant 0 : i32
      %dma_wait3A_1195 = arith.constant 0 : i32
      %dma_wait3A_1196 = tpu.memref_slice %arg3[%dma_wait3A_1194, %dma_wait3A_1195] : memref<10000x128xf32, #tpu.memory_space<hbm>> -> memref<10000x128xf32, #tpu.memory_space<hbm>>
      tpu.wait_indirect_dma semaphore(%arg12 : memref<!tpu.dma_semaphore, #tpu.memory_space<semaphore_mem>>) src(%dma_wait3A_1196 : memref<10000x128xf32, #tpu.memory_space<hbm>>) dst(%dma_wait3A_1190 : memref<128x128xf32, #tpu.memory_space<vmem>>)
      %add3A_1197 = arith.constant 7 : i32
      %add3A_1198 = arith.addi %mul3A_993, %add3A_1197 : i32
      %run_scoped3A_1199 = arith.constant 1 : i32
      "tpu.region"() ({
        %run_scoped3A_1210 = tpu.sem_alloc : memref<!tpu.dma_semaphore, #tpu.memory_space<semaphore_mem>>
        %dma_start3A_1211 = arith.constant 0 : i32
        %dma_start3A_1212 = arith.constant 0 : i32
        %dma_start3A_1213 = tpu.memref_slice %arg7[%run_scoped3A_1199, %dma_start3A_1211, %dma_start3A_1212] : memref<2x128x128xf32, #tpu.memory_space<vmem>> -> memref<1x128x128xf32, #tpu.memory_space<vmem>>
        %dma_start3A_1214 = tpu.memref_squeeze %dma_start3A_1213 : memref<1x128x128xf32, #tpu.memory_space<vmem>> -> memref<128x128xf32, #tpu.memory_space<vmem>>
        %dma_start3A_1215 = arith.constant 0 : i32
        %dma_start3A_1216 = tpu.memref_slice %arg6[%add3A_1198, %dma_start3A_1215] : memref<80x128xi32, #tpu.memory_space<vmem>> -> memref<1x128xi32, #tpu.memory_space<vmem>>
        %dma_start3A_1217 = tpu.memref_squeeze %dma_start3A_1216 : memref<1x128xi32, #tpu.memory_space<vmem>> -> memref<128xi32, #tpu.memory_space<vmem>>
        %dma_start3A_1218 = arith.constant 0 : i32
        %dma_start3A_1219 = arith.constant 0 : i32
        %dma_start3A_1220 = tpu.memref_slice %arg9[%dma_start3A_1218, %dma_start3A_1219] : memref<10112x128xf32, #tpu.memory_space<vmem_shared>> -> memref<10112x128xf32, #tpu.memory_space<vmem_shared>>
        tpu.enqueue_indirect_dma source(%dma_start3A_1214 : memref<128x128xf32, #tpu.memory_space<vmem>>) target(%dma_start3A_1220 : memref<10112x128xf32, #tpu.memory_space<vmem_shared>>) offsets(%dma_start3A_1217 : memref<128xi32, #tpu.memory_space<vmem>>) semaphore(%run_scoped3A_1210 : memref<!tpu.dma_semaphore, #tpu.memory_space<semaphore_mem>>) {add = true}
        %dma_wait3A_1221 = arith.constant 0 : i32
        %dma_wait3A_1222 = arith.constant 0 : i32
        %dma_wait3A_1223 = tpu.memref_slice %arg7[%run_scoped3A_1199, %dma_wait3A_1221, %dma_wait3A_1222] : memref<2x128x128xf32, #tpu.memory_space<vmem>> -> memref<1x128x128xf32, #tpu.memory_space<vmem>>
        %dma_wait3A_1224 = tpu.memref_squeeze %dma_wait3A_1223 : memref<1x128x128xf32, #tpu.memory_space<vmem>> -> memref<128x128xf32, #tpu.memory_space<vmem>>
        %dma_wait3A_1225 = arith.constant 0 : i32
        %dma_wait3A_1226 = tpu.memref_slice %arg6[%add3A_1198, %dma_wait3A_1225] : memref<80x128xi32, #tpu.memory_space<vmem>> -> memref<1x128xi32, #tpu.memory_space<vmem>>
        %dma_wait3A_1227 = tpu.memref_squeeze %dma_wait3A_1226 : memref<1x128xi32, #tpu.memory_space<vmem>> -> memref<128xi32, #tpu.memory_space<vmem>>
        %dma_wait3A_1228 = arith.constant 0 : i32
        %dma_wait3A_1229 = arith.constant 0 : i32
        %dma_wait3A_1230 = tpu.memref_slice %arg9[%dma_wait3A_1228, %dma_wait3A_1229] : memref<10112x128xf32, #tpu.memory_space<vmem_shared>> -> memref<10112x128xf32, #tpu.memory_space<vmem_shared>>
        tpu.wait_indirect_dma semaphore(%run_scoped3A_1210 : memref<!tpu.dma_semaphore, #tpu.memory_space<semaphore_mem>>) src(%dma_wait3A_1224 : memref<128x128xf32, #tpu.memory_space<vmem>>) dst(%dma_wait3A_1230 : memref<10112x128xf32, #tpu.memory_space<vmem_shared>>)
        tpu.yield
      }) : () -> ()
      %lt3A_1200 = arith.constant 8 : i32
      %lt3A_1201 = arith.cmpi slt, %scan3A_986, %lt3A_1200 : i32
      %convert_element_type3A_1202 = arith.extui %lt3A_1201 : i1 to i32
      %cond3A_1203 = arith.constant 0 : i32
      %cond3A_1204 = arith.cmpi ne, %convert_element_type3A_1202, %cond3A_1203 : i32
      scf.if %cond3A_1204 {
        %add3A_1210 = arith.constant 2 : i32
        %add3A_1211 = arith.addi %scan3A_986, %add3A_1210 : i32
        %mul3A_1212 = arith.constant 8 : i32
        %mul3A_1213 = arith.muli %add3A_1211, %mul3A_1212 : i32
        %add3A_1214 = arith.addi %mul3A_2, %mul3A_1213 : i32
        %dma_start3A_1215 = arith.constant 0 : i32
        %dma_start3A_1216 = arith.constant 0 : i32
        %dma_start3A_1217 = arith.constant 0 : i32
        %dma_start3A_1218 = tpu.memref_slice %arg5[%rem3A_987, %dma_start3A_1216, %dma_start3A_1217] : memref<2x8x128xi32, #tpu.memory_space<vmem>> -> memref<1x8x128xi32, #tpu.memory_space<vmem>>
        %dma_start3A_1219 = tpu.memref_squeeze %dma_start3A_1218 : memref<1x8x128xi32, #tpu.memory_space<vmem>> -> memref<8x128xi32, #tpu.memory_space<vmem>>
        %dma_start3A_1220 = arith.constant 0 : i32
        %dma_start3A_1221 = tpu.memref_slice %arg2[%dma_start3A_1215, %add3A_1214, %dma_start3A_1220] : memref<2x2560x128xi32, #tpu.memory_space<hbm>> -> memref<1x8x128xi32, #tpu.memory_space<hbm>>
        %dma_start3A_1222 = tpu.memref_squeeze %dma_start3A_1221 : memref<1x8x128xi32, #tpu.memory_space<hbm>> -> memref<8x128xi32, #tpu.memory_space<hbm>>
        %dma_start3A_1223 = arith.constant 0 : i32
        %dma_start3A_1224 = arith.constant 0 : i32
        %dma_start3A_1225 = tpu.memref_slice %arg5[%rem3A_987, %dma_start3A_1223, %dma_start3A_1224] : memref<2x8x128xi32, #tpu.memory_space<vmem>> -> memref<1x8x128xi32, #tpu.memory_space<vmem>>
        %dma_start3A_1226 = tpu.memref_squeeze %dma_start3A_1225 : memref<1x8x128xi32, #tpu.memory_space<vmem>> -> memref<8x128xi32, #tpu.memory_space<vmem>>
        %dma_start3A_1227 = arith.constant 0 : i32
        %dma_start3A_1228 = tpu.memref_slice %arg2[%dma_start3A_1215, %add3A_1214, %dma_start3A_1227] : memref<2x2560x128xi32, #tpu.memory_space<hbm>> -> memref<1x8x128xi32, #tpu.memory_space<hbm>>
        %dma_start3A_1229 = tpu.memref_squeeze %dma_start3A_1228 : memref<1x8x128xi32, #tpu.memory_space<hbm>> -> memref<8x128xi32, #tpu.memory_space<hbm>>
        tpu.enqueue_dma source(%dma_start3A_1229 : memref<8x128xi32, #tpu.memory_space<hbm>>) target(%dma_start3A_1226 : memref<8x128xi32, #tpu.memory_space<vmem>>) target_semaphore(%arg10 : memref<!tpu.dma_semaphore, #tpu.memory_space<semaphore_mem>>)
      } else {
      }
      %lt3A_1205 = arith.constant 9 : i32
      %lt3A_1206 = arith.cmpi slt, %scan3A_986, %lt3A_1205 : i32
      %convert_element_type3A_1207 = arith.extui %lt3A_1206 : i1 to i32
      %cond3A_1208 = arith.constant 0 : i32
      %cond3A_1209 = arith.cmpi ne, %convert_element_type3A_1207, %cond3A_1208 : i32
      scf.if %cond3A_1209 {
        %dma_start3A_1210 = arith.constant 1 : i32
        %dma_start3A_1211 = arith.constant 1 : i32
        %dma_start3A_1212 = arith.constant 0 : i32
        %dma_start3A_1213 = arith.constant 0 : i32
        %dma_start3A_1214 = tpu.memref_slice %arg7[%dma_start3A_1211, %dma_start3A_1212, %dma_start3A_1213] : memref<2x128x128xf32, #tpu.memory_space<vmem>> -> memref<1x128x128xf32, #tpu.memory_space<vmem>>
        %dma_start3A_1215 = tpu.memref_squeeze %dma_start3A_1214 : memref<1x128x128xf32, #tpu.memory_space<vmem>> -> memref<128x128xf32, #tpu.memory_space<vmem>>
        %dma_start3A_1216 = arith.constant 0 : i32
        %dma_start3A_1217 = tpu.memref_slice %arg5[%rem3A_991, %dma_start3A_1210, %dma_start3A_1216] : memref<2x8x128xi32, #tpu.memory_space<vmem>> -> memref<1x1x128xi32, #tpu.memory_space<vmem>>
        %dma_start3A_1218 = tpu.memref_squeeze %dma_start3A_1217 : memref<1x1x128xi32, #tpu.memory_space<vmem>> -> memref<128xi32, #tpu.memory_space<vmem>>
        %dma_start3A_1219 = arith.constant 0 : i32
        %dma_start3A_1220 = arith.constant 0 : i32
        %dma_start3A_1221 = tpu.memref_slice %arg3[%dma_start3A_1219, %dma_start3A_1220] : memref<10000x128xf32, #tpu.memory_space<hbm>> -> memref<10000x128xf32, #tpu.memory_space<hbm>>
        tpu.enqueue_indirect_dma source(%dma_start3A_1221 : memref<10000x128xf32, #tpu.memory_space<hbm>>) target(%dma_start3A_1215 : memref<128x128xf32, #tpu.memory_space<vmem>>) offsets(%dma_start3A_1218 : memref<128xi32, #tpu.memory_space<vmem>>) semaphore(%arg12 : memref<!tpu.dma_semaphore, #tpu.memory_space<semaphore_mem>>)
      } else {
      }
    }
    %scan3A_980 = arith.constant 10 : i32
    %barrier3A_981 = arith.constant 0 : index
    tpu.barrier barrier_id(%barrier3A_981)
    "tpu.trace_stop"() : () -> ()
    "tpu.trace_start"() <{level = 10 : i32, message = "agg_copyout"}> : () -> ()
    %mul3A_982 = arith.constant 632 : i32
    %mul3A_983 = arith.muli %arg1, %mul3A_982 : i32
    %mul3A_984 = arith.constant 632 : i32
    %mul3A_985 = arith.muli %arg1, %mul3A_984 : i32
    "tpu.region"() ({
      %run_scoped3A_986 = tpu.sem_alloc : memref<!tpu.dma_semaphore, #tpu.memory_space<semaphore_mem>>
      %dma_start3A_987 = arith.constant 0 : i32
      %dma_start3A_988 = tpu.memref_slice %arg4[%arg0, %mul3A_985, %dma_start3A_987] : memref<2x10112x128xf32, #tpu.memory_space<hbm>> -> memref<1x632x128xf32, #tpu.memory_space<hbm>>
      %dma_start3A_989 = tpu.memref_squeeze %dma_start3A_988 : memref<1x632x128xf32, #tpu.memory_space<hbm>> -> memref<632x128xf32, #tpu.memory_space<hbm>>
      %dma_start3A_990 = arith.constant 0 : i32
      %dma_start3A_991 = tpu.memref_slice %arg9[%mul3A_983, %dma_start3A_990] : memref<10112x128xf32, #tpu.memory_space<vmem_shared>> -> memref<632x128xf32, #tpu.memory_space<vmem_shared>>
      tpu.enqueue_dma source(%dma_start3A_991 : memref<632x128xf32, #tpu.memory_space<vmem_shared>>) target(%dma_start3A_989 : memref<632x128xf32, #tpu.memory_space<hbm>>) target_semaphore(%run_scoped3A_986 : memref<!tpu.dma_semaphore, #tpu.memory_space<semaphore_mem>>)
      %dma_wait3A = arith.constant 0 : i32
      %dma_wait3A_992 = tpu.memref_slice %arg4[%arg0, %mul3A_985, %dma_wait3A] : memref<2x10112x128xf32, #tpu.memory_space<hbm>> -> memref<1x632x128xf32, #tpu.memory_space<hbm>>
      %dma_wait3A_993 = tpu.memref_squeeze %dma_wait3A_992 : memref<1x632x128xf32, #tpu.memory_space<hbm>> -> memref<632x128xf32, #tpu.memory_space<hbm>>
      %dma_wait3A_994 = arith.constant 0 : i32
      %dma_wait3A_995 = tpu.memref_slice %arg9[%mul3A_983, %dma_wait3A_994] : memref<10112x128xf32, #tpu.memory_space<vmem_shared>> -> memref<632x128xf32, #tpu.memory_space<vmem_shared>>
      tpu.wait_dma2 semaphore(%run_scoped3A_986 : memref<!tpu.dma_semaphore, #tpu.memory_space<semaphore_mem>>) src(%dma_wait3A_995 : memref<632x128xf32, #tpu.memory_space<vmem_shared>>) dst(%dma_wait3A_993 : memref<632x128xf32, #tpu.memory_space<hbm>>)
      tpu.yield
    }) : () -> ()
    "tpu.trace_stop"() : () -> ()
    return
  }
}

module attributes {stable_mosaic.version = 14 : i64} {
  func.func @_mm_body(%arg0: i32, %arg1: memref<2000x2xf32, #tpu.memory_space<vmem>>, %arg2: memref<2000x128xf32, #tpu.memory_space<vmem>>, %arg3: memref<128x128xf32, #tpu.memory_space<vmem>>, %arg4: memref<2000x128xf32, #tpu.memory_space<vmem>>, %arg5: memref<2000x1xf32, #tpu.memory_space<vmem>>) attributes {dimension_semantics = [#tpu.dimension_semantics<arbitrary>], iteration_bounds = array<i64: 5>, scalar_prefetch = 0 : i64, scratch_operands = 0 : i64, tpu.core_type = #tpu.core_type<tc>, window_params = [{transform_indices = @transform_0, window_bounds = array<i64: 2000, 2>}, {transform_indices = @transform_1, window_bounds = array<i64: 2000, 128>}, {pipeline_mode = #tpu.pipeline_mode<synchronous>, transform_indices = @transform_2, window_bounds = array<i64: 128, 128>}, {transform_indices = @transform_3, window_bounds = array<i64: 2000, 128>}, {transform_indices = @transform_4, window_bounds = array<i64: 2000, 1>}]} {
    %get3A = arith.constant 0 : index
    %get3A_0 = arith.constant 0 : index
    %get3A_1 = vector.load %arg1[%get3A, %get3A_0] : memref<2000x2xf32, #tpu.memory_space<vmem>>, vector<2000x1xf32>
    %get3A_2 = arith.constant 0 : index
    %get3A_3 = arith.constant 1 : index
    %get3A_4 = vector.load %arg1[%get3A_2, %get3A_3] : memref<2000x2xf32, #tpu.memory_space<vmem>>, vector<2000x1xf32>
    %add3A = arith.addf %get3A_1, %get3A_4 : vector<2000x1xf32>
    %add3A_5 = arith.constant 1.000000e+00 : f32
    %add3A_6 = vector.broadcast %add3A_5 : f32 to vector<2000x1xf32>
    %add3A_7 = arith.addf %add3A, %add3A_6 : vector<2000x1xf32>
    %rsqrt3A = math.rsqrt %add3A_7 : vector<2000x1xf32>
    %get3A_8 = arith.constant 0 : index
    %get3A_9 = arith.constant 0 : index
    %get3A_10 = vector.load %arg2[%get3A_8, %get3A_9] : memref<2000x128xf32, #tpu.memory_space<vmem>>, vector<2000x128xf32>
    %get3A_11 = arith.constant 0 : index
    %get3A_12 = arith.constant 0 : index
    %get3A_13 = vector.load %arg3[%get3A_11, %get3A_12] : memref<128x128xf32, #tpu.memory_space<vmem>>, vector<128x128xf32>
    %dot_general3A = arith.constant dense<0.000000e+00> : vector<2000x128xf32>
    %dot_general3A_14 = tpu.matmul %get3A_10, %get3A_13, %dot_general3A {dimension_numbers = #tpu.dot_dimension_numbers<[1], [0], [0], [1], [0, 0, 1, 1], [], []>, transpose_lhs_hint = false} : vector<2000x128xf32>, vector<128x128xf32>, vector<2000x128xf32> -> vector<2000x128xf32>
    %mul3A = vector.broadcast %rsqrt3A : vector<2000x1xf32> to vector<2000x128xf32>
    %mul3A_15 = arith.mulf %dot_general3A_14, %mul3A : vector<2000x128xf32>
    %swap3A = arith.constant 0 : index
    %swap3A_16 = arith.constant 0 : index
    %swap3A_17 = vector.load %arg4[%swap3A, %swap3A_16] : memref<2000x128xf32, #tpu.memory_space<vmem>>, vector<2000x128xf32>
    tpu.vector_store %arg4[%swap3A, %swap3A_16], %mul3A_15 {strides = array<i32>} : memref<2000x128xf32, #tpu.memory_space<vmem>>, vector<2000x128xf32>,
    %swap3A_18 = arith.constant 0 : index
    %swap3A_19 = arith.constant 0 : index
    %swap3A_20 = vector.load %arg5[%swap3A_18, %swap3A_19] : memref<2000x1xf32, #tpu.memory_space<vmem>>, vector<2000x1xf32>
    tpu.vector_store %arg5[%swap3A_18, %swap3A_19], %rsqrt3A {strides = array<i32>} : memref<2000x1xf32, #tpu.memory_space<vmem>>, vector<2000x1xf32>,
    return
  }
  func.func @transform_0(%arg0: i32) -> (i32, i32) {
    %c0_i32 = arith.constant 0 : i32
    %c0_i32_0 = arith.constant 0 : i32
    return %arg0, %c0_i32 : i32, i32
  }
  func.func @transform_1(%arg0: i32) -> (i32, i32) {
    %c0_i32 = arith.constant 0 : i32
    %c0_i32_0 = arith.constant 0 : i32
    return %arg0, %c0_i32 : i32, i32
  }
  func.func @transform_2(%arg0: i32) -> (i32, i32) {
    %c0_i32 = arith.constant 0 : i32
    %c0_i32_0 = arith.constant 0 : i32
    %c0_i32_1 = arith.constant 0 : i32
    return %c0_i32, %c0_i32_0 : i32, i32
  }
  func.func @transform_3(%arg0: i32) -> (i32, i32) {
    %c0_i32 = arith.constant 0 : i32
    %c0_i32_0 = arith.constant 0 : i32
    return %arg0, %c0_i32 : i32, i32
  }
  func.func @transform_4(%arg0: i32) -> (i32, i32) {
    %c0_i32 = arith.constant 0 : i32
    %c0_i32_0 = arith.constant 0 : i32
    return %arg0, %c0_i32 : i32, i32
  }
}

module attributes {stable_mosaic.version = 14 : i64} {
  func.func @_out_body(%arg0: i32, %arg1: memref<2000x128xf32, #tpu.memory_space<vmem>>, %arg2: memref<1x2000x128xf32, #tpu.memory_space<vmem>>, %arg3: memref<1x2000x128xf32, #tpu.memory_space<vmem>>, %arg4: memref<2000x1xf32, #tpu.memory_space<vmem>>, %arg5: memref<8x128xf32, #tpu.memory_space<vmem>>, %arg6: memref<2000x128xf32, #tpu.memory_space<vmem>>, %arg7: memref<8x256xf32, #tpu.memory_space<vmem>>, %arg8: memref<8x128xf32, #tpu.memory_space<vmem>>, %arg9: memref<8x128xf32, #tpu.memory_space<vmem>>) attributes {dimension_semantics = [#tpu.dimension_semantics<arbitrary>], iteration_bounds = array<i64: 5>, scalar_prefetch = 0 : i64, scratch_operands = 2 : i64, tpu.core_type = #tpu.core_type<tc>, window_params = [{transform_indices = @transform_0, window_bounds = array<i64: 2000, 128>}, {transform_indices = @transform_1, window_bounds = array<i64: 1, 2000, 128>}, {transform_indices = @transform_2, window_bounds = array<i64: 1, 2000, 128>}, {transform_indices = @transform_3, window_bounds = array<i64: 2000, 1>}, {pipeline_mode = #tpu.pipeline_mode<synchronous>, transform_indices = @transform_4, window_bounds = array<i64: 8, 128>}, {transform_indices = @transform_5, window_bounds = array<i64: 2000, 128>}, {pipeline_mode = #tpu.pipeline_mode<synchronous>, transform_indices = @transform_6, window_bounds = array<i64: 8, 256>}]} {
    %get3A = arith.constant 0 : index
    %get3A_0 = arith.constant 0 : index
    %get3A_1 = vector.load %arg1[%get3A, %get3A_0] : memref<2000x128xf32, #tpu.memory_space<vmem>>, vector<2000x128xf32>
    %get3A_2 = arith.constant 0 : index
    %get3A_3 = arith.constant 0 : index
    %get3A_4 = arith.constant 0 : index
    %get3A_5 = vector.load %arg2[%get3A_2, %get3A_3, %get3A_4] : memref<1x2000x128xf32, #tpu.memory_space<vmem>>, vector<1x2000x128xf32>
    %get3A_6 = vector.shape_cast %get3A_5 : vector<1x2000x128xf32> to vector<2000x128xf32>
    %add3A = arith.addf %get3A_1, %get3A_6 : vector<2000x128xf32>
    %get3A_7 = arith.constant 0 : index
    %get3A_8 = arith.constant 0 : index
    %get3A_9 = arith.constant 0 : index
    %get3A_10 = vector.load %arg3[%get3A_7, %get3A_8, %get3A_9] : memref<1x2000x128xf32, #tpu.memory_space<vmem>>, vector<1x2000x128xf32>
    %get3A_11 = vector.shape_cast %get3A_10 : vector<1x2000x128xf32> to vector<2000x128xf32>
    %add3A_12 = arith.addf %add3A, %get3A_11 : vector<2000x128xf32>
    %get3A_13 = arith.constant 0 : index
    %get3A_14 = arith.constant 0 : index
    %get3A_15 = vector.load %arg4[%get3A_13, %get3A_14] : memref<2000x1xf32, #tpu.memory_space<vmem>>, vector<2000x1xf32>
    %mul3A = vector.broadcast %get3A_15 : vector<2000x1xf32> to vector<2000x128xf32>
    %mul3A_16 = arith.mulf %add3A_12, %mul3A : vector<2000x128xf32>
    %get3A_17 = arith.constant 0 : index
    %get3A_18 = arith.constant 0 : index
    %get3A_19 = vector.load %arg5[%get3A_17, %get3A_18] : memref<8x128xf32, #tpu.memory_space<vmem>>, vector<1x128xf32>
    %add3A_20 = vector.broadcast %get3A_19 : vector<1x128xf32> to vector<2000x128xf32>
    %add3A_21 = arith.addf %mul3A_16, %add3A_20 : vector<2000x128xf32>
    %max3A = arith.constant 0.000000e+00 : f32
    %max3A_22 = vector.broadcast %max3A : f32 to vector<2000x128xf32>
    %max3A_23 = arith.maximumf %add3A_21, %max3A_22 : vector<2000x128xf32>
    %swap3A = arith.constant 0 : index
    %swap3A_24 = arith.constant 0 : index
    %swap3A_25 = vector.load %arg6[%swap3A, %swap3A_24] : memref<2000x128xf32, #tpu.memory_space<vmem>>, vector<2000x128xf32>
    tpu.vector_store %arg6[%swap3A, %swap3A_24], %max3A_23 {strides = array<i32>} : memref<2000x128xf32, #tpu.memory_space<vmem>>, vector<2000x128xf32>,
    %eq3A = arith.constant 0 : i32
    %eq3A_26 = arith.cmpi eq, %arg0, %eq3A : i32
    %convert_element_type3A = arith.extui %eq3A_26 : i1 to i32
    %cond3A = arith.constant 0 : i32
    %cond3A_27 = arith.cmpi ne, %convert_element_type3A, %cond3A : i32
    scf.if %cond3A_27 {
      %broadcast_in_dim3A_50 = arith.constant 0.000000e+00 : f32
      %broadcast_in_dim3A_51 = vector.broadcast %broadcast_in_dim3A_50 : f32 to vector<8x128xf32>
      %swap3A_52 = arith.constant 0 : index
      %swap3A_53 = arith.constant 0 : index
      %swap3A_54 = vector.load %arg8[%swap3A_52, %swap3A_53] : memref<8x128xf32, #tpu.memory_space<vmem>>, vector<8x128xf32>
      tpu.vector_store %arg8[%swap3A_52, %swap3A_53], %broadcast_in_dim3A_51 {strides = array<i32>} : memref<8x128xf32, #tpu.memory_space<vmem>>, vector<8x128xf32>,
      %broadcast_in_dim3A_55 = arith.constant 0.000000e+00 : f32
      %broadcast_in_dim3A_56 = vector.broadcast %broadcast_in_dim3A_55 : f32 to vector<8x128xf32>
      %swap3A_57 = arith.constant 0 : index
      %swap3A_58 = arith.constant 0 : index
      %swap3A_59 = vector.load %arg9[%swap3A_57, %swap3A_58] : memref<8x128xf32, #tpu.memory_space<vmem>>, vector<8x128xf32>
      tpu.vector_store %arg9[%swap3A_57, %swap3A_58], %broadcast_in_dim3A_56 {strides = array<i32>} : memref<8x128xf32, #tpu.memory_space<vmem>>, vector<8x128xf32>,
    } else {
    }
    %get3A_28 = arith.constant 0 : index
    %get3A_29 = arith.constant 0 : index
    %get3A_30 = vector.load %arg8[%get3A_28, %get3A_29] : memref<8x128xf32, #tpu.memory_space<vmem>>, vector<1x128xf32>
    %reduce_max3A = arith.constant dense<0xFF800000> : vector<128xf32>
    %reduce_max3A_31 = vector.multi_reduction <maximumf>, %max3A_23, %reduce_max3A [0] : vector<2000x128xf32> to vector<128xf32>
    %broadcast_in_dim3A = vector.shape_cast %reduce_max3A_31 : vector<128xf32> to vector<1x128xf32>
    %max3A_32 = arith.maximumf %get3A_30, %broadcast_in_dim3A : vector<1x128xf32>
    %swap3A_33 = arith.constant 0 : index
    %swap3A_34 = arith.constant 0 : index
    %swap3A_35 = vector.load %arg8[%swap3A_33, %swap3A_34] : memref<8x128xf32, #tpu.memory_space<vmem>>, vector<1x128xf32>
    tpu.vector_store %arg8[%swap3A_33, %swap3A_34], %max3A_32 {strides = array<i32>} : memref<8x128xf32, #tpu.memory_space<vmem>>, vector<1x128xf32>,
    %get3A_36 = arith.constant 0 : index
    %get3A_37 = arith.constant 0 : index
    %get3A_38 = vector.load %arg9[%get3A_36, %get3A_37] : memref<8x128xf32, #tpu.memory_space<vmem>>, vector<1x128xf32>
    %reduce_sum3A = arith.constant dense<0.000000e+00> : vector<128xf32>
    %reduce_sum3A_39 = vector.multi_reduction <add>, %max3A_23, %reduce_sum3A [0] : vector<2000x128xf32> to vector<128xf32>
    %broadcast_in_dim3A_40 = vector.shape_cast %reduce_sum3A_39 : vector<128xf32> to vector<1x128xf32>
    %add3A_41 = arith.addf %get3A_38, %broadcast_in_dim3A_40 : vector<1x128xf32>
    %swap3A_42 = arith.constant 0 : index
    %swap3A_43 = arith.constant 0 : index
    %swap3A_44 = vector.load %arg9[%swap3A_42, %swap3A_43] : memref<8x128xf32, #tpu.memory_space<vmem>>, vector<1x128xf32>
    tpu.vector_store %arg9[%swap3A_42, %swap3A_43], %add3A_41 {strides = array<i32>} : memref<8x128xf32, #tpu.memory_space<vmem>>, vector<1x128xf32>,
    %eq3A_45 = arith.constant 4 : i32
    %eq3A_46 = arith.cmpi eq, %arg0, %eq3A_45 : i32
    %convert_element_type3A_47 = arith.extui %eq3A_46 : i1 to i32
    %cond3A_48 = arith.constant 0 : i32
    %cond3A_49 = arith.cmpi ne, %convert_element_type3A_47, %cond3A_48 : i32
    scf.if %cond3A_49 {
      %get3A_50 = arith.constant 0 : index
      %get3A_51 = arith.constant 0 : index
      %get3A_52 = vector.load %arg8[%get3A_50, %get3A_51] : memref<8x128xf32, #tpu.memory_space<vmem>>, vector<1x128xf32>
      %broadcast_in_dim3A_53 = vector.shape_cast %get3A_52 : vector<1x128xf32> to vector<1x128xf32>
      %broadcast_in_dim3A_54 = vector.broadcast %broadcast_in_dim3A_53 : vector<1x128xf32> to vector<8x128xf32>
      %swap3A_55 = arith.constant 0 : index
      %swap3A_56 = arith.constant 0 : index
      %swap3A_57 = vector.load %arg7[%swap3A_55, %swap3A_56] : memref<8x256xf32, #tpu.memory_space<vmem>>, vector<8x128xf32>
      tpu.vector_store %arg7[%swap3A_55, %swap3A_56], %broadcast_in_dim3A_54 {strides = array<i32>} : memref<8x256xf32, #tpu.memory_space<vmem>>, vector<8x128xf32>,
      %get3A_58 = arith.constant 0 : index
      %get3A_59 = arith.constant 0 : index
      %get3A_60 = vector.load %arg9[%get3A_58, %get3A_59] : memref<8x128xf32, #tpu.memory_space<vmem>>, vector<1x128xf32>
      %mul3A_61 = arith.constant 9.99999974E-5 : f32
      %mul3A_62 = vector.broadcast %mul3A_61 : f32 to vector<1x128xf32>
      %mul3A_63 = arith.mulf %get3A_60, %mul3A_62 : vector<1x128xf32>
      %broadcast_in_dim3A_64 = vector.shape_cast %mul3A_63 : vector<1x128xf32> to vector<1x128xf32>
      %broadcast_in_dim3A_65 = vector.broadcast %broadcast_in_dim3A_64 : vector<1x128xf32> to vector<8x128xf32>
      %swap3A_66 = arith.constant 0 : index
      %swap3A_67 = arith.constant 128 : index
      %swap3A_68 = vector.load %arg7[%swap3A_66, %swap3A_67] : memref<8x256xf32, #tpu.memory_space<vmem>>, vector<8x128xf32>
      tpu.vector_store %arg7[%swap3A_66, %swap3A_67], %broadcast_in_dim3A_65 {strides = array<i32>} : memref<8x256xf32, #tpu.memory_space<vmem>>, vector<8x128xf32>,
    } else {
    }
    return
  }
  func.func @transform_0(%arg0: i32) -> (i32, i32) {
    %c0_i32 = arith.constant 0 : i32
    %c0_i32_0 = arith.constant 0 : i32
    return %arg0, %c0_i32 : i32, i32
  }
  func.func @transform_1(%arg0: i32) -> (i32, i32, i32) {
    %c0_i32 = arith.constant 0 : i32
    %c0_i32_0 = arith.constant 0 : i32
    %c0_i32_1 = arith.constant 0 : i32
    return %c0_i32, %arg0, %c0_i32_0 : i32, i32, i32
  }
  func.func @transform_2(%arg0: i32) -> (i32, i32, i32) {
    %c1_i32 = arith.constant 1 : i32
    %c0_i32 = arith.constant 0 : i32
    %c0_i32_0 = arith.constant 0 : i32
    return %c1_i32, %arg0, %c0_i32 : i32, i32, i32
  }
  func.func @transform_3(%arg0: i32) -> (i32, i32) {
    %c0_i32 = arith.constant 0 : i32
    %c0_i32_0 = arith.constant 0 : i32
    return %arg0, %c0_i32 : i32, i32
  }
  func.func @transform_4(%arg0: i32) -> (i32, i32) {
    %c0_i32 = arith.constant 0 : i32
    %c0_i32_0 = arith.constant 0 : i32
    %c0_i32_1 = arith.constant 0 : i32
    return %c0_i32, %c0_i32_0 : i32, i32
  }
  func.func @transform_5(%arg0: i32) -> (i32, i32) {
    %c0_i32 = arith.constant 0 : i32
    %c0_i32_0 = arith.constant 0 : i32
    return %arg0, %c0_i32 : i32, i32
  }
  func.func @transform_6(%arg0: i32) -> (i32, i32) {
    %c0_i32 = arith.constant 0 : i32
    %c0_i32_0 = arith.constant 0 : i32
    %c0_i32_1 = arith.constant 0 : i32
    return %c0_i32, %c0_i32_0 : i32, i32
  }
}

</mosaic_0001>

<sc_bundles>
// kernel: kernel.6.cloned.1.call-start
scs
__scs_entry_jumppad:
0x0: {  	(pc) =	sbr.rel $0x88, $3  }
0x1: {  	(tag) =	ssettag $0x0;
	lr =	simm.s32 $0x1  }
0x2: {  	[smem:$0x3F9D] =	sst lr;
	_ =	strace $0xD0000000  }
0x3: {  	_ = 	snop  }
0x4: {  	_ = 	snop  }
0x5: {  	_ = 	snop  }
0x6: {  	_ = 	snop  }
0x7: {  	_ = 	snop  }
__scs_overlays_trampoline_lowered:
0x8: {  	[smem:$0x3FAC] =	sst s0  }
0x9: {  	[smem:$0x3FAD] =	sst s1  }
0xa: {  	[smem:$0x3FAE] =	sst s2  }
0xb: {  	[smem:$0x3FAF] =	sst s3  }
0xc: {  	[smem:$0x3FB0] =	sst s4  }
0xd: {  	[smem:$0x3FB1] =	sst s5  }
0xe: {  	[smem:$0x3FB2] =	sst s6  }
0xf: {  	[smem:$0x3FB3] =	sst s7  }
0x10: {  	[smem:$0x3FB4] =	sst s8  }
0x11: {  	[smem:$0x3FB5] =	sst s9;
	s0 =	simm.s32 @!p0 $0x0  }
0x12: {  	s1 =	sld [smem:$0x3F9B];
	s0 =	simm.s32 @p0 $0x1  }
0x13: {  	[smem:$0x3FB6] =	sst s0;
	s0 =	simm.s32 @!p1 $0x0  }
0x14: {  	s2 =	sld [smem:$0x3F9A];
	s0 =	simm.s32 @p1 $0x1  }
0x15: {  	[smem:$0x3FB7] =	sst s0;
	s0 =	simm.s32 @!p2 $0x0  }
0x16: {  	s3 =	sld [smem:$0x3FDB];
	s0 =	simm.s32 @p2 $0x1  }
0x17: {  	s4 =	simm.s32 $0x1BF5;
	[smem:$0x3FB9] =	sst s0  }
0x18: {  	s0 =	sld [smem:$0x3F9C];
	_ =	swait.ge [sflag:s4], $0x0  }
0x19: {  	s7 =	sld [smem:$0x3F9D]  }
0x1a: {  	s8 =	sadd.s32 $0xFFFFE003, lr  }
0x1b: {  	s9 =	sadd.s32 $0xFFFFFEF7, lr;
	s5 =	simm.s32 $0xFFFFFFFF;
	p2 =	slt.u32 s8, $0xFFFFF086  }
0x1c: {  	p1 =	slt.u32 s9, $0xF7A;
	s5 =	simm.s32 @!p2 $0x0  }
0x1d: {  	s5 =	simm.s32 @p1 $0x1;
	p0 =	seq.s32 s7, s2  }
0x1e: {  	s7 =	smul.u32 @!p0 $0xF7A, s2;
	p2 =	seq.s32 @!p0 s5, $0x0  }
0x1f: {  	s9 =	smul.u32 $0xF7A, s1;
	s8 =	simm.s32 @!p0 $0x1BF5;
	p2 =	por !p2, p0  }
0x20: {  	[sflag:s8] =	ssyncset.s32 @!p0 $0xFFFFF086;
	s6 =	sadd.s32 @!p0 s3, s7;
	s7 =	simm.s32 @!p0 $0x108  }
0x21: {  	s3 =	sadd.s32 s3, s9;
	s6 =	sadd.s32 @!p0 $0x88, s6;
	s7 =	simm.s32 @p2 $0x1082  }
0x22: {  	[simem:s7], [sflag:s8] =	dma.local @!p0 [hbm:s6], $0xF7A  }
0x23: {  	s9 =	sor.u32 $0xD0000000, s2;
	s6 =	simm.s32 $0x108;
	_ =	swait.ge @!p0 [sflag:s8], $0x0  }
0x24: {  	s3 =	sadd.s32 $0x88, s3;
	s6 =	simm.s32 @!p1 $0x1082;
	[sflag:s4] =	ssyncset.s32 $0xFFFFF086  }
0x25: {  	[simem:s6], [sflag:s4] =	dma.local [hbm:s3], $0xF7A  }
0x26: {  	[smem:$0x3F9D] =	sst s1;
	(tag) =	ssettag s2;
	_ =	strace s9  }
0x27: {  	s1 =	sld [smem:$0x3FAD]  }
0x28: {  	s2 =	sld [smem:$0x3FAE]  }
0x29: {  	s4 =	sld [smem:$0x3FB0]  }
0x2a: {  	p0 =	seq.s32 s5, $0x0;
	s5 =	sld [smem:$0x3FB1]  }
0x2b: {  	s6 =	sld [smem:$0x3FB2]  }
0x2c: {  	s7 =	sld [smem:$0x3FB3]  }
0x2d: {  	s3 =	simm.s32 $0x108;
	s8 =	sld [smem:$0x3FB4]  }
0x2e: {  	s3 =	simm.s32 @!p0 $0x1082;
	s9 =	sld [smem:$0x3FB5]  }
0x2f: {  	lr =	sadd.s32 s0, s3;
	s0 =	sld [smem:$0x3FAC]  }
0x30: {  	s3 =	sld [smem:$0x3FAF]  }
0x31: {  	[smem:$0x3FB8] =	sst s10  }
0x32: {  	s10 =	sld [smem:$0x3FB6];
	_ =	sdelay $0x3  }
0x33: {  	p0 =	seq.s32 s10, $0x1;
	s10 =	sld [smem:$0x3FB8];
	_ =	sdelay $0x3  }
0x34: {  	[smem:$0x3FB8] =	sst s10  }
0x35: {  	s10 =	sld [smem:$0x3FB7];
	_ =	sdelay $0x3  }
0x36: {  	p1 =	seq.s32 s10, $0x1;
	s10 =	sld [smem:$0x3FB8];
	_ =	sdelay $0x3  }
0x37: {  	[smem:$0x3FB8] =	sst s10  }
0x38: {  	s10 =	sld [smem:$0x3FB9]  }
0x39: {  	_ = 	snop;
	(pc) =	sbr.ind lr, $3  }
0x3a: {  	_ = 	snop  }
0x3b: {  	_ = 	snop  }
0x3c: {  	p2 =	seq.s32 s10, $0x1;
	s10 =	sld [smem:$0x3FB8]  }
0x3d: {  	_ =	shalt  }
0x3e: {  	_ =	shalt  }
0x3f: {  	_ =	shalt  }
0x40: {  	_ =	shalt  }
0x41: {  	_ =	shalt  }
0x42: {  	_ =	shalt  }
0x43: {  	_ =	shalt  }
0x44: {  	_ =	shalt  }
0x45: {  	_ =	shalt  }
0x46: {  	_ =	shalt  }
0x47: {  	_ =	shalt  }
0x48: {  	_ =	shalt  }
0x49: {  	_ =	shalt  }
0x4a: {  	_ =	shalt  }
0x4b: {  	_ =	shalt  }
0x4c: {  	_ =	shalt  }
0x4d: {  	_ =	shalt  }
0x4e: {  	_ =	shalt  }
0x4f: {  	_ =	shalt  }
0x50: {  	_ =	shalt  }
0x51: {  	_ =	shalt  }
0x52: {  	_ =	shalt  }
0x53: {  	_ =	shalt  }
0x54: {  	_ =	shalt  }
0x55: {  	_ =	shalt  }
0x56: {  	_ =	shalt  }
0x57: {  	_ =	shalt  }
0x58: {  	_ =	shalt  }
0x59: {  	_ =	shalt  }
0x5a: {  	_ =	shalt  }
0x5b: {  	_ =	shalt  }
0x5c: {  	_ =	shalt  }
0x5d: {  	_ =	shalt  }
0x5e: {  	_ =	shalt  }
0x5f: {  	_ =	shalt  }
0x60: {  	_ =	shalt  }
0x61: {  	_ =	shalt  }
0x62: {  	_ =	shalt  }
0x63: {  	_ =	shalt  }
0x64: {  	_ =	shalt  }
0x65: {  	_ =	shalt  }
0x66: {  	_ =	shalt  }
0x67: {  	_ =	shalt  }
0x68: {  	_ =	shalt  }
0x69: {  	_ =	shalt  }
0x6a: {  	_ =	shalt  }
0x6b: {  	_ =	shalt  }
0x6c: {  	_ =	shalt  }
0x6d: {  	_ =	shalt  }
0x6e: {  	_ =	shalt  }
0x6f: {  	_ =	shalt  }
0x70: {  	_ =	shalt  }
0x71: {  	_ =	shalt  }
0x72: {  	_ =	shalt  }
0x73: {  	_ =	shalt  }
0x74: {  	_ =	shalt  }
0x75: {  	_ =	shalt  }
0x76: {  	_ =	shalt  }
0x77: {  	_ =	shalt  }
0x78: {  	_ =	shalt  }
0x79: {  	_ =	shalt  }
0x7a: {  	_ =	shalt  }
0x7b: {  	_ =	shalt  }
0x7c: {  	_ =	shalt  }
0x7d: {  	_ =	shalt  }
0x7e: {  	_ =	shalt  }
0x7f: {  	_ =	shalt  }
0x80: {  	_ =	shalt  }
0x81: {  	_ =	shalt  }
0x82: {  	_ =	shalt  }
0x83: {  	_ =	shalt  }
0x84: {  	_ =	shalt  }
0x85: {  	_ =	shalt  }
0x86: {  	_ =	shalt  }
0x87: {  	_ =	shalt  }
.Lfunc_end0:
.L_simem_size_0:
called_computation_lowered:
.L_overlay_start_0:
0x88: {  	s2 =	sld [smem:$0x3FD9]  }
0x89: {  	s3 =	sld [smem:$0x3FFE];
	_ =	sdelay $0x1  }
0x8a: {  	s1 =	srdreg.scid  }
0x8b: {  	s0 =	sand.u32 $0x1, s1  }
0x8c: {  	s14 =	sshll.u32 s0, $0xA;
	s2 =	sadd.s32 s3, s2  }
0x8d: {  	s2 =	sadd.s32 s2, s14  }
0x8e: {  	[smem:$0x3FC4] =	sst s2  }
0x8f: {  	_ = 	snop  }
0x90: {  	s2 =	sld [smem:$0x3FD0];
	_ =	sdelay $0x2  }
0x91: {  	s15 =	simm.s32 $0xA;
	s4 =	simm.s32 $0x10  }
0x92: {  	[smem:s4], [sflag:s15] =	dma.local [hbm:s2], $0x1  }
0x93: {  	_ =	swait.eq [sflag:s15], $0x1  }
0x94: {  	[sflag:s15] =	ssyncset.done $0x0  }
0x95: {  	[sflag:s15] =	ssyncadd.s32 $0xFFFFFFFF  }
0x96: {  	s16 =	sld [smem:$0x10];
	(tm) =	ssettm $0x1  }
0x97: {  	s17 =	sld [smem:$0x3FFB];
	_ =	sdelay $0x3  }
0x98: {  	_ =	strace s17  }
0x99: {  	s3 =	sld [smem:$0x3FFC];
	_ =	sdelay $0x3  }
0x9a: {  	_ =	strace s3  }
0x9b: {  	s3 =	sld [smem:$0x3FFD];
	_ =	sdelay $0x3  }
0x9c: {  	_ =	strace s3  }
0x9d: {  	_ =	strace $0x8FFFFFFF  }
0x9e: {  	s18 =	sld [smem:$0x3FDB];
	_ =	sdelay $0x1  }
0x9f: {  	s19 =	simm.s32 $_scs_section_size  }
0xa0: {  	s5 =	simm.s32 $_size__tile_overlayer_lowered;
	s6 =	simm.s32 $_tile_overlayer_lowered  }
0xa1: {  	s22 =	simm.s32 $0x1BFF;
	s21 =	sshll.u32 s6, $0x1;
	s3 =	sadd.s32 s19, s18  }
0xa2: {  	s7 =	simm.s32 $0x0;
	s20 =	sshll.u32 s5, $0x1;
	s5 =	sadd.s32 s21, s3  }
0xa3: {  	[timem:s7], [sflag:s22] =	dma.local [hbm:s5], s20  }
0xa4: {  	_ =	swait.ge [sflag:s22], s20  }
0xa5: {  	s4 =	ssub.s32 $0x0, s20;
	[sflag:s22] =	ssyncset.done $0x0  }
0xa6: {  	[sflag:s22] =	ssyncadd.s32 s4;
	_ =	sdelay $0x1  }
0xa7: {  	s23 =	simm.s32 $0x1B8B  }
0xa8: {  	_ =	swait.ge [sflag:s23], $0x1  }
0xa9: {  	[sflag:s23] =	ssyncset.done $0x0  }
0xaa: {  	s25 =	simm.s32 $0x1B8E;
	s24 =	sld [smem:$0x3FFE];
	[sflag:s23] =	ssyncadd.s32 $0xFFFFFFFF  }
0xab: {  	s26 =	simm.s32 $execute0_lowered;
	[smem:$0x3FD2] =	sst s25  }
0xac: {  	s5 =	sshll.u32 s26, $0x1;
	_ =	strace $0x80000046;
	[dreg:$0x1] =	wrdreg $0xFFFFFFFF  }
0xad: {  	s28 =	simm.s32 $_size_execute0_lowered;
	s3 =	sadd.s32 s3, s5;
	[dreg:$0x0] =	wrdreg $0x0  }
0xae: {  	s5 =	sshll.u32 s28, $0x1;
	[dreg:$0x2] =	wrdreg s3  }
0xaf: {  	[dreg:$0x3] =	wrdreg s5  }
0xb0: {  	[dreg:$0x4] =	wrdreg $0xC0  }
0xb1: {  	_ =	task [dreg:s7], $0x5FFFF  }
0xb2: {  	[dreg:$0x1] =	wrdreg $0xFFFFFFFF  }
0xb3: {  	[dreg:$0x0] =	wrdreg $0x60  }
0xb4: {  	[dreg:$0x2] =	wrdreg s24  }
0xb5: {  	[dreg:$0x3] =	wrdreg s16  }
0xb6: {  	[dreg:$0x4] =	wrdreg $0x2B000  }
0xb7: {  	[dreg:$0x5] =	wrdreg $0x9  }
0xb8: {  	_ =	task.clear_ibuf [dreg:s7], $0x6FFFF;
	_ =	strace $0x90000046  }
0xb9: {  	s29 =	simm.s32 $0x9;
	_ =	strace $0x80000048  }
0xba: {  	_ =	swait.ge [sflag:s29], $0x1  }
0xbb: {  	[sflag:s29] =	ssyncadd.s32 $0xFFFFFFFF  }
0xbc: {  	_ =	strace $0x90000048  }
0xbd: {  	_ =	sfence  }
0xbe: {  	s30 =	sld [smem:$0x0];
	_ =	sdelay $0x2  }
0xbf: {  	s31 =	sshll.u32 s1, $0xD;
	s1 =	sshrl.u32 s1, $0x2  }
0xc0: {  	s3 =	sand.u32 $0x4000, s31;
	s1 =	sadd.s32 s1, s30  }
0xc1: {  	s0 =	sor.u32 s3, s0;
	s1 =	sshll.u32 s1, $0x11  }
0xc2: {  	s0 =	sor.u32 s1, s0  }
0xc3: {  	s0 =	sadd.s32 $0x8F2B, s0  }
0xc4: {  	[sflag:s0] =	ssyncadd.remote.s32 $0x1  }
0xc5: {  	_ =	sfence.sel $0xFFFF  }
0xc6: {  	[dreg:$0x0] =	wrdreg $0xFFFFFFFF;
	(pc) =	sbr.abs _section_cstart, $3  }
0xc7: {  	[dreg:$0x1] =	wrdreg $0xFFFFFFFF  }
0xc8: {  	_ =	task.clear_ibuf [dreg:s7], $0x2FFFF;
	_ =	strace $0x9FFFFFFF  }
0xc9: {  	(tm) =	ssettm $0x7FFFFFFF  }
tec
execute0_lowered:
.L_overlay_start_1:
0x0: {  	(tag) =	ssettag $0x1  }
0x1: {  	s4 =	rddreg [dreg:$0x0]  }
0x2: {  	s6 =	rddreg [dreg:$0x1];
	s0 =	srdreg.scid  }
0x3: {  	s2 =	rddreg [dreg:$0x2];
	s1 =	stileid.u32  }
0x4: {  	s3 =	simm.s32 $0x0;
	s14 =	simm.s32 $0x20;
	s15 =	simm.s32 $0x10  }
0x5: {  	s5 =	sand.u32 $0x1, s0;
	s0 =	rddreg [dreg:$0x3];
	s8 =	smul.u32 $0xA00, s1  }
0x6: {  	s16 =	simm.s32 $0x0;
	[smem:$0x7FF] =	sst s3;
	s11 =	smul.u32 $0x500, s1  }
0x7: {  	s12 =	sshll.u32 s1, $0x6;
	s7 =	sshll.u32 s5, $0x4;
	s9 =	ssub.s32 $0x2, s5  }
0x8: {  	_ =	strace $0x80000047;
	s5 =	sshll.u32 s5, $0x7;
	s7 =	sor.u32 s1, s7  }
0x9: {  	s12 =	sor.u32 $0x1C01, s12;
	s10 =	sshrl.u32 s9, $0x1;
	s7 =	smul.u32 $0x2800, s7  }
0xa: {  	s8 =	sshrl.u32 s8, $0x2;
	s30 =	sor.u32 s5, s11;
	s11 =	simm.s32 $0x2800  }
0xb: {  	s9 =	ssub.s32 s9, s10;
	s31 =	sshrl.u32 s30, $0x3;
	s7 =	sshrl.u32 s7, $0x3  }
0xc: {  	s10 =	simm.s32 $0x80;
	s6 =	sadd.s32 s6, s31;
	s7 =	sadd.s32 s4, s7  }
0xd: {  	s4 =	sadd.s32 s8, s2;
	s8 =	simm.s32 $0x2880;
	s5 =	sadd.s32 $0xC400, s7  }
0xe: {  	v0 =	vimm.f32 $0.0e+00;
	v1 =	vimm.f32 $1.000000000e+00;
	s7 =	smax.u32 s9, $0x1;
	s9 =	simm.s32 $0x1;
	s13 =	sshrl.u32 s4, $0x3  }
.LBB2_1:
0xf: {  	[tilespmem:$0x2880] =	vst v0  }
0x10: {  	[tilespmem:$0x2890] =	vst v0  }
0x11: {  	[tilespmem:$0x28A0] =	vst v0  }
0x12: {  	[tilespmem:$0x28B0] =	vst v0  }
0x13: {  	[tilespmem:$0x28C0] =	vst v0  }
0x14: {  	[tilespmem:$0x28D0] =	vst v0  }
0x15: {  	[tilespmem:$0x28E0] =	vst v0  }
0x16: {  	[tilespmem:$0x28F0] =	vst v0  }
0x17: {  	[tilespmem:$0x2900] =	vst v0  }
0x18: {  	[tilespmem:$0x2910] =	vst v0  }
0x19: {  	[tilespmem:$0x2920] =	vst v0  }
0x1a: {  	[tilespmem:$0x2930] =	vst v0  }
0x1b: {  	[tilespmem:$0x2940] =	vst v0  }
0x1c: {  	[tilespmem:$0x2950] =	vst v0  }
0x1d: {  	[tilespmem:$0x2960] =	vst v0  }
0x1e: {  	[tilespmem:$0x2970] =	vst v0  }
0x1f: {  	[tilespmem:$0x2980] =	vst v0  }
0x20: {  	[tilespmem:$0x2990] =	vst v0  }
0x21: {  	[tilespmem:$0x29A0] =	vst v0  }
0x22: {  	[tilespmem:$0x29B0] =	vst v0  }
0x23: {  	[tilespmem:$0x29C0] =	vst v0  }
0x24: {  	[tilespmem:$0x29D0] =	vst v0  }
0x25: {  	[tilespmem:$0x29E0] =	vst v0  }
0x26: {  	[tilespmem:$0x29F0] =	vst v0  }
0x27: {  	[tilespmem:$0x2A00] =	vst v0  }
0x28: {  	[tilespmem:$0x2A10] =	vst v0  }
0x29: {  	[tilespmem:$0x2A20] =	vst v0  }
0x2a: {  	[tilespmem:$0x2A30] =	vst v0  }
0x2b: {  	[tilespmem:$0x2A40] =	vst v0  }
0x2c: {  	[tilespmem:$0x2A50] =	vst v0  }
0x2d: {  	[tilespmem:$0x2A60] =	vst v0  }
0x2e: {  	[tilespmem:$0x2A70] =	vst v0  }
0x2f: {  	[tilespmem:$0x2A80] =	vst v0  }
0x30: {  	[tilespmem:$0x2A90] =	vst v0  }
0x31: {  	[tilespmem:$0x2AA0] =	vst v0  }
0x32: {  	[tilespmem:$0x2AB0] =	vst v0  }
0x33: {  	[tilespmem:$0x2AC0] =	vst v0  }
0x34: {  	[tilespmem:$0x2AD0] =	vst v0  }
0x35: {  	[tilespmem:$0x2AE0] =	vst v0  }
0x36: {  	[tilespmem:$0x2AF0] =	vst v0  }
0x37: {  	[tilespmem:$0x2800] =	vst v1  }
0x38: {  	[tilespmem:$0x2810] =	vst v1  }
0x39: {  	[tilespmem:$0x2820] =	vst v1  }
0x3a: {  	[tilespmem:$0x2830] =	vst v1  }
0x3b: {  	[tilespmem:$0x2840] =	vst v1  }
0x3c: {  	[tilespmem:$0x2850] =	vst v1  }
0x3d: {  	[tilespmem:$0x2860] =	vst v1  }
0x3e: {  	[tilespmem:$0x2870] =	vst v1  }
0x3f: {  	[spmem:s4] =	stream.linear.scatter [tilespmem:s8], [sflag:$0x1], $0x280, $0x38;
	[tilespmem:$0x2D80] =	vst v63  }
0x40: {  	_ =	swait.ge [sflag:s9], $0x280  }
0x41: {  	[sflag:s9] =	ssyncset.done $0x0  }
0x42: {  	[sflag:s9] =	ssyncadd.s32 $0xFFFFFD80  }
0x43: {  	[tilespmem:s3], [sflag:$0x1] =	stream.linear.gather [hbm4b:s5+s3], $0x2800, $0x38;
	[tilespmem:$0x2D80] =	vst v63  }
0x44: {  	_ =	swait.ge [sflag:s9], $0x2800  }
0x45: {  	[sflag:s9] =	ssyncset.done $0x0  }
0x46: {  	[sflag:s9] =	ssyncadd.s32 $0xFFFFD800  }
0x47: {  	s17 =	simm.s32 $0x0;
	[bflag:$0x0] =	sbarrier.arrive $0xFFFF  }
0x48: {  	[spmem:s2] =	stream.indirect.scatter.add.f32 [tilespmem:s11], [sflag:$0x1], $0x1, s17, s10, $0xb8;
	[tilespmem:$0x2D80] =	vst v63  }
0x49: {  	_ =	swait.ge [sflag:s9], $0x80  }
0x4a: {  	s17 =	simm.s32 $0x200;
	[sflag:s9] =	ssyncset.done $0x0  }
.LBB2_2:
0x4b: {  	s18 =	sshra.s32 s17, $0x2;
	[sflag:s9] =	ssyncadd.s32 $0xFFFFFF80;
	p0 =	sne.s32 s17, $0x9E00  }
0x4c: {  	[spmem:s2] =	stream.indirect.scatter.add.f32 [tilespmem:s11], [sflag:$0x1], $0x1, s18, s10, $0xb8;
	[tilespmem:$0x2D80] =	vst v63  }
.Ltmp0:
0x4d: {  	_ = 	snop;
	(pc) =	sbr.rel @p0 .LBB2_2-.Ltmp0, $4  }
0x4e: {  	_ = 	snop  }
0x4f: {  	s17 =	sadd.s32 $0x200, s17  }
0x50: {  	_ =	swait.ge [sflag:s9], $0x80  }
0x51: {  	[sflag:s9] =	ssyncset.done $0x0  }
0x52: {  	s16 =	sadd.s32 $0x1, s16  }
0x53: {  	[sflag:s9] =	ssyncadd.s32 $0xFFFFFF80;
	p0 =	sne.s32 s16, s7  }
.Ltmp1:
0x54: {  	[bflag:$0x0] =	sbarrier.arrive $0xFFFF;
	(pc) =	sbr.rel @p0 .LBB2_1-.Ltmp1, $4  }
0x55: {  	[hbm:s6@s14], [sflag:s12] =	dma.strided [spmem:s13@s15], $0x50, s9, $0x10   }
0x56: {  	_ =	swait.ge [sflag:s9], $0x50  }
0x57: {  	[sflag:s9] =	ssyncset.done $0x0  }
0x58: {  	[sflag:s9] =	ssyncadd.s32 $0xFFFFFFB0  }
0x59: {  	_ =	sfence.sel $0x180000  }
0x5a: {  	[bflag:$0x0] =	sbarrier.arrive $0xFFFF  }
0x5b: {  	p0 =	sne.s32 s1, $0x0;
	_ =	strace $0x90000047  }
0x5c: {  	s0 =	sadd.s32 @!p0 $0x100000, s0;
	[bflag:$0x2] =	sbarrier.arrive $0xFFFF  }
0x5d: {  	[sflag:s0] =	ssyncadd.tile.s32 @!p0 $0x1;
	_ =	shalt  }
.Lfunc_end2:
_tile_overlayer_lowered:
.L_overlay_start_2:
0x5e: {  	(tag) =	ssettag $0x2  }
0x5f: {  	s0 =	rddreg [dreg:$0x0];
	s2 =	stileid.u32  }
0x60: {  	s1 =	rddreg [dreg:$0x1];
	p0 =	sne.s32 s2, $0x0  }
0x61: {  	s3 =	rddreg [dreg:$0x2];
	[bflag:$0x3] =	sbarrier.arrive $0xFFFF;
	s2 =	simm.s32 @!p0 $0x1C01  }
0x62: {  	[timem:s3], [sflag:s2] =	dma.local @!p0 [hbm:s0], s1  }
0x63: {  	s0 =	simm.s32 @!p0 $0x1  }
0x64: {  	_ =	swait.ge @!p0 [sflag:s0], s1  }
0x65: {  	s1 =	ssub.s32 @!p0 $0x0, s1;
	[sflag:s0] =	ssyncset.done @!p0 $0x0  }
0x66: {  	[sflag:s0] =	ssyncadd.s32 @!p0 s1  }
0x67: {  	[bflag:$0x3] =	sbarrier.arrive $0xFFFF  }
0x68: {  	_ =	shalt  }

// kernel: kernel.9.cloned.1.call-start
scs
__scs_entry_jumppad:
0x0: {  	(pc) =	sbr.rel $0x88, $3  }
0x1: {  	(tag) =	ssettag $0x0;
	lr =	simm.s32 $0x1  }
0x2: {  	[smem:$0x3F9D] =	sst lr;
	_ =	strace $0xD0000000  }
0x3: {  	_ = 	snop  }
0x4: {  	_ = 	snop  }
0x5: {  	_ = 	snop  }
0x6: {  	_ = 	snop  }
0x7: {  	_ = 	snop  }
__scs_overlays_trampoline_lowered:
0x8: {  	[smem:$0x3FAC] =	sst s0  }
0x9: {  	[smem:$0x3FAD] =	sst s1  }
0xa: {  	[smem:$0x3FAE] =	sst s2  }
0xb: {  	[smem:$0x3FAF] =	sst s3  }
0xc: {  	[smem:$0x3FB0] =	sst s4  }
0xd: {  	[smem:$0x3FB1] =	sst s5  }
0xe: {  	[smem:$0x3FB2] =	sst s6  }
0xf: {  	[smem:$0x3FB3] =	sst s7  }
0x10: {  	[smem:$0x3FB4] =	sst s8  }
0x11: {  	[smem:$0x3FB5] =	sst s9;
	s0 =	simm.s32 @!p0 $0x0  }
0x12: {  	s1 =	sld [smem:$0x3F9B];
	s0 =	simm.s32 @p0 $0x1  }
0x13: {  	[smem:$0x3FB6] =	sst s0;
	s0 =	simm.s32 @!p1 $0x0  }
0x14: {  	s2 =	sld [smem:$0x3F9A];
	s0 =	simm.s32 @p1 $0x1  }
0x15: {  	[smem:$0x3FB7] =	sst s0;
	s0 =	simm.s32 @!p2 $0x0  }
0x16: {  	s3 =	sld [smem:$0x3FDB];
	s0 =	simm.s32 @p2 $0x1  }
0x17: {  	s4 =	simm.s32 $0x1BF5;
	[smem:$0x3FB9] =	sst s0  }
0x18: {  	s0 =	sld [smem:$0x3F9C];
	_ =	swait.ge [sflag:s4], $0x0  }
0x19: {  	s7 =	sld [smem:$0x3F9D]  }
0x1a: {  	s8 =	sadd.s32 $0xFFFFE003, lr  }
0x1b: {  	s9 =	sadd.s32 $0xFFFFFEF7, lr;
	s5 =	simm.s32 $0xFFFFFFFF;
	p2 =	slt.u32 s8, $0xFFFFF086  }
0x1c: {  	p1 =	slt.u32 s9, $0xF7A;
	s5 =	simm.s32 @!p2 $0x0  }
0x1d: {  	s5 =	simm.s32 @p1 $0x1;
	p0 =	seq.s32 s7, s2  }
0x1e: {  	s7 =	smul.u32 @!p0 $0xF7A, s2;
	p2 =	seq.s32 @!p0 s5, $0x0  }
0x1f: {  	s9 =	smul.u32 $0xF7A, s1;
	s8 =	simm.s32 @!p0 $0x1BF5;
	p2 =	por !p2, p0  }
0x20: {  	[sflag:s8] =	ssyncset.s32 @!p0 $0xFFFFF086;
	s6 =	sadd.s32 @!p0 s3, s7;
	s7 =	simm.s32 @!p0 $0x108  }
0x21: {  	s3 =	sadd.s32 s3, s9;
	s6 =	sadd.s32 @!p0 $0x88, s6;
	s7 =	simm.s32 @p2 $0x1082  }
0x22: {  	[simem:s7], [sflag:s8] =	dma.local @!p0 [hbm:s6], $0xF7A  }
0x23: {  	s9 =	sor.u32 $0xD0000000, s2;
	s6 =	simm.s32 $0x108;
	_ =	swait.ge @!p0 [sflag:s8], $0x0  }
0x24: {  	s3 =	sadd.s32 $0x88, s3;
	s6 =	simm.s32 @!p1 $0x1082;
	[sflag:s4] =	ssyncset.s32 $0xFFFFF086  }
0x25: {  	[simem:s6], [sflag:s4] =	dma.local [hbm:s3], $0xF7A  }
0x26: {  	[smem:$0x3F9D] =	sst s1;
	(tag) =	ssettag s2;
	_ =	strace s9  }
0x27: {  	s1 =	sld [smem:$0x3FAD]  }
0x28: {  	s2 =	sld [smem:$0x3FAE]  }
0x29: {  	s4 =	sld [smem:$0x3FB0]  }
0x2a: {  	p0 =	seq.s32 s5, $0x0;
	s5 =	sld [smem:$0x3FB1]  }
0x2b: {  	s6 =	sld [smem:$0x3FB2]  }
0x2c: {  	s7 =	sld [smem:$0x3FB3]  }
0x2d: {  	s3 =	simm.s32 $0x108;
	s8 =	sld [smem:$0x3FB4]  }
0x2e: {  	s3 =	simm.s32 @!p0 $0x1082;
	s9 =	sld [smem:$0x3FB5]  }
0x2f: {  	lr =	sadd.s32 s0, s3;
	s0 =	sld [smem:$0x3FAC]  }
0x30: {  	s3 =	sld [smem:$0x3FAF]  }
0x31: {  	[smem:$0x3FB8] =	sst s10  }
0x32: {  	s10 =	sld [smem:$0x3FB6];
	_ =	sdelay $0x3  }
0x33: {  	p0 =	seq.s32 s10, $0x1;
	s10 =	sld [smem:$0x3FB8];
	_ =	sdelay $0x3  }
0x34: {  	[smem:$0x3FB8] =	sst s10  }
0x35: {  	s10 =	sld [smem:$0x3FB7];
	_ =	sdelay $0x3  }
0x36: {  	p1 =	seq.s32 s10, $0x1;
	s10 =	sld [smem:$0x3FB8];
	_ =	sdelay $0x3  }
0x37: {  	[smem:$0x3FB8] =	sst s10  }
0x38: {  	s10 =	sld [smem:$0x3FB9]  }
0x39: {  	_ = 	snop;
	(pc) =	sbr.ind lr, $3  }
0x3a: {  	_ = 	snop  }
0x3b: {  	_ = 	snop  }
0x3c: {  	p2 =	seq.s32 s10, $0x1;
	s10 =	sld [smem:$0x3FB8]  }
0x3d: {  	_ =	shalt  }
0x3e: {  	_ =	shalt  }
0x3f: {  	_ =	shalt  }
0x40: {  	_ =	shalt  }
0x41: {  	_ =	shalt  }
0x42: {  	_ =	shalt  }
0x43: {  	_ =	shalt  }
0x44: {  	_ =	shalt  }
0x45: {  	_ =	shalt  }
0x46: {  	_ =	shalt  }
0x47: {  	_ =	shalt  }
0x48: {  	_ =	shalt  }
0x49: {  	_ =	shalt  }
0x4a: {  	_ =	shalt  }
0x4b: {  	_ =	shalt  }
0x4c: {  	_ =	shalt  }
0x4d: {  	_ =	shalt  }
0x4e: {  	_ =	shalt  }
0x4f: {  	_ =	shalt  }
0x50: {  	_ =	shalt  }
0x51: {  	_ =	shalt  }
0x52: {  	_ =	shalt  }
0x53: {  	_ =	shalt  }
0x54: {  	_ =	shalt  }
0x55: {  	_ =	shalt  }
0x56: {  	_ =	shalt  }
0x57: {  	_ =	shalt  }
0x58: {  	_ =	shalt  }
0x59: {  	_ =	shalt  }
0x5a: {  	_ =	shalt  }
0x5b: {  	_ =	shalt  }
0x5c: {  	_ =	shalt  }
0x5d: {  	_ =	shalt  }
0x5e: {  	_ =	shalt  }
0x5f: {  	_ =	shalt  }
0x60: {  	_ =	shalt  }
0x61: {  	_ =	shalt  }
0x62: {  	_ =	shalt  }
0x63: {  	_ =	shalt  }
0x64: {  	_ =	shalt  }
0x65: {  	_ =	shalt  }
0x66: {  	_ =	shalt  }
0x67: {  	_ =	shalt  }
0x68: {  	_ =	shalt  }
0x69: {  	_ =	shalt  }
0x6a: {  	_ =	shalt  }
0x6b: {  	_ =	shalt  }
0x6c: {  	_ =	shalt  }
0x6d: {  	_ =	shalt  }
0x6e: {  	_ =	shalt  }
0x6f: {  	_ =	shalt  }
0x70: {  	_ =	shalt  }
0x71: {  	_ =	shalt  }
0x72: {  	_ =	shalt  }
0x73: {  	_ =	shalt  }
0x74: {  	_ =	shalt  }
0x75: {  	_ =	shalt  }
0x76: {  	_ =	shalt  }
0x77: {  	_ =	shalt  }
0x78: {  	_ =	shalt  }
0x79: {  	_ =	shalt  }
0x7a: {  	_ =	shalt  }
0x7b: {  	_ =	shalt  }
0x7c: {  	_ =	shalt  }
0x7d: {  	_ =	shalt  }
0x7e: {  	_ =	shalt  }
0x7f: {  	_ =	shalt  }
0x80: {  	_ =	shalt  }
0x81: {  	_ =	shalt  }
0x82: {  	_ =	shalt  }
0x83: {  	_ =	shalt  }
0x84: {  	_ =	shalt  }
0x85: {  	_ =	shalt  }
0x86: {  	_ =	shalt  }
0x87: {  	_ =	shalt  }
.Lfunc_end0:
.L_simem_size_0:
called_computation.1_lowered:
.L_overlay_start_0:
0x88: {  	s2 =	sld [smem:$0x3FD9]  }
0x89: {  	s3 =	sld [smem:$0x3FFE];
	_ =	sdelay $0x1  }
0x8a: {  	s1 =	srdreg.scid  }
0x8b: {  	s0 =	sand.u32 $0x1, s1  }
0x8c: {  	s14 =	sshll.u32 s0, $0xA;
	s2 =	sadd.s32 s3, s2  }
0x8d: {  	s2 =	sadd.s32 s2, s14  }
0x8e: {  	[smem:$0x3FC4] =	sst s2  }
0x8f: {  	_ = 	snop  }
0x90: {  	s2 =	sld [smem:$0x3FD0];
	_ =	sdelay $0x2  }
0x91: {  	s15 =	simm.s32 $0xA;
	s4 =	simm.s32 $0x10  }
0x92: {  	[smem:s4], [sflag:s15] =	dma.local [hbm:s2], $0x1  }
0x93: {  	_ =	swait.eq [sflag:s15], $0x1  }
0x94: {  	[sflag:s15] =	ssyncset.done $0x0  }
0x95: {  	[sflag:s15] =	ssyncadd.s32 $0xFFFFFFFF  }
0x96: {  	s16 =	sld [smem:$0x10];
	(tm) =	ssettm $0x1  }
0x97: {  	s17 =	sld [smem:$0x3FFB];
	_ =	sdelay $0x3  }
0x98: {  	_ =	strace s17  }
0x99: {  	s3 =	sld [smem:$0x3FFC];
	_ =	sdelay $0x3  }
0x9a: {  	_ =	strace s3  }
0x9b: {  	s3 =	sld [smem:$0x3FFD];
	_ =	sdelay $0x3  }
0x9c: {  	_ =	strace s3  }
0x9d: {  	_ =	strace $0x8FFFFFFF  }
0x9e: {  	s18 =	sld [smem:$0x3FDB];
	_ =	sdelay $0x1  }
0x9f: {  	s19 =	simm.s32 $_scs_section_size  }
0xa0: {  	s5 =	simm.s32 $_size__tile_overlayer_lowered;
	s6 =	simm.s32 $_tile_overlayer_lowered  }
0xa1: {  	s22 =	simm.s32 $0x1BFF;
	s21 =	sshll.u32 s6, $0x1;
	s3 =	sadd.s32 s19, s18  }
0xa2: {  	s7 =	simm.s32 $0x0;
	s20 =	sshll.u32 s5, $0x1;
	s5 =	sadd.s32 s21, s3  }
0xa3: {  	[timem:s7], [sflag:s22] =	dma.local [hbm:s5], s20  }
0xa4: {  	_ =	swait.ge [sflag:s22], s20  }
0xa5: {  	s4 =	ssub.s32 $0x0, s20;
	[sflag:s22] =	ssyncset.done $0x0  }
0xa6: {  	[sflag:s22] =	ssyncadd.s32 s4;
	_ =	sdelay $0x1  }
0xa7: {  	s23 =	simm.s32 $0x1B8B  }
0xa8: {  	_ =	swait.ge [sflag:s23], $0x1  }
0xa9: {  	[sflag:s23] =	ssyncset.done $0x0  }
0xaa: {  	s25 =	simm.s32 $0x1B8E;
	s24 =	sld [smem:$0x3FFE];
	[sflag:s23] =	ssyncadd.s32 $0xFFFFFFFF  }
0xab: {  	s26 =	simm.s32 $execute0_lowered;
	[smem:$0x3FD2] =	sst s25  }
0xac: {  	s5 =	sshll.u32 s26, $0x1;
	_ =	strace $0x80000049;
	[dreg:$0x1] =	wrdreg $0xFFFFFFFF  }
0xad: {  	s28 =	simm.s32 $_size_execute0_lowered;
	s3 =	sadd.s32 s3, s5;
	[dreg:$0x0] =	wrdreg $0x0  }
0xae: {  	s5 =	sshll.u32 s28, $0x1;
	[dreg:$0x2] =	wrdreg s3  }
0xaf: {  	[dreg:$0x3] =	wrdreg s5  }
0xb0: {  	[dreg:$0x4] =	wrdreg $0xC0  }
0xb1: {  	_ =	task [dreg:s7], $0x5FFFF  }
0xb2: {  	[dreg:$0x1] =	wrdreg $0xFFFFFFFF  }
0xb3: {  	[dreg:$0x0] =	wrdreg $0x60  }
0xb4: {  	[dreg:$0x2] =	wrdreg s24  }
0xb5: {  	[dreg:$0x3] =	wrdreg s16  }
0xb6: {  	[dreg:$0x4] =	wrdreg $0xB8000  }
0xb7: {  	[dreg:$0x5] =	wrdreg $0x9  }
0xb8: {  	_ =	task.clear_ibuf [dreg:s7], $0x6FFFF;
	_ =	strace $0x90000049  }
0xb9: {  	s29 =	simm.s32 $0x9;
	_ =	strace $0x8000004D  }
0xba: {  	_ =	swait.ge [sflag:s29], $0x1  }
0xbb: {  	[sflag:s29] =	ssyncadd.s32 $0xFFFFFFFF  }
0xbc: {  	_ =	strace $0x9000004D  }
0xbd: {  	_ =	sfence  }
0xbe: {  	s30 =	sld [smem:$0x0];
	_ =	sdelay $0x2  }
0xbf: {  	s31 =	sshll.u32 s1, $0xD;
	s1 =	sshrl.u32 s1, $0x2  }
0xc0: {  	s3 =	sand.u32 $0x4000, s31;
	s1 =	sadd.s32 s1, s30  }
0xc1: {  	s0 =	sor.u32 s3, s0;
	s1 =	sshll.u32 s1, $0x11  }
0xc2: {  	s0 =	sor.u32 s1, s0  }
0xc3: {  	s0 =	sadd.s32 $0x8F2B, s0  }
0xc4: {  	[sflag:s0] =	ssyncadd.remote.s32 $0x1  }
0xc5: {  	_ =	sfence.sel $0xFFFF  }
0xc6: {  	[dreg:$0x0] =	wrdreg $0xFFFFFFFF;
	(pc) =	sbr.abs _section_cstart, $3  }
0xc7: {  	[dreg:$0x1] =	wrdreg $0xFFFFFFFF  }
0xc8: {  	_ =	task.clear_ibuf [dreg:s7], $0x2FFFF;
	_ =	strace $0x9FFFFFFF  }
0xc9: {  	(tm) =	ssettm $0x7FFFFFFF  }
tec
execute0_lowered:
.L_overlay_start_1:
0x0: {  	(tag) =	ssettag $0x1  }
0x1: {  	s1 =	srdreg.scid;
	s10 =	stileid.u32  }
0x2: {  	s1 =	sand.u32 $0x1, s1;
	s6 =	smul.u32 $0x13C00, s10  }
0x3: {  	s0 =	rddreg [dreg:$0x0];
	s5 =	smul.u32 $0x13C000, s1  }
0x4: {  	s2 =	rddreg [dreg:$0x1];
	s26 =	smul.u32 $0x4F000, s10  }
0x5: {  	s3 =	rddreg [dreg:$0x2];
	s5 =	sadd.s32 s6, s5  }
0x6: {  	s4 =	simm.s32 $0x0;
	s6 =	sshrl.u32 s26, $0x2;
	s5 =	sshrl.u32 s5, $0x3  }
0x7: {  	s7 =	sadd.s32 $0x2400, s0;
	s0 =	sadd.s32 s5, s0;
	s5 =	sadd.s32 s6, s3  }
0x8: {  	[smem:$0x7FF] =	sst s4;
	s6 =	sadd.s32 $0x800, s5  }
0x9: {  	_ =	strace $0x8000004A;
	s12 =	sadd.s32 $0x1000, s5;
	[dreg:$0x4] =	wrdreg s6  }
0xa: {  	s13 =	sadd.s32 $0x1800, s5;
	[dreg:$0x5] =	wrdreg s12  }
0xb: {  	s14 =	sadd.s32 $0x2000, s5;
	[dreg:$0x6] =	wrdreg s13  }
0xc: {  	s15 =	sadd.s32 $0x2800, s5;
	[dreg:$0x7] =	wrdreg s14  }
0xd: {  	s16 =	sadd.s32 $0x3000, s5;
	[dreg:$0x8] =	wrdreg s15  }
0xe: {  	s11 =	ssub.s32 $0x2, s1;
	s17 =	sadd.s32 $0x3800, s5;
	[dreg:$0x9] =	wrdreg s16  }
0xf: {  	s8 =	sshrl.u32 s11, $0x1;
	s18 =	sadd.s32 $0x4000, s5;
	[dreg:$0xa] =	wrdreg s17  }
0x10: {  	s8 =	ssub.s32 s11, s8;
	s11 =	sadd.s32 $0x4800, s5;
	[dreg:$0xb] =	wrdreg s18  }
0x11: {  	s9 =	sshll.u32 s1, $0x4;
	s20 =	sadd.s32 $0x5000, s5;
	[dreg:$0xc] =	wrdreg s11  }
0x12: {  	s1 =	smul.u32 $0x5000, s1;
	s21 =	sadd.s32 $0x5800, s5;
	[dreg:$0xd] =	wrdreg s20  }
0x13: {  	s9 =	sor.u32 s10, s9;
	s22 =	sadd.s32 $0x6000, s5;
	[dreg:$0xe] =	wrdreg s21  }
0x14: {  	s10 =	smul.u32 $0x500, s10;
	s23 =	sadd.s32 $0x6800, s5;
	[dreg:$0xf] =	wrdreg s22  }
0x15: {  	s19 =	smul.u32 $0x2800, s9;
	s25 =	sadd.s32 $0x7000, s5;
	[dreg:$0x10] =	wrdreg s23  }
0x16: {  	s9 =	smul.u32 $0x500, s9;
	s26 =	sadd.s32 $0x7800, s5;
	[dreg:$0x11] =	wrdreg s25  }
0x17: {  	s1 =	sadd.s32 s1, s7;
	s0 =	sadd.s32 $0x16400, s0;
	[dreg:$0x12] =	wrdreg s26  }
0x18: {  	s24 =	sadd.s32 s9, s7;
	s9 =	sadd.s32 $0x8000, s5;
	[dreg:$0x14] =	wrdreg s0  }
0x19: {  	s1 =	sadd.s32 s10, s1;
	s10 =	sadd.s32 $0x8800, s5;
	[dreg:$0x17] =	wrdreg s9  }
0x1a: {  	[dreg:$0x18] =	wrdreg s10;
	s12 =	sadd.s32 $0x9000, s5  }
0x1b: {  	s13 =	sadd.s32 $0x9800, s5;
	[dreg:$0x19] =	wrdreg s12  }
0x1c: {  	s14 =	sadd.s32 $0xA000, s5;
	[dreg:$0x1a] =	wrdreg s13  }
0x1d: {  	s15 =	sadd.s32 $0xA800, s5;
	[dreg:$0x1b] =	wrdreg s14  }
0x1e: {  	s16 =	sadd.s32 $0xB000, s5;
	[dreg:$0x1c] =	wrdreg s15  }
0x1f: {  	s17 =	sadd.s32 $0xB800, s5;
	[dreg:$0x1d] =	wrdreg s16  }
0x20: {  	s28 =	simm.s32 $0x4;
	s18 =	sadd.s32 $0xC000, s5;
	[dreg:$0x1e] =	wrdreg s17  }
0x21: {  	s6 =	sshrl.u32 s19, $0x3;
	s19 =	sadd.s32 $0xC800, s5;
	[dreg:$0x1f] =	wrdreg s18  }
0x22: {  	s29 =	simm.s32 $0x80;
	s20 =	sadd.s32 $0xD000, s5;
	[smem:$0x7F6] =	sst s19  }
0x23: {  	s30 =	simm.s32 $0x3000;
	s21 =	sadd.s32 $0xD800, s5;
	[smem:$0x7F7] =	sst s20  }
0x24: {  	s31 =	simm.s32 $0x2;
	s22 =	sadd.s32 $0xE000, s5;
	[smem:$0x7F8] =	sst s21  }
0x25: {  	s23 =	sadd.s32 $0xE800, s5;
	s25 =	sadd.s32 $0xF800, s5;
	[smem:$0x7F9] =	sst s22  }
0x26: {  	s26 =	sadd.s32 $0x10000, s5;
	s11 =	sadd.s32 s7, s6;
	[smem:$0x7FA] =	sst s23  }
0x27: {  	s6 =	sadd.s32 $0x80, s24;
	s7 =	smax.u32 s8, $0x1;
	[smem:$0x7FC] =	sst s25  }
0x28: {  	s8 =	sadd.s32 $0x100, s1;
	s24 =	sadd.s32 $0xF000, s5;
	[smem:$0x7FD] =	sst s26  }
0x29: {  	s16 =	sadd.s32 $0x10800, s5;
	s17 =	sadd.s32 $0x11000, s5;
	s18 =	sadd.s32 $0x11800, s5  }
.Ltmp0:
0x2a: {  	s20 =	sadd.s32 $0x12000, s5;
	s21 =	sadd.s32 $0x12800, s5;
	(pc) =	sbr.rel .LBB2_1-.Ltmp0, $4  }
0x2b: {  	s22 =	sadd.s32 $0x13000, s5;
	s23 =	sadd.s32 $0x13800, s5;
	[dreg:$0x13] =	wrdreg s6  }
0x2c: {  	s26 =	simm.s32 $0xB000;
	s25 =	simm.s32 $0x7000;
	[dreg:$0x15] =	wrdreg s7  }
0x2d: {  	s19 =	simm.s32 $0x3;
	s1 =	simm.s32 $0x0;
	[dreg:$0x16] =	wrdreg s8  }
0x2e: {  	v0 =	vimm.f32 $0.0e+00;
	[smem:$0x7FB] =	sst s24;
	s15 =	smov.u32 s11;
	s24 =	sadd.s32 $0xA000, s11  }
.LBB2_6:
0x2f: {  	[bflag:$0x0] =	sbarrier.arrive $0xFFFF  }
0x30: {  	s0 =	stileid.u32;
	_ =	strace $0x9000004B  }
0x31: {  	s0 =	sshll.u32 s0, $0x6;
	_ =	strace $0x8000004C  }
0x32: {  	s6 =	sshrl.u32 s5, $0x3;
	s0 =	sor.u32 $0x1C04, s0;
	s7 =	rddreg [dreg:$0x14]  }
0x33: {  	[hbm:s7], [sflag:s0] =	dma.local [spmem:s6], $0x2780  }
0x34: {  	_ =	swait.ge [sflag:s28], $0x2780  }
0x35: {  	s1 =	sadd.s32 $0x1, s1;
	s14 =	rddreg [dreg:$0x15]  }
0x36: {  	p0 =	sne.s32 s1, s14  }
.Ltmp1:
0x37: {  	_ = 	snop;
	(pc) =	sbr.rel @!p0 .LBB2_7-.Ltmp1, $4  }
0x38: {  	_ = 	snop  }
0x39: {  	[sflag:s28] =	ssyncset.done $0x0  }
0x3a: {  	[sflag:s28] =	ssyncadd.s32 $0xFFFFD880  }
0x3b: {  	_ =	strace $0x9000004C  }
.LBB2_1:
0x3c: {  	[tilespmem:$0xB000] =	vst v0  }
0x3d: {  	[tilespmem:$0xB010] =	vst v0  }
0x3e: {  	[tilespmem:$0xB020] =	vst v0  }
0x3f: {  	[tilespmem:$0xB030] =	vst v0  }
0x40: {  	[tilespmem:$0xB040] =	vst v0  }
0x41: {  	[tilespmem:$0xB050] =	vst v0  }
0x42: {  	[tilespmem:$0xB060] =	vst v0  }
0x43: {  	[tilespmem:$0xB070] =	vst v0  }
0x44: {  	[tilespmem:$0xB080] =	vst v0  }
0x45: {  	[tilespmem:$0xB090] =	vst v0  }
0x46: {  	[tilespmem:$0xB0A0] =	vst v0  }
0x47: {  	[tilespmem:$0xB0B0] =	vst v0  }
0x48: {  	[tilespmem:$0xB0C0] =	vst v0  }
0x49: {  	[tilespmem:$0xB0D0] =	vst v0  }
0x4a: {  	[tilespmem:$0xB0E0] =	vst v0  }
0x4b: {  	[tilespmem:$0xB0F0] =	vst v0  }
0x4c: {  	[tilespmem:$0xB100] =	vst v0  }
0x4d: {  	[tilespmem:$0xB110] =	vst v0  }
0x4e: {  	[tilespmem:$0xB120] =	vst v0  }
0x4f: {  	[tilespmem:$0xB130] =	vst v0  }
0x50: {  	[tilespmem:$0xB140] =	vst v0  }
0x51: {  	[tilespmem:$0xB150] =	vst v0  }
0x52: {  	[tilespmem:$0xB160] =	vst v0  }
0x53: {  	[tilespmem:$0xB170] =	vst v0  }
0x54: {  	[tilespmem:$0xB180] =	vst v0  }
0x55: {  	[tilespmem:$0xB190] =	vst v0  }
0x56: {  	[tilespmem:$0xB1A0] =	vst v0  }
0x57: {  	[tilespmem:$0xB1B0] =	vst v0  }
0x58: {  	[tilespmem:$0xB1C0] =	vst v0  }
0x59: {  	[tilespmem:$0xB1D0] =	vst v0  }
0x5a: {  	[tilespmem:$0xB1E0] =	vst v0  }
0x5b: {  	[tilespmem:$0xB1F0] =	vst v0  }
0x5c: {  	[tilespmem:$0xB200] =	vst v0  }
0x5d: {  	[tilespmem:$0xB210] =	vst v0  }
0x5e: {  	[tilespmem:$0xB220] =	vst v0  }
0x5f: {  	[tilespmem:$0xB230] =	vst v0  }
0x60: {  	[tilespmem:$0xB240] =	vst v0  }
0x61: {  	[tilespmem:$0xB250] =	vst v0  }
0x62: {  	[tilespmem:$0xB260] =	vst v0  }
0x63: {  	[tilespmem:$0xB270] =	vst v0  }
0x64: {  	[tilespmem:$0xB280] =	vst v0  }
0x65: {  	[tilespmem:$0xB290] =	vst v0  }
0x66: {  	[tilespmem:$0xB2A0] =	vst v0  }
0x67: {  	[tilespmem:$0xB2B0] =	vst v0  }
0x68: {  	[tilespmem:$0xB2C0] =	vst v0  }
0x69: {  	[tilespmem:$0xB2D0] =	vst v0  }
0x6a: {  	[tilespmem:$0xB2E0] =	vst v0  }
0x6b: {  	[tilespmem:$0xB2F0] =	vst v0  }
0x6c: {  	[tilespmem:$0xB300] =	vst v0  }
0x6d: {  	[tilespmem:$0xB310] =	vst v0  }
0x6e: {  	[tilespmem:$0xB320] =	vst v0  }
0x6f: {  	[tilespmem:$0xB330] =	vst v0  }
0x70: {  	[tilespmem:$0xB340] =	vst v0  }
0x71: {  	[tilespmem:$0xB350] =	vst v0  }
0x72: {  	[tilespmem:$0xB360] =	vst v0  }
0x73: {  	[tilespmem:$0xB370] =	vst v0  }
0x74: {  	[tilespmem:$0xB380] =	vst v0  }
0x75: {  	[tilespmem:$0xB390] =	vst v0  }
0x76: {  	[tilespmem:$0xB3A0] =	vst v0  }
0x77: {  	[tilespmem:$0xB3B0] =	vst v0  }
0x78: {  	[tilespmem:$0xB3C0] =	vst v0  }
0x79: {  	[tilespmem:$0xB3D0] =	vst v0  }
0x7a: {  	[tilespmem:$0xB3E0] =	vst v0  }
0x7b: {  	[tilespmem:$0xB3F0] =	vst v0  }
0x7c: {  	[tilespmem:$0xB400] =	vst v0  }
0x7d: {  	[tilespmem:$0xB410] =	vst v0  }
0x7e: {  	[tilespmem:$0xB420] =	vst v0  }
0x7f: {  	[tilespmem:$0xB430] =	vst v0  }
0x80: {  	[tilespmem:$0xB440] =	vst v0  }
0x81: {  	[tilespmem:$0xB450] =	vst v0  }
0x82: {  	[tilespmem:$0xB460] =	vst v0  }
0x83: {  	[tilespmem:$0xB470] =	vst v0  }
0x84: {  	[tilespmem:$0xB480] =	vst v0  }
0x85: {  	[tilespmem:$0xB490] =	vst v0  }
0x86: {  	[tilespmem:$0xB4A0] =	vst v0  }
0x87: {  	[tilespmem:$0xB4B0] =	vst v0  }
0x88: {  	[tilespmem:$0xB4C0] =	vst v0  }
0x89: {  	[tilespmem:$0xB4D0] =	vst v0  }
0x8a: {  	[tilespmem:$0xB4E0] =	vst v0  }
0x8b: {  	[tilespmem:$0xB4F0] =	vst v0  }
0x8c: {  	[tilespmem:$0xB500] =	vst v0  }
0x8d: {  	[tilespmem:$0xB510] =	vst v0  }
0x8e: {  	[tilespmem:$0xB520] =	vst v0  }
0x8f: {  	[tilespmem:$0xB530] =	vst v0  }
0x90: {  	[tilespmem:$0xB540] =	vst v0  }
0x91: {  	[tilespmem:$0xB550] =	vst v0  }
0x92: {  	[tilespmem:$0xB560] =	vst v0  }
0x93: {  	[tilespmem:$0xB570] =	vst v0  }
0x94: {  	[tilespmem:$0xB580] =	vst v0  }
0x95: {  	[tilespmem:$0xB590] =	vst v0  }
0x96: {  	[tilespmem:$0xB5A0] =	vst v0  }
0x97: {  	[tilespmem:$0xB5B0] =	vst v0  }
0x98: {  	[tilespmem:$0xB5C0] =	vst v0  }
0x99: {  	[tilespmem:$0xB5D0] =	vst v0  }
0x9a: {  	[tilespmem:$0xB5E0] =	vst v0  }
0x9b: {  	[tilespmem:$0xB5F0] =	vst v0  }
0x9c: {  	[tilespmem:$0xB600] =	vst v0  }
0x9d: {  	[tilespmem:$0xB610] =	vst v0  }
0x9e: {  	[tilespmem:$0xB620] =	vst v0  }
0x9f: {  	[tilespmem:$0xB630] =	vst v0  }
0xa0: {  	[tilespmem:$0xB640] =	vst v0  }
0xa1: {  	[tilespmem:$0xB650] =	vst v0  }
0xa2: {  	[tilespmem:$0xB660] =	vst v0  }
0xa3: {  	[tilespmem:$0xB670] =	vst v0  }
0xa4: {  	[tilespmem:$0xB680] =	vst v0  }
0xa5: {  	[tilespmem:$0xB690] =	vst v0  }
0xa6: {  	[tilespmem:$0xB6A0] =	vst v0  }
0xa7: {  	[tilespmem:$0xB6B0] =	vst v0  }
0xa8: {  	[tilespmem:$0xB6C0] =	vst v0  }
0xa9: {  	[tilespmem:$0xB6D0] =	vst v0  }
0xaa: {  	[tilespmem:$0xB6E0] =	vst v0  }
0xab: {  	[tilespmem:$0xB6F0] =	vst v0  }
0xac: {  	[tilespmem:$0xB700] =	vst v0  }
0xad: {  	[tilespmem:$0xB710] =	vst v0  }
0xae: {  	[tilespmem:$0xB720] =	vst v0  }
0xaf: {  	[tilespmem:$0xB730] =	vst v0  }
0xb0: {  	[tilespmem:$0xB740] =	vst v0  }
0xb1: {  	[tilespmem:$0xB750] =	vst v0  }
0xb2: {  	[tilespmem:$0xB760] =	vst v0  }
0xb3: {  	[tilespmem:$0xB770] =	vst v0  }
0xb4: {  	[tilespmem:$0xB780] =	vst v0  }
0xb5: {  	[tilespmem:$0xB790] =	vst v0  }
0xb6: {  	[tilespmem:$0xB7A0] =	vst v0  }
0xb7: {  	[tilespmem:$0xB7B0] =	vst v0  }
0xb8: {  	[tilespmem:$0xB7C0] =	vst v0  }
0xb9: {  	[tilespmem:$0xB7D0] =	vst v0  }
0xba: {  	[tilespmem:$0xB7E0] =	vst v0  }
0xbb: {  	[tilespmem:$0xB7F0] =	vst v0  }
0xbc: {  	[spmem:s5] =	stream.linear.scatter [tilespmem:s26], [sflag:$0x4], $0x800, $0x38;
	[tilespmem:$0x1F400] =	vst v63  }
0xbd: {  	_ =	swait.ge [sflag:s28], $0x800  }
0xbe: {  	[sflag:s28] =	ssyncset.done $0x0  }
0xbf: {  	s0 =	rddreg [dreg:$0x4];
	[sflag:s28] =	ssyncadd.s32 $0xFFFFF800  }
0xc0: {  	[spmem:s0] =	stream.linear.scatter [tilespmem:s26], [sflag:$0x4], $0x800, $0x38;
	[tilespmem:$0x1F400] =	vst v63  }
0xc1: {  	_ =	swait.ge [sflag:s28], $0x800  }
0xc2: {  	[sflag:s28] =	ssyncset.done $0x0  }
0xc3: {  	s9 =	rddreg [dreg:$0x5];
	[sflag:s28] =	ssyncadd.s32 $0xFFFFF800  }
0xc4: {  	[spmem:s9] =	stream.linear.scatter [tilespmem:s26], [sflag:$0x4], $0x800, $0x38;
	[tilespmem:$0x1F400] =	vst v63  }
0xc5: {  	_ =	swait.ge [sflag:s28], $0x800  }
0xc6: {  	[sflag:s28] =	ssyncset.done $0x0  }
0xc7: {  	s10 =	rddreg [dreg:$0x6];
	[sflag:s28] =	ssyncadd.s32 $0xFFFFF800  }
0xc8: {  	[spmem:s10] =	stream.linear.scatter [tilespmem:s26], [sflag:$0x4], $0x800, $0x38;
	[tilespmem:$0x1F400] =	vst v63  }
0xc9: {  	_ =	swait.ge [sflag:s28], $0x800  }
0xca: {  	[sflag:s28] =	ssyncset.done $0x0  }
0xcb: {  	s11 =	rddreg [dreg:$0x7];
	[sflag:s28] =	ssyncadd.s32 $0xFFFFF800  }
0xcc: {  	[spmem:s11] =	stream.linear.scatter [tilespmem:s26], [sflag:$0x4], $0x800, $0x38;
	[tilespmem:$0x1F400] =	vst v63  }
0xcd: {  	_ =	swait.ge [sflag:s28], $0x800  }
0xce: {  	[sflag:s28] =	ssyncset.done $0x0  }
0xcf: {  	s12 =	rddreg [dreg:$0x8];
	[sflag:s28] =	ssyncadd.s32 $0xFFFFF800  }
0xd0: {  	[spmem:s12] =	stream.linear.scatter [tilespmem:s26], [sflag:$0x4], $0x800, $0x38;
	[tilespmem:$0x1F400] =	vst v63  }
0xd1: {  	_ =	swait.ge [sflag:s28], $0x800  }
0xd2: {  	[sflag:s28] =	ssyncset.done $0x0  }
0xd3: {  	s13 =	rddreg [dreg:$0x9];
	[sflag:s28] =	ssyncadd.s32 $0xFFFFF800  }
0xd4: {  	[spmem:s13] =	stream.linear.scatter [tilespmem:s26], [sflag:$0x4], $0x800, $0x38;
	[tilespmem:$0x1F400] =	vst v63  }
0xd5: {  	_ =	swait.ge [sflag:s28], $0x800  }
0xd6: {  	[sflag:s28] =	ssyncset.done $0x0  }
0xd7: {  	s14 =	rddreg [dreg:$0xa];
	[sflag:s28] =	ssyncadd.s32 $0xFFFFF800  }
0xd8: {  	[spmem:s14] =	stream.linear.scatter [tilespmem:s26], [sflag:$0x4], $0x800, $0x38;
	[tilespmem:$0x1F400] =	vst v63  }
0xd9: {  	_ =	swait.ge [sflag:s28], $0x800  }
0xda: {  	[sflag:s28] =	ssyncset.done $0x0  }
0xdb: {  	s6 =	rddreg [dreg:$0xb];
	[sflag:s28] =	ssyncadd.s32 $0xFFFFF800  }
0xdc: {  	[spmem:s6] =	stream.linear.scatter [tilespmem:s26], [sflag:$0x4], $0x800, $0x38;
	[tilespmem:$0x1F400] =	vst v63  }
0xdd: {  	_ =	swait.ge [sflag:s28], $0x800  }
0xde: {  	[sflag:s28] =	ssyncset.done $0x0  }
0xdf: {  	s7 =	rddreg [dreg:$0xc];
	[sflag:s28] =	ssyncadd.s32 $0xFFFFF800  }
0xe0: {  	[spmem:s7] =	stream.linear.scatter [tilespmem:s26], [sflag:$0x4], $0x800, $0x38;
	[tilespmem:$0x1F400] =	vst v63  }
0xe1: {  	_ =	swait.ge [sflag:s28], $0x800  }
0xe2: {  	[sflag:s28] =	ssyncset.done $0x0  }
0xe3: {  	s8 =	rddreg [dreg:$0xd];
	[sflag:s28] =	ssyncadd.s32 $0xFFFFF800  }
0xe4: {  	[spmem:s8] =	stream.linear.scatter [tilespmem:s26], [sflag:$0x4], $0x800, $0x38;
	[tilespmem:$0x1F400] =	vst v63  }
0xe5: {  	_ =	swait.ge [sflag:s28], $0x800  }
0xe6: {  	[sflag:s28] =	ssyncset.done $0x0  }
0xe7: {  	s9 =	rddreg [dreg:$0xe];
	[sflag:s28] =	ssyncadd.s32 $0xFFFFF800  }
0xe8: {  	[spmem:s9] =	stream.linear.scatter [tilespmem:s26], [sflag:$0x4], $0x800, $0x38;
	[tilespmem:$0x1F400] =	vst v63  }
0xe9: {  	_ =	swait.ge [sflag:s28], $0x800  }
0xea: {  	[sflag:s28] =	ssyncset.done $0x0  }
0xeb: {  	s10 =	rddreg [dreg:$0xf];
	[sflag:s28] =	ssyncadd.s32 $0xFFFFF800  }
0xec: {  	[spmem:s10] =	stream.linear.scatter [tilespmem:s26], [sflag:$0x4], $0x800, $0x38;
	[tilespmem:$0x1F400] =	vst v63  }
0xed: {  	_ =	swait.ge [sflag:s28], $0x800  }
0xee: {  	[sflag:s28] =	ssyncset.done $0x0  }
0xef: {  	s11 =	rddreg [dreg:$0x10];
	[sflag:s28] =	ssyncadd.s32 $0xFFFFF800  }
0xf0: {  	[spmem:s11] =	stream.linear.scatter [tilespmem:s26], [sflag:$0x4], $0x800, $0x38;
	[tilespmem:$0x1F400] =	vst v63  }
0xf1: {  	_ =	swait.ge [sflag:s28], $0x800  }
0xf2: {  	[sflag:s28] =	ssyncset.done $0x0  }
0xf3: {  	s12 =	rddreg [dreg:$0x11];
	[sflag:s28] =	ssyncadd.s32 $0xFFFFF800  }
0xf4: {  	[spmem:s12] =	stream.linear.scatter [tilespmem:s26], [sflag:$0x4], $0x800, $0x38;
	[tilespmem:$0x1F400] =	vst v63  }
0xf5: {  	_ =	swait.ge [sflag:s28], $0x800  }
0xf6: {  	[sflag:s28] =	ssyncset.done $0x0  }
0xf7: {  	s13 =	rddreg [dreg:$0x12];
	[sflag:s28] =	ssyncadd.s32 $0xFFFFF800  }
0xf8: {  	[spmem:s13] =	stream.linear.scatter [tilespmem:s26], [sflag:$0x4], $0x800, $0x38;
	[tilespmem:$0x1F400] =	vst v63  }
0xf9: {  	_ =	swait.ge [sflag:s28], $0x800  }
0xfa: {  	[sflag:s28] =	ssyncset.done $0x0  }
0xfb: {  	s14 =	rddreg [dreg:$0x17];
	[sflag:s28] =	ssyncadd.s32 $0xFFFFF800  }
0xfc: {  	[spmem:s14] =	stream.linear.scatter [tilespmem:s26], [sflag:$0x4], $0x800, $0x38;
	[tilespmem:$0x1F400] =	vst v63  }
0xfd: {  	_ =	swait.ge [sflag:s28], $0x800  }
0xfe: {  	[sflag:s28] =	ssyncset.done $0x0  }
0xff: {  	s6 =	rddreg [dreg:$0x18];
	[sflag:s28] =	ssyncadd.s32 $0xFFFFF800  }
0x100: {  	[spmem:s6] =	stream.linear.scatter [tilespmem:s26], [sflag:$0x4], $0x800, $0x38;
	[tilespmem:$0x1F400] =	vst v63  }
0x101: {  	_ =	swait.ge [sflag:s28], $0x800  }
0x102: {  	[sflag:s28] =	ssyncset.done $0x0  }
0x103: {  	s7 =	rddreg [dreg:$0x19];
	[sflag:s28] =	ssyncadd.s32 $0xFFFFF800  }
0x104: {  	[spmem:s7] =	stream.linear.scatter [tilespmem:s26], [sflag:$0x4], $0x800, $0x38;
	[tilespmem:$0x1F400] =	vst v63  }
0x105: {  	_ =	swait.ge [sflag:s28], $0x800  }
0x106: {  	[sflag:s28] =	ssyncset.done $0x0  }
0x107: {  	s8 =	rddreg [dreg:$0x1a];
	[sflag:s28] =	ssyncadd.s32 $0xFFFFF800  }
0x108: {  	[spmem:s8] =	stream.linear.scatter [tilespmem:s26], [sflag:$0x4], $0x800, $0x38;
	[tilespmem:$0x1F400] =	vst v63  }
0x109: {  	_ =	swait.ge [sflag:s28], $0x800  }
0x10a: {  	[sflag:s28] =	ssyncset.done $0x0  }
0x10b: {  	s9 =	rddreg [dreg:$0x1b];
	[sflag:s28] =	ssyncadd.s32 $0xFFFFF800  }
0x10c: {  	[spmem:s9] =	stream.linear.scatter [tilespmem:s26], [sflag:$0x4], $0x800, $0x38;
	[tilespmem:$0x1F400] =	vst v63  }
0x10d: {  	_ =	swait.ge [sflag:s28], $0x800  }
0x10e: {  	[sflag:s28] =	ssyncset.done $0x0  }
0x10f: {  	s10 =	rddreg [dreg:$0x1c];
	[sflag:s28] =	ssyncadd.s32 $0xFFFFF800  }
0x110: {  	[spmem:s10] =	stream.linear.scatter [tilespmem:s26], [sflag:$0x4], $0x800, $0x38;
	[tilespmem:$0x1F400] =	vst v63  }
0x111: {  	_ =	swait.ge [sflag:s28], $0x800  }
0x112: {  	[sflag:s28] =	ssyncset.done $0x0  }
0x113: {  	s11 =	rddreg [dreg:$0x1d];
	[sflag:s28] =	ssyncadd.s32 $0xFFFFF800  }
0x114: {  	[spmem:s11] =	stream.linear.scatter [tilespmem:s26], [sflag:$0x4], $0x800, $0x38;
	[tilespmem:$0x1F400] =	vst v63  }
0x115: {  	_ =	swait.ge [sflag:s28], $0x800  }
0x116: {  	[sflag:s28] =	ssyncset.done $0x0  }
0x117: {  	s12 =	rddreg [dreg:$0x1e];
	[sflag:s28] =	ssyncadd.s32 $0xFFFFF800  }
0x118: {  	[spmem:s12] =	stream.linear.scatter [tilespmem:s26], [sflag:$0x4], $0x800, $0x38;
	[tilespmem:$0x1F400] =	vst v63  }
0x119: {  	_ =	swait.ge [sflag:s28], $0x800  }
0x11a: {  	[sflag:s28] =	ssyncset.done $0x0  }
0x11b: {  	s13 =	rddreg [dreg:$0x1f];
	[sflag:s28] =	ssyncadd.s32 $0xFFFFF800  }
0x11c: {  	[spmem:s13] =	stream.linear.scatter [tilespmem:s26], [sflag:$0x4], $0x800, $0x38;
	[tilespmem:$0x1F400] =	vst v63  }
0x11d: {  	_ =	swait.ge [sflag:s28], $0x800  }
0x11e: {  	s14 =	sld [smem:$0x7F6]  }
0x11f: {  	[sflag:s28] =	ssyncset.done $0x0  }
0x120: {  	[sflag:s28] =	ssyncadd.s32 $0xFFFFF800  }
0x121: {  	[spmem:s14] =	stream.linear.scatter [tilespmem:s26], [sflag:$0x4], $0x800, $0x38;
	[tilespmem:$0x1F400] =	vst v63  }
0x122: {  	_ =	swait.ge [sflag:s28], $0x800  }
0x123: {  	s6 =	sld [smem:$0x7F7]  }
0x124: {  	[sflag:s28] =	ssyncset.done $0x0  }
0x125: {  	[sflag:s28] =	ssyncadd.s32 $0xFFFFF800  }
0x126: {  	[spmem:s6] =	stream.linear.scatter [tilespmem:s26], [sflag:$0x4], $0x800, $0x38;
	[tilespmem:$0x1F400] =	vst v63  }
0x127: {  	_ =	swait.ge [sflag:s28], $0x800  }
0x128: {  	s7 =	sld [smem:$0x7F8]  }
0x129: {  	[sflag:s28] =	ssyncset.done $0x0  }
0x12a: {  	[sflag:s28] =	ssyncadd.s32 $0xFFFFF800  }
0x12b: {  	[spmem:s7] =	stream.linear.scatter [tilespmem:s26], [sflag:$0x4], $0x800, $0x38;
	[tilespmem:$0x1F400] =	vst v63  }
0x12c: {  	_ =	swait.ge [sflag:s28], $0x800  }
0x12d: {  	s8 =	sld [smem:$0x7F9]  }
0x12e: {  	[sflag:s28] =	ssyncset.done $0x0  }
0x12f: {  	[sflag:s28] =	ssyncadd.s32 $0xFFFFF800  }
0x130: {  	[spmem:s8] =	stream.linear.scatter [tilespmem:s26], [sflag:$0x4], $0x800, $0x38;
	[tilespmem:$0x1F400] =	vst v63  }
0x131: {  	_ =	swait.ge [sflag:s28], $0x800  }
0x132: {  	s9 =	sld [smem:$0x7FA]  }
0x133: {  	[sflag:s28] =	ssyncset.done $0x0  }
0x134: {  	[sflag:s28] =	ssyncadd.s32 $0xFFFFF800  }
0x135: {  	[spmem:s9] =	stream.linear.scatter [tilespmem:s26], [sflag:$0x4], $0x800, $0x38;
	[tilespmem:$0x1F400] =	vst v63  }
0x136: {  	_ =	swait.ge [sflag:s28], $0x800  }
0x137: {  	s10 =	sld [smem:$0x7FB]  }
0x138: {  	[sflag:s28] =	ssyncset.done $0x0  }
0x139: {  	[sflag:s28] =	ssyncadd.s32 $0xFFFFF800  }
0x13a: {  	[spmem:s10] =	stream.linear.scatter [tilespmem:s26], [sflag:$0x4], $0x800, $0x38;
	[tilespmem:$0x1F400] =	vst v63  }
0x13b: {  	_ =	swait.ge [sflag:s28], $0x800  }
0x13c: {  	s11 =	sld [smem:$0x7FC]  }
0x13d: {  	[sflag:s28] =	ssyncset.done $0x0  }
0x13e: {  	[sflag:s28] =	ssyncadd.s32 $0xFFFFF800  }
0x13f: {  	[spmem:s11] =	stream.linear.scatter [tilespmem:s26], [sflag:$0x4], $0x800, $0x38;
	[tilespmem:$0x1F400] =	vst v63  }
0x140: {  	_ =	swait.ge [sflag:s28], $0x800  }
0x141: {  	s12 =	sld [smem:$0x7FD]  }
0x142: {  	[sflag:s28] =	ssyncset.done $0x0  }
0x143: {  	[sflag:s28] =	ssyncadd.s32 $0xFFFFF800  }
0x144: {  	[spmem:s12] =	stream.linear.scatter [tilespmem:s26], [sflag:$0x4], $0x800, $0x38;
	[tilespmem:$0x1F400] =	vst v63  }
0x145: {  	_ =	swait.ge [sflag:s28], $0x800  }
0x146: {  	[sflag:s28] =	ssyncset.done $0x0  }
0x147: {  	[sflag:s28] =	ssyncadd.s32 $0xFFFFF800  }
0x148: {  	[spmem:s16] =	stream.linear.scatter [tilespmem:s26], [sflag:$0x4], $0x800, $0x38;
	[tilespmem:$0x1F400] =	vst v63  }
0x149: {  	_ =	swait.ge [sflag:s28], $0x800  }
0x14a: {  	[sflag:s28] =	ssyncset.done $0x0  }
0x14b: {  	[sflag:s28] =	ssyncadd.s32 $0xFFFFF800  }
0x14c: {  	[spmem:s17] =	stream.linear.scatter [tilespmem:s26], [sflag:$0x4], $0x800, $0x38;
	[tilespmem:$0x1F400] =	vst v63  }
0x14d: {  	_ =	swait.ge [sflag:s28], $0x800  }
0x14e: {  	[sflag:s28] =	ssyncset.done $0x0  }
0x14f: {  	[sflag:s28] =	ssyncadd.s32 $0xFFFFF800  }
0x150: {  	[spmem:s18] =	stream.linear.scatter [tilespmem:s26], [sflag:$0x4], $0x800, $0x38;
	[tilespmem:$0x1F400] =	vst v63  }
0x151: {  	_ =	swait.ge [sflag:s28], $0x800  }
0x152: {  	[sflag:s28] =	ssyncset.done $0x0  }
0x153: {  	[sflag:s28] =	ssyncadd.s32 $0xFFFFF800  }
0x154: {  	[spmem:s20] =	stream.linear.scatter [tilespmem:s26], [sflag:$0x4], $0x800, $0x38;
	[tilespmem:$0x1F400] =	vst v63  }
0x155: {  	_ =	swait.ge [sflag:s28], $0x800  }
0x156: {  	[sflag:s28] =	ssyncset.done $0x0  }
0x157: {  	[sflag:s28] =	ssyncadd.s32 $0xFFFFF800  }
0x158: {  	[spmem:s21] =	stream.linear.scatter [tilespmem:s26], [sflag:$0x4], $0x800, $0x38;
	[tilespmem:$0x1F400] =	vst v63  }
0x159: {  	_ =	swait.ge [sflag:s28], $0x800  }
0x15a: {  	[sflag:s28] =	ssyncset.done $0x0  }
0x15b: {  	[sflag:s28] =	ssyncadd.s32 $0xFFFFF800  }
0x15c: {  	[spmem:s22] =	stream.linear.scatter [tilespmem:s26], [sflag:$0x4], $0x800, $0x38;
	[tilespmem:$0x1F400] =	vst v63  }
0x15d: {  	_ =	swait.ge [sflag:s28], $0x800  }
0x15e: {  	[sflag:s28] =	ssyncset.done $0x0  }
0x15f: {  	[sflag:s28] =	ssyncadd.s32 $0xFFFFF800  }
0x160: {  	[spmem:s23] =	stream.linear.scatter [tilespmem:s26], [sflag:$0x4], $0x400, $0x38;
	[tilespmem:$0x1F400] =	vst v63  }
0x161: {  	_ =	swait.ge [sflag:s28], $0x400  }
0x162: {  	[sflag:s28] =	ssyncset.done $0x0  }
0x163: {  	[sflag:s28] =	ssyncadd.s32 $0xFFFFFC00  }
0x164: {  	[tilespmem:s4], [sflag:$0x4] =	stream.linear.gather [hbm4b:s15+s4], $0x400, $0x38;
	[tilespmem:$0x1F400] =	vst v63  }
0x165: {  	_ =	swait.ge [sflag:s28], $0x400  }
0x166: {  	[sflag:s28] =	ssyncset.done $0x0  }
0x167: {  	s6 =	simm.s32 $0x400;
	s13 =	rddreg [dreg:$0x13];
	[sflag:s28] =	ssyncadd.s32 $0xFFFFFC00  }
0x168: {  	[tilespmem:s6], [sflag:$0x1] =	stream.linear.gather [hbm4b:s13+s4], $0x400, $0x38;
	[tilespmem:$0x1F400] =	vst v63  }
0x169: {  	s14 =	simm.s32 $0x800  }
0x16a: {  	[tilespmem:s14], [sflag:$0x4] =	stream.linear.gather [hbm4b:s24+s4], $0x2800, $0x38;
	[tilespmem:$0x1F400] =	vst v63  }
0x16b: {  	_ =	swait.ge [sflag:s28], $0x2800  }
0x16c: {  	[sflag:s28] =	ssyncset.done $0x0  }
0x16d: {  	[sflag:s28] =	ssyncadd.s32 $0xFFFFD800  }
0x16e: {  	[bflag:$0x0] =	sbarrier.arrive $0xFFFF  }
0x16f: {  	[tilespmem:s30], [sflag:$0x2] =	stream.indirect.gather [hbm4b:s2+s29], $0x80, s4, s29, $0xb8;
	[tilespmem:$0x1F400] =	vst v63  }
.Ltmp2:
0x170: {  	_ = 	snop;
	(pc) =	sbr.rel .LBB2_2-.Ltmp2, $4  }
0x171: {  	_ = 	snop  }
0x172: {  	[tilespmem:s25], [sflag:$0x3] =	stream.indirect.gather [hbm4b:s2+s29], $0x80, s29, s29, $0xb8;
	[tilespmem:$0x1F400] =	vst v63  }
0x173: {  	s0 =	simm.s32 $0x0;
	_ =	strace $0x8000004B  }
0x174: {  	s8 =	simm.s32 $0x0;
	s6 =	simm.s32 $0x0;
	s7 =	rddreg [dreg:$0x16]  }
.LBB2_3:
0x175: {  	[tilespmem:s9], [sflag:$0x1] =	stream.linear.gather [hbm4b:s7+s4], $0x400, $0x200038;
	[tilespmem:$0x1F400] =	vst v63  }
.LBB2_5:
0x176: {  	s6 =	sadd.s32 $0x1000, s6  }
0x177: {  	p0 =	sne.s32 s6, $0xA000  }
.Ltmp3:
0x178: {  	_ = 	snop;
	(pc) =	sbr.rel @!p0 .LBB2_6-.Ltmp3, $4  }
0x179: {  	_ = 	snop  }
0x17a: {  	s9 =	sshll.u32 s11, $0xA;
	s7 =	sadd.s32 $0x80, s7  }
0x17b: {  	s0 =	sadd.s32 $0x400, s0;
	s8 =	sadd.s32 $0x1, s8;
	s9 =	sor.u32 $0x80, s9  }
0x17c: {  	[tilespmem:s25], [sflag:$0x3] =	stream.indirect.gather [hbm4b:s2+s29], $0x80, s9, s29, $0x2000b8;
	[tilespmem:$0x1F400] =	vst v63  }
.LBB2_2:
0x17d: {  	p0 =	seq.s32 s6, $0x9000  }
0x17e: {  	s9 =	simm.s32 @!p0 $0x1  }
0x17f: {  	_ =	swait.ge @!p0 [sflag:s9], $0x400  }
0x180: {  	[sflag:s9] =	ssyncset.done @!p0 $0x0  }
0x181: {  	[sflag:s9] =	ssyncadd.s32 @!p0 $0xFFFFFC00  }
0x182: {  	_ =	swait.ge [sflag:s31], $0x4000  }
0x183: {  	s10 =	sshra.s32 s6, $0x2;
	[sflag:s31] =	ssyncset.done $0x0  }
0x184: {  	s11 =	sadd.s32 $0x800, s10;
	[sflag:s31] =	ssyncadd.s32 $0xFFFFC000  }
0x185: {  	[spmem:s3] =	stream.indirect.scatter.add.f32 [tilespmem:s30], [sflag:$0x4], $0x80, s11, s29, $0x2000b8;
	[tilespmem:$0x1F400] =	vst v63  }
0x186: {  	_ =	swait.ge [sflag:s28], $0x4000  }
0x187: {  	s9 =	sand.u32 $0x400, s0;
	[sflag:s28] =	ssyncset.done $0x0  }
0x188: {  	s11 =	sor.u32 $0x100, s9;
	[sflag:s28] =	ssyncadd.s32 $0xFFFFC000  }
0x189: {  	[tilespmem:s30], [sflag:$0x2] =	stream.indirect.gather [hbm4b:s2+s29], $0x80, s11, s29, $0x2000b8;
	[tilespmem:$0x1F400] =	vst v63  }
0x18a: {  	_ =	swait.ge [sflag:s19], $0x4000  }
0x18b: {  	[sflag:s19] =	ssyncset.done $0x0  }
0x18c: {  	s12 =	sadd.s32 $0x880, s10;
	[sflag:s19] =	ssyncadd.s32 $0xFFFFC000  }
0x18d: {  	[spmem:s3] =	stream.indirect.scatter.add.f32 [tilespmem:s25], [sflag:$0x4], $0x80, s12, s29, $0x2000b8;
	[tilespmem:$0x1F400] =	vst v63  }
0x18e: {  	_ =	swait.ge [sflag:s28], $0x4000  }
0x18f: {  	[sflag:s28] =	ssyncset.done $0x0  }
0x190: {  	s13 =	sor.u32 $0x180, s9;
	[sflag:s28] =	ssyncadd.s32 $0xFFFFC000  }
0x191: {  	[tilespmem:s25], [sflag:$0x3] =	stream.indirect.gather [hbm4b:s2+s29], $0x80, s13, s29, $0x2000b8;
	[tilespmem:$0x1F400] =	vst v63  }
0x192: {  	_ =	swait.ge [sflag:s31], $0x4000  }
0x193: {  	[sflag:s31] =	ssyncset.done $0x0  }
0x194: {  	s14 =	sadd.s32 $0x900, s10;
	[sflag:s31] =	ssyncadd.s32 $0xFFFFC000  }
0x195: {  	[spmem:s3] =	stream.indirect.scatter.add.f32 [tilespmem:s30], [sflag:$0x4], $0x80, s14, s29, $0x2000b8;
	[tilespmem:$0x1F400] =	vst v63  }
0x196: {  	_ =	swait.ge [sflag:s28], $0x4000  }
0x197: {  	[sflag:s28] =	ssyncset.done $0x0  }
0x198: {  	s12 =	sor.u32 $0x200, s9;
	[sflag:s28] =	ssyncadd.s32 $0xFFFFC000  }
0x199: {  	[tilespmem:s30], [sflag:$0x2] =	stream.indirect.gather [hbm4b:s2+s29], $0x80, s12, s29, $0x2000b8;
	[tilespmem:$0x1F400] =	vst v63  }
0x19a: {  	_ =	swait.ge [sflag:s19], $0x4000  }
0x19b: {  	[sflag:s19] =	ssyncset.done $0x0  }
0x19c: {  	s13 =	sadd.s32 $0x980, s10;
	[sflag:s19] =	ssyncadd.s32 $0xFFFFC000  }
0x19d: {  	[spmem:s3] =	stream.indirect.scatter.add.f32 [tilespmem:s25], [sflag:$0x4], $0x80, s13, s29, $0x2000b8;
	[tilespmem:$0x1F400] =	vst v63  }
0x19e: {  	_ =	swait.ge [sflag:s28], $0x4000  }
0x19f: {  	[sflag:s28] =	ssyncset.done $0x0  }
0x1a0: {  	s14 =	sor.u32 $0x280, s9;
	[sflag:s28] =	ssyncadd.s32 $0xFFFFC000  }
0x1a1: {  	[tilespmem:s25], [sflag:$0x3] =	stream.indirect.gather [hbm4b:s2+s29], $0x80, s14, s29, $0x2000b8;
	[tilespmem:$0x1F400] =	vst v63  }
0x1a2: {  	_ =	swait.ge [sflag:s31], $0x4000  }
0x1a3: {  	[sflag:s31] =	ssyncset.done $0x0  }
0x1a4: {  	s12 =	sadd.s32 $0xA00, s10;
	[sflag:s31] =	ssyncadd.s32 $0xFFFFC000  }
0x1a5: {  	[spmem:s3] =	stream.indirect.scatter.add.f32 [tilespmem:s30], [sflag:$0x4], $0x80, s12, s29, $0x2000b8;
	[tilespmem:$0x1F400] =	vst v63  }
0x1a6: {  	_ =	swait.ge [sflag:s28], $0x4000  }
0x1a7: {  	[sflag:s28] =	ssyncset.done $0x0  }
0x1a8: {  	s13 =	sor.u32 $0x300, s9;
	[sflag:s28] =	ssyncadd.s32 $0xFFFFC000  }
0x1a9: {  	[tilespmem:s30], [sflag:$0x2] =	stream.indirect.gather [hbm4b:s2+s29], $0x80, s13, s29, $0x2000b8;
	[tilespmem:$0x1F400] =	vst v63  }
0x1aa: {  	_ =	swait.ge [sflag:s19], $0x4000  }
0x1ab: {  	[sflag:s19] =	ssyncset.done $0x0  }
0x1ac: {  	s14 =	sadd.s32 $0xA80, s10;
	[sflag:s19] =	ssyncadd.s32 $0xFFFFC000  }
0x1ad: {  	[spmem:s3] =	stream.indirect.scatter.add.f32 [tilespmem:s25], [sflag:$0x4], $0x80, s14, s29, $0x2000b8;
	[tilespmem:$0x1F400] =	vst v63  }
0x1ae: {  	_ =	swait.ge [sflag:s28], $0x4000  }
0x1af: {  	[sflag:s28] =	ssyncset.done $0x0  }
0x1b0: {  	s12 =	sor.u32 $0x380, s9;
	[sflag:s28] =	ssyncadd.s32 $0xFFFFC000  }
0x1b1: {  	[tilespmem:s25], [sflag:$0x3] =	stream.indirect.gather [hbm4b:s2+s29], $0x80, s12, s29, $0x2000b8;
	[tilespmem:$0x1F400] =	vst v63  }
0x1b2: {  	_ =	swait.ge [sflag:s31], $0x4000  }
0x1b3: {  	[sflag:s31] =	ssyncset.done $0x0  }
0x1b4: {  	s13 =	sadd.s32 $0xB00, s10;
	[sflag:s31] =	ssyncadd.s32 $0xFFFFC000  }
0x1b5: {  	[spmem:s3] =	stream.indirect.scatter.add.f32 [tilespmem:s30], [sflag:$0x4], $0x80, s13, s29, $0x2000b8;
	[tilespmem:$0x1F400] =	vst v63  }
0x1b6: {  	s14 =	sxor.u32 $0xFFFFFFFF, s8;
	_ =	swait.ge [sflag:s28], $0x4000  }
0x1b7: {  	s11 =	sand.u32 $0x1, s14;
	s14 =	simm.s32 @!p0 $0x3000;
	[sflag:s28] =	ssyncset.done $0x0  }
0x1b8: {  	s12 =	sshll.u32 @!p0 s11, $0xA;
	s13 =	simm.s32 @!p0 $0x80;
	[sflag:s28] =	ssyncadd.s32 $0xFFFFC000  }
0x1b9: {  	[tilespmem:s14], [sflag:$0x2] =	stream.indirect.gather @!p0 [hbm4b:s2+s13], $0x80, s12, s13, $0x2000b8;
	[tilespmem:$0x1F400] =	vst v63  }
0x1ba: {  	_ =	swait.ge [sflag:s19], $0x4000  }
0x1bb: {  	p1 =	sgt.u32 s8, $0x7;
	[sflag:s19] =	ssyncset.done $0x0  }
.Ltmp4:
0x1bc: {  	s10 =	sadd.s32 $0xB80, s10;
	[sflag:s19] =	ssyncadd.s32 $0xFFFFC000;
	(pc) =	sbr.rel @!p1 .LBB2_3-.Ltmp4, $4  }
0x1bd: {  	[spmem:s3] =	stream.indirect.scatter.add.f32 [tilespmem:s25], [sflag:$0x4], $0x80, s10, s29, $0x2000b8;
	[tilespmem:$0x1F400] =	vst v63  }
0x1be: {  	_ =	swait.ge [sflag:s28], $0x4000  }
0x1bf: {  	[sflag:s28] =	ssyncset.done $0x0  }
0x1c0: {  	[sflag:s28] =	ssyncadd.s32 $0xFFFFC000  }
.Ltmp5:
0x1c1: {  	(pc) =	sbr.rel @!p0 .LBB2_5-.Ltmp5, $4  }
.Ltmp6:
0x1c2: {  	(pc) =	sbr.rel @p0 .LBB2_6-.Ltmp6, $4  }
0x1c3: {  	_ = 	snop  }
0x1c4: {  	_ = 	snop  }
0x1c5: {  	_ = 	snop  }
0x1c6: {  	_ = 	snop  }
.LBB2_7:
0x1c7: {  	_ =	sfence.sel $0x180000  }
0x1c8: {  	[bflag:$0x0] =	sbarrier.arrive $0xFFFF  }
0x1c9: {  	_ =	strace $0x9000004A  }
0x1ca: {  	s0 =	stileid.u32;
	[bflag:$0x2] =	sbarrier.arrive $0xFFFF  }
0x1cb: {  	p0 =	sne.s32 s0, $0x0;
	s0 =	rddreg [dreg:$0x3]  }
0x1cc: {  	s0 =	sadd.s32 @!p0 $0x100000, s0  }
0x1cd: {  	[sflag:s0] =	ssyncadd.tile.s32 @!p0 $0x1;
	_ =	shalt  }
.Lfunc_end2:
_tile_overlayer_lowered:
.L_overlay_start_2:
0x1ce: {  	(tag) =	ssettag $0x2  }
0x1cf: {  	s0 =	rddreg [dreg:$0x0];
	s2 =	stileid.u32  }
0x1d0: {  	s1 =	rddreg [dreg:$0x1];
	p0 =	sne.s32 s2, $0x0  }
0x1d1: {  	s3 =	rddreg [dreg:$0x2];
	[bflag:$0x3] =	sbarrier.arrive $0xFFFF;
	s2 =	simm.s32 @!p0 $0x1C04  }
0x1d2: {  	[timem:s3], [sflag:s2] =	dma.local @!p0 [hbm:s0], s1  }
0x1d3: {  	s0 =	simm.s32 @!p0 $0x4  }
0x1d4: {  	_ =	swait.ge @!p0 [sflag:s0], s1  }
0x1d5: {  	s1 =	ssub.s32 @!p0 $0x0, s1;
	[sflag:s0] =	ssyncset.done @!p0 $0x0  }
0x1d6: {  	[sflag:s0] =	ssyncadd.s32 @!p0 s1  }
0x1d7: {  	[bflag:$0x3] =	sbarrier.arrive $0xFFFF  }
0x1d8: {  	_ =	shalt  }

</sc_bundles>
